<compile_context>
chip_gen: v7x
topology: tpu7x:2x2x1
jax: 0.10.2.dev20260603
libtpu: 0.0.44.dev20260713+nightly
codegen_flags: <defaults>
</compile_context>

<pallas_src>
import functools

import jax
import jax.numpy as jnp
from jax import lax
from jax.experimental import pallas as pl
from jax.experimental.pallas import tpu as pltpu
from jax.experimental.pallas import tpu_sc as plsc

_NUM_CORES = 2
_NUM_SUBCORES = 16

_C = 128
_NB = 10
_LAG_G = 1
_LAG_S = 5
_NACC = 10240


def _mm_bias_split(x, W, b, BR):
  N, K = x.shape
  Do = W.shape[1]
  Dc = Do // 2
  G = N // BR

  def body(x_ref, w_ref, b_ref, o0_ref, o1_ref):
    r = jnp.dot(x_ref[...], w_ref[...],
                preferred_element_type=jnp.float32) + b_ref[...]
    o0_ref[...] = r[:, :Dc]
    o1_ref[...] = r[:, Dc:]

  return pl.pallas_call(
      body,
      grid=(G,),
      in_specs=[
          pl.BlockSpec((BR, K), lambda i: (i, 0)),
          pl.BlockSpec((K, Do), lambda i: (0, 0)),
          pl.BlockSpec((1, Do), lambda i: (0, 0)),
      ],
      out_specs=[
          pl.BlockSpec((BR, Dc), lambda i: (i, 0)),
          pl.BlockSpec((BR, Dc), lambda i: (i, 0)),
      ],
      out_shape=[
          jax.ShapeDtypeStruct((N, Dc), jnp.float32),
          jax.ShapeDtypeStruct((N, Dc), jnp.float32),
      ],
  )(x, W, b.reshape(1, Do))


def _aggregate(sup0, sup1, adj, n_out):
  Dc = sup0.shape[1]
  E = adj.shape[1]
  NCG = E // _C
  NCH = NCG // _NUM_SUBCORES
  NEXTRA = NCG - NCH * _NUM_SUBCORES
  RP = _NACC // _NUM_SUBCORES

  zeros = jnp.zeros((RP, Dc), jnp.float32)
  mesh = plsc.VectorSubcoreMesh(core_axis_name="c", subcore_axis_name="s")

  @functools.partial(
      pl.kernel,
      mesh=mesh,
      compiler_params=pltpu.CompilerParams(use_tc_tiling_on_sc=False),
      out_type=jax.ShapeDtypeStruct((n_out, 2 * Dc), jnp.float32),
      scratch_types=[
          pltpu.VMEM((_NB, 2, _C), jnp.int32),
          pltpu.VMEM((_NB, _C, Dc), jnp.float32),
          pltpu.VMEM_SHARED((_NACC, Dc), jnp.float32),
          pltpu.SemaphoreType.DMA((_NB,)),
          pltpu.SemaphoreType.DMA((_NB,)),
          pltpu.SemaphoreType.DMA((_NB,)),
      ],
  )
  def agg(sup0_h, sup1_h, adj_h, zero_h, out_h, idx_v, rows_v, acc,
          isem, gsem, ssem):
    cid = lax.axis_index("c")
    sid = lax.axis_index("s")
    r0 = sid * RP
    NCHT = NCH + jnp.where(sid < NEXTRA, 1, 0)
    pltpu.sync_copy(zero_h, acc.at[pl.ds(r0, RP)])
    plsc.subcore_barrier()

    def fire_idx(j, p):
      e0 = (sid + _NUM_SUBCORES * j) * _C
      pltpu.async_copy(adj_h.at[0, pl.ds(e0, _C)], idx_v.at[p, 0], isem.at[p])
      pltpu.async_copy(adj_h.at[1, pl.ds(e0, _C)], idx_v.at[p, 1], isem.at[p])

    def wait_idx(p):
      pltpu.make_async_copy(adj_h.at[pl.ds(0, 2), pl.ds(0, _C)],
                            idx_v.at[p], isem.at[p]).wait()

    def fire_gather(p, sup_h):
      pltpu.async_copy(sup_h.at[idx_v.at[p, 0]], rows_v.at[p], gsem.at[p])

    def wait_gather(p, sup_h):
      pltpu.make_async_copy(sup_h.at[idx_v.at[p, 0]], rows_v.at[p],
                            gsem.at[p]).wait()

    def fire_scatter(p):
      pltpu.async_copy(rows_v.at[p], acc.at[idx_v.at[p, 1]], ssem.at[p],
                       add=True)

    def wait_scatter(p):
      pltpu.make_async_copy(rows_v.at[p], acc.at[idx_v.at[p, 1]],
                            ssem.at[p]).wait()

    def run(sup_h):
      def body(j, carry):
        @pl.when(j >= _NB)
        def _():
          wait_scatter(j % _NB)

        fire_idx(j, j % _NB)

        @pl.when(j >= _LAG_G)
        def _():
          wait_idx((j - _LAG_G) % _NB)
          fire_gather((j - _LAG_G) % _NB, sup_h)

        @pl.when(j >= _LAG_S)
        def _():
          wait_gather((j - _LAG_S) % _NB, sup_h)
          fire_scatter((j - _LAG_S) % _NB)

        return carry

      lax.fori_loop(0, NCHT, body, 0)

      def tail_g(t, carry):
        wait_idx(t % _NB)
        fire_gather(t % _NB, sup_h)
        return carry

      def tail_s(t, carry):
        wait_gather(t % _NB, sup_h)
        fire_scatter(t % _NB)
        return carry

      def tail_w(t, carry):
        wait_scatter(t % _NB)
        return carry

      lax.fori_loop(NCHT - _LAG_G, NCHT, tail_g, 0)
      lax.fori_loop(NCHT - _LAG_S, NCHT, tail_s, 0)
      lax.fori_loop(NCHT - _NB, NCHT, tail_w, 0)

    @pl.when(cid == 0)
    def _():
      run(sup0_h)

    @pl.when(cid == 1)
    def _():
      run(sup1_h)

    plsc.subcore_barrier()
    rem = n_out - (_NUM_SUBCORES - 1) * RP

    @pl.when(sid < _NUM_SUBCORES - 1)
    def _():
      pltpu.sync_copy(acc.at[pl.ds(r0, RP)],
                      out_h.at[pl.ds(r0, RP), pl.ds(cid * Dc, Dc)])

    @pl.when(sid == _NUM_SUBCORES - 1)
    def _():
      r1 = (_NUM_SUBCORES - 1) * RP
      pltpu.sync_copy(acc.at[pl.ds(r1, rem)],
                      out_h.at[pl.ds(r1, rem), pl.ds(cid * Dc, Dc)])

  return agg(sup0, sup1, adj, zeros)


def kernel(fea, adj, W1, b1, W2, b2):
  N = fea.shape[0]
  adj32 = adj.astype(jnp.int32)
  s10, s11 = _mm_bias_split(fea, W1, b1, 10000)
  x1 = _aggregate(s10, s11, adj32, _NACC)
  s20, s21 = _mm_bias_split(x1, W2, b2, 10240)
  return _aggregate(s20, s21, adj32, N)

# --- scband reference (transcript-rebuilt; emitter-appended) ---
"""Pipeline reference for scband-gcnmodel-16011638079631 (READ-ONLY COPY).

The authoritative reference and input builder live on the scoring server;
editing this copy changes nothing except your own understanding.
"""

import jax, jax.numpy as jnp
import numpy as np

N_NODES = 10000
N_EDGES = 320000
D_IN = 128
D_HID = 128
D_OUT = 64


def setup_inputs(seed: int = 0) -> dict:
    key = jax.random.key(seed)
    k1, k2, k3, k4, k5, k6 = jax.random.split(key, 6)
    fea = jax.random.normal(k1, (N_NODES, D_IN), dtype=jnp.float32)
    adj = jax.random.randint(k2, (2, N_EDGES), 0, N_NODES, dtype=jnp.int64)
    # Learned parameters for the two HGraphConvolutionBS layers (ingc: nfeat->nhid, outgc: nhid->nclass)
    std1 = 1.0 / np.sqrt(D_IN)
    std2 = 1.0 / np.sqrt(D_HID)
    W1 = jax.random.uniform(k3, (D_IN, D_HID), minval=-std1, maxval=std1, dtype=jnp.float32)
    b1 = jax.random.uniform(k4, (D_HID,), minval=-std1, maxval=std1, dtype=jnp.float32)
    W2 = jax.random.uniform(k5, (D_HID, D_OUT), minval=-std2, maxval=std2, dtype=jnp.float32)
    b2 = jax.random.uniform(k6, (D_OUT,), minval=-std2, maxval=std2, dtype=jnp.float32)
    return {"fea": fea, "adj": adj, "W1": W1, "b1": b1, "W2": W2, "b2": b2}


def _gcn_layer(x, W, b, src, dst):
    # HGraphConvolutionBS: support = x @ W + b ; out = spmm(adj, support)
    support = jnp.dot(x, W) + b
    msgs = jnp.take(support, src, axis=0)            # gather along edges (src)
    out = jax.ops.segment_sum(msgs, dst, num_segments=N_NODES)  # scatter-add to dst
    return out


def reference(fea, adj, W1, b1, W2, b2):
    # GCNModel with nhidlayer=0: ingc -> dropout(eval: identity) -> outgc
    # activation is identity (default lambda x: x), withbn=False, withloop=False
    src = adj[0]
    dst = adj[1]
    x = _gcn_layer(fea, W1, b1, src, dst)
    # F.dropout with training=False is identity in eval
    x = _gcn_layer(x, W2, b2, src, dst)
    return x

if __name__ == "__main__":
    import jax
    _d = setup_inputs()
    print(jax.jit(kernel)(*tuple(_d.values())))

</pallas_src>

<mosaic_0001>
#map = affine_map<(d0, d1) -> (0, 0)>
module attributes {stable_mosaic.version = 14 : i64} {
  func.func @agg(%arg0: i32, %arg1: i32, %arg2: memref<10240x32xf32, #tpu.memory_space<hbm>>, %arg3: memref<10240x32xf32, #tpu.memory_space<hbm>>, %arg4: memref<2x320000xi32, #tpu.memory_space<hbm>>, %arg5: memref<640x32xf32, #tpu.memory_space<hbm>>, %arg6: memref<10000x64xf32, #tpu.memory_space<hbm>>, %arg7: memref<10x2x128xi32, #tpu.memory_space<vmem>>, %arg8: memref<10x128x32xf32, #tpu.memory_space<vmem>>, %arg9: memref<10240x32xf32, #tpu.memory_space<vmem_shared>>, %arg10: memref<10x!tpu.dma_semaphore, #tpu.memory_space<semaphore_mem>>, %arg11: memref<10x!tpu.dma_semaphore, #tpu.memory_space<semaphore_mem>>, %arg12: memref<10x!tpu.dma_semaphore, #tpu.memory_space<semaphore_mem>>) attributes {dimension_semantics = [#tpu.dimension_semantics<core_parallel>, #tpu.dimension_semantics<subcore_parallel>], iteration_bounds = array<i64: 2, 16>, scalar_prefetch = 0 : i64, scratch_operands = 6 : i64, tpu.core_type = #tpu.core_type<sc_vector_subcore>, window_params = [{transform_indices = #map}, {transform_indices = #map}, {transform_indices = #map}, {transform_indices = #map}, {transform_indices = #map}]} {
    %mul3A = arith.constant 640 : i32
    %mul3A_0 = arith.muli %arg1, %mul3A : i32
    %lt3A = arith.constant 4 : i32
    %lt3A_1 = arith.cmpi slt, %arg1, %lt3A : i32
    %jit3A = arith.constant 1 : i32
    %jit3A_2 = arith.constant 0 : i32
    %select_n3A = arith.select %lt3A_1, %jit3A, %jit3A_2 : i32
    %add3A = arith.constant 156 : i32
    %add3A_3 = arith.addi %add3A, %select_n3A : i32
    "tpu.region"() ({
      %run_scoped3A = tpu.sem_alloc : memref<!tpu.dma_semaphore, #tpu.memory_space<semaphore_mem>>
      %dma_start3A = arith.constant 0 : i32
      %dma_start3A_22 = tpu.memref_slice %arg9[%mul3A_0, %dma_start3A] : memref<10240x32xf32, #tpu.memory_space<vmem_shared>> -> memref<640x32xf32, #tpu.memory_space<vmem_shared>>
      tpu.enqueue_dma source(%arg5 : memref<640x32xf32, #tpu.memory_space<hbm>>) target(%dma_start3A_22 : memref<640x32xf32, #tpu.memory_space<vmem_shared>>) target_semaphore(%run_scoped3A : memref<!tpu.dma_semaphore, #tpu.memory_space<semaphore_mem>>)
      %dma_wait3A = arith.constant 0 : i32
      %dma_wait3A_23 = tpu.memref_slice %arg9[%mul3A_0, %dma_wait3A] : memref<10240x32xf32, #tpu.memory_space<vmem_shared>> -> memref<640x32xf32, #tpu.memory_space<vmem_shared>>
      tpu.wait_dma2 semaphore(%run_scoped3A : memref<!tpu.dma_semaphore, #tpu.memory_space<semaphore_mem>>) src(%arg5 : memref<640x32xf32, #tpu.memory_space<hbm>>) dst(%dma_wait3A_23 : memref<640x32xf32, #tpu.memory_space<vmem_shared>>)
      tpu.yield
    }) : () -> ()
    %barrier3A = arith.constant 0 : index
    tpu.barrier barrier_id(%barrier3A)
    %eq3A = arith.constant 0 : i32
    %eq3A_4 = arith.cmpi eq, %arg0, %eq3A : i32
    %convert_element_type3A = arith.extui %eq3A_4 : i1 to i32
    %cond3A = arith.constant 0 : i32
    %cond3A_5 = arith.cmpi ne, %convert_element_type3A, %cond3A : i32
    scf.if %cond3A_5 {
      %while3A = arith.constant 0 : i32
      %while3A_22 = arith.constant 0 : i32
      %while3A_23 = arith.subi %add3A_3, %while3A_22 : i32
      %while3A_24 = arith.addi %while3A_22, %while3A_23 : i32
      %while3A_25 = arith.constant 1 : i32
      %while3A_26 = arith.divsi %while3A_23, %while3A_25 : i32
      %while3A_27 = arith.muli %while3A_26, %while3A_25 : i32
      %while3A_28 = arith.addi %while3A_22, %while3A_27 : i32
      %while3A_29 = arith.constant 1 : i32
      scf.for %while3A_63 = %while3A_22 to %while3A_28 step %while3A_29  : i32 {
        %ge3A = arith.constant 10 : i32
        %ge3A_64 = arith.cmpi sge, %while3A_63, %ge3A : i32
        %convert_element_type3A_65 = arith.extui %ge3A_64 : i1 to i32
        %cond3A_66 = arith.constant 0 : i32
        %cond3A_67 = arith.cmpi ne, %convert_element_type3A_65, %cond3A_66 : i32
        scf.if %cond3A_67 {
          %jit3A_123 = arith.constant 10 : i32
          %eq3A_124 = arith.constant 0 : i32
          %eq3A_125 = arith.cmpi eq, %jit3A_123, %eq3A_124 : i32
          %jit3A_126 = arith.constant 1 : i32
          %select_n3A_127 = arith.select %eq3A_125, %jit3A_126, %jit3A_123 : i32
          %rem3A_128 = arith.remsi %while3A_63, %select_n3A_127 : i32
          %ne3A_129 = arith.constant 0 : i32
          %ne3A_130 = arith.cmpi ne, %rem3A_128, %ne3A_129 : i32
          %lt3A_131 = arith.constant 0 : i32
          %lt3A_132 = arith.cmpi slt, %rem3A_128, %lt3A_131 : i32
          %lt3A_133 = arith.constant 0 : i32
          %lt3A_134 = arith.cmpi slt, %select_n3A_127, %lt3A_133 : i32
          %ne3A_135 = arith.xori %lt3A_132, %lt3A_134 : i1
          %and3A_136 = arith.andi %ne3A_135, %ne3A_130 : i1
          %add3A_137 = arith.addi %rem3A_128, %select_n3A_127 : i32
          %select_n3A_138 = arith.select %and3A_136, %add3A_137, %rem3A_128 : i32
          %dma_wait3A = arith.constant 1 : i32
          %dma_wait3A_139 = arith.constant 0 : i32
          %dma_wait3A_140 = arith.constant 0 : i32
          %dma_wait3A_141 = tpu.memref_slice %arg8[%select_n3A_138, %dma_wait3A_139, %dma_wait3A_140] : memref<10x128x32xf32, #tpu.memory_space<vmem>> -> memref<1x128x32xf32, #tpu.memory_space<vmem>>
          %dma_wait3A_142 = tpu.memref_squeeze %dma_wait3A_141 : memref<1x128x32xf32, #tpu.memory_space<vmem>> -> memref<128x32xf32, #tpu.memory_space<vmem>>
          %dma_wait3A_143 = arith.constant 0 : i32
          %dma_wait3A_144 = tpu.memref_slice %arg7[%select_n3A_138, %dma_wait3A, %dma_wait3A_143] : memref<10x2x128xi32, #tpu.memory_space<vmem>> -> memref<1x1x128xi32, #tpu.memory_space<vmem>>
          %dma_wait3A_145 = tpu.memref_squeeze %dma_wait3A_144 : memref<1x1x128xi32, #tpu.memory_space<vmem>> -> memref<128xi32, #tpu.memory_space<vmem>>
          %dma_wait3A_146 = arith.constant 0 : i32
          %dma_wait3A_147 = arith.constant 0 : i32
          %dma_wait3A_148 = tpu.memref_slice %arg9[%dma_wait3A_146, %dma_wait3A_147] : memref<10240x32xf32, #tpu.memory_space<vmem_shared>> -> memref<10240x32xf32, #tpu.memory_space<vmem_shared>>
          %dma_wait3A_149 = tpu.memref_slice %arg12[%select_n3A_138] : memref<10x!tpu.dma_semaphore, #tpu.memory_space<semaphore_mem>> -> memref<1x!tpu.dma_semaphore, #tpu.memory_space<semaphore_mem>>
          %dma_wait3A_150 = tpu.memref_squeeze %dma_wait3A_149 : memref<1x!tpu.dma_semaphore, #tpu.memory_space<semaphore_mem>> -> memref<!tpu.dma_semaphore, #tpu.memory_space<semaphore_mem>>
          tpu.wait_indirect_dma semaphore(%dma_wait3A_150 : memref<!tpu.dma_semaphore, #tpu.memory_space<semaphore_mem>>) src(%dma_wait3A_142 : memref<128x32xf32, #tpu.memory_space<vmem>>) dst(%dma_wait3A_148 : memref<10240x32xf32, #tpu.memory_space<vmem_shared>>)
        } else {
        }
        %jit3A_68 = arith.constant 10 : i32
        %eq3A_69 = arith.constant 0 : i32
        %eq3A_70 = arith.cmpi eq, %jit3A_68, %eq3A_69 : i32
        %jit3A_71 = arith.constant 1 : i32
        %select_n3A_72 = arith.select %eq3A_70, %jit3A_71, %jit3A_68 : i32
        %rem3A = arith.remsi %while3A_63, %select_n3A_72 : i32
        %ne3A = arith.constant 0 : i32
        %ne3A_73 = arith.cmpi ne, %rem3A, %ne3A : i32
        %lt3A_74 = arith.constant 0 : i32
        %lt3A_75 = arith.cmpi slt, %rem3A, %lt3A_74 : i32
        %lt3A_76 = arith.constant 0 : i32
        %lt3A_77 = arith.cmpi slt, %select_n3A_72, %lt3A_76 : i32
        %ne3A_78 = arith.xori %lt3A_75, %lt3A_77 : i1
        %and3A = arith.andi %ne3A_78, %ne3A_73 : i1
        %add3A_79 = arith.addi %rem3A, %select_n3A_72 : i32
        %select_n3A_80 = arith.select %and3A, %add3A_79, %rem3A : i32
        %mul3A_81 = arith.constant 16 : i32
        %mul3A_82 = arith.muli %mul3A_81, %while3A_63 : i32
        %add3A_83 = arith.addi %arg1, %mul3A_82 : i32
        %mul3A_84 = arith.constant 128 : i32
        %mul3A_85 = arith.muli %add3A_83, %mul3A_84 : i32
        %dma_start3A = arith.constant 0 : i32
        %dma_start3A_86 = arith.constant 0 : i32
        %dma_start3A_87 = arith.constant 0 : i32
        %dma_start3A_88 = tpu.memref_slice %arg7[%select_n3A_80, %dma_start3A_86, %dma_start3A_87] : memref<10x2x128xi32, #tpu.memory_space<vmem>> -> memref<1x1x128xi32, #tpu.memory_space<vmem>>
        %dma_start3A_89 = tpu.memref_squeeze %dma_start3A_88 : memref<1x1x128xi32, #tpu.memory_space<vmem>> -> memref<128xi32, #tpu.memory_space<vmem>>
        %dma_start3A_90 = tpu.memref_slice %arg4[%dma_start3A, %mul3A_85] : memref<2x320000xi32, #tpu.memory_space<hbm>> -> memref<1x128xi32, #tpu.memory_space<hbm>>
        %dma_start3A_91 = tpu.memref_squeeze %dma_start3A_90 : memref<1x128xi32, #tpu.memory_space<hbm>> -> memref<128xi32, #tpu.memory_space<hbm>>
        %dma_start3A_92 = tpu.memref_slice %arg10[%select_n3A_80] : memref<10x!tpu.dma_semaphore, #tpu.memory_space<semaphore_mem>> -> memref<1x!tpu.dma_semaphore, #tpu.memory_space<semaphore_mem>>
        %dma_start3A_93 = tpu.memref_squeeze %dma_start3A_92 : memref<1x!tpu.dma_semaphore, #tpu.memory_space<semaphore_mem>> -> memref<!tpu.dma_semaphore, #tpu.memory_space<semaphore_mem>>
        %dma_start3A_94 = arith.constant 0 : i32
        %dma_start3A_95 = tpu.memref_slice %arg7[%select_n3A_80, %dma_start3A_86, %dma_start3A_94] : memref<10x2x128xi32, #tpu.memory_space<vmem>> -> memref<1x1x128xi32, #tpu.memory_space<vmem>>
        %dma_start3A_96 = tpu.memref_squeeze %dma_start3A_95 : memref<1x1x128xi32, #tpu.memory_space<vmem>> -> memref<128xi32, #tpu.memory_space<vmem>>
        %dma_start3A_97 = tpu.memref_slice %arg4[%dma_start3A, %mul3A_85] : memref<2x320000xi32, #tpu.memory_space<hbm>> -> memref<1x128xi32, #tpu.memory_space<hbm>>
        %dma_start3A_98 = tpu.memref_squeeze %dma_start3A_97 : memref<1x128xi32, #tpu.memory_space<hbm>> -> memref<128xi32, #tpu.memory_space<hbm>>
        tpu.enqueue_dma source(%dma_start3A_98 : memref<128xi32, #tpu.memory_space<hbm>>) target(%dma_start3A_96 : memref<128xi32, #tpu.memory_space<vmem>>) target_semaphore(%dma_start3A_93 : memref<!tpu.dma_semaphore, #tpu.memory_space<semaphore_mem>>)
        %dma_start3A_99 = arith.constant 1 : i32
        %dma_start3A_100 = arith.constant 1 : i32
        %dma_start3A_101 = arith.constant 0 : i32
        %dma_start3A_102 = tpu.memref_slice %arg7[%select_n3A_80, %dma_start3A_100, %dma_start3A_101] : memref<10x2x128xi32, #tpu.memory_space<vmem>> -> memref<1x1x128xi32, #tpu.memory_space<vmem>>
        %dma_start3A_103 = tpu.memref_squeeze %dma_start3A_102 : memref<1x1x128xi32, #tpu.memory_space<vmem>> -> memref<128xi32, #tpu.memory_space<vmem>>
        %dma_start3A_104 = tpu.memref_slice %arg4[%dma_start3A_99, %mul3A_85] : memref<2x320000xi32, #tpu.memory_space<hbm>> -> memref<1x128xi32, #tpu.memory_space<hbm>>
        %dma_start3A_105 = tpu.memref_squeeze %dma_start3A_104 : memref<1x128xi32, #tpu.memory_space<hbm>> -> memref<128xi32, #tpu.memory_space<hbm>>
        %dma_start3A_106 = tpu.memref_slice %arg10[%select_n3A_80] : memref<10x!tpu.dma_semaphore, #tpu.memory_space<semaphore_mem>> -> memref<1x!tpu.dma_semaphore, #tpu.memory_space<semaphore_mem>>
        %dma_start3A_107 = tpu.memref_squeeze %dma_start3A_106 : memref<1x!tpu.dma_semaphore, #tpu.memory_space<semaphore_mem>> -> memref<!tpu.dma_semaphore, #tpu.memory_space<semaphore_mem>>
        %dma_start3A_108 = arith.constant 0 : i32
        %dma_start3A_109 = tpu.memref_slice %arg7[%select_n3A_80, %dma_start3A_100, %dma_start3A_108] : memref<10x2x128xi32, #tpu.memory_space<vmem>> -> memref<1x1x128xi32, #tpu.memory_space<vmem>>
        %dma_start3A_110 = tpu.memref_squeeze %dma_start3A_109 : memref<1x1x128xi32, #tpu.memory_space<vmem>> -> memref<128xi32, #tpu.memory_space<vmem>>
        %dma_start3A_111 = tpu.memref_slice %arg4[%dma_start3A_99, %mul3A_85] : memref<2x320000xi32, #tpu.memory_space<hbm>> -> memref<1x128xi32, #tpu.memory_space<hbm>>
        %dma_start3A_112 = tpu.memref_squeeze %dma_start3A_111 : memref<1x128xi32, #tpu.memory_space<hbm>> -> memref<128xi32, #tpu.memory_space<hbm>>
        tpu.enqueue_dma source(%dma_start3A_112 : memref<128xi32, #tpu.memory_space<hbm>>) target(%dma_start3A_110 : memref<128xi32, #tpu.memory_space<vmem>>) target_semaphore(%dma_start3A_107 : memref<!tpu.dma_semaphore, #tpu.memory_space<semaphore_mem>>)
        %ge3A_113 = arith.constant 1 : i32
        %ge3A_114 = arith.cmpi sge, %while3A_63, %ge3A_113 : i32
        %convert_element_type3A_115 = arith.extui %ge3A_114 : i1 to i32
        %cond3A_116 = arith.constant 0 : i32
        %cond3A_117 = arith.cmpi ne, %convert_element_type3A_115, %cond3A_116 : i32
        scf.if %cond3A_117 {
          %sub3A_123 = arith.constant 1 : i32
          %sub3A_124 = arith.subi %while3A_63, %sub3A_123 : i32
          %jit3A_125 = arith.constant 10 : i32
          %eq3A_126 = arith.constant 0 : i32
          %eq3A_127 = arith.cmpi eq, %jit3A_125, %eq3A_126 : i32
          %jit3A_128 = arith.constant 1 : i32
          %select_n3A_129 = arith.select %eq3A_127, %jit3A_128, %jit3A_125 : i32
          %rem3A_130 = arith.remsi %sub3A_124, %select_n3A_129 : i32
          %ne3A_131 = arith.constant 0 : i32
          %ne3A_132 = arith.cmpi ne, %rem3A_130, %ne3A_131 : i32
          %lt3A_133 = arith.constant 0 : i32
          %lt3A_134 = arith.cmpi slt, %rem3A_130, %lt3A_133 : i32
          %lt3A_135 = arith.constant 0 : i32
          %lt3A_136 = arith.cmpi slt, %select_n3A_129, %lt3A_135 : i32
          %ne3A_137 = arith.xori %lt3A_134, %lt3A_136 : i1
          %and3A_138 = arith.andi %ne3A_137, %ne3A_132 : i1
          %add3A_139 = arith.addi %rem3A_130, %select_n3A_129 : i32
          %select_n3A_140 = arith.select %and3A_138, %add3A_139, %rem3A_130 : i32
          %dma_wait3A = arith.constant 0 : i32
          %dma_wait3A_141 = arith.constant 0 : i32
          %dma_wait3A_142 = tpu.memref_slice %arg7[%select_n3A_140, %dma_wait3A, %dma_wait3A_141] : memref<10x2x128xi32, #tpu.memory_space<vmem>> -> memref<1x2x128xi32, #tpu.memory_space<vmem>>
          %dma_wait3A_143 = tpu.memref_squeeze %dma_wait3A_142 : memref<1x2x128xi32, #tpu.memory_space<vmem>> -> memref<2x128xi32, #tpu.memory_space<vmem>>
          %dma_wait3A_144 = arith.constant 0 : i32
          %dma_wait3A_145 = arith.constant 0 : i32
          %dma_wait3A_146 = tpu.memref_slice %arg4[%dma_wait3A_144, %dma_wait3A_145] : memref<2x320000xi32, #tpu.memory_space<hbm>> -> memref<2x128xi32, #tpu.memory_space<hbm>>
          %dma_wait3A_147 = tpu.memref_slice %arg10[%select_n3A_140] : memref<10x!tpu.dma_semaphore, #tpu.memory_space<semaphore_mem>> -> memref<1x!tpu.dma_semaphore, #tpu.memory_space<semaphore_mem>>
          %dma_wait3A_148 = tpu.memref_squeeze %dma_wait3A_147 : memref<1x!tpu.dma_semaphore, #tpu.memory_space<semaphore_mem>> -> memref<!tpu.dma_semaphore, #tpu.memory_space<semaphore_mem>>
          %dma_wait3A_149 = arith.constant 0 : i32
          %dma_wait3A_150 = arith.constant 0 : i32
          %dma_wait3A_151 = tpu.memref_slice %arg7[%select_n3A_140, %dma_wait3A_149, %dma_wait3A_150] : memref<10x2x128xi32, #tpu.memory_space<vmem>> -> memref<1x2x128xi32, #tpu.memory_space<vmem>>
          %dma_wait3A_152 = tpu.memref_squeeze %dma_wait3A_151 : memref<1x2x128xi32, #tpu.memory_space<vmem>> -> memref<2x128xi32, #tpu.memory_space<vmem>>
          %dma_wait3A_153 = arith.constant 0 : i32
          %dma_wait3A_154 = arith.constant 0 : i32
          %dma_wait3A_155 = tpu.memref_slice %arg4[%dma_wait3A_153, %dma_wait3A_154] : memref<2x320000xi32, #tpu.memory_space<hbm>> -> memref<2x128xi32, #tpu.memory_space<hbm>>
          tpu.wait_dma2 semaphore(%dma_wait3A_148 : memref<!tpu.dma_semaphore, #tpu.memory_space<semaphore_mem>>) src(%dma_wait3A_155 : memref<2x128xi32, #tpu.memory_space<hbm>>) dst(%dma_wait3A_152 : memref<2x128xi32, #tpu.memory_space<vmem>>)
          %sub3A_156 = arith.constant 1 : i32
          %sub3A_157 = arith.subi %while3A_63, %sub3A_156 : i32
          %jit3A_158 = arith.constant 10 : i32
          %eq3A_159 = arith.constant 0 : i32
          %eq3A_160 = arith.cmpi eq, %jit3A_158, %eq3A_159 : i32
          %jit3A_161 = arith.constant 1 : i32
          %select_n3A_162 = arith.select %eq3A_160, %jit3A_161, %jit3A_158 : i32
          %rem3A_163 = arith.remsi %sub3A_157, %select_n3A_162 : i32
          %ne3A_164 = arith.constant 0 : i32
          %ne3A_165 = arith.cmpi ne, %rem3A_163, %ne3A_164 : i32
          %lt3A_166 = arith.constant 0 : i32
          %lt3A_167 = arith.cmpi slt, %rem3A_163, %lt3A_166 : i32
          %lt3A_168 = arith.constant 0 : i32
          %lt3A_169 = arith.cmpi slt, %select_n3A_162, %lt3A_168 : i32
          %ne3A_170 = arith.xori %lt3A_167, %lt3A_169 : i1
          %and3A_171 = arith.andi %ne3A_170, %ne3A_165 : i1
          %add3A_172 = arith.addi %rem3A_163, %select_n3A_162 : i32
          %select_n3A_173 = arith.select %and3A_171, %add3A_172, %rem3A_163 : i32
          %dma_start3A_174 = arith.constant 0 : i32
          %dma_start3A_175 = arith.constant 0 : i32
          %dma_start3A_176 = arith.constant 0 : i32
          %dma_start3A_177 = tpu.memref_slice %arg8[%select_n3A_173, %dma_start3A_175, %dma_start3A_176] : memref<10x128x32xf32, #tpu.memory_space<vmem>> -> memref<1x128x32xf32, #tpu.memory_space<vmem>>
          %dma_start3A_178 = tpu.memref_squeeze %dma_start3A_177 : memref<1x128x32xf32, #tpu.memory_space<vmem>> -> memref<128x32xf32, #tpu.memory_space<vmem>>
          %dma_start3A_179 = arith.constant 0 : i32
          %dma_start3A_180 = tpu.memref_slice %arg7[%select_n3A_173, %dma_start3A_174, %dma_start3A_179] : memref<10x2x128xi32, #tpu.memory_space<vmem>> -> memref<1x1x128xi32, #tpu.memory_space<vmem>>
          %dma_start3A_181 = tpu.memref_squeeze %dma_start3A_180 : memref<1x1x128xi32, #tpu.memory_space<vmem>> -> memref<128xi32, #tpu.memory_space<vmem>>
          %dma_start3A_182 = arith.constant 0 : i32
          %dma_start3A_183 = arith.constant 0 : i32
          %dma_start3A_184 = tpu.memref_slice %arg2[%dma_start3A_182, %dma_start3A_183] : memref<10240x32xf32, #tpu.memory_space<hbm>> -> memref<10240x32xf32, #tpu.memory_space<hbm>>
          %dma_start3A_185 = tpu.memref_slice %arg11[%select_n3A_173] : memref<10x!tpu.dma_semaphore, #tpu.memory_space<semaphore_mem>> -> memref<1x!tpu.dma_semaphore, #tpu.memory_space<semaphore_mem>>
          %dma_start3A_186 = tpu.memref_squeeze %dma_start3A_185 : memref<1x!tpu.dma_semaphore, #tpu.memory_space<semaphore_mem>> -> memref<!tpu.dma_semaphore, #tpu.memory_space<semaphore_mem>>
          tpu.enqueue_indirect_dma source(%dma_start3A_184 : memref<10240x32xf32, #tpu.memory_space<hbm>>) target(%dma_start3A_178 : memref<128x32xf32, #tpu.memory_space<vmem>>) offsets(%dma_start3A_181 : memref<128xi32, #tpu.memory_space<vmem>>) semaphore(%dma_start3A_186 : memref<!tpu.dma_semaphore, #tpu.memory_space<semaphore_mem>>)
        } else {
        }
        %ge3A_118 = arith.constant 5 : i32
        %ge3A_119 = arith.cmpi sge, %while3A_63, %ge3A_118 : i32
        %convert_element_type3A_120 = arith.extui %ge3A_119 : i1 to i32
        %cond3A_121 = arith.constant 0 : i32
        %cond3A_122 = arith.cmpi ne, %convert_element_type3A_120, %cond3A_121 : i32
        scf.if %cond3A_122 {
          %sub3A_123 = arith.constant 5 : i32
          %sub3A_124 = arith.subi %while3A_63, %sub3A_123 : i32
          %jit3A_125 = arith.constant 10 : i32
          %eq3A_126 = arith.constant 0 : i32
          %eq3A_127 = arith.cmpi eq, %jit3A_125, %eq3A_126 : i32
          %jit3A_128 = arith.constant 1 : i32
          %select_n3A_129 = arith.select %eq3A_127, %jit3A_128, %jit3A_125 : i32
          %rem3A_130 = arith.remsi %sub3A_124, %select_n3A_129 : i32
          %ne3A_131 = arith.constant 0 : i32
          %ne3A_132 = arith.cmpi ne, %rem3A_130, %ne3A_131 : i32
          %lt3A_133 = arith.constant 0 : i32
          %lt3A_134 = arith.cmpi slt, %rem3A_130, %lt3A_133 : i32
          %lt3A_135 = arith.constant 0 : i32
          %lt3A_136 = arith.cmpi slt, %select_n3A_129, %lt3A_135 : i32
          %ne3A_137 = arith.xori %lt3A_134, %lt3A_136 : i1
          %and3A_138 = arith.andi %ne3A_137, %ne3A_132 : i1
          %add3A_139 = arith.addi %rem3A_130, %select_n3A_129 : i32
          %select_n3A_140 = arith.select %and3A_138, %add3A_139, %rem3A_130 : i32
          %dma_wait3A = arith.constant 0 : i32
          %dma_wait3A_141 = arith.constant 0 : i32
          %dma_wait3A_142 = arith.constant 0 : i32
          %dma_wait3A_143 = tpu.memref_slice %arg8[%select_n3A_140, %dma_wait3A_141, %dma_wait3A_142] : memref<10x128x32xf32, #tpu.memory_space<vmem>> -> memref<1x128x32xf32, #tpu.memory_space<vmem>>
          %dma_wait3A_144 = tpu.memref_squeeze %dma_wait3A_143 : memref<1x128x32xf32, #tpu.memory_space<vmem>> -> memref<128x32xf32, #tpu.memory_space<vmem>>
          %dma_wait3A_145 = arith.constant 0 : i32
          %dma_wait3A_146 = tpu.memref_slice %arg7[%select_n3A_140, %dma_wait3A, %dma_wait3A_145] : memref<10x2x128xi32, #tpu.memory_space<vmem>> -> memref<1x1x128xi32, #tpu.memory_space<vmem>>
          %dma_wait3A_147 = tpu.memref_squeeze %dma_wait3A_146 : memref<1x1x128xi32, #tpu.memory_space<vmem>> -> memref<128xi32, #tpu.memory_space<vmem>>
          %dma_wait3A_148 = arith.constant 0 : i32
          %dma_wait3A_149 = arith.constant 0 : i32
          %dma_wait3A_150 = tpu.memref_slice %arg2[%dma_wait3A_148, %dma_wait3A_149] : memref<10240x32xf32, #tpu.memory_space<hbm>> -> memref<10240x32xf32, #tpu.memory_space<hbm>>
          %dma_wait3A_151 = tpu.memref_slice %arg11[%select_n3A_140] : memref<10x!tpu.dma_semaphore, #tpu.memory_space<semaphore_mem>> -> memref<1x!tpu.dma_semaphore, #tpu.memory_space<semaphore_mem>>
          %dma_wait3A_152 = tpu.memref_squeeze %dma_wait3A_151 : memref<1x!tpu.dma_semaphore, #tpu.memory_space<semaphore_mem>> -> memref<!tpu.dma_semaphore, #tpu.memory_space<semaphore_mem>>
          tpu.wait_indirect_dma semaphore(%dma_wait3A_152 : memref<!tpu.dma_semaphore, #tpu.memory_space<semaphore_mem>>) src(%dma_wait3A_150 : memref<10240x32xf32, #tpu.memory_space<hbm>>) dst(%dma_wait3A_144 : memref<128x32xf32, #tpu.memory_space<vmem>>)
          %sub3A_153 = arith.constant 5 : i32
          %sub3A_154 = arith.subi %while3A_63, %sub3A_153 : i32
          %jit3A_155 = arith.constant 10 : i32
          %eq3A_156 = arith.constant 0 : i32
          %eq3A_157 = arith.cmpi eq, %jit3A_155, %eq3A_156 : i32
          %jit3A_158 = arith.constant 1 : i32
          %select_n3A_159 = arith.select %eq3A_157, %jit3A_158, %jit3A_155 : i32
          %rem3A_160 = arith.remsi %sub3A_154, %select_n3A_159 : i32
          %ne3A_161 = arith.constant 0 : i32
          %ne3A_162 = arith.cmpi ne, %rem3A_160, %ne3A_161 : i32
          %lt3A_163 = arith.constant 0 : i32
          %lt3A_164 = arith.cmpi slt, %rem3A_160, %lt3A_163 : i32
          %lt3A_165 = arith.constant 0 : i32
          %lt3A_166 = arith.cmpi slt, %select_n3A_159, %lt3A_165 : i32
          %ne3A_167 = arith.xori %lt3A_164, %lt3A_166 : i1
          %and3A_168 = arith.andi %ne3A_167, %ne3A_162 : i1
          %add3A_169 = arith.addi %rem3A_160, %select_n3A_159 : i32
          %select_n3A_170 = arith.select %and3A_168, %add3A_169, %rem3A_160 : i32
          %dma_start3A_171 = arith.constant 1 : i32
          %dma_start3A_172 = arith.constant 0 : i32
          %dma_start3A_173 = arith.constant 0 : i32
          %dma_start3A_174 = tpu.memref_slice %arg8[%select_n3A_170, %dma_start3A_172, %dma_start3A_173] : memref<10x128x32xf32, #tpu.memory_space<vmem>> -> memref<1x128x32xf32, #tpu.memory_space<vmem>>
          %dma_start3A_175 = tpu.memref_squeeze %dma_start3A_174 : memref<1x128x32xf32, #tpu.memory_space<vmem>> -> memref<128x32xf32, #tpu.memory_space<vmem>>
          %dma_start3A_176 = arith.constant 0 : i32
          %dma_start3A_177 = tpu.memref_slice %arg7[%select_n3A_170, %dma_start3A_171, %dma_start3A_176] : memref<10x2x128xi32, #tpu.memory_space<vmem>> -> memref<1x1x128xi32, #tpu.memory_space<vmem>>
          %dma_start3A_178 = tpu.memref_squeeze %dma_start3A_177 : memref<1x1x128xi32, #tpu.memory_space<vmem>> -> memref<128xi32, #tpu.memory_space<vmem>>
          %dma_start3A_179 = arith.constant 0 : i32
          %dma_start3A_180 = arith.constant 0 : i32
          %dma_start3A_181 = tpu.memref_slice %arg9[%dma_start3A_179, %dma_start3A_180] : memref<10240x32xf32, #tpu.memory_space<vmem_shared>> -> memref<10240x32xf32, #tpu.memory_space<vmem_shared>>
          %dma_start3A_182 = tpu.memref_slice %arg12[%select_n3A_170] : memref<10x!tpu.dma_semaphore, #tpu.memory_space<semaphore_mem>> -> memref<1x!tpu.dma_semaphore, #tpu.memory_space<semaphore_mem>>
          %dma_start3A_183 = tpu.memref_squeeze %dma_start3A_182 : memref<1x!tpu.dma_semaphore, #tpu.memory_space<semaphore_mem>> -> memref<!tpu.dma_semaphore, #tpu.memory_space<semaphore_mem>>
          tpu.enqueue_indirect_dma source(%dma_start3A_175 : memref<128x32xf32, #tpu.memory_space<vmem>>) target(%dma_start3A_181 : memref<10240x32xf32, #tpu.memory_space<vmem_shared>>) offsets(%dma_start3A_178 : memref<128xi32, #tpu.memory_space<vmem>>) semaphore(%dma_start3A_183 : memref<!tpu.dma_semaphore, #tpu.memory_space<semaphore_mem>>) {add = true}
        } else {
        }
      }
      %while3A_30 = arith.constant 1 : i32
      scf.for %while3A_63 = %while3A_28 to %while3A_24 step %while3A_30  : i32 {
        %ge3A = arith.constant 10 : i32
        %ge3A_64 = arith.cmpi sge, %while3A_63, %ge3A : i32
        %convert_element_type3A_65 = arith.extui %ge3A_64 : i1 to i32
        %cond3A_66 = arith.constant 0 : i32
        %cond3A_67 = arith.cmpi ne, %convert_element_type3A_65, %cond3A_66 : i32
        scf.if %cond3A_67 {
          %jit3A_123 = arith.constant 10 : i32
          %eq3A_124 = arith.constant 0 : i32
          %eq3A_125 = arith.cmpi eq, %jit3A_123, %eq3A_124 : i32
          %jit3A_126 = arith.constant 1 : i32
          %select_n3A_127 = arith.select %eq3A_125, %jit3A_126, %jit3A_123 : i32
          %rem3A_128 = arith.remsi %while3A_63, %select_n3A_127 : i32
          %ne3A_129 = arith.constant 0 : i32
          %ne3A_130 = arith.cmpi ne, %rem3A_128, %ne3A_129 : i32
          %lt3A_131 = arith.constant 0 : i32
          %lt3A_132 = arith.cmpi slt, %rem3A_128, %lt3A_131 : i32
          %lt3A_133 = arith.constant 0 : i32
          %lt3A_134 = arith.cmpi slt, %select_n3A_127, %lt3A_133 : i32
          %ne3A_135 = arith.xori %lt3A_132, %lt3A_134 : i1
          %and3A_136 = arith.andi %ne3A_135, %ne3A_130 : i1
          %add3A_137 = arith.addi %rem3A_128, %select_n3A_127 : i32
          %select_n3A_138 = arith.select %and3A_136, %add3A_137, %rem3A_128 : i32
          %dma_wait3A = arith.constant 1 : i32
          %dma_wait3A_139 = arith.constant 0 : i32
          %dma_wait3A_140 = arith.constant 0 : i32
          %dma_wait3A_141 = tpu.memref_slice %arg8[%select_n3A_138, %dma_wait3A_139, %dma_wait3A_140] : memref<10x128x32xf32, #tpu.memory_space<vmem>> -> memref<1x128x32xf32, #tpu.memory_space<vmem>>
          %dma_wait3A_142 = tpu.memref_squeeze %dma_wait3A_141 : memref<1x128x32xf32, #tpu.memory_space<vmem>> -> memref<128x32xf32, #tpu.memory_space<vmem>>
          %dma_wait3A_143 = arith.constant 0 : i32
          %dma_wait3A_144 = tpu.memref_slice %arg7[%select_n3A_138, %dma_wait3A, %dma_wait3A_143] : memref<10x2x128xi32, #tpu.memory_space<vmem>> -> memref<1x1x128xi32, #tpu.memory_space<vmem>>
          %dma_wait3A_145 = tpu.memref_squeeze %dma_wait3A_144 : memref<1x1x128xi32, #tpu.memory_space<vmem>> -> memref<128xi32, #tpu.memory_space<vmem>>
          %dma_wait3A_146 = arith.constant 0 : i32
          %dma_wait3A_147 = arith.constant 0 : i32
          %dma_wait3A_148 = tpu.memref_slice %arg9[%dma_wait3A_146, %dma_wait3A_147] : memref<10240x32xf32, #tpu.memory_space<vmem_shared>> -> memref<10240x32xf32, #tpu.memory_space<vmem_shared>>
          %dma_wait3A_149 = tpu.memref_slice %arg12[%select_n3A_138] : memref<10x!tpu.dma_semaphore, #tpu.memory_space<semaphore_mem>> -> memref<1x!tpu.dma_semaphore, #tpu.memory_space<semaphore_mem>>
          %dma_wait3A_150 = tpu.memref_squeeze %dma_wait3A_149 : memref<1x!tpu.dma_semaphore, #tpu.memory_space<semaphore_mem>> -> memref<!tpu.dma_semaphore, #tpu.memory_space<semaphore_mem>>
          tpu.wait_indirect_dma semaphore(%dma_wait3A_150 : memref<!tpu.dma_semaphore, #tpu.memory_space<semaphore_mem>>) src(%dma_wait3A_142 : memref<128x32xf32, #tpu.memory_space<vmem>>) dst(%dma_wait3A_148 : memref<10240x32xf32, #tpu.memory_space<vmem_shared>>)
        } else {
        }
        %jit3A_68 = arith.constant 10 : i32
        %eq3A_69 = arith.constant 0 : i32
        %eq3A_70 = arith.cmpi eq, %jit3A_68, %eq3A_69 : i32
        %jit3A_71 = arith.constant 1 : i32
        %select_n3A_72 = arith.select %eq3A_70, %jit3A_71, %jit3A_68 : i32
        %rem3A = arith.remsi %while3A_63, %select_n3A_72 : i32
        %ne3A = arith.constant 0 : i32
        %ne3A_73 = arith.cmpi ne, %rem3A, %ne3A : i32
        %lt3A_74 = arith.constant 0 : i32
        %lt3A_75 = arith.cmpi slt, %rem3A, %lt3A_74 : i32
        %lt3A_76 = arith.constant 0 : i32
        %lt3A_77 = arith.cmpi slt, %select_n3A_72, %lt3A_76 : i32
        %ne3A_78 = arith.xori %lt3A_75, %lt3A_77 : i1
        %and3A = arith.andi %ne3A_78, %ne3A_73 : i1
        %add3A_79 = arith.addi %rem3A, %select_n3A_72 : i32
        %select_n3A_80 = arith.select %and3A, %add3A_79, %rem3A : i32
        %mul3A_81 = arith.constant 16 : i32
        %mul3A_82 = arith.muli %mul3A_81, %while3A_63 : i32
        %add3A_83 = arith.addi %arg1, %mul3A_82 : i32
        %mul3A_84 = arith.constant 128 : i32
        %mul3A_85 = arith.muli %add3A_83, %mul3A_84 : i32
        %dma_start3A = arith.constant 0 : i32
        %dma_start3A_86 = arith.constant 0 : i32
        %dma_start3A_87 = arith.constant 0 : i32
        %dma_start3A_88 = tpu.memref_slice %arg7[%select_n3A_80, %dma_start3A_86, %dma_start3A_87] : memref<10x2x128xi32, #tpu.memory_space<vmem>> -> memref<1x1x128xi32, #tpu.memory_space<vmem>>
        %dma_start3A_89 = tpu.memref_squeeze %dma_start3A_88 : memref<1x1x128xi32, #tpu.memory_space<vmem>> -> memref<128xi32, #tpu.memory_space<vmem>>
        %dma_start3A_90 = tpu.memref_slice %arg4[%dma_start3A, %mul3A_85] : memref<2x320000xi32, #tpu.memory_space<hbm>> -> memref<1x128xi32, #tpu.memory_space<hbm>>
        %dma_start3A_91 = tpu.memref_squeeze %dma_start3A_90 : memref<1x128xi32, #tpu.memory_space<hbm>> -> memref<128xi32, #tpu.memory_space<hbm>>
        %dma_start3A_92 = tpu.memref_slice %arg10[%select_n3A_80] : memref<10x!tpu.dma_semaphore, #tpu.memory_space<semaphore_mem>> -> memref<1x!tpu.dma_semaphore, #tpu.memory_space<semaphore_mem>>
        %dma_start3A_93 = tpu.memref_squeeze %dma_start3A_92 : memref<1x!tpu.dma_semaphore, #tpu.memory_space<semaphore_mem>> -> memref<!tpu.dma_semaphore, #tpu.memory_space<semaphore_mem>>
        %dma_start3A_94 = arith.constant 0 : i32
        %dma_start3A_95 = tpu.memref_slice %arg7[%select_n3A_80, %dma_start3A_86, %dma_start3A_94] : memref<10x2x128xi32, #tpu.memory_space<vmem>> -> memref<1x1x128xi32, #tpu.memory_space<vmem>>
        %dma_start3A_96 = tpu.memref_squeeze %dma_start3A_95 : memref<1x1x128xi32, #tpu.memory_space<vmem>> -> memref<128xi32, #tpu.memory_space<vmem>>
        %dma_start3A_97 = tpu.memref_slice %arg4[%dma_start3A, %mul3A_85] : memref<2x320000xi32, #tpu.memory_space<hbm>> -> memref<1x128xi32, #tpu.memory_space<hbm>>
        %dma_start3A_98 = tpu.memref_squeeze %dma_start3A_97 : memref<1x128xi32, #tpu.memory_space<hbm>> -> memref<128xi32, #tpu.memory_space<hbm>>
        tpu.enqueue_dma source(%dma_start3A_98 : memref<128xi32, #tpu.memory_space<hbm>>) target(%dma_start3A_96 : memref<128xi32, #tpu.memory_space<vmem>>) target_semaphore(%dma_start3A_93 : memref<!tpu.dma_semaphore, #tpu.memory_space<semaphore_mem>>)
        %dma_start3A_99 = arith.constant 1 : i32
        %dma_start3A_100 = arith.constant 1 : i32
        %dma_start3A_101 = arith.constant 0 : i32
        %dma_start3A_102 = tpu.memref_slice %arg7[%select_n3A_80, %dma_start3A_100, %dma_start3A_101] : memref<10x2x128xi32, #tpu.memory_space<vmem>> -> memref<1x1x128xi32, #tpu.memory_space<vmem>>
        %dma_start3A_103 = tpu.memref_squeeze %dma_start3A_102 : memref<1x1x128xi32, #tpu.memory_space<vmem>> -> memref<128xi32, #tpu.memory_space<vmem>>
        %dma_start3A_104 = tpu.memref_slice %arg4[%dma_start3A_99, %mul3A_85] : memref<2x320000xi32, #tpu.memory_space<hbm>> -> memref<1x128xi32, #tpu.memory_space<hbm>>
        %dma_start3A_105 = tpu.memref_squeeze %dma_start3A_104 : memref<1x128xi32, #tpu.memory_space<hbm>> -> memref<128xi32, #tpu.memory_space<hbm>>
        %dma_start3A_106 = tpu.memref_slice %arg10[%select_n3A_80] : memref<10x!tpu.dma_semaphore, #tpu.memory_space<semaphore_mem>> -> memref<1x!tpu.dma_semaphore, #tpu.memory_space<semaphore_mem>>
        %dma_start3A_107 = tpu.memref_squeeze %dma_start3A_106 : memref<1x!tpu.dma_semaphore, #tpu.memory_space<semaphore_mem>> -> memref<!tpu.dma_semaphore, #tpu.memory_space<semaphore_mem>>
        %dma_start3A_108 = arith.constant 0 : i32
        %dma_start3A_109 = tpu.memref_slice %arg7[%select_n3A_80, %dma_start3A_100, %dma_start3A_108] : memref<10x2x128xi32, #tpu.memory_space<vmem>> -> memref<1x1x128xi32, #tpu.memory_space<vmem>>
        %dma_start3A_110 = tpu.memref_squeeze %dma_start3A_109 : memref<1x1x128xi32, #tpu.memory_space<vmem>> -> memref<128xi32, #tpu.memory_space<vmem>>
        %dma_start3A_111 = tpu.memref_slice %arg4[%dma_start3A_99, %mul3A_85] : memref<2x320000xi32, #tpu.memory_space<hbm>> -> memref<1x128xi32, #tpu.memory_space<hbm>>
        %dma_start3A_112 = tpu.memref_squeeze %dma_start3A_111 : memref<1x128xi32, #tpu.memory_space<hbm>> -> memref<128xi32, #tpu.memory_space<hbm>>
        tpu.enqueue_dma source(%dma_start3A_112 : memref<128xi32, #tpu.memory_space<hbm>>) target(%dma_start3A_110 : memref<128xi32, #tpu.memory_space<vmem>>) target_semaphore(%dma_start3A_107 : memref<!tpu.dma_semaphore, #tpu.memory_space<semaphore_mem>>)
        %ge3A_113 = arith.constant 1 : i32
        %ge3A_114 = arith.cmpi sge, %while3A_63, %ge3A_113 : i32
        %convert_element_type3A_115 = arith.extui %ge3A_114 : i1 to i32
        %cond3A_116 = arith.constant 0 : i32
        %cond3A_117 = arith.cmpi ne, %convert_element_type3A_115, %cond3A_116 : i32
        scf.if %cond3A_117 {
          %sub3A_123 = arith.constant 1 : i32
          %sub3A_124 = arith.subi %while3A_63, %sub3A_123 : i32
          %jit3A_125 = arith.constant 10 : i32
          %eq3A_126 = arith.constant 0 : i32
          %eq3A_127 = arith.cmpi eq, %jit3A_125, %eq3A_126 : i32
          %jit3A_128 = arith.constant 1 : i32
          %select_n3A_129 = arith.select %eq3A_127, %jit3A_128, %jit3A_125 : i32
          %rem3A_130 = arith.remsi %sub3A_124, %select_n3A_129 : i32
          %ne3A_131 = arith.constant 0 : i32
          %ne3A_132 = arith.cmpi ne, %rem3A_130, %ne3A_131 : i32
          %lt3A_133 = arith.constant 0 : i32
          %lt3A_134 = arith.cmpi slt, %rem3A_130, %lt3A_133 : i32
          %lt3A_135 = arith.constant 0 : i32
          %lt3A_136 = arith.cmpi slt, %select_n3A_129, %lt3A_135 : i32
          %ne3A_137 = arith.xori %lt3A_134, %lt3A_136 : i1
          %and3A_138 = arith.andi %ne3A_137, %ne3A_132 : i1
          %add3A_139 = arith.addi %rem3A_130, %select_n3A_129 : i32
          %select_n3A_140 = arith.select %and3A_138, %add3A_139, %rem3A_130 : i32
          %dma_wait3A = arith.constant 0 : i32
          %dma_wait3A_141 = arith.constant 0 : i32
          %dma_wait3A_142 = tpu.memref_slice %arg7[%select_n3A_140, %dma_wait3A, %dma_wait3A_141] : memref<10x2x128xi32, #tpu.memory_space<vmem>> -> memref<1x2x128xi32, #tpu.memory_space<vmem>>
          %dma_wait3A_143 = tpu.memref_squeeze %dma_wait3A_142 : memref<1x2x128xi32, #tpu.memory_space<vmem>> -> memref<2x128xi32, #tpu.memory_space<vmem>>
          %dma_wait3A_144 = arith.constant 0 : i32
          %dma_wait3A_145 = arith.constant 0 : i32
          %dma_wait3A_146 = tpu.memref_slice %arg4[%dma_wait3A_144, %dma_wait3A_145] : memref<2x320000xi32, #tpu.memory_space<hbm>> -> memref<2x128xi32, #tpu.memory_space<hbm>>
          %dma_wait3A_147 = tpu.memref_slice %arg10[%select_n3A_140] : memref<10x!tpu.dma_semaphore, #tpu.memory_space<semaphore_mem>> -> memref<1x!tpu.dma_semaphore, #tpu.memory_space<semaphore_mem>>
          %dma_wait3A_148 = tpu.memref_squeeze %dma_wait3A_147 : memref<1x!tpu.dma_semaphore, #tpu.memory_space<semaphore_mem>> -> memref<!tpu.dma_semaphore, #tpu.memory_space<semaphore_mem>>
          %dma_wait3A_149 = arith.constant 0 : i32
          %dma_wait3A_150 = arith.constant 0 : i32
          %dma_wait3A_151 = tpu.memref_slice %arg7[%select_n3A_140, %dma_wait3A_149, %dma_wait3A_150] : memref<10x2x128xi32, #tpu.memory_space<vmem>> -> memref<1x2x128xi32, #tpu.memory_space<vmem>>
          %dma_wait3A_152 = tpu.memref_squeeze %dma_wait3A_151 : memref<1x2x128xi32, #tpu.memory_space<vmem>> -> memref<2x128xi32, #tpu.memory_space<vmem>>
          %dma_wait3A_153 = arith.constant 0 : i32
          %dma_wait3A_154 = arith.constant 0 : i32
          %dma_wait3A_155 = tpu.memref_slice %arg4[%dma_wait3A_153, %dma_wait3A_154] : memref<2x320000xi32, #tpu.memory_space<hbm>> -> memref<2x128xi32, #tpu.memory_space<hbm>>
          tpu.wait_dma2 semaphore(%dma_wait3A_148 : memref<!tpu.dma_semaphore, #tpu.memory_space<semaphore_mem>>) src(%dma_wait3A_155 : memref<2x128xi32, #tpu.memory_space<hbm>>) dst(%dma_wait3A_152 : memref<2x128xi32, #tpu.memory_space<vmem>>)
          %sub3A_156 = arith.constant 1 : i32
          %sub3A_157 = arith.subi %while3A_63, %sub3A_156 : i32
          %jit3A_158 = arith.constant 10 : i32
          %eq3A_159 = arith.constant 0 : i32
          %eq3A_160 = arith.cmpi eq, %jit3A_158, %eq3A_159 : i32
          %jit3A_161 = arith.constant 1 : i32
          %select_n3A_162 = arith.select %eq3A_160, %jit3A_161, %jit3A_158 : i32
          %rem3A_163 = arith.remsi %sub3A_157, %select_n3A_162 : i32
          %ne3A_164 = arith.constant 0 : i32
          %ne3A_165 = arith.cmpi ne, %rem3A_163, %ne3A_164 : i32
          %lt3A_166 = arith.constant 0 : i32
          %lt3A_167 = arith.cmpi slt, %rem3A_163, %lt3A_166 : i32
          %lt3A_168 = arith.constant 0 : i32
          %lt3A_169 = arith.cmpi slt, %select_n3A_162, %lt3A_168 : i32
          %ne3A_170 = arith.xori %lt3A_167, %lt3A_169 : i1
          %and3A_171 = arith.andi %ne3A_170, %ne3A_165 : i1
          %add3A_172 = arith.addi %rem3A_163, %select_n3A_162 : i32
          %select_n3A_173 = arith.select %and3A_171, %add3A_172, %rem3A_163 : i32
          %dma_start3A_174 = arith.constant 0 : i32
          %dma_start3A_175 = arith.constant 0 : i32
          %dma_start3A_176 = arith.constant 0 : i32
          %dma_start3A_177 = tpu.memref_slice %arg8[%select_n3A_173, %dma_start3A_175, %dma_start3A_176] : memref<10x128x32xf32, #tpu.memory_space<vmem>> -> memref<1x128x32xf32, #tpu.memory_space<vmem>>
          %dma_start3A_178 = tpu.memref_squeeze %dma_start3A_177 : memref<1x128x32xf32, #tpu.memory_space<vmem>> -> memref<128x32xf32, #tpu.memory_space<vmem>>
          %dma_start3A_179 = arith.constant 0 : i32
          %dma_start3A_180 = tpu.memref_slice %arg7[%select_n3A_173, %dma_start3A_174, %dma_start3A_179] : memref<10x2x128xi32, #tpu.memory_space<vmem>> -> memref<1x1x128xi32, #tpu.memory_space<vmem>>
          %dma_start3A_181 = tpu.memref_squeeze %dma_start3A_180 : memref<1x1x128xi32, #tpu.memory_space<vmem>> -> memref<128xi32, #tpu.memory_space<vmem>>
          %dma_start3A_182 = arith.constant 0 : i32
          %dma_start3A_183 = arith.constant 0 : i32
          %dma_start3A_184 = tpu.memref_slice %arg2[%dma_start3A_182, %dma_start3A_183] : memref<10240x32xf32, #tpu.memory_space<hbm>> -> memref<10240x32xf32, #tpu.memory_space<hbm>>
          %dma_start3A_185 = tpu.memref_slice %arg11[%select_n3A_173] : memref<10x!tpu.dma_semaphore, #tpu.memory_space<semaphore_mem>> -> memref<1x!tpu.dma_semaphore, #tpu.memory_space<semaphore_mem>>
          %dma_start3A_186 = tpu.memref_squeeze %dma_start3A_185 : memref<1x!tpu.dma_semaphore, #tpu.memory_space<semaphore_mem>> -> memref<!tpu.dma_semaphore, #tpu.memory_space<semaphore_mem>>
          tpu.enqueue_indirect_dma source(%dma_start3A_184 : memref<10240x32xf32, #tpu.memory_space<hbm>>) target(%dma_start3A_178 : memref<128x32xf32, #tpu.memory_space<vmem>>) offsets(%dma_start3A_181 : memref<128xi32, #tpu.memory_space<vmem>>) semaphore(%dma_start3A_186 : memref<!tpu.dma_semaphore, #tpu.memory_space<semaphore_mem>>)
        } else {
        }
        %ge3A_118 = arith.constant 5 : i32
        %ge3A_119 = arith.cmpi sge, %while3A_63, %ge3A_118 : i32
        %convert_element_type3A_120 = arith.extui %ge3A_119 : i1 to i32
        %cond3A_121 = arith.constant 0 : i32
        %cond3A_122 = arith.cmpi ne, %convert_element_type3A_120, %cond3A_121 : i32
        scf.if %cond3A_122 {
          %sub3A_123 = arith.constant 5 : i32
          %sub3A_124 = arith.subi %while3A_63, %sub3A_123 : i32
          %jit3A_125 = arith.constant 10 : i32
          %eq3A_126 = arith.constant 0 : i32
          %eq3A_127 = arith.cmpi eq, %jit3A_125, %eq3A_126 : i32
          %jit3A_128 = arith.constant 1 : i32
          %select_n3A_129 = arith.select %eq3A_127, %jit3A_128, %jit3A_125 : i32
          %rem3A_130 = arith.remsi %sub3A_124, %select_n3A_129 : i32
          %ne3A_131 = arith.constant 0 : i32
          %ne3A_132 = arith.cmpi ne, %rem3A_130, %ne3A_131 : i32
          %lt3A_133 = arith.constant 0 : i32
          %lt3A_134 = arith.cmpi slt, %rem3A_130, %lt3A_133 : i32
          %lt3A_135 = arith.constant 0 : i32
          %lt3A_136 = arith.cmpi slt, %select_n3A_129, %lt3A_135 : i32
          %ne3A_137 = arith.xori %lt3A_134, %lt3A_136 : i1
          %and3A_138 = arith.andi %ne3A_137, %ne3A_132 : i1
          %add3A_139 = arith.addi %rem3A_130, %select_n3A_129 : i32
          %select_n3A_140 = arith.select %and3A_138, %add3A_139, %rem3A_130 : i32
          %dma_wait3A = arith.constant 0 : i32
          %dma_wait3A_141 = arith.constant 0 : i32
          %dma_wait3A_142 = arith.constant 0 : i32
          %dma_wait3A_143 = tpu.memref_slice %arg8[%select_n3A_140, %dma_wait3A_141, %dma_wait3A_142] : memref<10x128x32xf32, #tpu.memory_space<vmem>> -> memref<1x128x32xf32, #tpu.memory_space<vmem>>
          %dma_wait3A_144 = tpu.memref_squeeze %dma_wait3A_143 : memref<1x128x32xf32, #tpu.memory_space<vmem>> -> memref<128x32xf32, #tpu.memory_space<vmem>>
          %dma_wait3A_145 = arith.constant 0 : i32
          %dma_wait3A_146 = tpu.memref_slice %arg7[%select_n3A_140, %dma_wait3A, %dma_wait3A_145] : memref<10x2x128xi32, #tpu.memory_space<vmem>> -> memref<1x1x128xi32, #tpu.memory_space<vmem>>
          %dma_wait3A_147 = tpu.memref_squeeze %dma_wait3A_146 : memref<1x1x128xi32, #tpu.memory_space<vmem>> -> memref<128xi32, #tpu.memory_space<vmem>>
          %dma_wait3A_148 = arith.constant 0 : i32
          %dma_wait3A_149 = arith.constant 0 : i32
          %dma_wait3A_150 = tpu.memref_slice %arg2[%dma_wait3A_148, %dma_wait3A_149] : memref<10240x32xf32, #tpu.memory_space<hbm>> -> memref<10240x32xf32, #tpu.memory_space<hbm>>
          %dma_wait3A_151 = tpu.memref_slice %arg11[%select_n3A_140] : memref<10x!tpu.dma_semaphore, #tpu.memory_space<semaphore_mem>> -> memref<1x!tpu.dma_semaphore, #tpu.memory_space<semaphore_mem>>
          %dma_wait3A_152 = tpu.memref_squeeze %dma_wait3A_151 : memref<1x!tpu.dma_semaphore, #tpu.memory_space<semaphore_mem>> -> memref<!tpu.dma_semaphore, #tpu.memory_space<semaphore_mem>>
          tpu.wait_indirect_dma semaphore(%dma_wait3A_152 : memref<!tpu.dma_semaphore, #tpu.memory_space<semaphore_mem>>) src(%dma_wait3A_150 : memref<10240x32xf32, #tpu.memory_space<hbm>>) dst(%dma_wait3A_144 : memref<128x32xf32, #tpu.memory_space<vmem>>)
          %sub3A_153 = arith.constant 5 : i32
          %sub3A_154 = arith.subi %while3A_63, %sub3A_153 : i32
          %jit3A_155 = arith.constant 10 : i32
          %eq3A_156 = arith.constant 0 : i32
          %eq3A_157 = arith.cmpi eq, %jit3A_155, %eq3A_156 : i32
          %jit3A_158 = arith.constant 1 : i32
          %select_n3A_159 = arith.select %eq3A_157, %jit3A_158, %jit3A_155 : i32
          %rem3A_160 = arith.remsi %sub3A_154, %select_n3A_159 : i32
          %ne3A_161 = arith.constant 0 : i32
          %ne3A_162 = arith.cmpi ne, %rem3A_160, %ne3A_161 : i32
          %lt3A_163 = arith.constant 0 : i32
          %lt3A_164 = arith.cmpi slt, %rem3A_160, %lt3A_163 : i32
          %lt3A_165 = arith.constant 0 : i32
          %lt3A_166 = arith.cmpi slt, %select_n3A_159, %lt3A_165 : i32
          %ne3A_167 = arith.xori %lt3A_164, %lt3A_166 : i1
          %and3A_168 = arith.andi %ne3A_167, %ne3A_162 : i1
          %add3A_169 = arith.addi %rem3A_160, %select_n3A_159 : i32
          %select_n3A_170 = arith.select %and3A_168, %add3A_169, %rem3A_160 : i32
          %dma_start3A_171 = arith.constant 1 : i32
          %dma_start3A_172 = arith.constant 0 : i32
          %dma_start3A_173 = arith.constant 0 : i32
          %dma_start3A_174 = tpu.memref_slice %arg8[%select_n3A_170, %dma_start3A_172, %dma_start3A_173] : memref<10x128x32xf32, #tpu.memory_space<vmem>> -> memref<1x128x32xf32, #tpu.memory_space<vmem>>
          %dma_start3A_175 = tpu.memref_squeeze %dma_start3A_174 : memref<1x128x32xf32, #tpu.memory_space<vmem>> -> memref<128x32xf32, #tpu.memory_space<vmem>>
          %dma_start3A_176 = arith.constant 0 : i32
          %dma_start3A_177 = tpu.memref_slice %arg7[%select_n3A_170, %dma_start3A_171, %dma_start3A_176] : memref<10x2x128xi32, #tpu.memory_space<vmem>> -> memref<1x1x128xi32, #tpu.memory_space<vmem>>
          %dma_start3A_178 = tpu.memref_squeeze %dma_start3A_177 : memref<1x1x128xi32, #tpu.memory_space<vmem>> -> memref<128xi32, #tpu.memory_space<vmem>>
          %dma_start3A_179 = arith.constant 0 : i32
          %dma_start3A_180 = arith.constant 0 : i32
          %dma_start3A_181 = tpu.memref_slice %arg9[%dma_start3A_179, %dma_start3A_180] : memref<10240x32xf32, #tpu.memory_space<vmem_shared>> -> memref<10240x32xf32, #tpu.memory_space<vmem_shared>>
          %dma_start3A_182 = tpu.memref_slice %arg12[%select_n3A_170] : memref<10x!tpu.dma_semaphore, #tpu.memory_space<semaphore_mem>> -> memref<1x!tpu.dma_semaphore, #tpu.memory_space<semaphore_mem>>
          %dma_start3A_183 = tpu.memref_squeeze %dma_start3A_182 : memref<1x!tpu.dma_semaphore, #tpu.memory_space<semaphore_mem>> -> memref<!tpu.dma_semaphore, #tpu.memory_space<semaphore_mem>>
          tpu.enqueue_indirect_dma source(%dma_start3A_175 : memref<128x32xf32, #tpu.memory_space<vmem>>) target(%dma_start3A_181 : memref<10240x32xf32, #tpu.memory_space<vmem_shared>>) offsets(%dma_start3A_178 : memref<128xi32, #tpu.memory_space<vmem>>) semaphore(%dma_start3A_183 : memref<!tpu.dma_semaphore, #tpu.memory_space<semaphore_mem>>) {add = true}
        } else {
        }
      }
      %sub3A = arith.constant 1 : i32
      %sub3A_31 = arith.subi %add3A_3, %sub3A : i32
      %while3A_32 = arith.constant 0 : i32
      %while3A_33 = arith.subi %add3A_3, %sub3A_31 : i32
      %while3A_34 = arith.addi %sub3A_31, %while3A_33 : i32
      %while3A_35 = arith.constant 1 : i32
      %while3A_36 = arith.divsi %while3A_33, %while3A_35 : i32
      %while3A_37 = arith.muli %while3A_36, %while3A_35 : i32
      %while3A_38 = arith.addi %sub3A_31, %while3A_37 : i32
      %while3A_39 = arith.constant 1 : i32
      scf.for %while3A_63 = %sub3A_31 to %while3A_38 step %while3A_39  : i32 {
        %jit3A_64 = arith.constant 10 : i32
        %eq3A_65 = arith.constant 0 : i32
        %eq3A_66 = arith.cmpi eq, %jit3A_64, %eq3A_65 : i32
        %jit3A_67 = arith.constant 1 : i32
        %select_n3A_68 = arith.select %eq3A_66, %jit3A_67, %jit3A_64 : i32
        %rem3A = arith.remsi %while3A_63, %select_n3A_68 : i32
        %ne3A = arith.constant 0 : i32
        %ne3A_69 = arith.cmpi ne, %rem3A, %ne3A : i32
        %lt3A_70 = arith.constant 0 : i32
        %lt3A_71 = arith.cmpi slt, %rem3A, %lt3A_70 : i32
        %lt3A_72 = arith.constant 0 : i32
        %lt3A_73 = arith.cmpi slt, %select_n3A_68, %lt3A_72 : i32
        %ne3A_74 = arith.xori %lt3A_71, %lt3A_73 : i1
        %and3A = arith.andi %ne3A_74, %ne3A_69 : i1
        %add3A_75 = arith.addi %rem3A, %select_n3A_68 : i32
        %select_n3A_76 = arith.select %and3A, %add3A_75, %rem3A : i32
        %dma_wait3A = arith.constant 0 : i32
        %dma_wait3A_77 = arith.constant 0 : i32
        %dma_wait3A_78 = tpu.memref_slice %arg7[%select_n3A_76, %dma_wait3A, %dma_wait3A_77] : memref<10x2x128xi32, #tpu.memory_space<vmem>> -> memref<1x2x128xi32, #tpu.memory_space<vmem>>
        %dma_wait3A_79 = tpu.memref_squeeze %dma_wait3A_78 : memref<1x2x128xi32, #tpu.memory_space<vmem>> -> memref<2x128xi32, #tpu.memory_space<vmem>>
        %dma_wait3A_80 = arith.constant 0 : i32
        %dma_wait3A_81 = arith.constant 0 : i32
        %dma_wait3A_82 = tpu.memref_slice %arg4[%dma_wait3A_80, %dma_wait3A_81] : memref<2x320000xi32, #tpu.memory_space<hbm>> -> memref<2x128xi32, #tpu.memory_space<hbm>>
        %dma_wait3A_83 = tpu.memref_slice %arg10[%select_n3A_76] : memref<10x!tpu.dma_semaphore, #tpu.memory_space<semaphore_mem>> -> memref<1x!tpu.dma_semaphore, #tpu.memory_space<semaphore_mem>>
        %dma_wait3A_84 = tpu.memref_squeeze %dma_wait3A_83 : memref<1x!tpu.dma_semaphore, #tpu.memory_space<semaphore_mem>> -> memref<!tpu.dma_semaphore, #tpu.memory_space<semaphore_mem>>
        %dma_wait3A_85 = arith.constant 0 : i32
        %dma_wait3A_86 = arith.constant 0 : i32
        %dma_wait3A_87 = tpu.memref_slice %arg7[%select_n3A_76, %dma_wait3A_85, %dma_wait3A_86] : memref<10x2x128xi32, #tpu.memory_space<vmem>> -> memref<1x2x128xi32, #tpu.memory_space<vmem>>
        %dma_wait3A_88 = tpu.memref_squeeze %dma_wait3A_87 : memref<1x2x128xi32, #tpu.memory_space<vmem>> -> memref<2x128xi32, #tpu.memory_space<vmem>>
        %dma_wait3A_89 = arith.constant 0 : i32
        %dma_wait3A_90 = arith.constant 0 : i32
        %dma_wait3A_91 = tpu.memref_slice %arg4[%dma_wait3A_89, %dma_wait3A_90] : memref<2x320000xi32, #tpu.memory_space<hbm>> -> memref<2x128xi32, #tpu.memory_space<hbm>>
        tpu.wait_dma2 semaphore(%dma_wait3A_84 : memref<!tpu.dma_semaphore, #tpu.memory_space<semaphore_mem>>) src(%dma_wait3A_91 : memref<2x128xi32, #tpu.memory_space<hbm>>) dst(%dma_wait3A_88 : memref<2x128xi32, #tpu.memory_space<vmem>>)
        %jit3A_92 = arith.constant 10 : i32
        %eq3A_93 = arith.constant 0 : i32
        %eq3A_94 = arith.cmpi eq, %jit3A_92, %eq3A_93 : i32
        %jit3A_95 = arith.constant 1 : i32
        %select_n3A_96 = arith.select %eq3A_94, %jit3A_95, %jit3A_92 : i32
        %rem3A_97 = arith.remsi %while3A_63, %select_n3A_96 : i32
        %ne3A_98 = arith.constant 0 : i32
        %ne3A_99 = arith.cmpi ne, %rem3A_97, %ne3A_98 : i32
        %lt3A_100 = arith.constant 0 : i32
        %lt3A_101 = arith.cmpi slt, %rem3A_97, %lt3A_100 : i32
        %lt3A_102 = arith.constant 0 : i32
        %lt3A_103 = arith.cmpi slt, %select_n3A_96, %lt3A_102 : i32
        %ne3A_104 = arith.xori %lt3A_101, %lt3A_103 : i1
        %and3A_105 = arith.andi %ne3A_104, %ne3A_99 : i1
        %add3A_106 = arith.addi %rem3A_97, %select_n3A_96 : i32
        %select_n3A_107 = arith.select %and3A_105, %add3A_106, %rem3A_97 : i32
        %dma_start3A = arith.constant 0 : i32
        %dma_start3A_108 = arith.constant 0 : i32
        %dma_start3A_109 = arith.constant 0 : i32
        %dma_start3A_110 = tpu.memref_slice %arg8[%select_n3A_107, %dma_start3A_108, %dma_start3A_109] : memref<10x128x32xf32, #tpu.memory_space<vmem>> -> memref<1x128x32xf32, #tpu.memory_space<vmem>>
        %dma_start3A_111 = tpu.memref_squeeze %dma_start3A_110 : memref<1x128x32xf32, #tpu.memory_space<vmem>> -> memref<128x32xf32, #tpu.memory_space<vmem>>
        %dma_start3A_112 = arith.constant 0 : i32
        %dma_start3A_113 = tpu.memref_slice %arg7[%select_n3A_107, %dma_start3A, %dma_start3A_112] : memref<10x2x128xi32, #tpu.memory_space<vmem>> -> memref<1x1x128xi32, #tpu.memory_space<vmem>>
        %dma_start3A_114 = tpu.memref_squeeze %dma_start3A_113 : memref<1x1x128xi32, #tpu.memory_space<vmem>> -> memref<128xi32, #tpu.memory_space<vmem>>
        %dma_start3A_115 = arith.constant 0 : i32
        %dma_start3A_116 = arith.constant 0 : i32
        %dma_start3A_117 = tpu.memref_slice %arg2[%dma_start3A_115, %dma_start3A_116] : memref<10240x32xf32, #tpu.memory_space<hbm>> -> memref<10240x32xf32, #tpu.memory_space<hbm>>
        %dma_start3A_118 = tpu.memref_slice %arg11[%select_n3A_107] : memref<10x!tpu.dma_semaphore, #tpu.memory_space<semaphore_mem>> -> memref<1x!tpu.dma_semaphore, #tpu.memory_space<semaphore_mem>>
        %dma_start3A_119 = tpu.memref_squeeze %dma_start3A_118 : memref<1x!tpu.dma_semaphore, #tpu.memory_space<semaphore_mem>> -> memref<!tpu.dma_semaphore, #tpu.memory_space<semaphore_mem>>
        tpu.enqueue_indirect_dma source(%dma_start3A_117 : memref<10240x32xf32, #tpu.memory_space<hbm>>) target(%dma_start3A_111 : memref<128x32xf32, #tpu.memory_space<vmem>>) offsets(%dma_start3A_114 : memref<128xi32, #tpu.memory_space<vmem>>) semaphore(%dma_start3A_119 : memref<!tpu.dma_semaphore, #tpu.memory_space<semaphore_mem>>)
      }
      %while3A_40 = arith.constant 1 : i32
      scf.for %while3A_63 = %while3A_38 to %while3A_34 step %while3A_40  : i32 {
        %jit3A_64 = arith.constant 10 : i32
        %eq3A_65 = arith.constant 0 : i32
        %eq3A_66 = arith.cmpi eq, %jit3A_64, %eq3A_65 : i32
        %jit3A_67 = arith.constant 1 : i32
        %select_n3A_68 = arith.select %eq3A_66, %jit3A_67, %jit3A_64 : i32
        %rem3A = arith.remsi %while3A_63, %select_n3A_68 : i32
        %ne3A = arith.constant 0 : i32
        %ne3A_69 = arith.cmpi ne, %rem3A, %ne3A : i32
        %lt3A_70 = arith.constant 0 : i32
        %lt3A_71 = arith.cmpi slt, %rem3A, %lt3A_70 : i32
        %lt3A_72 = arith.constant 0 : i32
        %lt3A_73 = arith.cmpi slt, %select_n3A_68, %lt3A_72 : i32
        %ne3A_74 = arith.xori %lt3A_71, %lt3A_73 : i1
        %and3A = arith.andi %ne3A_74, %ne3A_69 : i1
        %add3A_75 = arith.addi %rem3A, %select_n3A_68 : i32
        %select_n3A_76 = arith.select %and3A, %add3A_75, %rem3A : i32
        %dma_wait3A = arith.constant 0 : i32
        %dma_wait3A_77 = arith.constant 0 : i32
        %dma_wait3A_78 = tpu.memref_slice %arg7[%select_n3A_76, %dma_wait3A, %dma_wait3A_77] : memref<10x2x128xi32, #tpu.memory_space<vmem>> -> memref<1x2x128xi32, #tpu.memory_space<vmem>>
        %dma_wait3A_79 = tpu.memref_squeeze %dma_wait3A_78 : memref<1x2x128xi32, #tpu.memory_space<vmem>> -> memref<2x128xi32, #tpu.memory_space<vmem>>
        %dma_wait3A_80 = arith.constant 0 : i32
        %dma_wait3A_81 = arith.constant 0 : i32
        %dma_wait3A_82 = tpu.memref_slice %arg4[%dma_wait3A_80, %dma_wait3A_81] : memref<2x320000xi32, #tpu.memory_space<hbm>> -> memref<2x128xi32, #tpu.memory_space<hbm>>
        %dma_wait3A_83 = tpu.memref_slice %arg10[%select_n3A_76] : memref<10x!tpu.dma_semaphore, #tpu.memory_space<semaphore_mem>> -> memref<1x!tpu.dma_semaphore, #tpu.memory_space<semaphore_mem>>
        %dma_wait3A_84 = tpu.memref_squeeze %dma_wait3A_83 : memref<1x!tpu.dma_semaphore, #tpu.memory_space<semaphore_mem>> -> memref<!tpu.dma_semaphore, #tpu.memory_space<semaphore_mem>>
        %dma_wait3A_85 = arith.constant 0 : i32
        %dma_wait3A_86 = arith.constant 0 : i32
        %dma_wait3A_87 = tpu.memref_slice %arg7[%select_n3A_76, %dma_wait3A_85, %dma_wait3A_86] : memref<10x2x128xi32, #tpu.memory_space<vmem>> -> memref<1x2x128xi32, #tpu.memory_space<vmem>>
        %dma_wait3A_88 = tpu.memref_squeeze %dma_wait3A_87 : memref<1x2x128xi32, #tpu.memory_space<vmem>> -> memref<2x128xi32, #tpu.memory_space<vmem>>
        %dma_wait3A_89 = arith.constant 0 : i32
        %dma_wait3A_90 = arith.constant 0 : i32
        %dma_wait3A_91 = tpu.memref_slice %arg4[%dma_wait3A_89, %dma_wait3A_90] : memref<2x320000xi32, #tpu.memory_space<hbm>> -> memref<2x128xi32, #tpu.memory_space<hbm>>
        tpu.wait_dma2 semaphore(%dma_wait3A_84 : memref<!tpu.dma_semaphore, #tpu.memory_space<semaphore_mem>>) src(%dma_wait3A_91 : memref<2x128xi32, #tpu.memory_space<hbm>>) dst(%dma_wait3A_88 : memref<2x128xi32, #tpu.memory_space<vmem>>)
        %jit3A_92 = arith.constant 10 : i32
        %eq3A_93 = arith.constant 0 : i32
        %eq3A_94 = arith.cmpi eq, %jit3A_92, %eq3A_93 : i32
        %jit3A_95 = arith.constant 1 : i32
        %select_n3A_96 = arith.select %eq3A_94, %jit3A_95, %jit3A_92 : i32
        %rem3A_97 = arith.remsi %while3A_63, %select_n3A_96 : i32
        %ne3A_98 = arith.constant 0 : i32
        %ne3A_99 = arith.cmpi ne, %rem3A_97, %ne3A_98 : i32
        %lt3A_100 = arith.constant 0 : i32
        %lt3A_101 = arith.cmpi slt, %rem3A_97, %lt3A_100 : i32
        %lt3A_102 = arith.constant 0 : i32
        %lt3A_103 = arith.cmpi slt, %select_n3A_96, %lt3A_102 : i32
        %ne3A_104 = arith.xori %lt3A_101, %lt3A_103 : i1
        %and3A_105 = arith.andi %ne3A_104, %ne3A_99 : i1
        %add3A_106 = arith.addi %rem3A_97, %select_n3A_96 : i32
        %select_n3A_107 = arith.select %and3A_105, %add3A_106, %rem3A_97 : i32
        %dma_start3A = arith.constant 0 : i32
        %dma_start3A_108 = arith.constant 0 : i32
        %dma_start3A_109 = arith.constant 0 : i32
        %dma_start3A_110 = tpu.memref_slice %arg8[%select_n3A_107, %dma_start3A_108, %dma_start3A_109] : memref<10x128x32xf32, #tpu.memory_space<vmem>> -> memref<1x128x32xf32, #tpu.memory_space<vmem>>
        %dma_start3A_111 = tpu.memref_squeeze %dma_start3A_110 : memref<1x128x32xf32, #tpu.memory_space<vmem>> -> memref<128x32xf32, #tpu.memory_space<vmem>>
        %dma_start3A_112 = arith.constant 0 : i32
        %dma_start3A_113 = tpu.memref_slice %arg7[%select_n3A_107, %dma_start3A, %dma_start3A_112] : memref<10x2x128xi32, #tpu.memory_space<vmem>> -> memref<1x1x128xi32, #tpu.memory_space<vmem>>
        %dma_start3A_114 = tpu.memref_squeeze %dma_start3A_113 : memref<1x1x128xi32, #tpu.memory_space<vmem>> -> memref<128xi32, #tpu.memory_space<vmem>>
        %dma_start3A_115 = arith.constant 0 : i32
        %dma_start3A_116 = arith.constant 0 : i32
        %dma_start3A_117 = tpu.memref_slice %arg2[%dma_start3A_115, %dma_start3A_116] : memref<10240x32xf32, #tpu.memory_space<hbm>> -> memref<10240x32xf32, #tpu.memory_space<hbm>>
        %dma_start3A_118 = tpu.memref_slice %arg11[%select_n3A_107] : memref<10x!tpu.dma_semaphore, #tpu.memory_space<semaphore_mem>> -> memref<1x!tpu.dma_semaphore, #tpu.memory_space<semaphore_mem>>
        %dma_start3A_119 = tpu.memref_squeeze %dma_start3A_118 : memref<1x!tpu.dma_semaphore, #tpu.memory_space<semaphore_mem>> -> memref<!tpu.dma_semaphore, #tpu.memory_space<semaphore_mem>>
        tpu.enqueue_indirect_dma source(%dma_start3A_117 : memref<10240x32xf32, #tpu.memory_space<hbm>>) target(%dma_start3A_111 : memref<128x32xf32, #tpu.memory_space<vmem>>) offsets(%dma_start3A_114 : memref<128xi32, #tpu.memory_space<vmem>>) semaphore(%dma_start3A_119 : memref<!tpu.dma_semaphore, #tpu.memory_space<semaphore_mem>>)
      }
      %sub3A_41 = arith.constant 5 : i32
      %sub3A_42 = arith.subi %add3A_3, %sub3A_41 : i32
      %while3A_43 = arith.constant 0 : i32
      %while3A_44 = arith.subi %add3A_3, %sub3A_42 : i32
      %while3A_45 = arith.addi %sub3A_42, %while3A_44 : i32
      %while3A_46 = arith.constant 1 : i32
      %while3A_47 = arith.divsi %while3A_44, %while3A_46 : i32
      %while3A_48 = arith.muli %while3A_47, %while3A_46 : i32
      %while3A_49 = arith.addi %sub3A_42, %while3A_48 : i32
      %while3A_50 = arith.constant 1 : i32
      scf.for %while3A_63 = %sub3A_42 to %while3A_49 step %while3A_50  : i32 {
        %jit3A_64 = arith.constant 10 : i32
        %eq3A_65 = arith.constant 0 : i32
        %eq3A_66 = arith.cmpi eq, %jit3A_64, %eq3A_65 : i32
        %jit3A_67 = arith.constant 1 : i32
        %select_n3A_68 = arith.select %eq3A_66, %jit3A_67, %jit3A_64 : i32
        %rem3A = arith.remsi %while3A_63, %select_n3A_68 : i32
        %ne3A = arith.constant 0 : i32
        %ne3A_69 = arith.cmpi ne, %rem3A, %ne3A : i32
        %lt3A_70 = arith.constant 0 : i32
        %lt3A_71 = arith.cmpi slt, %rem3A, %lt3A_70 : i32
        %lt3A_72 = arith.constant 0 : i32
        %lt3A_73 = arith.cmpi slt, %select_n3A_68, %lt3A_72 : i32
        %ne3A_74 = arith.xori %lt3A_71, %lt3A_73 : i1
        %and3A = arith.andi %ne3A_74, %ne3A_69 : i1
        %add3A_75 = arith.addi %rem3A, %select_n3A_68 : i32
        %select_n3A_76 = arith.select %and3A, %add3A_75, %rem3A : i32
        %dma_wait3A = arith.constant 0 : i32
        %dma_wait3A_77 = arith.constant 0 : i32
        %dma_wait3A_78 = arith.constant 0 : i32
        %dma_wait3A_79 = tpu.memref_slice %arg8[%select_n3A_76, %dma_wait3A_77, %dma_wait3A_78] : memref<10x128x32xf32, #tpu.memory_space<vmem>> -> memref<1x128x32xf32, #tpu.memory_space<vmem>>
        %dma_wait3A_80 = tpu.memref_squeeze %dma_wait3A_79 : memref<1x128x32xf32, #tpu.memory_space<vmem>> -> memref<128x32xf32, #tpu.memory_space<vmem>>
        %dma_wait3A_81 = arith.constant 0 : i32
        %dma_wait3A_82 = tpu.memref_slice %arg7[%select_n3A_76, %dma_wait3A, %dma_wait3A_81] : memref<10x2x128xi32, #tpu.memory_space<vmem>> -> memref<1x1x128xi32, #tpu.memory_space<vmem>>
        %dma_wait3A_83 = tpu.memref_squeeze %dma_wait3A_82 : memref<1x1x128xi32, #tpu.memory_space<vmem>> -> memref<128xi32, #tpu.memory_space<vmem>>
        %dma_wait3A_84 = arith.constant 0 : i32
        %dma_wait3A_85 = arith.constant 0 : i32
        %dma_wait3A_86 = tpu.memref_slice %arg2[%dma_wait3A_84, %dma_wait3A_85] : memref<10240x32xf32, #tpu.memory_space<hbm>> -> memref<10240x32xf32, #tpu.memory_space<hbm>>
        %dma_wait3A_87 = tpu.memref_slice %arg11[%select_n3A_76] : memref<10x!tpu.dma_semaphore, #tpu.memory_space<semaphore_mem>> -> memref<1x!tpu.dma_semaphore, #tpu.memory_space<semaphore_mem>>
        %dma_wait3A_88 = tpu.memref_squeeze %dma_wait3A_87 : memref<1x!tpu.dma_semaphore, #tpu.memory_space<semaphore_mem>> -> memref<!tpu.dma_semaphore, #tpu.memory_space<semaphore_mem>>
        tpu.wait_indirect_dma semaphore(%dma_wait3A_88 : memref<!tpu.dma_semaphore, #tpu.memory_space<semaphore_mem>>) src(%dma_wait3A_86 : memref<10240x32xf32, #tpu.memory_space<hbm>>) dst(%dma_wait3A_80 : memref<128x32xf32, #tpu.memory_space<vmem>>)
        %jit3A_89 = arith.constant 10 : i32
        %eq3A_90 = arith.constant 0 : i32
        %eq3A_91 = arith.cmpi eq, %jit3A_89, %eq3A_90 : i32
        %jit3A_92 = arith.constant 1 : i32
        %select_n3A_93 = arith.select %eq3A_91, %jit3A_92, %jit3A_89 : i32
        %rem3A_94 = arith.remsi %while3A_63, %select_n3A_93 : i32
        %ne3A_95 = arith.constant 0 : i32
        %ne3A_96 = arith.cmpi ne, %rem3A_94, %ne3A_95 : i32
        %lt3A_97 = arith.constant 0 : i32
        %lt3A_98 = arith.cmpi slt, %rem3A_94, %lt3A_97 : i32
        %lt3A_99 = arith.constant 0 : i32
        %lt3A_100 = arith.cmpi slt, %select_n3A_93, %lt3A_99 : i32
        %ne3A_101 = arith.xori %lt3A_98, %lt3A_100 : i1
        %and3A_102 = arith.andi %ne3A_101, %ne3A_96 : i1
        %add3A_103 = arith.addi %rem3A_94, %select_n3A_93 : i32
        %select_n3A_104 = arith.select %and3A_102, %add3A_103, %rem3A_94 : i32
        %dma_start3A = arith.constant 1 : i32
        %dma_start3A_105 = arith.constant 0 : i32
        %dma_start3A_106 = arith.constant 0 : i32
        %dma_start3A_107 = tpu.memref_slice %arg8[%select_n3A_104, %dma_start3A_105, %dma_start3A_106] : memref<10x128x32xf32, #tpu.memory_space<vmem>> -> memref<1x128x32xf32, #tpu.memory_space<vmem>>
        %dma_start3A_108 = tpu.memref_squeeze %dma_start3A_107 : memref<1x128x32xf32, #tpu.memory_space<vmem>> -> memref<128x32xf32, #tpu.memory_space<vmem>>
        %dma_start3A_109 = arith.constant 0 : i32
        %dma_start3A_110 = tpu.memref_slice %arg7[%select_n3A_104, %dma_start3A, %dma_start3A_109] : memref<10x2x128xi32, #tpu.memory_space<vmem>> -> memref<1x1x128xi32, #tpu.memory_space<vmem>>
        %dma_start3A_111 = tpu.memref_squeeze %dma_start3A_110 : memref<1x1x128xi32, #tpu.memory_space<vmem>> -> memref<128xi32, #tpu.memory_space<vmem>>
        %dma_start3A_112 = arith.constant 0 : i32
        %dma_start3A_113 = arith.constant 0 : i32
        %dma_start3A_114 = tpu.memref_slice %arg9[%dma_start3A_112, %dma_start3A_113] : memref<10240x32xf32, #tpu.memory_space<vmem_shared>> -> memref<10240x32xf32, #tpu.memory_space<vmem_shared>>
        %dma_start3A_115 = tpu.memref_slice %arg12[%select_n3A_104] : memref<10x!tpu.dma_semaphore, #tpu.memory_space<semaphore_mem>> -> memref<1x!tpu.dma_semaphore, #tpu.memory_space<semaphore_mem>>
        %dma_start3A_116 = tpu.memref_squeeze %dma_start3A_115 : memref<1x!tpu.dma_semaphore, #tpu.memory_space<semaphore_mem>> -> memref<!tpu.dma_semaphore, #tpu.memory_space<semaphore_mem>>
        tpu.enqueue_indirect_dma source(%dma_start3A_108 : memref<128x32xf32, #tpu.memory_space<vmem>>) target(%dma_start3A_114 : memref<10240x32xf32, #tpu.memory_space<vmem_shared>>) offsets(%dma_start3A_111 : memref<128xi32, #tpu.memory_space<vmem>>) semaphore(%dma_start3A_116 : memref<!tpu.dma_semaphore, #tpu.memory_space<semaphore_mem>>) {add = true}
      }
      %while3A_51 = arith.constant 1 : i32
      scf.for %while3A_63 = %while3A_49 to %while3A_45 step %while3A_51  : i32 {
        %jit3A_64 = arith.constant 10 : i32
        %eq3A_65 = arith.constant 0 : i32
        %eq3A_66 = arith.cmpi eq, %jit3A_64, %eq3A_65 : i32
        %jit3A_67 = arith.constant 1 : i32
        %select_n3A_68 = arith.select %eq3A_66, %jit3A_67, %jit3A_64 : i32
        %rem3A = arith.remsi %while3A_63, %select_n3A_68 : i32
        %ne3A = arith.constant 0 : i32
        %ne3A_69 = arith.cmpi ne, %rem3A, %ne3A : i32
        %lt3A_70 = arith.constant 0 : i32
        %lt3A_71 = arith.cmpi slt, %rem3A, %lt3A_70 : i32
        %lt3A_72 = arith.constant 0 : i32
        %lt3A_73 = arith.cmpi slt, %select_n3A_68, %lt3A_72 : i32
        %ne3A_74 = arith.xori %lt3A_71, %lt3A_73 : i1
        %and3A = arith.andi %ne3A_74, %ne3A_69 : i1
        %add3A_75 = arith.addi %rem3A, %select_n3A_68 : i32
        %select_n3A_76 = arith.select %and3A, %add3A_75, %rem3A : i32
        %dma_wait3A = arith.constant 0 : i32
        %dma_wait3A_77 = arith.constant 0 : i32
        %dma_wait3A_78 = arith.constant 0 : i32
        %dma_wait3A_79 = tpu.memref_slice %arg8[%select_n3A_76, %dma_wait3A_77, %dma_wait3A_78] : memref<10x128x32xf32, #tpu.memory_space<vmem>> -> memref<1x128x32xf32, #tpu.memory_space<vmem>>
        %dma_wait3A_80 = tpu.memref_squeeze %dma_wait3A_79 : memref<1x128x32xf32, #tpu.memory_space<vmem>> -> memref<128x32xf32, #tpu.memory_space<vmem>>
        %dma_wait3A_81 = arith.constant 0 : i32
        %dma_wait3A_82 = tpu.memref_slice %arg7[%select_n3A_76, %dma_wait3A, %dma_wait3A_81] : memref<10x2x128xi32, #tpu.memory_space<vmem>> -> memref<1x1x128xi32, #tpu.memory_space<vmem>>
        %dma_wait3A_83 = tpu.memref_squeeze %dma_wait3A_82 : memref<1x1x128xi32, #tpu.memory_space<vmem>> -> memref<128xi32, #tpu.memory_space<vmem>>
        %dma_wait3A_84 = arith.constant 0 : i32
        %dma_wait3A_85 = arith.constant 0 : i32
        %dma_wait3A_86 = tpu.memref_slice %arg2[%dma_wait3A_84, %dma_wait3A_85] : memref<10240x32xf32, #tpu.memory_space<hbm>> -> memref<10240x32xf32, #tpu.memory_space<hbm>>
        %dma_wait3A_87 = tpu.memref_slice %arg11[%select_n3A_76] : memref<10x!tpu.dma_semaphore, #tpu.memory_space<semaphore_mem>> -> memref<1x!tpu.dma_semaphore, #tpu.memory_space<semaphore_mem>>
        %dma_wait3A_88 = tpu.memref_squeeze %dma_wait3A_87 : memref<1x!tpu.dma_semaphore, #tpu.memory_space<semaphore_mem>> -> memref<!tpu.dma_semaphore, #tpu.memory_space<semaphore_mem>>
        tpu.wait_indirect_dma semaphore(%dma_wait3A_88 : memref<!tpu.dma_semaphore, #tpu.memory_space<semaphore_mem>>) src(%dma_wait3A_86 : memref<10240x32xf32, #tpu.memory_space<hbm>>) dst(%dma_wait3A_80 : memref<128x32xf32, #tpu.memory_space<vmem>>)
        %jit3A_89 = arith.constant 10 : i32
        %eq3A_90 = arith.constant 0 : i32
        %eq3A_91 = arith.cmpi eq, %jit3A_89, %eq3A_90 : i32
        %jit3A_92 = arith.constant 1 : i32
        %select_n3A_93 = arith.select %eq3A_91, %jit3A_92, %jit3A_89 : i32
        %rem3A_94 = arith.remsi %while3A_63, %select_n3A_93 : i32
        %ne3A_95 = arith.constant 0 : i32
        %ne3A_96 = arith.cmpi ne, %rem3A_94, %ne3A_95 : i32
        %lt3A_97 = arith.constant 0 : i32
        %lt3A_98 = arith.cmpi slt, %rem3A_94, %lt3A_97 : i32
        %lt3A_99 = arith.constant 0 : i32
        %lt3A_100 = arith.cmpi slt, %select_n3A_93, %lt3A_99 : i32
        %ne3A_101 = arith.xori %lt3A_98, %lt3A_100 : i1
        %and3A_102 = arith.andi %ne3A_101, %ne3A_96 : i1
        %add3A_103 = arith.addi %rem3A_94, %select_n3A_93 : i32
        %select_n3A_104 = arith.select %and3A_102, %add3A_103, %rem3A_94 : i32
        %dma_start3A = arith.constant 1 : i32
        %dma_start3A_105 = arith.constant 0 : i32
        %dma_start3A_106 = arith.constant 0 : i32
        %dma_start3A_107 = tpu.memref_slice %arg8[%select_n3A_104, %dma_start3A_105, %dma_start3A_106] : memref<10x128x32xf32, #tpu.memory_space<vmem>> -> memref<1x128x32xf32, #tpu.memory_space<vmem>>
        %dma_start3A_108 = tpu.memref_squeeze %dma_start3A_107 : memref<1x128x32xf32, #tpu.memory_space<vmem>> -> memref<128x32xf32, #tpu.memory_space<vmem>>
        %dma_start3A_109 = arith.constant 0 : i32
        %dma_start3A_110 = tpu.memref_slice %arg7[%select_n3A_104, %dma_start3A, %dma_start3A_109] : memref<10x2x128xi32, #tpu.memory_space<vmem>> -> memref<1x1x128xi32, #tpu.memory_space<vmem>>
        %dma_start3A_111 = tpu.memref_squeeze %dma_start3A_110 : memref<1x1x128xi32, #tpu.memory_space<vmem>> -> memref<128xi32, #tpu.memory_space<vmem>>
        %dma_start3A_112 = arith.constant 0 : i32
        %dma_start3A_113 = arith.constant 0 : i32
        %dma_start3A_114 = tpu.memref_slice %arg9[%dma_start3A_112, %dma_start3A_113] : memref<10240x32xf32, #tpu.memory_space<vmem_shared>> -> memref<10240x32xf32, #tpu.memory_space<vmem_shared>>
        %dma_start3A_115 = tpu.memref_slice %arg12[%select_n3A_104] : memref<10x!tpu.dma_semaphore, #tpu.memory_space<semaphore_mem>> -> memref<1x!tpu.dma_semaphore, #tpu.memory_space<semaphore_mem>>
        %dma_start3A_116 = tpu.memref_squeeze %dma_start3A_115 : memref<1x!tpu.dma_semaphore, #tpu.memory_space<semaphore_mem>> -> memref<!tpu.dma_semaphore, #tpu.memory_space<semaphore_mem>>
        tpu.enqueue_indirect_dma source(%dma_start3A_108 : memref<128x32xf32, #tpu.memory_space<vmem>>) target(%dma_start3A_114 : memref<10240x32xf32, #tpu.memory_space<vmem_shared>>) offsets(%dma_start3A_111 : memref<128xi32, #tpu.memory_space<vmem>>) semaphore(%dma_start3A_116 : memref<!tpu.dma_semaphore, #tpu.memory_space<semaphore_mem>>) {add = true}
      }
      %sub3A_52 = arith.constant 10 : i32
      %sub3A_53 = arith.subi %add3A_3, %sub3A_52 : i32
      %while3A_54 = arith.constant 0 : i32
      %while3A_55 = arith.subi %add3A_3, %sub3A_53 : i32
      %while3A_56 = arith.addi %sub3A_53, %while3A_55 : i32
      %while3A_57 = arith.constant 1 : i32
      %while3A_58 = arith.divsi %while3A_55, %while3A_57 : i32
      %while3A_59 = arith.muli %while3A_58, %while3A_57 : i32
      %while3A_60 = arith.addi %sub3A_53, %while3A_59 : i32
      %while3A_61 = arith.constant 1 : i32
      scf.for %while3A_63 = %sub3A_53 to %while3A_60 step %while3A_61  : i32 {
        %jit3A_64 = arith.constant 10 : i32
        %eq3A_65 = arith.constant 0 : i32
        %eq3A_66 = arith.cmpi eq, %jit3A_64, %eq3A_65 : i32
        %jit3A_67 = arith.constant 1 : i32
        %select_n3A_68 = arith.select %eq3A_66, %jit3A_67, %jit3A_64 : i32
        %rem3A = arith.remsi %while3A_63, %select_n3A_68 : i32
        %ne3A = arith.constant 0 : i32
        %ne3A_69 = arith.cmpi ne, %rem3A, %ne3A : i32
        %lt3A_70 = arith.constant 0 : i32
        %lt3A_71 = arith.cmpi slt, %rem3A, %lt3A_70 : i32
        %lt3A_72 = arith.constant 0 : i32
        %lt3A_73 = arith.cmpi slt, %select_n3A_68, %lt3A_72 : i32
        %ne3A_74 = arith.xori %lt3A_71, %lt3A_73 : i1
        %and3A = arith.andi %ne3A_74, %ne3A_69 : i1
        %add3A_75 = arith.addi %rem3A, %select_n3A_68 : i32
        %select_n3A_76 = arith.select %and3A, %add3A_75, %rem3A : i32
        %dma_wait3A = arith.constant 1 : i32
        %dma_wait3A_77 = arith.constant 0 : i32
        %dma_wait3A_78 = arith.constant 0 : i32
        %dma_wait3A_79 = tpu.memref_slice %arg8[%select_n3A_76, %dma_wait3A_77, %dma_wait3A_78] : memref<10x128x32xf32, #tpu.memory_space<vmem>> -> memref<1x128x32xf32, #tpu.memory_space<vmem>>
        %dma_wait3A_80 = tpu.memref_squeeze %dma_wait3A_79 : memref<1x128x32xf32, #tpu.memory_space<vmem>> -> memref<128x32xf32, #tpu.memory_space<vmem>>
        %dma_wait3A_81 = arith.constant 0 : i32
        %dma_wait3A_82 = tpu.memref_slice %arg7[%select_n3A_76, %dma_wait3A, %dma_wait3A_81] : memref<10x2x128xi32, #tpu.memory_space<vmem>> -> memref<1x1x128xi32, #tpu.memory_space<vmem>>
        %dma_wait3A_83 = tpu.memref_squeeze %dma_wait3A_82 : memref<1x1x128xi32, #tpu.memory_space<vmem>> -> memref<128xi32, #tpu.memory_space<vmem>>
        %dma_wait3A_84 = arith.constant 0 : i32
        %dma_wait3A_85 = arith.constant 0 : i32
        %dma_wait3A_86 = tpu.memref_slice %arg9[%dma_wait3A_84, %dma_wait3A_85] : memref<10240x32xf32, #tpu.memory_space<vmem_shared>> -> memref<10240x32xf32, #tpu.memory_space<vmem_shared>>
        %dma_wait3A_87 = tpu.memref_slice %arg12[%select_n3A_76] : memref<10x!tpu.dma_semaphore, #tpu.memory_space<semaphore_mem>> -> memref<1x!tpu.dma_semaphore, #tpu.memory_space<semaphore_mem>>
        %dma_wait3A_88 = tpu.memref_squeeze %dma_wait3A_87 : memref<1x!tpu.dma_semaphore, #tpu.memory_space<semaphore_mem>> -> memref<!tpu.dma_semaphore, #tpu.memory_space<semaphore_mem>>
        tpu.wait_indirect_dma semaphore(%dma_wait3A_88 : memref<!tpu.dma_semaphore, #tpu.memory_space<semaphore_mem>>) src(%dma_wait3A_80 : memref<128x32xf32, #tpu.memory_space<vmem>>) dst(%dma_wait3A_86 : memref<10240x32xf32, #tpu.memory_space<vmem_shared>>)
      }
      %while3A_62 = arith.constant 1 : i32
      scf.for %while3A_63 = %while3A_60 to %while3A_56 step %while3A_62  : i32 {
        %jit3A_64 = arith.constant 10 : i32
        %eq3A_65 = arith.constant 0 : i32
        %eq3A_66 = arith.cmpi eq, %jit3A_64, %eq3A_65 : i32
        %jit3A_67 = arith.constant 1 : i32
        %select_n3A_68 = arith.select %eq3A_66, %jit3A_67, %jit3A_64 : i32
        %rem3A = arith.remsi %while3A_63, %select_n3A_68 : i32
        %ne3A = arith.constant 0 : i32
        %ne3A_69 = arith.cmpi ne, %rem3A, %ne3A : i32
        %lt3A_70 = arith.constant 0 : i32
        %lt3A_71 = arith.cmpi slt, %rem3A, %lt3A_70 : i32
        %lt3A_72 = arith.constant 0 : i32
        %lt3A_73 = arith.cmpi slt, %select_n3A_68, %lt3A_72 : i32
        %ne3A_74 = arith.xori %lt3A_71, %lt3A_73 : i1
        %and3A = arith.andi %ne3A_74, %ne3A_69 : i1
        %add3A_75 = arith.addi %rem3A, %select_n3A_68 : i32
        %select_n3A_76 = arith.select %and3A, %add3A_75, %rem3A : i32
        %dma_wait3A = arith.constant 1 : i32
        %dma_wait3A_77 = arith.constant 0 : i32
        %dma_wait3A_78 = arith.constant 0 : i32
        %dma_wait3A_79 = tpu.memref_slice %arg8[%select_n3A_76, %dma_wait3A_77, %dma_wait3A_78] : memref<10x128x32xf32, #tpu.memory_space<vmem>> -> memref<1x128x32xf32, #tpu.memory_space<vmem>>
        %dma_wait3A_80 = tpu.memref_squeeze %dma_wait3A_79 : memref<1x128x32xf32, #tpu.memory_space<vmem>> -> memref<128x32xf32, #tpu.memory_space<vmem>>
        %dma_wait3A_81 = arith.constant 0 : i32
        %dma_wait3A_82 = tpu.memref_slice %arg7[%select_n3A_76, %dma_wait3A, %dma_wait3A_81] : memref<10x2x128xi32, #tpu.memory_space<vmem>> -> memref<1x1x128xi32, #tpu.memory_space<vmem>>
        %dma_wait3A_83 = tpu.memref_squeeze %dma_wait3A_82 : memref<1x1x128xi32, #tpu.memory_space<vmem>> -> memref<128xi32, #tpu.memory_space<vmem>>
        %dma_wait3A_84 = arith.constant 0 : i32
        %dma_wait3A_85 = arith.constant 0 : i32
        %dma_wait3A_86 = tpu.memref_slice %arg9[%dma_wait3A_84, %dma_wait3A_85] : memref<10240x32xf32, #tpu.memory_space<vmem_shared>> -> memref<10240x32xf32, #tpu.memory_space<vmem_shared>>
        %dma_wait3A_87 = tpu.memref_slice %arg12[%select_n3A_76] : memref<10x!tpu.dma_semaphore, #tpu.memory_space<semaphore_mem>> -> memref<1x!tpu.dma_semaphore, #tpu.memory_space<semaphore_mem>>
        %dma_wait3A_88 = tpu.memref_squeeze %dma_wait3A_87 : memref<1x!tpu.dma_semaphore, #tpu.memory_space<semaphore_mem>> -> memref<!tpu.dma_semaphore, #tpu.memory_space<semaphore_mem>>
        tpu.wait_indirect_dma semaphore(%dma_wait3A_88 : memref<!tpu.dma_semaphore, #tpu.memory_space<semaphore_mem>>) src(%dma_wait3A_80 : memref<128x32xf32, #tpu.memory_space<vmem>>) dst(%dma_wait3A_86 : memref<10240x32xf32, #tpu.memory_space<vmem_shared>>)
      }
    } else {
    }
    %eq3A_6 = arith.constant 1 : i32
    %eq3A_7 = arith.cmpi eq, %arg0, %eq3A_6 : i32
    %convert_element_type3A_8 = arith.extui %eq3A_7 : i1 to i32
    %cond3A_9 = arith.constant 0 : i32
    %cond3A_10 = arith.cmpi ne, %convert_element_type3A_8, %cond3A_9 : i32
    scf.if %cond3A_10 {
      %while3A = arith.constant 0 : i32
      %while3A_22 = arith.constant 0 : i32
      %while3A_23 = arith.subi %add3A_3, %while3A_22 : i32
      %while3A_24 = arith.addi %while3A_22, %while3A_23 : i32
      %while3A_25 = arith.constant 1 : i32
      %while3A_26 = arith.divsi %while3A_23, %while3A_25 : i32
      %while3A_27 = arith.muli %while3A_26, %while3A_25 : i32
      %while3A_28 = arith.addi %while3A_22, %while3A_27 : i32
      %while3A_29 = arith.constant 1 : i32
      scf.for %while3A_63 = %while3A_22 to %while3A_28 step %while3A_29  : i32 {
        %ge3A = arith.constant 10 : i32
        %ge3A_64 = arith.cmpi sge, %while3A_63, %ge3A : i32
        %convert_element_type3A_65 = arith.extui %ge3A_64 : i1 to i32
        %cond3A_66 = arith.constant 0 : i32
        %cond3A_67 = arith.cmpi ne, %convert_element_type3A_65, %cond3A_66 : i32
        scf.if %cond3A_67 {
          %jit3A_123 = arith.constant 10 : i32
          %eq3A_124 = arith.constant 0 : i32
          %eq3A_125 = arith.cmpi eq, %jit3A_123, %eq3A_124 : i32
          %jit3A_126 = arith.constant 1 : i32
          %select_n3A_127 = arith.select %eq3A_125, %jit3A_126, %jit3A_123 : i32
          %rem3A_128 = arith.remsi %while3A_63, %select_n3A_127 : i32
          %ne3A_129 = arith.constant 0 : i32
          %ne3A_130 = arith.cmpi ne, %rem3A_128, %ne3A_129 : i32
          %lt3A_131 = arith.constant 0 : i32
          %lt3A_132 = arith.cmpi slt, %rem3A_128, %lt3A_131 : i32
          %lt3A_133 = arith.constant 0 : i32
          %lt3A_134 = arith.cmpi slt, %select_n3A_127, %lt3A_133 : i32
          %ne3A_135 = arith.xori %lt3A_132, %lt3A_134 : i1
          %and3A_136 = arith.andi %ne3A_135, %ne3A_130 : i1
          %add3A_137 = arith.addi %rem3A_128, %select_n3A_127 : i32
          %select_n3A_138 = arith.select %and3A_136, %add3A_137, %rem3A_128 : i32
          %dma_wait3A = arith.constant 1 : i32
          %dma_wait3A_139 = arith.constant 0 : i32
          %dma_wait3A_140 = arith.constant 0 : i32
          %dma_wait3A_141 = tpu.memref_slice %arg8[%select_n3A_138, %dma_wait3A_139, %dma_wait3A_140] : memref<10x128x32xf32, #tpu.memory_space<vmem>> -> memref<1x128x32xf32, #tpu.memory_space<vmem>>
          %dma_wait3A_142 = tpu.memref_squeeze %dma_wait3A_141 : memref<1x128x32xf32, #tpu.memory_space<vmem>> -> memref<128x32xf32, #tpu.memory_space<vmem>>
          %dma_wait3A_143 = arith.constant 0 : i32
          %dma_wait3A_144 = tpu.memref_slice %arg7[%select_n3A_138, %dma_wait3A, %dma_wait3A_143] : memref<10x2x128xi32, #tpu.memory_space<vmem>> -> memref<1x1x128xi32, #tpu.memory_space<vmem>>
          %dma_wait3A_145 = tpu.memref_squeeze %dma_wait3A_144 : memref<1x1x128xi32, #tpu.memory_space<vmem>> -> memref<128xi32, #tpu.memory_space<vmem>>
          %dma_wait3A_146 = arith.constant 0 : i32
          %dma_wait3A_147 = arith.constant 0 : i32
          %dma_wait3A_148 = tpu.memref_slice %arg9[%dma_wait3A_146, %dma_wait3A_147] : memref<10240x32xf32, #tpu.memory_space<vmem_shared>> -> memref<10240x32xf32, #tpu.memory_space<vmem_shared>>
          %dma_wait3A_149 = tpu.memref_slice %arg12[%select_n3A_138] : memref<10x!tpu.dma_semaphore, #tpu.memory_space<semaphore_mem>> -> memref<1x!tpu.dma_semaphore, #tpu.memory_space<semaphore_mem>>
          %dma_wait3A_150 = tpu.memref_squeeze %dma_wait3A_149 : memref<1x!tpu.dma_semaphore, #tpu.memory_space<semaphore_mem>> -> memref<!tpu.dma_semaphore, #tpu.memory_space<semaphore_mem>>
          tpu.wait_indirect_dma semaphore(%dma_wait3A_150 : memref<!tpu.dma_semaphore, #tpu.memory_space<semaphore_mem>>) src(%dma_wait3A_142 : memref<128x32xf32, #tpu.memory_space<vmem>>) dst(%dma_wait3A_148 : memref<10240x32xf32, #tpu.memory_space<vmem_shared>>)
        } else {
        }
        %jit3A_68 = arith.constant 10 : i32
        %eq3A_69 = arith.constant 0 : i32
        %eq3A_70 = arith.cmpi eq, %jit3A_68, %eq3A_69 : i32
        %jit3A_71 = arith.constant 1 : i32
        %select_n3A_72 = arith.select %eq3A_70, %jit3A_71, %jit3A_68 : i32
        %rem3A = arith.remsi %while3A_63, %select_n3A_72 : i32
        %ne3A = arith.constant 0 : i32
        %ne3A_73 = arith.cmpi ne, %rem3A, %ne3A : i32
        %lt3A_74 = arith.constant 0 : i32
        %lt3A_75 = arith.cmpi slt, %rem3A, %lt3A_74 : i32
        %lt3A_76 = arith.constant 0 : i32
        %lt3A_77 = arith.cmpi slt, %select_n3A_72, %lt3A_76 : i32
        %ne3A_78 = arith.xori %lt3A_75, %lt3A_77 : i1
        %and3A = arith.andi %ne3A_78, %ne3A_73 : i1
        %add3A_79 = arith.addi %rem3A, %select_n3A_72 : i32
        %select_n3A_80 = arith.select %and3A, %add3A_79, %rem3A : i32
        %mul3A_81 = arith.constant 16 : i32
        %mul3A_82 = arith.muli %mul3A_81, %while3A_63 : i32
        %add3A_83 = arith.addi %arg1, %mul3A_82 : i32
        %mul3A_84 = arith.constant 128 : i32
        %mul3A_85 = arith.muli %add3A_83, %mul3A_84 : i32
        %dma_start3A = arith.constant 0 : i32
        %dma_start3A_86 = arith.constant 0 : i32
        %dma_start3A_87 = arith.constant 0 : i32
        %dma_start3A_88 = tpu.memref_slice %arg7[%select_n3A_80, %dma_start3A_86, %dma_start3A_87] : memref<10x2x128xi32, #tpu.memory_space<vmem>> -> memref<1x1x128xi32, #tpu.memory_space<vmem>>
        %dma_start3A_89 = tpu.memref_squeeze %dma_start3A_88 : memref<1x1x128xi32, #tpu.memory_space<vmem>> -> memref<128xi32, #tpu.memory_space<vmem>>
        %dma_start3A_90 = tpu.memref_slice %arg4[%dma_start3A, %mul3A_85] : memref<2x320000xi32, #tpu.memory_space<hbm>> -> memref<1x128xi32, #tpu.memory_space<hbm>>
        %dma_start3A_91 = tpu.memref_squeeze %dma_start3A_90 : memref<1x128xi32, #tpu.memory_space<hbm>> -> memref<128xi32, #tpu.memory_space<hbm>>
        %dma_start3A_92 = tpu.memref_slice %arg10[%select_n3A_80] : memref<10x!tpu.dma_semaphore, #tpu.memory_space<semaphore_mem>> -> memref<1x!tpu.dma_semaphore, #tpu.memory_space<semaphore_mem>>
        %dma_start3A_93 = tpu.memref_squeeze %dma_start3A_92 : memref<1x!tpu.dma_semaphore, #tpu.memory_space<semaphore_mem>> -> memref<!tpu.dma_semaphore, #tpu.memory_space<semaphore_mem>>
        %dma_start3A_94 = arith.constant 0 : i32
        %dma_start3A_95 = tpu.memref_slice %arg7[%select_n3A_80, %dma_start3A_86, %dma_start3A_94] : memref<10x2x128xi32, #tpu.memory_space<vmem>> -> memref<1x1x128xi32, #tpu.memory_space<vmem>>
        %dma_start3A_96 = tpu.memref_squeeze %dma_start3A_95 : memref<1x1x128xi32, #tpu.memory_space<vmem>> -> memref<128xi32, #tpu.memory_space<vmem>>
        %dma_start3A_97 = tpu.memref_slice %arg4[%dma_start3A, %mul3A_85] : memref<2x320000xi32, #tpu.memory_space<hbm>> -> memref<1x128xi32, #tpu.memory_space<hbm>>
        %dma_start3A_98 = tpu.memref_squeeze %dma_start3A_97 : memref<1x128xi32, #tpu.memory_space<hbm>> -> memref<128xi32, #tpu.memory_space<hbm>>
        tpu.enqueue_dma source(%dma_start3A_98 : memref<128xi32, #tpu.memory_space<hbm>>) target(%dma_start3A_96 : memref<128xi32, #tpu.memory_space<vmem>>) target_semaphore(%dma_start3A_93 : memref<!tpu.dma_semaphore, #tpu.memory_space<semaphore_mem>>)
        %dma_start3A_99 = arith.constant 1 : i32
        %dma_start3A_100 = arith.constant 1 : i32
        %dma_start3A_101 = arith.constant 0 : i32
        %dma_start3A_102 = tpu.memref_slice %arg7[%select_n3A_80, %dma_start3A_100, %dma_start3A_101] : memref<10x2x128xi32, #tpu.memory_space<vmem>> -> memref<1x1x128xi32, #tpu.memory_space<vmem>>
        %dma_start3A_103 = tpu.memref_squeeze %dma_start3A_102 : memref<1x1x128xi32, #tpu.memory_space<vmem>> -> memref<128xi32, #tpu.memory_space<vmem>>
        %dma_start3A_104 = tpu.memref_slice %arg4[%dma_start3A_99, %mul3A_85] : memref<2x320000xi32, #tpu.memory_space<hbm>> -> memref<1x128xi32, #tpu.memory_space<hbm>>
        %dma_start3A_105 = tpu.memref_squeeze %dma_start3A_104 : memref<1x128xi32, #tpu.memory_space<hbm>> -> memref<128xi32, #tpu.memory_space<hbm>>
        %dma_start3A_106 = tpu.memref_slice %arg10[%select_n3A_80] : memref<10x!tpu.dma_semaphore, #tpu.memory_space<semaphore_mem>> -> memref<1x!tpu.dma_semaphore, #tpu.memory_space<semaphore_mem>>
        %dma_start3A_107 = tpu.memref_squeeze %dma_start3A_106 : memref<1x!tpu.dma_semaphore, #tpu.memory_space<semaphore_mem>> -> memref<!tpu.dma_semaphore, #tpu.memory_space<semaphore_mem>>
        %dma_start3A_108 = arith.constant 0 : i32
        %dma_start3A_109 = tpu.memref_slice %arg7[%select_n3A_80, %dma_start3A_100, %dma_start3A_108] : memref<10x2x128xi32, #tpu.memory_space<vmem>> -> memref<1x1x128xi32, #tpu.memory_space<vmem>>
        %dma_start3A_110 = tpu.memref_squeeze %dma_start3A_109 : memref<1x1x128xi32, #tpu.memory_space<vmem>> -> memref<128xi32, #tpu.memory_space<vmem>>
        %dma_start3A_111 = tpu.memref_slice %arg4[%dma_start3A_99, %mul3A_85] : memref<2x320000xi32, #tpu.memory_space<hbm>> -> memref<1x128xi32, #tpu.memory_space<hbm>>
        %dma_start3A_112 = tpu.memref_squeeze %dma_start3A_111 : memref<1x128xi32, #tpu.memory_space<hbm>> -> memref<128xi32, #tpu.memory_space<hbm>>
        tpu.enqueue_dma source(%dma_start3A_112 : memref<128xi32, #tpu.memory_space<hbm>>) target(%dma_start3A_110 : memref<128xi32, #tpu.memory_space<vmem>>) target_semaphore(%dma_start3A_107 : memref<!tpu.dma_semaphore, #tpu.memory_space<semaphore_mem>>)
        %ge3A_113 = arith.constant 1 : i32
        %ge3A_114 = arith.cmpi sge, %while3A_63, %ge3A_113 : i32
        %convert_element_type3A_115 = arith.extui %ge3A_114 : i1 to i32
        %cond3A_116 = arith.constant 0 : i32
        %cond3A_117 = arith.cmpi ne, %convert_element_type3A_115, %cond3A_116 : i32
        scf.if %cond3A_117 {
          %sub3A_123 = arith.constant 1 : i32
          %sub3A_124 = arith.subi %while3A_63, %sub3A_123 : i32
          %jit3A_125 = arith.constant 10 : i32
          %eq3A_126 = arith.constant 0 : i32
          %eq3A_127 = arith.cmpi eq, %jit3A_125, %eq3A_126 : i32
          %jit3A_128 = arith.constant 1 : i32
          %select_n3A_129 = arith.select %eq3A_127, %jit3A_128, %jit3A_125 : i32
          %rem3A_130 = arith.remsi %sub3A_124, %select_n3A_129 : i32
          %ne3A_131 = arith.constant 0 : i32
          %ne3A_132 = arith.cmpi ne, %rem3A_130, %ne3A_131 : i32
          %lt3A_133 = arith.constant 0 : i32
          %lt3A_134 = arith.cmpi slt, %rem3A_130, %lt3A_133 : i32
          %lt3A_135 = arith.constant 0 : i32
          %lt3A_136 = arith.cmpi slt, %select_n3A_129, %lt3A_135 : i32
          %ne3A_137 = arith.xori %lt3A_134, %lt3A_136 : i1
          %and3A_138 = arith.andi %ne3A_137, %ne3A_132 : i1
          %add3A_139 = arith.addi %rem3A_130, %select_n3A_129 : i32
          %select_n3A_140 = arith.select %and3A_138, %add3A_139, %rem3A_130 : i32
          %dma_wait3A = arith.constant 0 : i32
          %dma_wait3A_141 = arith.constant 0 : i32
          %dma_wait3A_142 = tpu.memref_slice %arg7[%select_n3A_140, %dma_wait3A, %dma_wait3A_141] : memref<10x2x128xi32, #tpu.memory_space<vmem>> -> memref<1x2x128xi32, #tpu.memory_space<vmem>>
          %dma_wait3A_143 = tpu.memref_squeeze %dma_wait3A_142 : memref<1x2x128xi32, #tpu.memory_space<vmem>> -> memref<2x128xi32, #tpu.memory_space<vmem>>
          %dma_wait3A_144 = arith.constant 0 : i32
          %dma_wait3A_145 = arith.constant 0 : i32
          %dma_wait3A_146 = tpu.memref_slice %arg4[%dma_wait3A_144, %dma_wait3A_145] : memref<2x320000xi32, #tpu.memory_space<hbm>> -> memref<2x128xi32, #tpu.memory_space<hbm>>
          %dma_wait3A_147 = tpu.memref_slice %arg10[%select_n3A_140] : memref<10x!tpu.dma_semaphore, #tpu.memory_space<semaphore_mem>> -> memref<1x!tpu.dma_semaphore, #tpu.memory_space<semaphore_mem>>
          %dma_wait3A_148 = tpu.memref_squeeze %dma_wait3A_147 : memref<1x!tpu.dma_semaphore, #tpu.memory_space<semaphore_mem>> -> memref<!tpu.dma_semaphore, #tpu.memory_space<semaphore_mem>>
          %dma_wait3A_149 = arith.constant 0 : i32
          %dma_wait3A_150 = arith.constant 0 : i32
          %dma_wait3A_151 = tpu.memref_slice %arg7[%select_n3A_140, %dma_wait3A_149, %dma_wait3A_150] : memref<10x2x128xi32, #tpu.memory_space<vmem>> -> memref<1x2x128xi32, #tpu.memory_space<vmem>>
          %dma_wait3A_152 = tpu.memref_squeeze %dma_wait3A_151 : memref<1x2x128xi32, #tpu.memory_space<vmem>> -> memref<2x128xi32, #tpu.memory_space<vmem>>
          %dma_wait3A_153 = arith.constant 0 : i32
          %dma_wait3A_154 = arith.constant 0 : i32
          %dma_wait3A_155 = tpu.memref_slice %arg4[%dma_wait3A_153, %dma_wait3A_154] : memref<2x320000xi32, #tpu.memory_space<hbm>> -> memref<2x128xi32, #tpu.memory_space<hbm>>
          tpu.wait_dma2 semaphore(%dma_wait3A_148 : memref<!tpu.dma_semaphore, #tpu.memory_space<semaphore_mem>>) src(%dma_wait3A_155 : memref<2x128xi32, #tpu.memory_space<hbm>>) dst(%dma_wait3A_152 : memref<2x128xi32, #tpu.memory_space<vmem>>)
          %sub3A_156 = arith.constant 1 : i32
          %sub3A_157 = arith.subi %while3A_63, %sub3A_156 : i32
          %jit3A_158 = arith.constant 10 : i32
          %eq3A_159 = arith.constant 0 : i32
          %eq3A_160 = arith.cmpi eq, %jit3A_158, %eq3A_159 : i32
          %jit3A_161 = arith.constant 1 : i32
          %select_n3A_162 = arith.select %eq3A_160, %jit3A_161, %jit3A_158 : i32
          %rem3A_163 = arith.remsi %sub3A_157, %select_n3A_162 : i32
          %ne3A_164 = arith.constant 0 : i32
          %ne3A_165 = arith.cmpi ne, %rem3A_163, %ne3A_164 : i32
          %lt3A_166 = arith.constant 0 : i32
          %lt3A_167 = arith.cmpi slt, %rem3A_163, %lt3A_166 : i32
          %lt3A_168 = arith.constant 0 : i32
          %lt3A_169 = arith.cmpi slt, %select_n3A_162, %lt3A_168 : i32
          %ne3A_170 = arith.xori %lt3A_167, %lt3A_169 : i1
          %and3A_171 = arith.andi %ne3A_170, %ne3A_165 : i1
          %add3A_172 = arith.addi %rem3A_163, %select_n3A_162 : i32
          %select_n3A_173 = arith.select %and3A_171, %add3A_172, %rem3A_163 : i32
          %dma_start3A_174 = arith.constant 0 : i32
          %dma_start3A_175 = arith.constant 0 : i32
          %dma_start3A_176 = arith.constant 0 : i32
          %dma_start3A_177 = tpu.memref_slice %arg8[%select_n3A_173, %dma_start3A_175, %dma_start3A_176] : memref<10x128x32xf32, #tpu.memory_space<vmem>> -> memref<1x128x32xf32, #tpu.memory_space<vmem>>
          %dma_start3A_178 = tpu.memref_squeeze %dma_start3A_177 : memref<1x128x32xf32, #tpu.memory_space<vmem>> -> memref<128x32xf32, #tpu.memory_space<vmem>>
          %dma_start3A_179 = arith.constant 0 : i32
          %dma_start3A_180 = tpu.memref_slice %arg7[%select_n3A_173, %dma_start3A_174, %dma_start3A_179] : memref<10x2x128xi32, #tpu.memory_space<vmem>> -> memref<1x1x128xi32, #tpu.memory_space<vmem>>
          %dma_start3A_181 = tpu.memref_squeeze %dma_start3A_180 : memref<1x1x128xi32, #tpu.memory_space<vmem>> -> memref<128xi32, #tpu.memory_space<vmem>>
          %dma_start3A_182 = arith.constant 0 : i32
          %dma_start3A_183 = arith.constant 0 : i32
          %dma_start3A_184 = tpu.memref_slice %arg3[%dma_start3A_182, %dma_start3A_183] : memref<10240x32xf32, #tpu.memory_space<hbm>> -> memref<10240x32xf32, #tpu.memory_space<hbm>>
          %dma_start3A_185 = tpu.memref_slice %arg11[%select_n3A_173] : memref<10x!tpu.dma_semaphore, #tpu.memory_space<semaphore_mem>> -> memref<1x!tpu.dma_semaphore, #tpu.memory_space<semaphore_mem>>
          %dma_start3A_186 = tpu.memref_squeeze %dma_start3A_185 : memref<1x!tpu.dma_semaphore, #tpu.memory_space<semaphore_mem>> -> memref<!tpu.dma_semaphore, #tpu.memory_space<semaphore_mem>>
          tpu.enqueue_indirect_dma source(%dma_start3A_184 : memref<10240x32xf32, #tpu.memory_space<hbm>>) target(%dma_start3A_178 : memref<128x32xf32, #tpu.memory_space<vmem>>) offsets(%dma_start3A_181 : memref<128xi32, #tpu.memory_space<vmem>>) semaphore(%dma_start3A_186 : memref<!tpu.dma_semaphore, #tpu.memory_space<semaphore_mem>>)
        } else {
        }
        %ge3A_118 = arith.constant 5 : i32
        %ge3A_119 = arith.cmpi sge, %while3A_63, %ge3A_118 : i32
        %convert_element_type3A_120 = arith.extui %ge3A_119 : i1 to i32
        %cond3A_121 = arith.constant 0 : i32
        %cond3A_122 = arith.cmpi ne, %convert_element_type3A_120, %cond3A_121 : i32
        scf.if %cond3A_122 {
          %sub3A_123 = arith.constant 5 : i32
          %sub3A_124 = arith.subi %while3A_63, %sub3A_123 : i32
          %jit3A_125 = arith.constant 10 : i32
          %eq3A_126 = arith.constant 0 : i32
          %eq3A_127 = arith.cmpi eq, %jit3A_125, %eq3A_126 : i32
          %jit3A_128 = arith.constant 1 : i32
          %select_n3A_129 = arith.select %eq3A_127, %jit3A_128, %jit3A_125 : i32
          %rem3A_130 = arith.remsi %sub3A_124, %select_n3A_129 : i32
          %ne3A_131 = arith.constant 0 : i32
          %ne3A_132 = arith.cmpi ne, %rem3A_130, %ne3A_131 : i32
          %lt3A_133 = arith.constant 0 : i32
          %lt3A_134 = arith.cmpi slt, %rem3A_130, %lt3A_133 : i32
          %lt3A_135 = arith.constant 0 : i32
          %lt3A_136 = arith.cmpi slt, %select_n3A_129, %lt3A_135 : i32
          %ne3A_137 = arith.xori %lt3A_134, %lt3A_136 : i1
          %and3A_138 = arith.andi %ne3A_137, %ne3A_132 : i1
          %add3A_139 = arith.addi %rem3A_130, %select_n3A_129 : i32
          %select_n3A_140 = arith.select %and3A_138, %add3A_139, %rem3A_130 : i32
          %dma_wait3A = arith.constant 0 : i32
          %dma_wait3A_141 = arith.constant 0 : i32
          %dma_wait3A_142 = arith.constant 0 : i32
          %dma_wait3A_143 = tpu.memref_slice %arg8[%select_n3A_140, %dma_wait3A_141, %dma_wait3A_142] : memref<10x128x32xf32, #tpu.memory_space<vmem>> -> memref<1x128x32xf32, #tpu.memory_space<vmem>>
          %dma_wait3A_144 = tpu.memref_squeeze %dma_wait3A_143 : memref<1x128x32xf32, #tpu.memory_space<vmem>> -> memref<128x32xf32, #tpu.memory_space<vmem>>
          %dma_wait3A_145 = arith.constant 0 : i32
          %dma_wait3A_146 = tpu.memref_slice %arg7[%select_n3A_140, %dma_wait3A, %dma_wait3A_145] : memref<10x2x128xi32, #tpu.memory_space<vmem>> -> memref<1x1x128xi32, #tpu.memory_space<vmem>>
          %dma_wait3A_147 = tpu.memref_squeeze %dma_wait3A_146 : memref<1x1x128xi32, #tpu.memory_space<vmem>> -> memref<128xi32, #tpu.memory_space<vmem>>
          %dma_wait3A_148 = arith.constant 0 : i32
          %dma_wait3A_149 = arith.constant 0 : i32
          %dma_wait3A_150 = tpu.memref_slice %arg3[%dma_wait3A_148, %dma_wait3A_149] : memref<10240x32xf32, #tpu.memory_space<hbm>> -> memref<10240x32xf32, #tpu.memory_space<hbm>>
          %dma_wait3A_151 = tpu.memref_slice %arg11[%select_n3A_140] : memref<10x!tpu.dma_semaphore, #tpu.memory_space<semaphore_mem>> -> memref<1x!tpu.dma_semaphore, #tpu.memory_space<semaphore_mem>>
          %dma_wait3A_152 = tpu.memref_squeeze %dma_wait3A_151 : memref<1x!tpu.dma_semaphore, #tpu.memory_space<semaphore_mem>> -> memref<!tpu.dma_semaphore, #tpu.memory_space<semaphore_mem>>
          tpu.wait_indirect_dma semaphore(%dma_wait3A_152 : memref<!tpu.dma_semaphore, #tpu.memory_space<semaphore_mem>>) src(%dma_wait3A_150 : memref<10240x32xf32, #tpu.memory_space<hbm>>) dst(%dma_wait3A_144 : memref<128x32xf32, #tpu.memory_space<vmem>>)
          %sub3A_153 = arith.constant 5 : i32
          %sub3A_154 = arith.subi %while3A_63, %sub3A_153 : i32
          %jit3A_155 = arith.constant 10 : i32
          %eq3A_156 = arith.constant 0 : i32
          %eq3A_157 = arith.cmpi eq, %jit3A_155, %eq3A_156 : i32
          %jit3A_158 = arith.constant 1 : i32
          %select_n3A_159 = arith.select %eq3A_157, %jit3A_158, %jit3A_155 : i32
          %rem3A_160 = arith.remsi %sub3A_154, %select_n3A_159 : i32
          %ne3A_161 = arith.constant 0 : i32
          %ne3A_162 = arith.cmpi ne, %rem3A_160, %ne3A_161 : i32
          %lt3A_163 = arith.constant 0 : i32
          %lt3A_164 = arith.cmpi slt, %rem3A_160, %lt3A_163 : i32
          %lt3A_165 = arith.constant 0 : i32
          %lt3A_166 = arith.cmpi slt, %select_n3A_159, %lt3A_165 : i32
          %ne3A_167 = arith.xori %lt3A_164, %lt3A_166 : i1
          %and3A_168 = arith.andi %ne3A_167, %ne3A_162 : i1
          %add3A_169 = arith.addi %rem3A_160, %select_n3A_159 : i32
          %select_n3A_170 = arith.select %and3A_168, %add3A_169, %rem3A_160 : i32
          %dma_start3A_171 = arith.constant 1 : i32
          %dma_start3A_172 = arith.constant 0 : i32
          %dma_start3A_173 = arith.constant 0 : i32
          %dma_start3A_174 = tpu.memref_slice %arg8[%select_n3A_170, %dma_start3A_172, %dma_start3A_173] : memref<10x128x32xf32, #tpu.memory_space<vmem>> -> memref<1x128x32xf32, #tpu.memory_space<vmem>>
          %dma_start3A_175 = tpu.memref_squeeze %dma_start3A_174 : memref<1x128x32xf32, #tpu.memory_space<vmem>> -> memref<128x32xf32, #tpu.memory_space<vmem>>
          %dma_start3A_176 = arith.constant 0 : i32
          %dma_start3A_177 = tpu.memref_slice %arg7[%select_n3A_170, %dma_start3A_171, %dma_start3A_176] : memref<10x2x128xi32, #tpu.memory_space<vmem>> -> memref<1x1x128xi32, #tpu.memory_space<vmem>>
          %dma_start3A_178 = tpu.memref_squeeze %dma_start3A_177 : memref<1x1x128xi32, #tpu.memory_space<vmem>> -> memref<128xi32, #tpu.memory_space<vmem>>
          %dma_start3A_179 = arith.constant 0 : i32
          %dma_start3A_180 = arith.constant 0 : i32
          %dma_start3A_181 = tpu.memref_slice %arg9[%dma_start3A_179, %dma_start3A_180] : memref<10240x32xf32, #tpu.memory_space<vmem_shared>> -> memref<10240x32xf32, #tpu.memory_space<vmem_shared>>
          %dma_start3A_182 = tpu.memref_slice %arg12[%select_n3A_170] : memref<10x!tpu.dma_semaphore, #tpu.memory_space<semaphore_mem>> -> memref<1x!tpu.dma_semaphore, #tpu.memory_space<semaphore_mem>>
          %dma_start3A_183 = tpu.memref_squeeze %dma_start3A_182 : memref<1x!tpu.dma_semaphore, #tpu.memory_space<semaphore_mem>> -> memref<!tpu.dma_semaphore, #tpu.memory_space<semaphore_mem>>
          tpu.enqueue_indirect_dma source(%dma_start3A_175 : memref<128x32xf32, #tpu.memory_space<vmem>>) target(%dma_start3A_181 : memref<10240x32xf32, #tpu.memory_space<vmem_shared>>) offsets(%dma_start3A_178 : memref<128xi32, #tpu.memory_space<vmem>>) semaphore(%dma_start3A_183 : memref<!tpu.dma_semaphore, #tpu.memory_space<semaphore_mem>>) {add = true}
        } else {
        }
      }
      %while3A_30 = arith.constant 1 : i32
      scf.for %while3A_63 = %while3A_28 to %while3A_24 step %while3A_30  : i32 {
        %ge3A = arith.constant 10 : i32
        %ge3A_64 = arith.cmpi sge, %while3A_63, %ge3A : i32
        %convert_element_type3A_65 = arith.extui %ge3A_64 : i1 to i32
        %cond3A_66 = arith.constant 0 : i32
        %cond3A_67 = arith.cmpi ne, %convert_element_type3A_65, %cond3A_66 : i32
        scf.if %cond3A_67 {
          %jit3A_123 = arith.constant 10 : i32
          %eq3A_124 = arith.constant 0 : i32
          %eq3A_125 = arith.cmpi eq, %jit3A_123, %eq3A_124 : i32
          %jit3A_126 = arith.constant 1 : i32
          %select_n3A_127 = arith.select %eq3A_125, %jit3A_126, %jit3A_123 : i32
          %rem3A_128 = arith.remsi %while3A_63, %select_n3A_127 : i32
          %ne3A_129 = arith.constant 0 : i32
          %ne3A_130 = arith.cmpi ne, %rem3A_128, %ne3A_129 : i32
          %lt3A_131 = arith.constant 0 : i32
          %lt3A_132 = arith.cmpi slt, %rem3A_128, %lt3A_131 : i32
          %lt3A_133 = arith.constant 0 : i32
          %lt3A_134 = arith.cmpi slt, %select_n3A_127, %lt3A_133 : i32
          %ne3A_135 = arith.xori %lt3A_132, %lt3A_134 : i1
          %and3A_136 = arith.andi %ne3A_135, %ne3A_130 : i1
          %add3A_137 = arith.addi %rem3A_128, %select_n3A_127 : i32
          %select_n3A_138 = arith.select %and3A_136, %add3A_137, %rem3A_128 : i32
          %dma_wait3A = arith.constant 1 : i32
          %dma_wait3A_139 = arith.constant 0 : i32
          %dma_wait3A_140 = arith.constant 0 : i32
          %dma_wait3A_141 = tpu.memref_slice %arg8[%select_n3A_138, %dma_wait3A_139, %dma_wait3A_140] : memref<10x128x32xf32, #tpu.memory_space<vmem>> -> memref<1x128x32xf32, #tpu.memory_space<vmem>>
          %dma_wait3A_142 = tpu.memref_squeeze %dma_wait3A_141 : memref<1x128x32xf32, #tpu.memory_space<vmem>> -> memref<128x32xf32, #tpu.memory_space<vmem>>
          %dma_wait3A_143 = arith.constant 0 : i32
          %dma_wait3A_144 = tpu.memref_slice %arg7[%select_n3A_138, %dma_wait3A, %dma_wait3A_143] : memref<10x2x128xi32, #tpu.memory_space<vmem>> -> memref<1x1x128xi32, #tpu.memory_space<vmem>>
          %dma_wait3A_145 = tpu.memref_squeeze %dma_wait3A_144 : memref<1x1x128xi32, #tpu.memory_space<vmem>> -> memref<128xi32, #tpu.memory_space<vmem>>
          %dma_wait3A_146 = arith.constant 0 : i32
          %dma_wait3A_147 = arith.constant 0 : i32
          %dma_wait3A_148 = tpu.memref_slice %arg9[%dma_wait3A_146, %dma_wait3A_147] : memref<10240x32xf32, #tpu.memory_space<vmem_shared>> -> memref<10240x32xf32, #tpu.memory_space<vmem_shared>>
          %dma_wait3A_149 = tpu.memref_slice %arg12[%select_n3A_138] : memref<10x!tpu.dma_semaphore, #tpu.memory_space<semaphore_mem>> -> memref<1x!tpu.dma_semaphore, #tpu.memory_space<semaphore_mem>>
          %dma_wait3A_150 = tpu.memref_squeeze %dma_wait3A_149 : memref<1x!tpu.dma_semaphore, #tpu.memory_space<semaphore_mem>> -> memref<!tpu.dma_semaphore, #tpu.memory_space<semaphore_mem>>
          tpu.wait_indirect_dma semaphore(%dma_wait3A_150 : memref<!tpu.dma_semaphore, #tpu.memory_space<semaphore_mem>>) src(%dma_wait3A_142 : memref<128x32xf32, #tpu.memory_space<vmem>>) dst(%dma_wait3A_148 : memref<10240x32xf32, #tpu.memory_space<vmem_shared>>)
        } else {
        }
        %jit3A_68 = arith.constant 10 : i32
        %eq3A_69 = arith.constant 0 : i32
        %eq3A_70 = arith.cmpi eq, %jit3A_68, %eq3A_69 : i32
        %jit3A_71 = arith.constant 1 : i32
        %select_n3A_72 = arith.select %eq3A_70, %jit3A_71, %jit3A_68 : i32
        %rem3A = arith.remsi %while3A_63, %select_n3A_72 : i32
        %ne3A = arith.constant 0 : i32
        %ne3A_73 = arith.cmpi ne, %rem3A, %ne3A : i32
        %lt3A_74 = arith.constant 0 : i32
        %lt3A_75 = arith.cmpi slt, %rem3A, %lt3A_74 : i32
        %lt3A_76 = arith.constant 0 : i32
        %lt3A_77 = arith.cmpi slt, %select_n3A_72, %lt3A_76 : i32
        %ne3A_78 = arith.xori %lt3A_75, %lt3A_77 : i1
        %and3A = arith.andi %ne3A_78, %ne3A_73 : i1
        %add3A_79 = arith.addi %rem3A, %select_n3A_72 : i32
        %select_n3A_80 = arith.select %and3A, %add3A_79, %rem3A : i32
        %mul3A_81 = arith.constant 16 : i32
        %mul3A_82 = arith.muli %mul3A_81, %while3A_63 : i32
        %add3A_83 = arith.addi %arg1, %mul3A_82 : i32
        %mul3A_84 = arith.constant 128 : i32
        %mul3A_85 = arith.muli %add3A_83, %mul3A_84 : i32
        %dma_start3A = arith.constant 0 : i32
        %dma_start3A_86 = arith.constant 0 : i32
        %dma_start3A_87 = arith.constant 0 : i32
        %dma_start3A_88 = tpu.memref_slice %arg7[%select_n3A_80, %dma_start3A_86, %dma_start3A_87] : memref<10x2x128xi32, #tpu.memory_space<vmem>> -> memref<1x1x128xi32, #tpu.memory_space<vmem>>
        %dma_start3A_89 = tpu.memref_squeeze %dma_start3A_88 : memref<1x1x128xi32, #tpu.memory_space<vmem>> -> memref<128xi32, #tpu.memory_space<vmem>>
        %dma_start3A_90 = tpu.memref_slice %arg4[%dma_start3A, %mul3A_85] : memref<2x320000xi32, #tpu.memory_space<hbm>> -> memref<1x128xi32, #tpu.memory_space<hbm>>
        %dma_start3A_91 = tpu.memref_squeeze %dma_start3A_90 : memref<1x128xi32, #tpu.memory_space<hbm>> -> memref<128xi32, #tpu.memory_space<hbm>>
        %dma_start3A_92 = tpu.memref_slice %arg10[%select_n3A_80] : memref<10x!tpu.dma_semaphore, #tpu.memory_space<semaphore_mem>> -> memref<1x!tpu.dma_semaphore, #tpu.memory_space<semaphore_mem>>
        %dma_start3A_93 = tpu.memref_squeeze %dma_start3A_92 : memref<1x!tpu.dma_semaphore, #tpu.memory_space<semaphore_mem>> -> memref<!tpu.dma_semaphore, #tpu.memory_space<semaphore_mem>>
        %dma_start3A_94 = arith.constant 0 : i32
        %dma_start3A_95 = tpu.memref_slice %arg7[%select_n3A_80, %dma_start3A_86, %dma_start3A_94] : memref<10x2x128xi32, #tpu.memory_space<vmem>> -> memref<1x1x128xi32, #tpu.memory_space<vmem>>
        %dma_start3A_96 = tpu.memref_squeeze %dma_start3A_95 : memref<1x1x128xi32, #tpu.memory_space<vmem>> -> memref<128xi32, #tpu.memory_space<vmem>>
        %dma_start3A_97 = tpu.memref_slice %arg4[%dma_start3A, %mul3A_85] : memref<2x320000xi32, #tpu.memory_space<hbm>> -> memref<1x128xi32, #tpu.memory_space<hbm>>
        %dma_start3A_98 = tpu.memref_squeeze %dma_start3A_97 : memref<1x128xi32, #tpu.memory_space<hbm>> -> memref<128xi32, #tpu.memory_space<hbm>>
        tpu.enqueue_dma source(%dma_start3A_98 : memref<128xi32, #tpu.memory_space<hbm>>) target(%dma_start3A_96 : memref<128xi32, #tpu.memory_space<vmem>>) target_semaphore(%dma_start3A_93 : memref<!tpu.dma_semaphore, #tpu.memory_space<semaphore_mem>>)
        %dma_start3A_99 = arith.constant 1 : i32
        %dma_start3A_100 = arith.constant 1 : i32
        %dma_start3A_101 = arith.constant 0 : i32
        %dma_start3A_102 = tpu.memref_slice %arg7[%select_n3A_80, %dma_start3A_100, %dma_start3A_101] : memref<10x2x128xi32, #tpu.memory_space<vmem>> -> memref<1x1x128xi32, #tpu.memory_space<vmem>>
        %dma_start3A_103 = tpu.memref_squeeze %dma_start3A_102 : memref<1x1x128xi32, #tpu.memory_space<vmem>> -> memref<128xi32, #tpu.memory_space<vmem>>
        %dma_start3A_104 = tpu.memref_slice %arg4[%dma_start3A_99, %mul3A_85] : memref<2x320000xi32, #tpu.memory_space<hbm>> -> memref<1x128xi32, #tpu.memory_space<hbm>>
        %dma_start3A_105 = tpu.memref_squeeze %dma_start3A_104 : memref<1x128xi32, #tpu.memory_space<hbm>> -> memref<128xi32, #tpu.memory_space<hbm>>
        %dma_start3A_106 = tpu.memref_slice %arg10[%select_n3A_80] : memref<10x!tpu.dma_semaphore, #tpu.memory_space<semaphore_mem>> -> memref<1x!tpu.dma_semaphore, #tpu.memory_space<semaphore_mem>>
        %dma_start3A_107 = tpu.memref_squeeze %dma_start3A_106 : memref<1x!tpu.dma_semaphore, #tpu.memory_space<semaphore_mem>> -> memref<!tpu.dma_semaphore, #tpu.memory_space<semaphore_mem>>
        %dma_start3A_108 = arith.constant 0 : i32
        %dma_start3A_109 = tpu.memref_slice %arg7[%select_n3A_80, %dma_start3A_100, %dma_start3A_108] : memref<10x2x128xi32, #tpu.memory_space<vmem>> -> memref<1x1x128xi32, #tpu.memory_space<vmem>>
        %dma_start3A_110 = tpu.memref_squeeze %dma_start3A_109 : memref<1x1x128xi32, #tpu.memory_space<vmem>> -> memref<128xi32, #tpu.memory_space<vmem>>
        %dma_start3A_111 = tpu.memref_slice %arg4[%dma_start3A_99, %mul3A_85] : memref<2x320000xi32, #tpu.memory_space<hbm>> -> memref<1x128xi32, #tpu.memory_space<hbm>>
        %dma_start3A_112 = tpu.memref_squeeze %dma_start3A_111 : memref<1x128xi32, #tpu.memory_space<hbm>> -> memref<128xi32, #tpu.memory_space<hbm>>
        tpu.enqueue_dma source(%dma_start3A_112 : memref<128xi32, #tpu.memory_space<hbm>>) target(%dma_start3A_110 : memref<128xi32, #tpu.memory_space<vmem>>) target_semaphore(%dma_start3A_107 : memref<!tpu.dma_semaphore, #tpu.memory_space<semaphore_mem>>)
        %ge3A_113 = arith.constant 1 : i32
        %ge3A_114 = arith.cmpi sge, %while3A_63, %ge3A_113 : i32
        %convert_element_type3A_115 = arith.extui %ge3A_114 : i1 to i32
        %cond3A_116 = arith.constant 0 : i32
        %cond3A_117 = arith.cmpi ne, %convert_element_type3A_115, %cond3A_116 : i32
        scf.if %cond3A_117 {
          %sub3A_123 = arith.constant 1 : i32
          %sub3A_124 = arith.subi %while3A_63, %sub3A_123 : i32
          %jit3A_125 = arith.constant 10 : i32
          %eq3A_126 = arith.constant 0 : i32
          %eq3A_127 = arith.cmpi eq, %jit3A_125, %eq3A_126 : i32
          %jit3A_128 = arith.constant 1 : i32
          %select_n3A_129 = arith.select %eq3A_127, %jit3A_128, %jit3A_125 : i32
          %rem3A_130 = arith.remsi %sub3A_124, %select_n3A_129 : i32
          %ne3A_131 = arith.constant 0 : i32
          %ne3A_132 = arith.cmpi ne, %rem3A_130, %ne3A_131 : i32
          %lt3A_133 = arith.constant 0 : i32
          %lt3A_134 = arith.cmpi slt, %rem3A_130, %lt3A_133 : i32
          %lt3A_135 = arith.constant 0 : i32
          %lt3A_136 = arith.cmpi slt, %select_n3A_129, %lt3A_135 : i32
          %ne3A_137 = arith.xori %lt3A_134, %lt3A_136 : i1
          %and3A_138 = arith.andi %ne3A_137, %ne3A_132 : i1
          %add3A_139 = arith.addi %rem3A_130, %select_n3A_129 : i32
          %select_n3A_140 = arith.select %and3A_138, %add3A_139, %rem3A_130 : i32
          %dma_wait3A = arith.constant 0 : i32
          %dma_wait3A_141 = arith.constant 0 : i32
          %dma_wait3A_142 = tpu.memref_slice %arg7[%select_n3A_140, %dma_wait3A, %dma_wait3A_141] : memref<10x2x128xi32, #tpu.memory_space<vmem>> -> memref<1x2x128xi32, #tpu.memory_space<vmem>>
          %dma_wait3A_143 = tpu.memref_squeeze %dma_wait3A_142 : memref<1x2x128xi32, #tpu.memory_space<vmem>> -> memref<2x128xi32, #tpu.memory_space<vmem>>
          %dma_wait3A_144 = arith.constant 0 : i32
          %dma_wait3A_145 = arith.constant 0 : i32
          %dma_wait3A_146 = tpu.memref_slice %arg4[%dma_wait3A_144, %dma_wait3A_145] : memref<2x320000xi32, #tpu.memory_space<hbm>> -> memref<2x128xi32, #tpu.memory_space<hbm>>
          %dma_wait3A_147 = tpu.memref_slice %arg10[%select_n3A_140] : memref<10x!tpu.dma_semaphore, #tpu.memory_space<semaphore_mem>> -> memref<1x!tpu.dma_semaphore, #tpu.memory_space<semaphore_mem>>
          %dma_wait3A_148 = tpu.memref_squeeze %dma_wait3A_147 : memref<1x!tpu.dma_semaphore, #tpu.memory_space<semaphore_mem>> -> memref<!tpu.dma_semaphore, #tpu.memory_space<semaphore_mem>>
          %dma_wait3A_149 = arith.constant 0 : i32
          %dma_wait3A_150 = arith.constant 0 : i32
          %dma_wait3A_151 = tpu.memref_slice %arg7[%select_n3A_140, %dma_wait3A_149, %dma_wait3A_150] : memref<10x2x128xi32, #tpu.memory_space<vmem>> -> memref<1x2x128xi32, #tpu.memory_space<vmem>>
          %dma_wait3A_152 = tpu.memref_squeeze %dma_wait3A_151 : memref<1x2x128xi32, #tpu.memory_space<vmem>> -> memref<2x128xi32, #tpu.memory_space<vmem>>
          %dma_wait3A_153 = arith.constant 0 : i32
          %dma_wait3A_154 = arith.constant 0 : i32
          %dma_wait3A_155 = tpu.memref_slice %arg4[%dma_wait3A_153, %dma_wait3A_154] : memref<2x320000xi32, #tpu.memory_space<hbm>> -> memref<2x128xi32, #tpu.memory_space<hbm>>
          tpu.wait_dma2 semaphore(%dma_wait3A_148 : memref<!tpu.dma_semaphore, #tpu.memory_space<semaphore_mem>>) src(%dma_wait3A_155 : memref<2x128xi32, #tpu.memory_space<hbm>>) dst(%dma_wait3A_152 : memref<2x128xi32, #tpu.memory_space<vmem>>)
          %sub3A_156 = arith.constant 1 : i32
          %sub3A_157 = arith.subi %while3A_63, %sub3A_156 : i32
          %jit3A_158 = arith.constant 10 : i32
          %eq3A_159 = arith.constant 0 : i32
          %eq3A_160 = arith.cmpi eq, %jit3A_158, %eq3A_159 : i32
          %jit3A_161 = arith.constant 1 : i32
          %select_n3A_162 = arith.select %eq3A_160, %jit3A_161, %jit3A_158 : i32
          %rem3A_163 = arith.remsi %sub3A_157, %select_n3A_162 : i32
          %ne3A_164 = arith.constant 0 : i32
          %ne3A_165 = arith.cmpi ne, %rem3A_163, %ne3A_164 : i32
          %lt3A_166 = arith.constant 0 : i32
          %lt3A_167 = arith.cmpi slt, %rem3A_163, %lt3A_166 : i32
          %lt3A_168 = arith.constant 0 : i32
          %lt3A_169 = arith.cmpi slt, %select_n3A_162, %lt3A_168 : i32
          %ne3A_170 = arith.xori %lt3A_167, %lt3A_169 : i1
          %and3A_171 = arith.andi %ne3A_170, %ne3A_165 : i1
          %add3A_172 = arith.addi %rem3A_163, %select_n3A_162 : i32
          %select_n3A_173 = arith.select %and3A_171, %add3A_172, %rem3A_163 : i32
          %dma_start3A_174 = arith.constant 0 : i32
          %dma_start3A_175 = arith.constant 0 : i32
          %dma_start3A_176 = arith.constant 0 : i32
          %dma_start3A_177 = tpu.memref_slice %arg8[%select_n3A_173, %dma_start3A_175, %dma_start3A_176] : memref<10x128x32xf32, #tpu.memory_space<vmem>> -> memref<1x128x32xf32, #tpu.memory_space<vmem>>
          %dma_start3A_178 = tpu.memref_squeeze %dma_start3A_177 : memref<1x128x32xf32, #tpu.memory_space<vmem>> -> memref<128x32xf32, #tpu.memory_space<vmem>>
          %dma_start3A_179 = arith.constant 0 : i32
          %dma_start3A_180 = tpu.memref_slice %arg7[%select_n3A_173, %dma_start3A_174, %dma_start3A_179] : memref<10x2x128xi32, #tpu.memory_space<vmem>> -> memref<1x1x128xi32, #tpu.memory_space<vmem>>
          %dma_start3A_181 = tpu.memref_squeeze %dma_start3A_180 : memref<1x1x128xi32, #tpu.memory_space<vmem>> -> memref<128xi32, #tpu.memory_space<vmem>>
          %dma_start3A_182 = arith.constant 0 : i32
          %dma_start3A_183 = arith.constant 0 : i32
          %dma_start3A_184 = tpu.memref_slice %arg3[%dma_start3A_182, %dma_start3A_183] : memref<10240x32xf32, #tpu.memory_space<hbm>> -> memref<10240x32xf32, #tpu.memory_space<hbm>>
          %dma_start3A_185 = tpu.memref_slice %arg11[%select_n3A_173] : memref<10x!tpu.dma_semaphore, #tpu.memory_space<semaphore_mem>> -> memref<1x!tpu.dma_semaphore, #tpu.memory_space<semaphore_mem>>
          %dma_start3A_186 = tpu.memref_squeeze %dma_start3A_185 : memref<1x!tpu.dma_semaphore, #tpu.memory_space<semaphore_mem>> -> memref<!tpu.dma_semaphore, #tpu.memory_space<semaphore_mem>>
          tpu.enqueue_indirect_dma source(%dma_start3A_184 : memref<10240x32xf32, #tpu.memory_space<hbm>>) target(%dma_start3A_178 : memref<128x32xf32, #tpu.memory_space<vmem>>) offsets(%dma_start3A_181 : memref<128xi32, #tpu.memory_space<vmem>>) semaphore(%dma_start3A_186 : memref<!tpu.dma_semaphore, #tpu.memory_space<semaphore_mem>>)
        } else {
        }
        %ge3A_118 = arith.constant 5 : i32
        %ge3A_119 = arith.cmpi sge, %while3A_63, %ge3A_118 : i32
        %convert_element_type3A_120 = arith.extui %ge3A_119 : i1 to i32
        %cond3A_121 = arith.constant 0 : i32
        %cond3A_122 = arith.cmpi ne, %convert_element_type3A_120, %cond3A_121 : i32
        scf.if %cond3A_122 {
          %sub3A_123 = arith.constant 5 : i32
          %sub3A_124 = arith.subi %while3A_63, %sub3A_123 : i32
          %jit3A_125 = arith.constant 10 : i32
          %eq3A_126 = arith.constant 0 : i32
          %eq3A_127 = arith.cmpi eq, %jit3A_125, %eq3A_126 : i32
          %jit3A_128 = arith.constant 1 : i32
          %select_n3A_129 = arith.select %eq3A_127, %jit3A_128, %jit3A_125 : i32
          %rem3A_130 = arith.remsi %sub3A_124, %select_n3A_129 : i32
          %ne3A_131 = arith.constant 0 : i32
          %ne3A_132 = arith.cmpi ne, %rem3A_130, %ne3A_131 : i32
          %lt3A_133 = arith.constant 0 : i32
          %lt3A_134 = arith.cmpi slt, %rem3A_130, %lt3A_133 : i32
          %lt3A_135 = arith.constant 0 : i32
          %lt3A_136 = arith.cmpi slt, %select_n3A_129, %lt3A_135 : i32
          %ne3A_137 = arith.xori %lt3A_134, %lt3A_136 : i1
          %and3A_138 = arith.andi %ne3A_137, %ne3A_132 : i1
          %add3A_139 = arith.addi %rem3A_130, %select_n3A_129 : i32
          %select_n3A_140 = arith.select %and3A_138, %add3A_139, %rem3A_130 : i32
          %dma_wait3A = arith.constant 0 : i32
          %dma_wait3A_141 = arith.constant 0 : i32
          %dma_wait3A_142 = arith.constant 0 : i32
          %dma_wait3A_143 = tpu.memref_slice %arg8[%select_n3A_140, %dma_wait3A_141, %dma_wait3A_142] : memref<10x128x32xf32, #tpu.memory_space<vmem>> -> memref<1x128x32xf32, #tpu.memory_space<vmem>>
          %dma_wait3A_144 = tpu.memref_squeeze %dma_wait3A_143 : memref<1x128x32xf32, #tpu.memory_space<vmem>> -> memref<128x32xf32, #tpu.memory_space<vmem>>
          %dma_wait3A_145 = arith.constant 0 : i32
          %dma_wait3A_146 = tpu.memref_slice %arg7[%select_n3A_140, %dma_wait3A, %dma_wait3A_145] : memref<10x2x128xi32, #tpu.memory_space<vmem>> -> memref<1x1x128xi32, #tpu.memory_space<vmem>>
          %dma_wait3A_147 = tpu.memref_squeeze %dma_wait3A_146 : memref<1x1x128xi32, #tpu.memory_space<vmem>> -> memref<128xi32, #tpu.memory_space<vmem>>
          %dma_wait3A_148 = arith.constant 0 : i32
          %dma_wait3A_149 = arith.constant 0 : i32
          %dma_wait3A_150 = tpu.memref_slice %arg3[%dma_wait3A_148, %dma_wait3A_149] : memref<10240x32xf32, #tpu.memory_space<hbm>> -> memref<10240x32xf32, #tpu.memory_space<hbm>>
          %dma_wait3A_151 = tpu.memref_slice %arg11[%select_n3A_140] : memref<10x!tpu.dma_semaphore, #tpu.memory_space<semaphore_mem>> -> memref<1x!tpu.dma_semaphore, #tpu.memory_space<semaphore_mem>>
          %dma_wait3A_152 = tpu.memref_squeeze %dma_wait3A_151 : memref<1x!tpu.dma_semaphore, #tpu.memory_space<semaphore_mem>> -> memref<!tpu.dma_semaphore, #tpu.memory_space<semaphore_mem>>
          tpu.wait_indirect_dma semaphore(%dma_wait3A_152 : memref<!tpu.dma_semaphore, #tpu.memory_space<semaphore_mem>>) src(%dma_wait3A_150 : memref<10240x32xf32, #tpu.memory_space<hbm>>) dst(%dma_wait3A_144 : memref<128x32xf32, #tpu.memory_space<vmem>>)
          %sub3A_153 = arith.constant 5 : i32
          %sub3A_154 = arith.subi %while3A_63, %sub3A_153 : i32
          %jit3A_155 = arith.constant 10 : i32
          %eq3A_156 = arith.constant 0 : i32
          %eq3A_157 = arith.cmpi eq, %jit3A_155, %eq3A_156 : i32
          %jit3A_158 = arith.constant 1 : i32
          %select_n3A_159 = arith.select %eq3A_157, %jit3A_158, %jit3A_155 : i32
          %rem3A_160 = arith.remsi %sub3A_154, %select_n3A_159 : i32
          %ne3A_161 = arith.constant 0 : i32
          %ne3A_162 = arith.cmpi ne, %rem3A_160, %ne3A_161 : i32
          %lt3A_163 = arith.constant 0 : i32
          %lt3A_164 = arith.cmpi slt, %rem3A_160, %lt3A_163 : i32
          %lt3A_165 = arith.constant 0 : i32
          %lt3A_166 = arith.cmpi slt, %select_n3A_159, %lt3A_165 : i32
          %ne3A_167 = arith.xori %lt3A_164, %lt3A_166 : i1
          %and3A_168 = arith.andi %ne3A_167, %ne3A_162 : i1
          %add3A_169 = arith.addi %rem3A_160, %select_n3A_159 : i32
          %select_n3A_170 = arith.select %and3A_168, %add3A_169, %rem3A_160 : i32
          %dma_start3A_171 = arith.constant 1 : i32
          %dma_start3A_172 = arith.constant 0 : i32
          %dma_start3A_173 = arith.constant 0 : i32
          %dma_start3A_174 = tpu.memref_slice %arg8[%select_n3A_170, %dma_start3A_172, %dma_start3A_173] : memref<10x128x32xf32, #tpu.memory_space<vmem>> -> memref<1x128x32xf32, #tpu.memory_space<vmem>>
          %dma_start3A_175 = tpu.memref_squeeze %dma_start3A_174 : memref<1x128x32xf32, #tpu.memory_space<vmem>> -> memref<128x32xf32, #tpu.memory_space<vmem>>
          %dma_start3A_176 = arith.constant 0 : i32
          %dma_start3A_177 = tpu.memref_slice %arg7[%select_n3A_170, %dma_start3A_171, %dma_start3A_176] : memref<10x2x128xi32, #tpu.memory_space<vmem>> -> memref<1x1x128xi32, #tpu.memory_space<vmem>>
          %dma_start3A_178 = tpu.memref_squeeze %dma_start3A_177 : memref<1x1x128xi32, #tpu.memory_space<vmem>> -> memref<128xi32, #tpu.memory_space<vmem>>
          %dma_start3A_179 = arith.constant 0 : i32
          %dma_start3A_180 = arith.constant 0 : i32
          %dma_start3A_181 = tpu.memref_slice %arg9[%dma_start3A_179, %dma_start3A_180] : memref<10240x32xf32, #tpu.memory_space<vmem_shared>> -> memref<10240x32xf32, #tpu.memory_space<vmem_shared>>
          %dma_start3A_182 = tpu.memref_slice %arg12[%select_n3A_170] : memref<10x!tpu.dma_semaphore, #tpu.memory_space<semaphore_mem>> -> memref<1x!tpu.dma_semaphore, #tpu.memory_space<semaphore_mem>>
          %dma_start3A_183 = tpu.memref_squeeze %dma_start3A_182 : memref<1x!tpu.dma_semaphore, #tpu.memory_space<semaphore_mem>> -> memref<!tpu.dma_semaphore, #tpu.memory_space<semaphore_mem>>
          tpu.enqueue_indirect_dma source(%dma_start3A_175 : memref<128x32xf32, #tpu.memory_space<vmem>>) target(%dma_start3A_181 : memref<10240x32xf32, #tpu.memory_space<vmem_shared>>) offsets(%dma_start3A_178 : memref<128xi32, #tpu.memory_space<vmem>>) semaphore(%dma_start3A_183 : memref<!tpu.dma_semaphore, #tpu.memory_space<semaphore_mem>>) {add = true}
        } else {
        }
      }
      %sub3A = arith.constant 1 : i32
      %sub3A_31 = arith.subi %add3A_3, %sub3A : i32
      %while3A_32 = arith.constant 0 : i32
      %while3A_33 = arith.subi %add3A_3, %sub3A_31 : i32
      %while3A_34 = arith.addi %sub3A_31, %while3A_33 : i32
      %while3A_35 = arith.constant 1 : i32
      %while3A_36 = arith.divsi %while3A_33, %while3A_35 : i32
      %while3A_37 = arith.muli %while3A_36, %while3A_35 : i32
      %while3A_38 = arith.addi %sub3A_31, %while3A_37 : i32
      %while3A_39 = arith.constant 1 : i32
      scf.for %while3A_63 = %sub3A_31 to %while3A_38 step %while3A_39  : i32 {
        %jit3A_64 = arith.constant 10 : i32
        %eq3A_65 = arith.constant 0 : i32
        %eq3A_66 = arith.cmpi eq, %jit3A_64, %eq3A_65 : i32
        %jit3A_67 = arith.constant 1 : i32
        %select_n3A_68 = arith.select %eq3A_66, %jit3A_67, %jit3A_64 : i32
        %rem3A = arith.remsi %while3A_63, %select_n3A_68 : i32
        %ne3A = arith.constant 0 : i32
        %ne3A_69 = arith.cmpi ne, %rem3A, %ne3A : i32
        %lt3A_70 = arith.constant 0 : i32
        %lt3A_71 = arith.cmpi slt, %rem3A, %lt3A_70 : i32
        %lt3A_72 = arith.constant 0 : i32
        %lt3A_73 = arith.cmpi slt, %select_n3A_68, %lt3A_72 : i32
        %ne3A_74 = arith.xori %lt3A_71, %lt3A_73 : i1
        %and3A = arith.andi %ne3A_74, %ne3A_69 : i1
        %add3A_75 = arith.addi %rem3A, %select_n3A_68 : i32
        %select_n3A_76 = arith.select %and3A, %add3A_75, %rem3A : i32
        %dma_wait3A = arith.constant 0 : i32
        %dma_wait3A_77 = arith.constant 0 : i32
        %dma_wait3A_78 = tpu.memref_slice %arg7[%select_n3A_76, %dma_wait3A, %dma_wait3A_77] : memref<10x2x128xi32, #tpu.memory_space<vmem>> -> memref<1x2x128xi32, #tpu.memory_space<vmem>>
        %dma_wait3A_79 = tpu.memref_squeeze %dma_wait3A_78 : memref<1x2x128xi32, #tpu.memory_space<vmem>> -> memref<2x128xi32, #tpu.memory_space<vmem>>
        %dma_wait3A_80 = arith.constant 0 : i32
        %dma_wait3A_81 = arith.constant 0 : i32
        %dma_wait3A_82 = tpu.memref_slice %arg4[%dma_wait3A_80, %dma_wait3A_81] : memref<2x320000xi32, #tpu.memory_space<hbm>> -> memref<2x128xi32, #tpu.memory_space<hbm>>
        %dma_wait3A_83 = tpu.memref_slice %arg10[%select_n3A_76] : memref<10x!tpu.dma_semaphore, #tpu.memory_space<semaphore_mem>> -> memref<1x!tpu.dma_semaphore, #tpu.memory_space<semaphore_mem>>
        %dma_wait3A_84 = tpu.memref_squeeze %dma_wait3A_83 : memref<1x!tpu.dma_semaphore, #tpu.memory_space<semaphore_mem>> -> memref<!tpu.dma_semaphore, #tpu.memory_space<semaphore_mem>>
        %dma_wait3A_85 = arith.constant 0 : i32
        %dma_wait3A_86 = arith.constant 0 : i32
        %dma_wait3A_87 = tpu.memref_slice %arg7[%select_n3A_76, %dma_wait3A_85, %dma_wait3A_86] : memref<10x2x128xi32, #tpu.memory_space<vmem>> -> memref<1x2x128xi32, #tpu.memory_space<vmem>>
        %dma_wait3A_88 = tpu.memref_squeeze %dma_wait3A_87 : memref<1x2x128xi32, #tpu.memory_space<vmem>> -> memref<2x128xi32, #tpu.memory_space<vmem>>
        %dma_wait3A_89 = arith.constant 0 : i32
        %dma_wait3A_90 = arith.constant 0 : i32
        %dma_wait3A_91 = tpu.memref_slice %arg4[%dma_wait3A_89, %dma_wait3A_90] : memref<2x320000xi32, #tpu.memory_space<hbm>> -> memref<2x128xi32, #tpu.memory_space<hbm>>
        tpu.wait_dma2 semaphore(%dma_wait3A_84 : memref<!tpu.dma_semaphore, #tpu.memory_space<semaphore_mem>>) src(%dma_wait3A_91 : memref<2x128xi32, #tpu.memory_space<hbm>>) dst(%dma_wait3A_88 : memref<2x128xi32, #tpu.memory_space<vmem>>)
        %jit3A_92 = arith.constant 10 : i32
        %eq3A_93 = arith.constant 0 : i32
        %eq3A_94 = arith.cmpi eq, %jit3A_92, %eq3A_93 : i32
        %jit3A_95 = arith.constant 1 : i32
        %select_n3A_96 = arith.select %eq3A_94, %jit3A_95, %jit3A_92 : i32
        %rem3A_97 = arith.remsi %while3A_63, %select_n3A_96 : i32
        %ne3A_98 = arith.constant 0 : i32
        %ne3A_99 = arith.cmpi ne, %rem3A_97, %ne3A_98 : i32
        %lt3A_100 = arith.constant 0 : i32
        %lt3A_101 = arith.cmpi slt, %rem3A_97, %lt3A_100 : i32
        %lt3A_102 = arith.constant 0 : i32
        %lt3A_103 = arith.cmpi slt, %select_n3A_96, %lt3A_102 : i32
        %ne3A_104 = arith.xori %lt3A_101, %lt3A_103 : i1
        %and3A_105 = arith.andi %ne3A_104, %ne3A_99 : i1
        %add3A_106 = arith.addi %rem3A_97, %select_n3A_96 : i32
        %select_n3A_107 = arith.select %and3A_105, %add3A_106, %rem3A_97 : i32
        %dma_start3A = arith.constant 0 : i32
        %dma_start3A_108 = arith.constant 0 : i32
        %dma_start3A_109 = arith.constant 0 : i32
        %dma_start3A_110 = tpu.memref_slice %arg8[%select_n3A_107, %dma_start3A_108, %dma_start3A_109] : memref<10x128x32xf32, #tpu.memory_space<vmem>> -> memref<1x128x32xf32, #tpu.memory_space<vmem>>
        %dma_start3A_111 = tpu.memref_squeeze %dma_start3A_110 : memref<1x128x32xf32, #tpu.memory_space<vmem>> -> memref<128x32xf32, #tpu.memory_space<vmem>>
        %dma_start3A_112 = arith.constant 0 : i32
        %dma_start3A_113 = tpu.memref_slice %arg7[%select_n3A_107, %dma_start3A, %dma_start3A_112] : memref<10x2x128xi32, #tpu.memory_space<vmem>> -> memref<1x1x128xi32, #tpu.memory_space<vmem>>
        %dma_start3A_114 = tpu.memref_squeeze %dma_start3A_113 : memref<1x1x128xi32, #tpu.memory_space<vmem>> -> memref<128xi32, #tpu.memory_space<vmem>>
        %dma_start3A_115 = arith.constant 0 : i32
        %dma_start3A_116 = arith.constant 0 : i32
        %dma_start3A_117 = tpu.memref_slice %arg3[%dma_start3A_115, %dma_start3A_116] : memref<10240x32xf32, #tpu.memory_space<hbm>> -> memref<10240x32xf32, #tpu.memory_space<hbm>>
        %dma_start3A_118 = tpu.memref_slice %arg11[%select_n3A_107] : memref<10x!tpu.dma_semaphore, #tpu.memory_space<semaphore_mem>> -> memref<1x!tpu.dma_semaphore, #tpu.memory_space<semaphore_mem>>
        %dma_start3A_119 = tpu.memref_squeeze %dma_start3A_118 : memref<1x!tpu.dma_semaphore, #tpu.memory_space<semaphore_mem>> -> memref<!tpu.dma_semaphore, #tpu.memory_space<semaphore_mem>>
        tpu.enqueue_indirect_dma source(%dma_start3A_117 : memref<10240x32xf32, #tpu.memory_space<hbm>>) target(%dma_start3A_111 : memref<128x32xf32, #tpu.memory_space<vmem>>) offsets(%dma_start3A_114 : memref<128xi32, #tpu.memory_space<vmem>>) semaphore(%dma_start3A_119 : memref<!tpu.dma_semaphore, #tpu.memory_space<semaphore_mem>>)
      }
      %while3A_40 = arith.constant 1 : i32
      scf.for %while3A_63 = %while3A_38 to %while3A_34 step %while3A_40  : i32 {
        %jit3A_64 = arith.constant 10 : i32
        %eq3A_65 = arith.constant 0 : i32
        %eq3A_66 = arith.cmpi eq, %jit3A_64, %eq3A_65 : i32
        %jit3A_67 = arith.constant 1 : i32
        %select_n3A_68 = arith.select %eq3A_66, %jit3A_67, %jit3A_64 : i32
        %rem3A = arith.remsi %while3A_63, %select_n3A_68 : i32
        %ne3A = arith.constant 0 : i32
        %ne3A_69 = arith.cmpi ne, %rem3A, %ne3A : i32
        %lt3A_70 = arith.constant 0 : i32
        %lt3A_71 = arith.cmpi slt, %rem3A, %lt3A_70 : i32
        %lt3A_72 = arith.constant 0 : i32
        %lt3A_73 = arith.cmpi slt, %select_n3A_68, %lt3A_72 : i32
        %ne3A_74 = arith.xori %lt3A_71, %lt3A_73 : i1
        %and3A = arith.andi %ne3A_74, %ne3A_69 : i1
        %add3A_75 = arith.addi %rem3A, %select_n3A_68 : i32
        %select_n3A_76 = arith.select %and3A, %add3A_75, %rem3A : i32
        %dma_wait3A = arith.constant 0 : i32
        %dma_wait3A_77 = arith.constant 0 : i32
        %dma_wait3A_78 = tpu.memref_slice %arg7[%select_n3A_76, %dma_wait3A, %dma_wait3A_77] : memref<10x2x128xi32, #tpu.memory_space<vmem>> -> memref<1x2x128xi32, #tpu.memory_space<vmem>>
        %dma_wait3A_79 = tpu.memref_squeeze %dma_wait3A_78 : memref<1x2x128xi32, #tpu.memory_space<vmem>> -> memref<2x128xi32, #tpu.memory_space<vmem>>
        %dma_wait3A_80 = arith.constant 0 : i32
        %dma_wait3A_81 = arith.constant 0 : i32
        %dma_wait3A_82 = tpu.memref_slice %arg4[%dma_wait3A_80, %dma_wait3A_81] : memref<2x320000xi32, #tpu.memory_space<hbm>> -> memref<2x128xi32, #tpu.memory_space<hbm>>
        %dma_wait3A_83 = tpu.memref_slice %arg10[%select_n3A_76] : memref<10x!tpu.dma_semaphore, #tpu.memory_space<semaphore_mem>> -> memref<1x!tpu.dma_semaphore, #tpu.memory_space<semaphore_mem>>
        %dma_wait3A_84 = tpu.memref_squeeze %dma_wait3A_83 : memref<1x!tpu.dma_semaphore, #tpu.memory_space<semaphore_mem>> -> memref<!tpu.dma_semaphore, #tpu.memory_space<semaphore_mem>>
        %dma_wait3A_85 = arith.constant 0 : i32
        %dma_wait3A_86 = arith.constant 0 : i32
        %dma_wait3A_87 = tpu.memref_slice %arg7[%select_n3A_76, %dma_wait3A_85, %dma_wait3A_86] : memref<10x2x128xi32, #tpu.memory_space<vmem>> -> memref<1x2x128xi32, #tpu.memory_space<vmem>>
        %dma_wait3A_88 = tpu.memref_squeeze %dma_wait3A_87 : memref<1x2x128xi32, #tpu.memory_space<vmem>> -> memref<2x128xi32, #tpu.memory_space<vmem>>
        %dma_wait3A_89 = arith.constant 0 : i32
        %dma_wait3A_90 = arith.constant 0 : i32
        %dma_wait3A_91 = tpu.memref_slice %arg4[%dma_wait3A_89, %dma_wait3A_90] : memref<2x320000xi32, #tpu.memory_space<hbm>> -> memref<2x128xi32, #tpu.memory_space<hbm>>
        tpu.wait_dma2 semaphore(%dma_wait3A_84 : memref<!tpu.dma_semaphore, #tpu.memory_space<semaphore_mem>>) src(%dma_wait3A_91 : memref<2x128xi32, #tpu.memory_space<hbm>>) dst(%dma_wait3A_88 : memref<2x128xi32, #tpu.memory_space<vmem>>)
        %jit3A_92 = arith.constant 10 : i32
        %eq3A_93 = arith.constant 0 : i32
        %eq3A_94 = arith.cmpi eq, %jit3A_92, %eq3A_93 : i32
        %jit3A_95 = arith.constant 1 : i32
        %select_n3A_96 = arith.select %eq3A_94, %jit3A_95, %jit3A_92 : i32
        %rem3A_97 = arith.remsi %while3A_63, %select_n3A_96 : i32
        %ne3A_98 = arith.constant 0 : i32
        %ne3A_99 = arith.cmpi ne, %rem3A_97, %ne3A_98 : i32
        %lt3A_100 = arith.constant 0 : i32
        %lt3A_101 = arith.cmpi slt, %rem3A_97, %lt3A_100 : i32
        %lt3A_102 = arith.constant 0 : i32
        %lt3A_103 = arith.cmpi slt, %select_n3A_96, %lt3A_102 : i32
        %ne3A_104 = arith.xori %lt3A_101, %lt3A_103 : i1
        %and3A_105 = arith.andi %ne3A_104, %ne3A_99 : i1
        %add3A_106 = arith.addi %rem3A_97, %select_n3A_96 : i32
        %select_n3A_107 = arith.select %and3A_105, %add3A_106, %rem3A_97 : i32
        %dma_start3A = arith.constant 0 : i32
        %dma_start3A_108 = arith.constant 0 : i32
        %dma_start3A_109 = arith.constant 0 : i32
        %dma_start3A_110 = tpu.memref_slice %arg8[%select_n3A_107, %dma_start3A_108, %dma_start3A_109] : memref<10x128x32xf32, #tpu.memory_space<vmem>> -> memref<1x128x32xf32, #tpu.memory_space<vmem>>
        %dma_start3A_111 = tpu.memref_squeeze %dma_start3A_110 : memref<1x128x32xf32, #tpu.memory_space<vmem>> -> memref<128x32xf32, #tpu.memory_space<vmem>>
        %dma_start3A_112 = arith.constant 0 : i32
        %dma_start3A_113 = tpu.memref_slice %arg7[%select_n3A_107, %dma_start3A, %dma_start3A_112] : memref<10x2x128xi32, #tpu.memory_space<vmem>> -> memref<1x1x128xi32, #tpu.memory_space<vmem>>
        %dma_start3A_114 = tpu.memref_squeeze %dma_start3A_113 : memref<1x1x128xi32, #tpu.memory_space<vmem>> -> memref<128xi32, #tpu.memory_space<vmem>>
        %dma_start3A_115 = arith.constant 0 : i32
        %dma_start3A_116 = arith.constant 0 : i32
        %dma_start3A_117 = tpu.memref_slice %arg3[%dma_start3A_115, %dma_start3A_116] : memref<10240x32xf32, #tpu.memory_space<hbm>> -> memref<10240x32xf32, #tpu.memory_space<hbm>>
        %dma_start3A_118 = tpu.memref_slice %arg11[%select_n3A_107] : memref<10x!tpu.dma_semaphore, #tpu.memory_space<semaphore_mem>> -> memref<1x!tpu.dma_semaphore, #tpu.memory_space<semaphore_mem>>
        %dma_start3A_119 = tpu.memref_squeeze %dma_start3A_118 : memref<1x!tpu.dma_semaphore, #tpu.memory_space<semaphore_mem>> -> memref<!tpu.dma_semaphore, #tpu.memory_space<semaphore_mem>>
        tpu.enqueue_indirect_dma source(%dma_start3A_117 : memref<10240x32xf32, #tpu.memory_space<hbm>>) target(%dma_start3A_111 : memref<128x32xf32, #tpu.memory_space<vmem>>) offsets(%dma_start3A_114 : memref<128xi32, #tpu.memory_space<vmem>>) semaphore(%dma_start3A_119 : memref<!tpu.dma_semaphore, #tpu.memory_space<semaphore_mem>>)
      }
      %sub3A_41 = arith.constant 5 : i32
      %sub3A_42 = arith.subi %add3A_3, %sub3A_41 : i32
      %while3A_43 = arith.constant 0 : i32
      %while3A_44 = arith.subi %add3A_3, %sub3A_42 : i32
      %while3A_45 = arith.addi %sub3A_42, %while3A_44 : i32
      %while3A_46 = arith.constant 1 : i32
      %while3A_47 = arith.divsi %while3A_44, %while3A_46 : i32
      %while3A_48 = arith.muli %while3A_47, %while3A_46 : i32
      %while3A_49 = arith.addi %sub3A_42, %while3A_48 : i32
      %while3A_50 = arith.constant 1 : i32
      scf.for %while3A_63 = %sub3A_42 to %while3A_49 step %while3A_50  : i32 {
        %jit3A_64 = arith.constant 10 : i32
        %eq3A_65 = arith.constant 0 : i32
        %eq3A_66 = arith.cmpi eq, %jit3A_64, %eq3A_65 : i32
        %jit3A_67 = arith.constant 1 : i32
        %select_n3A_68 = arith.select %eq3A_66, %jit3A_67, %jit3A_64 : i32
        %rem3A = arith.remsi %while3A_63, %select_n3A_68 : i32
        %ne3A = arith.constant 0 : i32
        %ne3A_69 = arith.cmpi ne, %rem3A, %ne3A : i32
        %lt3A_70 = arith.constant 0 : i32
        %lt3A_71 = arith.cmpi slt, %rem3A, %lt3A_70 : i32
        %lt3A_72 = arith.constant 0 : i32
        %lt3A_73 = arith.cmpi slt, %select_n3A_68, %lt3A_72 : i32
        %ne3A_74 = arith.xori %lt3A_71, %lt3A_73 : i1
        %and3A = arith.andi %ne3A_74, %ne3A_69 : i1
        %add3A_75 = arith.addi %rem3A, %select_n3A_68 : i32
        %select_n3A_76 = arith.select %and3A, %add3A_75, %rem3A : i32
        %dma_wait3A = arith.constant 0 : i32
        %dma_wait3A_77 = arith.constant 0 : i32
        %dma_wait3A_78 = arith.constant 0 : i32
        %dma_wait3A_79 = tpu.memref_slice %arg8[%select_n3A_76, %dma_wait3A_77, %dma_wait3A_78] : memref<10x128x32xf32, #tpu.memory_space<vmem>> -> memref<1x128x32xf32, #tpu.memory_space<vmem>>
        %dma_wait3A_80 = tpu.memref_squeeze %dma_wait3A_79 : memref<1x128x32xf32, #tpu.memory_space<vmem>> -> memref<128x32xf32, #tpu.memory_space<vmem>>
        %dma_wait3A_81 = arith.constant 0 : i32
        %dma_wait3A_82 = tpu.memref_slice %arg7[%select_n3A_76, %dma_wait3A, %dma_wait3A_81] : memref<10x2x128xi32, #tpu.memory_space<vmem>> -> memref<1x1x128xi32, #tpu.memory_space<vmem>>
        %dma_wait3A_83 = tpu.memref_squeeze %dma_wait3A_82 : memref<1x1x128xi32, #tpu.memory_space<vmem>> -> memref<128xi32, #tpu.memory_space<vmem>>
        %dma_wait3A_84 = arith.constant 0 : i32
        %dma_wait3A_85 = arith.constant 0 : i32
        %dma_wait3A_86 = tpu.memref_slice %arg3[%dma_wait3A_84, %dma_wait3A_85] : memref<10240x32xf32, #tpu.memory_space<hbm>> -> memref<10240x32xf32, #tpu.memory_space<hbm>>
        %dma_wait3A_87 = tpu.memref_slice %arg11[%select_n3A_76] : memref<10x!tpu.dma_semaphore, #tpu.memory_space<semaphore_mem>> -> memref<1x!tpu.dma_semaphore, #tpu.memory_space<semaphore_mem>>
        %dma_wait3A_88 = tpu.memref_squeeze %dma_wait3A_87 : memref<1x!tpu.dma_semaphore, #tpu.memory_space<semaphore_mem>> -> memref<!tpu.dma_semaphore, #tpu.memory_space<semaphore_mem>>
        tpu.wait_indirect_dma semaphore(%dma_wait3A_88 : memref<!tpu.dma_semaphore, #tpu.memory_space<semaphore_mem>>) src(%dma_wait3A_86 : memref<10240x32xf32, #tpu.memory_space<hbm>>) dst(%dma_wait3A_80 : memref<128x32xf32, #tpu.memory_space<vmem>>)
        %jit3A_89 = arith.constant 10 : i32
        %eq3A_90 = arith.constant 0 : i32
        %eq3A_91 = arith.cmpi eq, %jit3A_89, %eq3A_90 : i32
        %jit3A_92 = arith.constant 1 : i32
        %select_n3A_93 = arith.select %eq3A_91, %jit3A_92, %jit3A_89 : i32
        %rem3A_94 = arith.remsi %while3A_63, %select_n3A_93 : i32
        %ne3A_95 = arith.constant 0 : i32
        %ne3A_96 = arith.cmpi ne, %rem3A_94, %ne3A_95 : i32
        %lt3A_97 = arith.constant 0 : i32
        %lt3A_98 = arith.cmpi slt, %rem3A_94, %lt3A_97 : i32
        %lt3A_99 = arith.constant 0 : i32
        %lt3A_100 = arith.cmpi slt, %select_n3A_93, %lt3A_99 : i32
        %ne3A_101 = arith.xori %lt3A_98, %lt3A_100 : i1
        %and3A_102 = arith.andi %ne3A_101, %ne3A_96 : i1
        %add3A_103 = arith.addi %rem3A_94, %select_n3A_93 : i32
        %select_n3A_104 = arith.select %and3A_102, %add3A_103, %rem3A_94 : i32
        %dma_start3A = arith.constant 1 : i32
        %dma_start3A_105 = arith.constant 0 : i32
        %dma_start3A_106 = arith.constant 0 : i32
        %dma_start3A_107 = tpu.memref_slice %arg8[%select_n3A_104, %dma_start3A_105, %dma_start3A_106] : memref<10x128x32xf32, #tpu.memory_space<vmem>> -> memref<1x128x32xf32, #tpu.memory_space<vmem>>
        %dma_start3A_108 = tpu.memref_squeeze %dma_start3A_107 : memref<1x128x32xf32, #tpu.memory_space<vmem>> -> memref<128x32xf32, #tpu.memory_space<vmem>>
        %dma_start3A_109 = arith.constant 0 : i32
        %dma_start3A_110 = tpu.memref_slice %arg7[%select_n3A_104, %dma_start3A, %dma_start3A_109] : memref<10x2x128xi32, #tpu.memory_space<vmem>> -> memref<1x1x128xi32, #tpu.memory_space<vmem>>
        %dma_start3A_111 = tpu.memref_squeeze %dma_start3A_110 : memref<1x1x128xi32, #tpu.memory_space<vmem>> -> memref<128xi32, #tpu.memory_space<vmem>>
        %dma_start3A_112 = arith.constant 0 : i32
        %dma_start3A_113 = arith.constant 0 : i32
        %dma_start3A_114 = tpu.memref_slice %arg9[%dma_start3A_112, %dma_start3A_113] : memref<10240x32xf32, #tpu.memory_space<vmem_shared>> -> memref<10240x32xf32, #tpu.memory_space<vmem_shared>>
        %dma_start3A_115 = tpu.memref_slice %arg12[%select_n3A_104] : memref<10x!tpu.dma_semaphore, #tpu.memory_space<semaphore_mem>> -> memref<1x!tpu.dma_semaphore, #tpu.memory_space<semaphore_mem>>
        %dma_start3A_116 = tpu.memref_squeeze %dma_start3A_115 : memref<1x!tpu.dma_semaphore, #tpu.memory_space<semaphore_mem>> -> memref<!tpu.dma_semaphore, #tpu.memory_space<semaphore_mem>>
        tpu.enqueue_indirect_dma source(%dma_start3A_108 : memref<128x32xf32, #tpu.memory_space<vmem>>) target(%dma_start3A_114 : memref<10240x32xf32, #tpu.memory_space<vmem_shared>>) offsets(%dma_start3A_111 : memref<128xi32, #tpu.memory_space<vmem>>) semaphore(%dma_start3A_116 : memref<!tpu.dma_semaphore, #tpu.memory_space<semaphore_mem>>) {add = true}
      }
      %while3A_51 = arith.constant 1 : i32
      scf.for %while3A_63 = %while3A_49 to %while3A_45 step %while3A_51  : i32 {
        %jit3A_64 = arith.constant 10 : i32
        %eq3A_65 = arith.constant 0 : i32
        %eq3A_66 = arith.cmpi eq, %jit3A_64, %eq3A_65 : i32
        %jit3A_67 = arith.constant 1 : i32
        %select_n3A_68 = arith.select %eq3A_66, %jit3A_67, %jit3A_64 : i32
        %rem3A = arith.remsi %while3A_63, %select_n3A_68 : i32
        %ne3A = arith.constant 0 : i32
        %ne3A_69 = arith.cmpi ne, %rem3A, %ne3A : i32
        %lt3A_70 = arith.constant 0 : i32
        %lt3A_71 = arith.cmpi slt, %rem3A, %lt3A_70 : i32
        %lt3A_72 = arith.constant 0 : i32
        %lt3A_73 = arith.cmpi slt, %select_n3A_68, %lt3A_72 : i32
        %ne3A_74 = arith.xori %lt3A_71, %lt3A_73 : i1
        %and3A = arith.andi %ne3A_74, %ne3A_69 : i1
        %add3A_75 = arith.addi %rem3A, %select_n3A_68 : i32
        %select_n3A_76 = arith.select %and3A, %add3A_75, %rem3A : i32
        %dma_wait3A = arith.constant 0 : i32
        %dma_wait3A_77 = arith.constant 0 : i32
        %dma_wait3A_78 = arith.constant 0 : i32
        %dma_wait3A_79 = tpu.memref_slice %arg8[%select_n3A_76, %dma_wait3A_77, %dma_wait3A_78] : memref<10x128x32xf32, #tpu.memory_space<vmem>> -> memref<1x128x32xf32, #tpu.memory_space<vmem>>
        %dma_wait3A_80 = tpu.memref_squeeze %dma_wait3A_79 : memref<1x128x32xf32, #tpu.memory_space<vmem>> -> memref<128x32xf32, #tpu.memory_space<vmem>>
        %dma_wait3A_81 = arith.constant 0 : i32
        %dma_wait3A_82 = tpu.memref_slice %arg7[%select_n3A_76, %dma_wait3A, %dma_wait3A_81] : memref<10x2x128xi32, #tpu.memory_space<vmem>> -> memref<1x1x128xi32, #tpu.memory_space<vmem>>
        %dma_wait3A_83 = tpu.memref_squeeze %dma_wait3A_82 : memref<1x1x128xi32, #tpu.memory_space<vmem>> -> memref<128xi32, #tpu.memory_space<vmem>>
        %dma_wait3A_84 = arith.constant 0 : i32
        %dma_wait3A_85 = arith.constant 0 : i32
        %dma_wait3A_86 = tpu.memref_slice %arg3[%dma_wait3A_84, %dma_wait3A_85] : memref<10240x32xf32, #tpu.memory_space<hbm>> -> memref<10240x32xf32, #tpu.memory_space<hbm>>
        %dma_wait3A_87 = tpu.memref_slice %arg11[%select_n3A_76] : memref<10x!tpu.dma_semaphore, #tpu.memory_space<semaphore_mem>> -> memref<1x!tpu.dma_semaphore, #tpu.memory_space<semaphore_mem>>
        %dma_wait3A_88 = tpu.memref_squeeze %dma_wait3A_87 : memref<1x!tpu.dma_semaphore, #tpu.memory_space<semaphore_mem>> -> memref<!tpu.dma_semaphore, #tpu.memory_space<semaphore_mem>>
        tpu.wait_indirect_dma semaphore(%dma_wait3A_88 : memref<!tpu.dma_semaphore, #tpu.memory_space<semaphore_mem>>) src(%dma_wait3A_86 : memref<10240x32xf32, #tpu.memory_space<hbm>>) dst(%dma_wait3A_80 : memref<128x32xf32, #tpu.memory_space<vmem>>)
        %jit3A_89 = arith.constant 10 : i32
        %eq3A_90 = arith.constant 0 : i32
        %eq3A_91 = arith.cmpi eq, %jit3A_89, %eq3A_90 : i32
        %jit3A_92 = arith.constant 1 : i32
        %select_n3A_93 = arith.select %eq3A_91, %jit3A_92, %jit3A_89 : i32
        %rem3A_94 = arith.remsi %while3A_63, %select_n3A_93 : i32
        %ne3A_95 = arith.constant 0 : i32
        %ne3A_96 = arith.cmpi ne, %rem3A_94, %ne3A_95 : i32
        %lt3A_97 = arith.constant 0 : i32
        %lt3A_98 = arith.cmpi slt, %rem3A_94, %lt3A_97 : i32
        %lt3A_99 = arith.constant 0 : i32
        %lt3A_100 = arith.cmpi slt, %select_n3A_93, %lt3A_99 : i32
        %ne3A_101 = arith.xori %lt3A_98, %lt3A_100 : i1
        %and3A_102 = arith.andi %ne3A_101, %ne3A_96 : i1
        %add3A_103 = arith.addi %rem3A_94, %select_n3A_93 : i32
        %select_n3A_104 = arith.select %and3A_102, %add3A_103, %rem3A_94 : i32
        %dma_start3A = arith.constant 1 : i32
        %dma_start3A_105 = arith.constant 0 : i32
        %dma_start3A_106 = arith.constant 0 : i32
        %dma_start3A_107 = tpu.memref_slice %arg8[%select_n3A_104, %dma_start3A_105, %dma_start3A_106] : memref<10x128x32xf32, #tpu.memory_space<vmem>> -> memref<1x128x32xf32, #tpu.memory_space<vmem>>
        %dma_start3A_108 = tpu.memref_squeeze %dma_start3A_107 : memref<1x128x32xf32, #tpu.memory_space<vmem>> -> memref<128x32xf32, #tpu.memory_space<vmem>>
        %dma_start3A_109 = arith.constant 0 : i32
        %dma_start3A_110 = tpu.memref_slice %arg7[%select_n3A_104, %dma_start3A, %dma_start3A_109] : memref<10x2x128xi32, #tpu.memory_space<vmem>> -> memref<1x1x128xi32, #tpu.memory_space<vmem>>
        %dma_start3A_111 = tpu.memref_squeeze %dma_start3A_110 : memref<1x1x128xi32, #tpu.memory_space<vmem>> -> memref<128xi32, #tpu.memory_space<vmem>>
        %dma_start3A_112 = arith.constant 0 : i32
        %dma_start3A_113 = arith.constant 0 : i32
        %dma_start3A_114 = tpu.memref_slice %arg9[%dma_start3A_112, %dma_start3A_113] : memref<10240x32xf32, #tpu.memory_space<vmem_shared>> -> memref<10240x32xf32, #tpu.memory_space<vmem_shared>>
        %dma_start3A_115 = tpu.memref_slice %arg12[%select_n3A_104] : memref<10x!tpu.dma_semaphore, #tpu.memory_space<semaphore_mem>> -> memref<1x!tpu.dma_semaphore, #tpu.memory_space<semaphore_mem>>
        %dma_start3A_116 = tpu.memref_squeeze %dma_start3A_115 : memref<1x!tpu.dma_semaphore, #tpu.memory_space<semaphore_mem>> -> memref<!tpu.dma_semaphore, #tpu.memory_space<semaphore_mem>>
        tpu.enqueue_indirect_dma source(%dma_start3A_108 : memref<128x32xf32, #tpu.memory_space<vmem>>) target(%dma_start3A_114 : memref<10240x32xf32, #tpu.memory_space<vmem_shared>>) offsets(%dma_start3A_111 : memref<128xi32, #tpu.memory_space<vmem>>) semaphore(%dma_start3A_116 : memref<!tpu.dma_semaphore, #tpu.memory_space<semaphore_mem>>) {add = true}
      }
      %sub3A_52 = arith.constant 10 : i32
      %sub3A_53 = arith.subi %add3A_3, %sub3A_52 : i32
      %while3A_54 = arith.constant 0 : i32
      %while3A_55 = arith.subi %add3A_3, %sub3A_53 : i32
      %while3A_56 = arith.addi %sub3A_53, %while3A_55 : i32
      %while3A_57 = arith.constant 1 : i32
      %while3A_58 = arith.divsi %while3A_55, %while3A_57 : i32
      %while3A_59 = arith.muli %while3A_58, %while3A_57 : i32
      %while3A_60 = arith.addi %sub3A_53, %while3A_59 : i32
      %while3A_61 = arith.constant 1 : i32
      scf.for %while3A_63 = %sub3A_53 to %while3A_60 step %while3A_61  : i32 {
        %jit3A_64 = arith.constant 10 : i32
        %eq3A_65 = arith.constant 0 : i32
        %eq3A_66 = arith.cmpi eq, %jit3A_64, %eq3A_65 : i32
        %jit3A_67 = arith.constant 1 : i32
        %select_n3A_68 = arith.select %eq3A_66, %jit3A_67, %jit3A_64 : i32
        %rem3A = arith.remsi %while3A_63, %select_n3A_68 : i32
        %ne3A = arith.constant 0 : i32
        %ne3A_69 = arith.cmpi ne, %rem3A, %ne3A : i32
        %lt3A_70 = arith.constant 0 : i32
        %lt3A_71 = arith.cmpi slt, %rem3A, %lt3A_70 : i32
        %lt3A_72 = arith.constant 0 : i32
        %lt3A_73 = arith.cmpi slt, %select_n3A_68, %lt3A_72 : i32
        %ne3A_74 = arith.xori %lt3A_71, %lt3A_73 : i1
        %and3A = arith.andi %ne3A_74, %ne3A_69 : i1
        %add3A_75 = arith.addi %rem3A, %select_n3A_68 : i32
        %select_n3A_76 = arith.select %and3A, %add3A_75, %rem3A : i32
        %dma_wait3A = arith.constant 1 : i32
        %dma_wait3A_77 = arith.constant 0 : i32
        %dma_wait3A_78 = arith.constant 0 : i32
        %dma_wait3A_79 = tpu.memref_slice %arg8[%select_n3A_76, %dma_wait3A_77, %dma_wait3A_78] : memref<10x128x32xf32, #tpu.memory_space<vmem>> -> memref<1x128x32xf32, #tpu.memory_space<vmem>>
        %dma_wait3A_80 = tpu.memref_squeeze %dma_wait3A_79 : memref<1x128x32xf32, #tpu.memory_space<vmem>> -> memref<128x32xf32, #tpu.memory_space<vmem>>
        %dma_wait3A_81 = arith.constant 0 : i32
        %dma_wait3A_82 = tpu.memref_slice %arg7[%select_n3A_76, %dma_wait3A, %dma_wait3A_81] : memref<10x2x128xi32, #tpu.memory_space<vmem>> -> memref<1x1x128xi32, #tpu.memory_space<vmem>>
        %dma_wait3A_83 = tpu.memref_squeeze %dma_wait3A_82 : memref<1x1x128xi32, #tpu.memory_space<vmem>> -> memref<128xi32, #tpu.memory_space<vmem>>
        %dma_wait3A_84 = arith.constant 0 : i32
        %dma_wait3A_85 = arith.constant 0 : i32
        %dma_wait3A_86 = tpu.memref_slice %arg9[%dma_wait3A_84, %dma_wait3A_85] : memref<10240x32xf32, #tpu.memory_space<vmem_shared>> -> memref<10240x32xf32, #tpu.memory_space<vmem_shared>>
        %dma_wait3A_87 = tpu.memref_slice %arg12[%select_n3A_76] : memref<10x!tpu.dma_semaphore, #tpu.memory_space<semaphore_mem>> -> memref<1x!tpu.dma_semaphore, #tpu.memory_space<semaphore_mem>>
        %dma_wait3A_88 = tpu.memref_squeeze %dma_wait3A_87 : memref<1x!tpu.dma_semaphore, #tpu.memory_space<semaphore_mem>> -> memref<!tpu.dma_semaphore, #tpu.memory_space<semaphore_mem>>
        tpu.wait_indirect_dma semaphore(%dma_wait3A_88 : memref<!tpu.dma_semaphore, #tpu.memory_space<semaphore_mem>>) src(%dma_wait3A_80 : memref<128x32xf32, #tpu.memory_space<vmem>>) dst(%dma_wait3A_86 : memref<10240x32xf32, #tpu.memory_space<vmem_shared>>)
      }
      %while3A_62 = arith.constant 1 : i32
      scf.for %while3A_63 = %while3A_60 to %while3A_56 step %while3A_62  : i32 {
        %jit3A_64 = arith.constant 10 : i32
        %eq3A_65 = arith.constant 0 : i32
        %eq3A_66 = arith.cmpi eq, %jit3A_64, %eq3A_65 : i32
        %jit3A_67 = arith.constant 1 : i32
        %select_n3A_68 = arith.select %eq3A_66, %jit3A_67, %jit3A_64 : i32
        %rem3A = arith.remsi %while3A_63, %select_n3A_68 : i32
        %ne3A = arith.constant 0 : i32
        %ne3A_69 = arith.cmpi ne, %rem3A, %ne3A : i32
        %lt3A_70 = arith.constant 0 : i32
        %lt3A_71 = arith.cmpi slt, %rem3A, %lt3A_70 : i32
        %lt3A_72 = arith.constant 0 : i32
        %lt3A_73 = arith.cmpi slt, %select_n3A_68, %lt3A_72 : i32
        %ne3A_74 = arith.xori %lt3A_71, %lt3A_73 : i1
        %and3A = arith.andi %ne3A_74, %ne3A_69 : i1
        %add3A_75 = arith.addi %rem3A, %select_n3A_68 : i32
        %select_n3A_76 = arith.select %and3A, %add3A_75, %rem3A : i32
        %dma_wait3A = arith.constant 1 : i32
        %dma_wait3A_77 = arith.constant 0 : i32
        %dma_wait3A_78 = arith.constant 0 : i32
        %dma_wait3A_79 = tpu.memref_slice %arg8[%select_n3A_76, %dma_wait3A_77, %dma_wait3A_78] : memref<10x128x32xf32, #tpu.memory_space<vmem>> -> memref<1x128x32xf32, #tpu.memory_space<vmem>>
        %dma_wait3A_80 = tpu.memref_squeeze %dma_wait3A_79 : memref<1x128x32xf32, #tpu.memory_space<vmem>> -> memref<128x32xf32, #tpu.memory_space<vmem>>
        %dma_wait3A_81 = arith.constant 0 : i32
        %dma_wait3A_82 = tpu.memref_slice %arg7[%select_n3A_76, %dma_wait3A, %dma_wait3A_81] : memref<10x2x128xi32, #tpu.memory_space<vmem>> -> memref<1x1x128xi32, #tpu.memory_space<vmem>>
        %dma_wait3A_83 = tpu.memref_squeeze %dma_wait3A_82 : memref<1x1x128xi32, #tpu.memory_space<vmem>> -> memref<128xi32, #tpu.memory_space<vmem>>
        %dma_wait3A_84 = arith.constant 0 : i32
        %dma_wait3A_85 = arith.constant 0 : i32
        %dma_wait3A_86 = tpu.memref_slice %arg9[%dma_wait3A_84, %dma_wait3A_85] : memref<10240x32xf32, #tpu.memory_space<vmem_shared>> -> memref<10240x32xf32, #tpu.memory_space<vmem_shared>>
        %dma_wait3A_87 = tpu.memref_slice %arg12[%select_n3A_76] : memref<10x!tpu.dma_semaphore, #tpu.memory_space<semaphore_mem>> -> memref<1x!tpu.dma_semaphore, #tpu.memory_space<semaphore_mem>>
        %dma_wait3A_88 = tpu.memref_squeeze %dma_wait3A_87 : memref<1x!tpu.dma_semaphore, #tpu.memory_space<semaphore_mem>> -> memref<!tpu.dma_semaphore, #tpu.memory_space<semaphore_mem>>
        tpu.wait_indirect_dma semaphore(%dma_wait3A_88 : memref<!tpu.dma_semaphore, #tpu.memory_space<semaphore_mem>>) src(%dma_wait3A_80 : memref<128x32xf32, #tpu.memory_space<vmem>>) dst(%dma_wait3A_86 : memref<10240x32xf32, #tpu.memory_space<vmem_shared>>)
      }
    } else {
    }
    %barrier3A_11 = arith.constant 0 : index
    tpu.barrier barrier_id(%barrier3A_11)
    %lt3A_12 = arith.constant 15 : i32
    %lt3A_13 = arith.cmpi slt, %arg1, %lt3A_12 : i32
    %convert_element_type3A_14 = arith.extui %lt3A_13 : i1 to i32
    %cond3A_15 = arith.constant 0 : i32
    %cond3A_16 = arith.cmpi ne, %convert_element_type3A_14, %cond3A_15 : i32
    scf.if %cond3A_16 {
      %mul3A_22 = arith.constant 32 : i32
      %mul3A_23 = arith.muli %arg0, %mul3A_22 : i32
      "tpu.region"() ({
        %run_scoped3A = tpu.sem_alloc : memref<!tpu.dma_semaphore, #tpu.memory_space<semaphore_mem>>
        %dma_start3A = tpu.memref_slice %arg6[%mul3A_0, %mul3A_23] : memref<10000x64xf32, #tpu.memory_space<hbm>> -> memref<640x32xf32, #tpu.memory_space<hbm>>
        %dma_start3A_24 = arith.constant 0 : i32
        %dma_start3A_25 = tpu.memref_slice %arg9[%mul3A_0, %dma_start3A_24] : memref<10240x32xf32, #tpu.memory_space<vmem_shared>> -> memref<640x32xf32, #tpu.memory_space<vmem_shared>>
        tpu.enqueue_dma source(%dma_start3A_25 : memref<640x32xf32, #tpu.memory_space<vmem_shared>>) target(%dma_start3A : memref<640x32xf32, #tpu.memory_space<hbm>>) target_semaphore(%run_scoped3A : memref<!tpu.dma_semaphore, #tpu.memory_space<semaphore_mem>>)
        %dma_wait3A = tpu.memref_slice %arg6[%mul3A_0, %mul3A_23] : memref<10000x64xf32, #tpu.memory_space<hbm>> -> memref<640x32xf32, #tpu.memory_space<hbm>>
        %dma_wait3A_26 = arith.constant 0 : i32
        %dma_wait3A_27 = tpu.memref_slice %arg9[%mul3A_0, %dma_wait3A_26] : memref<10240x32xf32, #tpu.memory_space<vmem_shared>> -> memref<640x32xf32, #tpu.memory_space<vmem_shared>>
        tpu.wait_dma2 semaphore(%run_scoped3A : memref<!tpu.dma_semaphore, #tpu.memory_space<semaphore_mem>>) src(%dma_wait3A_27 : memref<640x32xf32, #tpu.memory_space<vmem_shared>>) dst(%dma_wait3A : memref<640x32xf32, #tpu.memory_space<hbm>>)
        tpu.yield
      }) : () -> ()
    } else {
    }
    %eq3A_17 = arith.constant 15 : i32
    %eq3A_18 = arith.cmpi eq, %arg1, %eq3A_17 : i32
    %convert_element_type3A_19 = arith.extui %eq3A_18 : i1 to i32
    %cond3A_20 = arith.constant 0 : i32
    %cond3A_21 = arith.cmpi ne, %convert_element_type3A_19, %cond3A_20 : i32
    scf.if %cond3A_21 {
      %mul3A_22 = arith.constant 32 : i32
      %mul3A_23 = arith.muli %arg0, %mul3A_22 : i32
      "tpu.region"() ({
        %run_scoped3A = tpu.sem_alloc : memref<!tpu.dma_semaphore, #tpu.memory_space<semaphore_mem>>
        %dma_start3A = arith.constant 9600 : i32
        %dma_start3A_24 = tpu.memref_slice %arg6[%dma_start3A, %mul3A_23] : memref<10000x64xf32, #tpu.memory_space<hbm>> -> memref<400x32xf32, #tpu.memory_space<hbm>>
        %dma_start3A_25 = arith.constant 9600 : i32
        %dma_start3A_26 = arith.constant 0 : i32
        %dma_start3A_27 = tpu.memref_slice %arg9[%dma_start3A_25, %dma_start3A_26] : memref<10240x32xf32, #tpu.memory_space<vmem_shared>> -> memref<400x32xf32, #tpu.memory_space<vmem_shared>>
        tpu.enqueue_dma source(%dma_start3A_27 : memref<400x32xf32, #tpu.memory_space<vmem_shared>>) target(%dma_start3A_24 : memref<400x32xf32, #tpu.memory_space<hbm>>) target_semaphore(%run_scoped3A : memref<!tpu.dma_semaphore, #tpu.memory_space<semaphore_mem>>)
        %dma_wait3A = arith.constant 9600 : i32
        %dma_wait3A_28 = tpu.memref_slice %arg6[%dma_wait3A, %mul3A_23] : memref<10000x64xf32, #tpu.memory_space<hbm>> -> memref<400x32xf32, #tpu.memory_space<hbm>>
        %dma_wait3A_29 = arith.constant 9600 : i32
        %dma_wait3A_30 = arith.constant 0 : i32
        %dma_wait3A_31 = tpu.memref_slice %arg9[%dma_wait3A_29, %dma_wait3A_30] : memref<10240x32xf32, #tpu.memory_space<vmem_shared>> -> memref<400x32xf32, #tpu.memory_space<vmem_shared>>
        tpu.wait_dma2 semaphore(%run_scoped3A : memref<!tpu.dma_semaphore, #tpu.memory_space<semaphore_mem>>) src(%dma_wait3A_31 : memref<400x32xf32, #tpu.memory_space<vmem_shared>>) dst(%dma_wait3A_28 : memref<400x32xf32, #tpu.memory_space<hbm>>)
        tpu.yield
      }) : () -> ()
    } else {
    }
    return
  }
}

#map = affine_map<(d0, d1) -> (0, 0)>
module attributes {stable_mosaic.version = 14 : i64} {
  func.func @agg(%arg0: i32, %arg1: i32, %arg2: memref<10000x64xf32, #tpu.memory_space<hbm>>, %arg3: memref<10000x64xf32, #tpu.memory_space<hbm>>, %arg4: memref<2x320000xi32, #tpu.memory_space<hbm>>, %arg5: memref<640x64xf32, #tpu.memory_space<hbm>>, %arg6: memref<10240x128xf32, #tpu.memory_space<hbm>>, %arg7: memref<10x2x128xi32, #tpu.memory_space<vmem>>, %arg8: memref<10x128x64xf32, #tpu.memory_space<vmem>>, %arg9: memref<10240x64xf32, #tpu.memory_space<vmem_shared>>, %arg10: memref<10x!tpu.dma_semaphore, #tpu.memory_space<semaphore_mem>>, %arg11: memref<10x!tpu.dma_semaphore, #tpu.memory_space<semaphore_mem>>, %arg12: memref<10x!tpu.dma_semaphore, #tpu.memory_space<semaphore_mem>>) attributes {dimension_semantics = [#tpu.dimension_semantics<core_parallel>, #tpu.dimension_semantics<subcore_parallel>], iteration_bounds = array<i64: 2, 16>, scalar_prefetch = 0 : i64, scratch_operands = 6 : i64, tpu.core_type = #tpu.core_type<sc_vector_subcore>, window_params = [{transform_indices = #map}, {transform_indices = #map}, {transform_indices = #map}, {transform_indices = #map}, {transform_indices = #map}]} {
    %mul3A = arith.constant 640 : i32
    %mul3A_0 = arith.muli %arg1, %mul3A : i32
    %lt3A = arith.constant 4 : i32
    %lt3A_1 = arith.cmpi slt, %arg1, %lt3A : i32
    %jit3A = arith.constant 1 : i32
    %jit3A_2 = arith.constant 0 : i32
    %select_n3A = arith.select %lt3A_1, %jit3A, %jit3A_2 : i32
    %add3A = arith.constant 156 : i32
    %add3A_3 = arith.addi %add3A, %select_n3A : i32
    "tpu.region"() ({
      %run_scoped3A = tpu.sem_alloc : memref<!tpu.dma_semaphore, #tpu.memory_space<semaphore_mem>>
      %dma_start3A = arith.constant 0 : i32
      %dma_start3A_22 = tpu.memref_slice %arg9[%mul3A_0, %dma_start3A] : memref<10240x64xf32, #tpu.memory_space<vmem_shared>> -> memref<640x64xf32, #tpu.memory_space<vmem_shared>>
      tpu.enqueue_dma source(%arg5 : memref<640x64xf32, #tpu.memory_space<hbm>>) target(%dma_start3A_22 : memref<640x64xf32, #tpu.memory_space<vmem_shared>>) target_semaphore(%run_scoped3A : memref<!tpu.dma_semaphore, #tpu.memory_space<semaphore_mem>>)
      %dma_wait3A = arith.constant 0 : i32
      %dma_wait3A_23 = tpu.memref_slice %arg9[%mul3A_0, %dma_wait3A] : memref<10240x64xf32, #tpu.memory_space<vmem_shared>> -> memref<640x64xf32, #tpu.memory_space<vmem_shared>>
      tpu.wait_dma2 semaphore(%run_scoped3A : memref<!tpu.dma_semaphore, #tpu.memory_space<semaphore_mem>>) src(%arg5 : memref<640x64xf32, #tpu.memory_space<hbm>>) dst(%dma_wait3A_23 : memref<640x64xf32, #tpu.memory_space<vmem_shared>>)
      tpu.yield
    }) : () -> ()
    %barrier3A = arith.constant 0 : index
    tpu.barrier barrier_id(%barrier3A)
    %eq3A = arith.constant 0 : i32
    %eq3A_4 = arith.cmpi eq, %arg0, %eq3A : i32
    %convert_element_type3A = arith.extui %eq3A_4 : i1 to i32
    %cond3A = arith.constant 0 : i32
    %cond3A_5 = arith.cmpi ne, %convert_element_type3A, %cond3A : i32
    scf.if %cond3A_5 {
      %while3A = arith.constant 0 : i32
      %while3A_22 = arith.constant 0 : i32
      %while3A_23 = arith.subi %add3A_3, %while3A_22 : i32
      %while3A_24 = arith.addi %while3A_22, %while3A_23 : i32
      %while3A_25 = arith.constant 1 : i32
      %while3A_26 = arith.divsi %while3A_23, %while3A_25 : i32
      %while3A_27 = arith.muli %while3A_26, %while3A_25 : i32
      %while3A_28 = arith.addi %while3A_22, %while3A_27 : i32
      %while3A_29 = arith.constant 1 : i32
      scf.for %while3A_63 = %while3A_22 to %while3A_28 step %while3A_29  : i32 {
        %ge3A = arith.constant 10 : i32
        %ge3A_64 = arith.cmpi sge, %while3A_63, %ge3A : i32
        %convert_element_type3A_65 = arith.extui %ge3A_64 : i1 to i32
        %cond3A_66 = arith.constant 0 : i32
        %cond3A_67 = arith.cmpi ne, %convert_element_type3A_65, %cond3A_66 : i32
        scf.if %cond3A_67 {
          %jit3A_123 = arith.constant 10 : i32
          %eq3A_124 = arith.constant 0 : i32
          %eq3A_125 = arith.cmpi eq, %jit3A_123, %eq3A_124 : i32
          %jit3A_126 = arith.constant 1 : i32
          %select_n3A_127 = arith.select %eq3A_125, %jit3A_126, %jit3A_123 : i32
          %rem3A_128 = arith.remsi %while3A_63, %select_n3A_127 : i32
          %ne3A_129 = arith.constant 0 : i32
          %ne3A_130 = arith.cmpi ne, %rem3A_128, %ne3A_129 : i32
          %lt3A_131 = arith.constant 0 : i32
          %lt3A_132 = arith.cmpi slt, %rem3A_128, %lt3A_131 : i32
          %lt3A_133 = arith.constant 0 : i32
          %lt3A_134 = arith.cmpi slt, %select_n3A_127, %lt3A_133 : i32
          %ne3A_135 = arith.xori %lt3A_132, %lt3A_134 : i1
          %and3A_136 = arith.andi %ne3A_135, %ne3A_130 : i1
          %add3A_137 = arith.addi %rem3A_128, %select_n3A_127 : i32
          %select_n3A_138 = arith.select %and3A_136, %add3A_137, %rem3A_128 : i32
          %dma_wait3A = arith.constant 1 : i32
          %dma_wait3A_139 = arith.constant 0 : i32
          %dma_wait3A_140 = arith.constant 0 : i32
          %dma_wait3A_141 = tpu.memref_slice %arg8[%select_n3A_138, %dma_wait3A_139, %dma_wait3A_140] : memref<10x128x64xf32, #tpu.memory_space<vmem>> -> memref<1x128x64xf32, #tpu.memory_space<vmem>>
          %dma_wait3A_142 = tpu.memref_squeeze %dma_wait3A_141 : memref<1x128x64xf32, #tpu.memory_space<vmem>> -> memref<128x64xf32, #tpu.memory_space<vmem>>
          %dma_wait3A_143 = arith.constant 0 : i32
          %dma_wait3A_144 = tpu.memref_slice %arg7[%select_n3A_138, %dma_wait3A, %dma_wait3A_143] : memref<10x2x128xi32, #tpu.memory_space<vmem>> -> memref<1x1x128xi32, #tpu.memory_space<vmem>>
          %dma_wait3A_145 = tpu.memref_squeeze %dma_wait3A_144 : memref<1x1x128xi32, #tpu.memory_space<vmem>> -> memref<128xi32, #tpu.memory_space<vmem>>
          %dma_wait3A_146 = arith.constant 0 : i32
          %dma_wait3A_147 = arith.constant 0 : i32
          %dma_wait3A_148 = tpu.memref_slice %arg9[%dma_wait3A_146, %dma_wait3A_147] : memref<10240x64xf32, #tpu.memory_space<vmem_shared>> -> memref<10240x64xf32, #tpu.memory_space<vmem_shared>>
          %dma_wait3A_149 = tpu.memref_slice %arg12[%select_n3A_138] : memref<10x!tpu.dma_semaphore, #tpu.memory_space<semaphore_mem>> -> memref<1x!tpu.dma_semaphore, #tpu.memory_space<semaphore_mem>>
          %dma_wait3A_150 = tpu.memref_squeeze %dma_wait3A_149 : memref<1x!tpu.dma_semaphore, #tpu.memory_space<semaphore_mem>> -> memref<!tpu.dma_semaphore, #tpu.memory_space<semaphore_mem>>
          tpu.wait_indirect_dma semaphore(%dma_wait3A_150 : memref<!tpu.dma_semaphore, #tpu.memory_space<semaphore_mem>>) src(%dma_wait3A_142 : memref<128x64xf32, #tpu.memory_space<vmem>>) dst(%dma_wait3A_148 : memref<10240x64xf32, #tpu.memory_space<vmem_shared>>)
        } else {
        }
        %jit3A_68 = arith.constant 10 : i32
        %eq3A_69 = arith.constant 0 : i32
        %eq3A_70 = arith.cmpi eq, %jit3A_68, %eq3A_69 : i32
        %jit3A_71 = arith.constant 1 : i32
        %select_n3A_72 = arith.select %eq3A_70, %jit3A_71, %jit3A_68 : i32
        %rem3A = arith.remsi %while3A_63, %select_n3A_72 : i32
        %ne3A = arith.constant 0 : i32
        %ne3A_73 = arith.cmpi ne, %rem3A, %ne3A : i32
        %lt3A_74 = arith.constant 0 : i32
        %lt3A_75 = arith.cmpi slt, %rem3A, %lt3A_74 : i32
        %lt3A_76 = arith.constant 0 : i32
        %lt3A_77 = arith.cmpi slt, %select_n3A_72, %lt3A_76 : i32
        %ne3A_78 = arith.xori %lt3A_75, %lt3A_77 : i1
        %and3A = arith.andi %ne3A_78, %ne3A_73 : i1
        %add3A_79 = arith.addi %rem3A, %select_n3A_72 : i32
        %select_n3A_80 = arith.select %and3A, %add3A_79, %rem3A : i32
        %mul3A_81 = arith.constant 16 : i32
        %mul3A_82 = arith.muli %mul3A_81, %while3A_63 : i32
        %add3A_83 = arith.addi %arg1, %mul3A_82 : i32
        %mul3A_84 = arith.constant 128 : i32
        %mul3A_85 = arith.muli %add3A_83, %mul3A_84 : i32
        %dma_start3A = arith.constant 0 : i32
        %dma_start3A_86 = arith.constant 0 : i32
        %dma_start3A_87 = arith.constant 0 : i32
        %dma_start3A_88 = tpu.memref_slice %arg7[%select_n3A_80, %dma_start3A_86, %dma_start3A_87] : memref<10x2x128xi32, #tpu.memory_space<vmem>> -> memref<1x1x128xi32, #tpu.memory_space<vmem>>
        %dma_start3A_89 = tpu.memref_squeeze %dma_start3A_88 : memref<1x1x128xi32, #tpu.memory_space<vmem>> -> memref<128xi32, #tpu.memory_space<vmem>>
        %dma_start3A_90 = tpu.memref_slice %arg4[%dma_start3A, %mul3A_85] : memref<2x320000xi32, #tpu.memory_space<hbm>> -> memref<1x128xi32, #tpu.memory_space<hbm>>
        %dma_start3A_91 = tpu.memref_squeeze %dma_start3A_90 : memref<1x128xi32, #tpu.memory_space<hbm>> -> memref<128xi32, #tpu.memory_space<hbm>>
        %dma_start3A_92 = tpu.memref_slice %arg10[%select_n3A_80] : memref<10x!tpu.dma_semaphore, #tpu.memory_space<semaphore_mem>> -> memref<1x!tpu.dma_semaphore, #tpu.memory_space<semaphore_mem>>
        %dma_start3A_93 = tpu.memref_squeeze %dma_start3A_92 : memref<1x!tpu.dma_semaphore, #tpu.memory_space<semaphore_mem>> -> memref<!tpu.dma_semaphore, #tpu.memory_space<semaphore_mem>>
        %dma_start3A_94 = arith.constant 0 : i32
        %dma_start3A_95 = tpu.memref_slice %arg7[%select_n3A_80, %dma_start3A_86, %dma_start3A_94] : memref<10x2x128xi32, #tpu.memory_space<vmem>> -> memref<1x1x128xi32, #tpu.memory_space<vmem>>
        %dma_start3A_96 = tpu.memref_squeeze %dma_start3A_95 : memref<1x1x128xi32, #tpu.memory_space<vmem>> -> memref<128xi32, #tpu.memory_space<vmem>>
        %dma_start3A_97 = tpu.memref_slice %arg4[%dma_start3A, %mul3A_85] : memref<2x320000xi32, #tpu.memory_space<hbm>> -> memref<1x128xi32, #tpu.memory_space<hbm>>
        %dma_start3A_98 = tpu.memref_squeeze %dma_start3A_97 : memref<1x128xi32, #tpu.memory_space<hbm>> -> memref<128xi32, #tpu.memory_space<hbm>>
        tpu.enqueue_dma source(%dma_start3A_98 : memref<128xi32, #tpu.memory_space<hbm>>) target(%dma_start3A_96 : memref<128xi32, #tpu.memory_space<vmem>>) target_semaphore(%dma_start3A_93 : memref<!tpu.dma_semaphore, #tpu.memory_space<semaphore_mem>>)
        %dma_start3A_99 = arith.constant 1 : i32
        %dma_start3A_100 = arith.constant 1 : i32
        %dma_start3A_101 = arith.constant 0 : i32
        %dma_start3A_102 = tpu.memref_slice %arg7[%select_n3A_80, %dma_start3A_100, %dma_start3A_101] : memref<10x2x128xi32, #tpu.memory_space<vmem>> -> memref<1x1x128xi32, #tpu.memory_space<vmem>>
        %dma_start3A_103 = tpu.memref_squeeze %dma_start3A_102 : memref<1x1x128xi32, #tpu.memory_space<vmem>> -> memref<128xi32, #tpu.memory_space<vmem>>
        %dma_start3A_104 = tpu.memref_slice %arg4[%dma_start3A_99, %mul3A_85] : memref<2x320000xi32, #tpu.memory_space<hbm>> -> memref<1x128xi32, #tpu.memory_space<hbm>>
        %dma_start3A_105 = tpu.memref_squeeze %dma_start3A_104 : memref<1x128xi32, #tpu.memory_space<hbm>> -> memref<128xi32, #tpu.memory_space<hbm>>
        %dma_start3A_106 = tpu.memref_slice %arg10[%select_n3A_80] : memref<10x!tpu.dma_semaphore, #tpu.memory_space<semaphore_mem>> -> memref<1x!tpu.dma_semaphore, #tpu.memory_space<semaphore_mem>>
        %dma_start3A_107 = tpu.memref_squeeze %dma_start3A_106 : memref<1x!tpu.dma_semaphore, #tpu.memory_space<semaphore_mem>> -> memref<!tpu.dma_semaphore, #tpu.memory_space<semaphore_mem>>
        %dma_start3A_108 = arith.constant 0 : i32
        %dma_start3A_109 = tpu.memref_slice %arg7[%select_n3A_80, %dma_start3A_100, %dma_start3A_108] : memref<10x2x128xi32, #tpu.memory_space<vmem>> -> memref<1x1x128xi32, #tpu.memory_space<vmem>>
        %dma_start3A_110 = tpu.memref_squeeze %dma_start3A_109 : memref<1x1x128xi32, #tpu.memory_space<vmem>> -> memref<128xi32, #tpu.memory_space<vmem>>
        %dma_start3A_111 = tpu.memref_slice %arg4[%dma_start3A_99, %mul3A_85] : memref<2x320000xi32, #tpu.memory_space<hbm>> -> memref<1x128xi32, #tpu.memory_space<hbm>>
        %dma_start3A_112 = tpu.memref_squeeze %dma_start3A_111 : memref<1x128xi32, #tpu.memory_space<hbm>> -> memref<128xi32, #tpu.memory_space<hbm>>
        tpu.enqueue_dma source(%dma_start3A_112 : memref<128xi32, #tpu.memory_space<hbm>>) target(%dma_start3A_110 : memref<128xi32, #tpu.memory_space<vmem>>) target_semaphore(%dma_start3A_107 : memref<!tpu.dma_semaphore, #tpu.memory_space<semaphore_mem>>)
        %ge3A_113 = arith.constant 1 : i32
        %ge3A_114 = arith.cmpi sge, %while3A_63, %ge3A_113 : i32
        %convert_element_type3A_115 = arith.extui %ge3A_114 : i1 to i32
        %cond3A_116 = arith.constant 0 : i32
        %cond3A_117 = arith.cmpi ne, %convert_element_type3A_115, %cond3A_116 : i32
        scf.if %cond3A_117 {
          %sub3A_123 = arith.constant 1 : i32
          %sub3A_124 = arith.subi %while3A_63, %sub3A_123 : i32
          %jit3A_125 = arith.constant 10 : i32
          %eq3A_126 = arith.constant 0 : i32
          %eq3A_127 = arith.cmpi eq, %jit3A_125, %eq3A_126 : i32
          %jit3A_128 = arith.constant 1 : i32
          %select_n3A_129 = arith.select %eq3A_127, %jit3A_128, %jit3A_125 : i32
          %rem3A_130 = arith.remsi %sub3A_124, %select_n3A_129 : i32
          %ne3A_131 = arith.constant 0 : i32
          %ne3A_132 = arith.cmpi ne, %rem3A_130, %ne3A_131 : i32
          %lt3A_133 = arith.constant 0 : i32
          %lt3A_134 = arith.cmpi slt, %rem3A_130, %lt3A_133 : i32
          %lt3A_135 = arith.constant 0 : i32
          %lt3A_136 = arith.cmpi slt, %select_n3A_129, %lt3A_135 : i32
          %ne3A_137 = arith.xori %lt3A_134, %lt3A_136 : i1
          %and3A_138 = arith.andi %ne3A_137, %ne3A_132 : i1
          %add3A_139 = arith.addi %rem3A_130, %select_n3A_129 : i32
          %select_n3A_140 = arith.select %and3A_138, %add3A_139, %rem3A_130 : i32
          %dma_wait3A = arith.constant 0 : i32
          %dma_wait3A_141 = arith.constant 0 : i32
          %dma_wait3A_142 = tpu.memref_slice %arg7[%select_n3A_140, %dma_wait3A, %dma_wait3A_141] : memref<10x2x128xi32, #tpu.memory_space<vmem>> -> memref<1x2x128xi32, #tpu.memory_space<vmem>>
          %dma_wait3A_143 = tpu.memref_squeeze %dma_wait3A_142 : memref<1x2x128xi32, #tpu.memory_space<vmem>> -> memref<2x128xi32, #tpu.memory_space<vmem>>
          %dma_wait3A_144 = arith.constant 0 : i32
          %dma_wait3A_145 = arith.constant 0 : i32
          %dma_wait3A_146 = tpu.memref_slice %arg4[%dma_wait3A_144, %dma_wait3A_145] : memref<2x320000xi32, #tpu.memory_space<hbm>> -> memref<2x128xi32, #tpu.memory_space<hbm>>
          %dma_wait3A_147 = tpu.memref_slice %arg10[%select_n3A_140] : memref<10x!tpu.dma_semaphore, #tpu.memory_space<semaphore_mem>> -> memref<1x!tpu.dma_semaphore, #tpu.memory_space<semaphore_mem>>
          %dma_wait3A_148 = tpu.memref_squeeze %dma_wait3A_147 : memref<1x!tpu.dma_semaphore, #tpu.memory_space<semaphore_mem>> -> memref<!tpu.dma_semaphore, #tpu.memory_space<semaphore_mem>>
          %dma_wait3A_149 = arith.constant 0 : i32
          %dma_wait3A_150 = arith.constant 0 : i32
          %dma_wait3A_151 = tpu.memref_slice %arg7[%select_n3A_140, %dma_wait3A_149, %dma_wait3A_150] : memref<10x2x128xi32, #tpu.memory_space<vmem>> -> memref<1x2x128xi32, #tpu.memory_space<vmem>>
          %dma_wait3A_152 = tpu.memref_squeeze %dma_wait3A_151 : memref<1x2x128xi32, #tpu.memory_space<vmem>> -> memref<2x128xi32, #tpu.memory_space<vmem>>
          %dma_wait3A_153 = arith.constant 0 : i32
          %dma_wait3A_154 = arith.constant 0 : i32
          %dma_wait3A_155 = tpu.memref_slice %arg4[%dma_wait3A_153, %dma_wait3A_154] : memref<2x320000xi32, #tpu.memory_space<hbm>> -> memref<2x128xi32, #tpu.memory_space<hbm>>
          tpu.wait_dma2 semaphore(%dma_wait3A_148 : memref<!tpu.dma_semaphore, #tpu.memory_space<semaphore_mem>>) src(%dma_wait3A_155 : memref<2x128xi32, #tpu.memory_space<hbm>>) dst(%dma_wait3A_152 : memref<2x128xi32, #tpu.memory_space<vmem>>)
          %sub3A_156 = arith.constant 1 : i32
          %sub3A_157 = arith.subi %while3A_63, %sub3A_156 : i32
          %jit3A_158 = arith.constant 10 : i32
          %eq3A_159 = arith.constant 0 : i32
          %eq3A_160 = arith.cmpi eq, %jit3A_158, %eq3A_159 : i32
          %jit3A_161 = arith.constant 1 : i32
          %select_n3A_162 = arith.select %eq3A_160, %jit3A_161, %jit3A_158 : i32
          %rem3A_163 = arith.remsi %sub3A_157, %select_n3A_162 : i32
          %ne3A_164 = arith.constant 0 : i32
          %ne3A_165 = arith.cmpi ne, %rem3A_163, %ne3A_164 : i32
          %lt3A_166 = arith.constant 0 : i32
          %lt3A_167 = arith.cmpi slt, %rem3A_163, %lt3A_166 : i32
          %lt3A_168 = arith.constant 0 : i32
          %lt3A_169 = arith.cmpi slt, %select_n3A_162, %lt3A_168 : i32
          %ne3A_170 = arith.xori %lt3A_167, %lt3A_169 : i1
          %and3A_171 = arith.andi %ne3A_170, %ne3A_165 : i1
          %add3A_172 = arith.addi %rem3A_163, %select_n3A_162 : i32
          %select_n3A_173 = arith.select %and3A_171, %add3A_172, %rem3A_163 : i32
          %dma_start3A_174 = arith.constant 0 : i32
          %dma_start3A_175 = arith.constant 0 : i32
          %dma_start3A_176 = arith.constant 0 : i32
          %dma_start3A_177 = tpu.memref_slice %arg8[%select_n3A_173, %dma_start3A_175, %dma_start3A_176] : memref<10x128x64xf32, #tpu.memory_space<vmem>> -> memref<1x128x64xf32, #tpu.memory_space<vmem>>
          %dma_start3A_178 = tpu.memref_squeeze %dma_start3A_177 : memref<1x128x64xf32, #tpu.memory_space<vmem>> -> memref<128x64xf32, #tpu.memory_space<vmem>>
          %dma_start3A_179 = arith.constant 0 : i32
          %dma_start3A_180 = tpu.memref_slice %arg7[%select_n3A_173, %dma_start3A_174, %dma_start3A_179] : memref<10x2x128xi32, #tpu.memory_space<vmem>> -> memref<1x1x128xi32, #tpu.memory_space<vmem>>
          %dma_start3A_181 = tpu.memref_squeeze %dma_start3A_180 : memref<1x1x128xi32, #tpu.memory_space<vmem>> -> memref<128xi32, #tpu.memory_space<vmem>>
          %dma_start3A_182 = arith.constant 0 : i32
          %dma_start3A_183 = arith.constant 0 : i32
          %dma_start3A_184 = tpu.memref_slice %arg2[%dma_start3A_182, %dma_start3A_183] : memref<10000x64xf32, #tpu.memory_space<hbm>> -> memref<10000x64xf32, #tpu.memory_space<hbm>>
          %dma_start3A_185 = tpu.memref_slice %arg11[%select_n3A_173] : memref<10x!tpu.dma_semaphore, #tpu.memory_space<semaphore_mem>> -> memref<1x!tpu.dma_semaphore, #tpu.memory_space<semaphore_mem>>
          %dma_start3A_186 = tpu.memref_squeeze %dma_start3A_185 : memref<1x!tpu.dma_semaphore, #tpu.memory_space<semaphore_mem>> -> memref<!tpu.dma_semaphore, #tpu.memory_space<semaphore_mem>>
          tpu.enqueue_indirect_dma source(%dma_start3A_184 : memref<10000x64xf32, #tpu.memory_space<hbm>>) target(%dma_start3A_178 : memref<128x64xf32, #tpu.memory_space<vmem>>) offsets(%dma_start3A_181 : memref<128xi32, #tpu.memory_space<vmem>>) semaphore(%dma_start3A_186 : memref<!tpu.dma_semaphore, #tpu.memory_space<semaphore_mem>>)
        } else {
        }
        %ge3A_118 = arith.constant 5 : i32
        %ge3A_119 = arith.cmpi sge, %while3A_63, %ge3A_118 : i32
        %convert_element_type3A_120 = arith.extui %ge3A_119 : i1 to i32
        %cond3A_121 = arith.constant 0 : i32
        %cond3A_122 = arith.cmpi ne, %convert_element_type3A_120, %cond3A_121 : i32
        scf.if %cond3A_122 {
          %sub3A_123 = arith.constant 5 : i32
          %sub3A_124 = arith.subi %while3A_63, %sub3A_123 : i32
          %jit3A_125 = arith.constant 10 : i32
          %eq3A_126 = arith.constant 0 : i32
          %eq3A_127 = arith.cmpi eq, %jit3A_125, %eq3A_126 : i32
          %jit3A_128 = arith.constant 1 : i32
          %select_n3A_129 = arith.select %eq3A_127, %jit3A_128, %jit3A_125 : i32
          %rem3A_130 = arith.remsi %sub3A_124, %select_n3A_129 : i32
          %ne3A_131 = arith.constant 0 : i32
          %ne3A_132 = arith.cmpi ne, %rem3A_130, %ne3A_131 : i32
          %lt3A_133 = arith.constant 0 : i32
          %lt3A_134 = arith.cmpi slt, %rem3A_130, %lt3A_133 : i32
          %lt3A_135 = arith.constant 0 : i32
          %lt3A_136 = arith.cmpi slt, %select_n3A_129, %lt3A_135 : i32
          %ne3A_137 = arith.xori %lt3A_134, %lt3A_136 : i1
          %and3A_138 = arith.andi %ne3A_137, %ne3A_132 : i1
          %add3A_139 = arith.addi %rem3A_130, %select_n3A_129 : i32
          %select_n3A_140 = arith.select %and3A_138, %add3A_139, %rem3A_130 : i32
          %dma_wait3A = arith.constant 0 : i32
          %dma_wait3A_141 = arith.constant 0 : i32
          %dma_wait3A_142 = arith.constant 0 : i32
          %dma_wait3A_143 = tpu.memref_slice %arg8[%select_n3A_140, %dma_wait3A_141, %dma_wait3A_142] : memref<10x128x64xf32, #tpu.memory_space<vmem>> -> memref<1x128x64xf32, #tpu.memory_space<vmem>>
          %dma_wait3A_144 = tpu.memref_squeeze %dma_wait3A_143 : memref<1x128x64xf32, #tpu.memory_space<vmem>> -> memref<128x64xf32, #tpu.memory_space<vmem>>
          %dma_wait3A_145 = arith.constant 0 : i32
          %dma_wait3A_146 = tpu.memref_slice %arg7[%select_n3A_140, %dma_wait3A, %dma_wait3A_145] : memref<10x2x128xi32, #tpu.memory_space<vmem>> -> memref<1x1x128xi32, #tpu.memory_space<vmem>>
          %dma_wait3A_147 = tpu.memref_squeeze %dma_wait3A_146 : memref<1x1x128xi32, #tpu.memory_space<vmem>> -> memref<128xi32, #tpu.memory_space<vmem>>
          %dma_wait3A_148 = arith.constant 0 : i32
          %dma_wait3A_149 = arith.constant 0 : i32
          %dma_wait3A_150 = tpu.memref_slice %arg2[%dma_wait3A_148, %dma_wait3A_149] : memref<10000x64xf32, #tpu.memory_space<hbm>> -> memref<10000x64xf32, #tpu.memory_space<hbm>>
          %dma_wait3A_151 = tpu.memref_slice %arg11[%select_n3A_140] : memref<10x!tpu.dma_semaphore, #tpu.memory_space<semaphore_mem>> -> memref<1x!tpu.dma_semaphore, #tpu.memory_space<semaphore_mem>>
          %dma_wait3A_152 = tpu.memref_squeeze %dma_wait3A_151 : memref<1x!tpu.dma_semaphore, #tpu.memory_space<semaphore_mem>> -> memref<!tpu.dma_semaphore, #tpu.memory_space<semaphore_mem>>
          tpu.wait_indirect_dma semaphore(%dma_wait3A_152 : memref<!tpu.dma_semaphore, #tpu.memory_space<semaphore_mem>>) src(%dma_wait3A_150 : memref<10000x64xf32, #tpu.memory_space<hbm>>) dst(%dma_wait3A_144 : memref<128x64xf32, #tpu.memory_space<vmem>>)
          %sub3A_153 = arith.constant 5 : i32
          %sub3A_154 = arith.subi %while3A_63, %sub3A_153 : i32
          %jit3A_155 = arith.constant 10 : i32
          %eq3A_156 = arith.constant 0 : i32
          %eq3A_157 = arith.cmpi eq, %jit3A_155, %eq3A_156 : i32
          %jit3A_158 = arith.constant 1 : i32
          %select_n3A_159 = arith.select %eq3A_157, %jit3A_158, %jit3A_155 : i32
          %rem3A_160 = arith.remsi %sub3A_154, %select_n3A_159 : i32
          %ne3A_161 = arith.constant 0 : i32
          %ne3A_162 = arith.cmpi ne, %rem3A_160, %ne3A_161 : i32
          %lt3A_163 = arith.constant 0 : i32
          %lt3A_164 = arith.cmpi slt, %rem3A_160, %lt3A_163 : i32
          %lt3A_165 = arith.constant 0 : i32
          %lt3A_166 = arith.cmpi slt, %select_n3A_159, %lt3A_165 : i32
          %ne3A_167 = arith.xori %lt3A_164, %lt3A_166 : i1
          %and3A_168 = arith.andi %ne3A_167, %ne3A_162 : i1
          %add3A_169 = arith.addi %rem3A_160, %select_n3A_159 : i32
          %select_n3A_170 = arith.select %and3A_168, %add3A_169, %rem3A_160 : i32
          %dma_start3A_171 = arith.constant 1 : i32
          %dma_start3A_172 = arith.constant 0 : i32
          %dma_start3A_173 = arith.constant 0 : i32
          %dma_start3A_174 = tpu.memref_slice %arg8[%select_n3A_170, %dma_start3A_172, %dma_start3A_173] : memref<10x128x64xf32, #tpu.memory_space<vmem>> -> memref<1x128x64xf32, #tpu.memory_space<vmem>>
          %dma_start3A_175 = tpu.memref_squeeze %dma_start3A_174 : memref<1x128x64xf32, #tpu.memory_space<vmem>> -> memref<128x64xf32, #tpu.memory_space<vmem>>
          %dma_start3A_176 = arith.constant 0 : i32
          %dma_start3A_177 = tpu.memref_slice %arg7[%select_n3A_170, %dma_start3A_171, %dma_start3A_176] : memref<10x2x128xi32, #tpu.memory_space<vmem>> -> memref<1x1x128xi32, #tpu.memory_space<vmem>>
          %dma_start3A_178 = tpu.memref_squeeze %dma_start3A_177 : memref<1x1x128xi32, #tpu.memory_space<vmem>> -> memref<128xi32, #tpu.memory_space<vmem>>
          %dma_start3A_179 = arith.constant 0 : i32
          %dma_start3A_180 = arith.constant 0 : i32
          %dma_start3A_181 = tpu.memref_slice %arg9[%dma_start3A_179, %dma_start3A_180] : memref<10240x64xf32, #tpu.memory_space<vmem_shared>> -> memref<10240x64xf32, #tpu.memory_space<vmem_shared>>
          %dma_start3A_182 = tpu.memref_slice %arg12[%select_n3A_170] : memref<10x!tpu.dma_semaphore, #tpu.memory_space<semaphore_mem>> -> memref<1x!tpu.dma_semaphore, #tpu.memory_space<semaphore_mem>>
          %dma_start3A_183 = tpu.memref_squeeze %dma_start3A_182 : memref<1x!tpu.dma_semaphore, #tpu.memory_space<semaphore_mem>> -> memref<!tpu.dma_semaphore, #tpu.memory_space<semaphore_mem>>
          tpu.enqueue_indirect_dma source(%dma_start3A_175 : memref<128x64xf32, #tpu.memory_space<vmem>>) target(%dma_start3A_181 : memref<10240x64xf32, #tpu.memory_space<vmem_shared>>) offsets(%dma_start3A_178 : memref<128xi32, #tpu.memory_space<vmem>>) semaphore(%dma_start3A_183 : memref<!tpu.dma_semaphore, #tpu.memory_space<semaphore_mem>>) {add = true}
        } else {
        }
      }
      %while3A_30 = arith.constant 1 : i32
      scf.for %while3A_63 = %while3A_28 to %while3A_24 step %while3A_30  : i32 {
        %ge3A = arith.constant 10 : i32
        %ge3A_64 = arith.cmpi sge, %while3A_63, %ge3A : i32
        %convert_element_type3A_65 = arith.extui %ge3A_64 : i1 to i32
        %cond3A_66 = arith.constant 0 : i32
        %cond3A_67 = arith.cmpi ne, %convert_element_type3A_65, %cond3A_66 : i32
        scf.if %cond3A_67 {
          %jit3A_123 = arith.constant 10 : i32
          %eq3A_124 = arith.constant 0 : i32
          %eq3A_125 = arith.cmpi eq, %jit3A_123, %eq3A_124 : i32
          %jit3A_126 = arith.constant 1 : i32
          %select_n3A_127 = arith.select %eq3A_125, %jit3A_126, %jit3A_123 : i32
          %rem3A_128 = arith.remsi %while3A_63, %select_n3A_127 : i32
          %ne3A_129 = arith.constant 0 : i32
          %ne3A_130 = arith.cmpi ne, %rem3A_128, %ne3A_129 : i32
          %lt3A_131 = arith.constant 0 : i32
          %lt3A_132 = arith.cmpi slt, %rem3A_128, %lt3A_131 : i32
          %lt3A_133 = arith.constant 0 : i32
          %lt3A_134 = arith.cmpi slt, %select_n3A_127, %lt3A_133 : i32
          %ne3A_135 = arith.xori %lt3A_132, %lt3A_134 : i1
          %and3A_136 = arith.andi %ne3A_135, %ne3A_130 : i1
          %add3A_137 = arith.addi %rem3A_128, %select_n3A_127 : i32
          %select_n3A_138 = arith.select %and3A_136, %add3A_137, %rem3A_128 : i32
          %dma_wait3A = arith.constant 1 : i32
          %dma_wait3A_139 = arith.constant 0 : i32
          %dma_wait3A_140 = arith.constant 0 : i32
          %dma_wait3A_141 = tpu.memref_slice %arg8[%select_n3A_138, %dma_wait3A_139, %dma_wait3A_140] : memref<10x128x64xf32, #tpu.memory_space<vmem>> -> memref<1x128x64xf32, #tpu.memory_space<vmem>>
          %dma_wait3A_142 = tpu.memref_squeeze %dma_wait3A_141 : memref<1x128x64xf32, #tpu.memory_space<vmem>> -> memref<128x64xf32, #tpu.memory_space<vmem>>
          %dma_wait3A_143 = arith.constant 0 : i32
          %dma_wait3A_144 = tpu.memref_slice %arg7[%select_n3A_138, %dma_wait3A, %dma_wait3A_143] : memref<10x2x128xi32, #tpu.memory_space<vmem>> -> memref<1x1x128xi32, #tpu.memory_space<vmem>>
          %dma_wait3A_145 = tpu.memref_squeeze %dma_wait3A_144 : memref<1x1x128xi32, #tpu.memory_space<vmem>> -> memref<128xi32, #tpu.memory_space<vmem>>
          %dma_wait3A_146 = arith.constant 0 : i32
          %dma_wait3A_147 = arith.constant 0 : i32
          %dma_wait3A_148 = tpu.memref_slice %arg9[%dma_wait3A_146, %dma_wait3A_147] : memref<10240x64xf32, #tpu.memory_space<vmem_shared>> -> memref<10240x64xf32, #tpu.memory_space<vmem_shared>>
          %dma_wait3A_149 = tpu.memref_slice %arg12[%select_n3A_138] : memref<10x!tpu.dma_semaphore, #tpu.memory_space<semaphore_mem>> -> memref<1x!tpu.dma_semaphore, #tpu.memory_space<semaphore_mem>>
          %dma_wait3A_150 = tpu.memref_squeeze %dma_wait3A_149 : memref<1x!tpu.dma_semaphore, #tpu.memory_space<semaphore_mem>> -> memref<!tpu.dma_semaphore, #tpu.memory_space<semaphore_mem>>
          tpu.wait_indirect_dma semaphore(%dma_wait3A_150 : memref<!tpu.dma_semaphore, #tpu.memory_space<semaphore_mem>>) src(%dma_wait3A_142 : memref<128x64xf32, #tpu.memory_space<vmem>>) dst(%dma_wait3A_148 : memref<10240x64xf32, #tpu.memory_space<vmem_shared>>)
        } else {
        }
        %jit3A_68 = arith.constant 10 : i32
        %eq3A_69 = arith.constant 0 : i32
        %eq3A_70 = arith.cmpi eq, %jit3A_68, %eq3A_69 : i32
        %jit3A_71 = arith.constant 1 : i32
        %select_n3A_72 = arith.select %eq3A_70, %jit3A_71, %jit3A_68 : i32
        %rem3A = arith.remsi %while3A_63, %select_n3A_72 : i32
        %ne3A = arith.constant 0 : i32
        %ne3A_73 = arith.cmpi ne, %rem3A, %ne3A : i32
        %lt3A_74 = arith.constant 0 : i32
        %lt3A_75 = arith.cmpi slt, %rem3A, %lt3A_74 : i32
        %lt3A_76 = arith.constant 0 : i32
        %lt3A_77 = arith.cmpi slt, %select_n3A_72, %lt3A_76 : i32
        %ne3A_78 = arith.xori %lt3A_75, %lt3A_77 : i1
        %and3A = arith.andi %ne3A_78, %ne3A_73 : i1
        %add3A_79 = arith.addi %rem3A, %select_n3A_72 : i32
        %select_n3A_80 = arith.select %and3A, %add3A_79, %rem3A : i32
        %mul3A_81 = arith.constant 16 : i32
        %mul3A_82 = arith.muli %mul3A_81, %while3A_63 : i32
        %add3A_83 = arith.addi %arg1, %mul3A_82 : i32
        %mul3A_84 = arith.constant 128 : i32
        %mul3A_85 = arith.muli %add3A_83, %mul3A_84 : i32
        %dma_start3A = arith.constant 0 : i32
        %dma_start3A_86 = arith.constant 0 : i32
        %dma_start3A_87 = arith.constant 0 : i32
        %dma_start3A_88 = tpu.memref_slice %arg7[%select_n3A_80, %dma_start3A_86, %dma_start3A_87] : memref<10x2x128xi32, #tpu.memory_space<vmem>> -> memref<1x1x128xi32, #tpu.memory_space<vmem>>
        %dma_start3A_89 = tpu.memref_squeeze %dma_start3A_88 : memref<1x1x128xi32, #tpu.memory_space<vmem>> -> memref<128xi32, #tpu.memory_space<vmem>>
        %dma_start3A_90 = tpu.memref_slice %arg4[%dma_start3A, %mul3A_85] : memref<2x320000xi32, #tpu.memory_space<hbm>> -> memref<1x128xi32, #tpu.memory_space<hbm>>
        %dma_start3A_91 = tpu.memref_squeeze %dma_start3A_90 : memref<1x128xi32, #tpu.memory_space<hbm>> -> memref<128xi32, #tpu.memory_space<hbm>>
        %dma_start3A_92 = tpu.memref_slice %arg10[%select_n3A_80] : memref<10x!tpu.dma_semaphore, #tpu.memory_space<semaphore_mem>> -> memref<1x!tpu.dma_semaphore, #tpu.memory_space<semaphore_mem>>
        %dma_start3A_93 = tpu.memref_squeeze %dma_start3A_92 : memref<1x!tpu.dma_semaphore, #tpu.memory_space<semaphore_mem>> -> memref<!tpu.dma_semaphore, #tpu.memory_space<semaphore_mem>>
        %dma_start3A_94 = arith.constant 0 : i32
        %dma_start3A_95 = tpu.memref_slice %arg7[%select_n3A_80, %dma_start3A_86, %dma_start3A_94] : memref<10x2x128xi32, #tpu.memory_space<vmem>> -> memref<1x1x128xi32, #tpu.memory_space<vmem>>
        %dma_start3A_96 = tpu.memref_squeeze %dma_start3A_95 : memref<1x1x128xi32, #tpu.memory_space<vmem>> -> memref<128xi32, #tpu.memory_space<vmem>>
        %dma_start3A_97 = tpu.memref_slice %arg4[%dma_start3A, %mul3A_85] : memref<2x320000xi32, #tpu.memory_space<hbm>> -> memref<1x128xi32, #tpu.memory_space<hbm>>
        %dma_start3A_98 = tpu.memref_squeeze %dma_start3A_97 : memref<1x128xi32, #tpu.memory_space<hbm>> -> memref<128xi32, #tpu.memory_space<hbm>>
        tpu.enqueue_dma source(%dma_start3A_98 : memref<128xi32, #tpu.memory_space<hbm>>) target(%dma_start3A_96 : memref<128xi32, #tpu.memory_space<vmem>>) target_semaphore(%dma_start3A_93 : memref<!tpu.dma_semaphore, #tpu.memory_space<semaphore_mem>>)
        %dma_start3A_99 = arith.constant 1 : i32
        %dma_start3A_100 = arith.constant 1 : i32
        %dma_start3A_101 = arith.constant 0 : i32
        %dma_start3A_102 = tpu.memref_slice %arg7[%select_n3A_80, %dma_start3A_100, %dma_start3A_101] : memref<10x2x128xi32, #tpu.memory_space<vmem>> -> memref<1x1x128xi32, #tpu.memory_space<vmem>>
        %dma_start3A_103 = tpu.memref_squeeze %dma_start3A_102 : memref<1x1x128xi32, #tpu.memory_space<vmem>> -> memref<128xi32, #tpu.memory_space<vmem>>
        %dma_start3A_104 = tpu.memref_slice %arg4[%dma_start3A_99, %mul3A_85] : memref<2x320000xi32, #tpu.memory_space<hbm>> -> memref<1x128xi32, #tpu.memory_space<hbm>>
        %dma_start3A_105 = tpu.memref_squeeze %dma_start3A_104 : memref<1x128xi32, #tpu.memory_space<hbm>> -> memref<128xi32, #tpu.memory_space<hbm>>
        %dma_start3A_106 = tpu.memref_slice %arg10[%select_n3A_80] : memref<10x!tpu.dma_semaphore, #tpu.memory_space<semaphore_mem>> -> memref<1x!tpu.dma_semaphore, #tpu.memory_space<semaphore_mem>>
        %dma_start3A_107 = tpu.memref_squeeze %dma_start3A_106 : memref<1x!tpu.dma_semaphore, #tpu.memory_space<semaphore_mem>> -> memref<!tpu.dma_semaphore, #tpu.memory_space<semaphore_mem>>
        %dma_start3A_108 = arith.constant 0 : i32
        %dma_start3A_109 = tpu.memref_slice %arg7[%select_n3A_80, %dma_start3A_100, %dma_start3A_108] : memref<10x2x128xi32, #tpu.memory_space<vmem>> -> memref<1x1x128xi32, #tpu.memory_space<vmem>>
        %dma_start3A_110 = tpu.memref_squeeze %dma_start3A_109 : memref<1x1x128xi32, #tpu.memory_space<vmem>> -> memref<128xi32, #tpu.memory_space<vmem>>
        %dma_start3A_111 = tpu.memref_slice %arg4[%dma_start3A_99, %mul3A_85] : memref<2x320000xi32, #tpu.memory_space<hbm>> -> memref<1x128xi32, #tpu.memory_space<hbm>>
        %dma_start3A_112 = tpu.memref_squeeze %dma_start3A_111 : memref<1x128xi32, #tpu.memory_space<hbm>> -> memref<128xi32, #tpu.memory_space<hbm>>
        tpu.enqueue_dma source(%dma_start3A_112 : memref<128xi32, #tpu.memory_space<hbm>>) target(%dma_start3A_110 : memref<128xi32, #tpu.memory_space<vmem>>) target_semaphore(%dma_start3A_107 : memref<!tpu.dma_semaphore, #tpu.memory_space<semaphore_mem>>)
        %ge3A_113 = arith.constant 1 : i32
        %ge3A_114 = arith.cmpi sge, %while3A_63, %ge3A_113 : i32
        %convert_element_type3A_115 = arith.extui %ge3A_114 : i1 to i32
        %cond3A_116 = arith.constant 0 : i32
        %cond3A_117 = arith.cmpi ne, %convert_element_type3A_115, %cond3A_116 : i32
        scf.if %cond3A_117 {
          %sub3A_123 = arith.constant 1 : i32
          %sub3A_124 = arith.subi %while3A_63, %sub3A_123 : i32
          %jit3A_125 = arith.constant 10 : i32
          %eq3A_126 = arith.constant 0 : i32
          %eq3A_127 = arith.cmpi eq, %jit3A_125, %eq3A_126 : i32
          %jit3A_128 = arith.constant 1 : i32
          %select_n3A_129 = arith.select %eq3A_127, %jit3A_128, %jit3A_125 : i32
          %rem3A_130 = arith.remsi %sub3A_124, %select_n3A_129 : i32
          %ne3A_131 = arith.constant 0 : i32
          %ne3A_132 = arith.cmpi ne, %rem3A_130, %ne3A_131 : i32
          %lt3A_133 = arith.constant 0 : i32
          %lt3A_134 = arith.cmpi slt, %rem3A_130, %lt3A_133 : i32
          %lt3A_135 = arith.constant 0 : i32
          %lt3A_136 = arith.cmpi slt, %select_n3A_129, %lt3A_135 : i32
          %ne3A_137 = arith.xori %lt3A_134, %lt3A_136 : i1
          %and3A_138 = arith.andi %ne3A_137, %ne3A_132 : i1
          %add3A_139 = arith.addi %rem3A_130, %select_n3A_129 : i32
          %select_n3A_140 = arith.select %and3A_138, %add3A_139, %rem3A_130 : i32
          %dma_wait3A = arith.constant 0 : i32
          %dma_wait3A_141 = arith.constant 0 : i32
          %dma_wait3A_142 = tpu.memref_slice %arg7[%select_n3A_140, %dma_wait3A, %dma_wait3A_141] : memref<10x2x128xi32, #tpu.memory_space<vmem>> -> memref<1x2x128xi32, #tpu.memory_space<vmem>>
          %dma_wait3A_143 = tpu.memref_squeeze %dma_wait3A_142 : memref<1x2x128xi32, #tpu.memory_space<vmem>> -> memref<2x128xi32, #tpu.memory_space<vmem>>
          %dma_wait3A_144 = arith.constant 0 : i32
          %dma_wait3A_145 = arith.constant 0 : i32
          %dma_wait3A_146 = tpu.memref_slice %arg4[%dma_wait3A_144, %dma_wait3A_145] : memref<2x320000xi32, #tpu.memory_space<hbm>> -> memref<2x128xi32, #tpu.memory_space<hbm>>
          %dma_wait3A_147 = tpu.memref_slice %arg10[%select_n3A_140] : memref<10x!tpu.dma_semaphore, #tpu.memory_space<semaphore_mem>> -> memref<1x!tpu.dma_semaphore, #tpu.memory_space<semaphore_mem>>
          %dma_wait3A_148 = tpu.memref_squeeze %dma_wait3A_147 : memref<1x!tpu.dma_semaphore, #tpu.memory_space<semaphore_mem>> -> memref<!tpu.dma_semaphore, #tpu.memory_space<semaphore_mem>>
          %dma_wait3A_149 = arith.constant 0 : i32
          %dma_wait3A_150 = arith.constant 0 : i32
          %dma_wait3A_151 = tpu.memref_slice %arg7[%select_n3A_140, %dma_wait3A_149, %dma_wait3A_150] : memref<10x2x128xi32, #tpu.memory_space<vmem>> -> memref<1x2x128xi32, #tpu.memory_space<vmem>>
          %dma_wait3A_152 = tpu.memref_squeeze %dma_wait3A_151 : memref<1x2x128xi32, #tpu.memory_space<vmem>> -> memref<2x128xi32, #tpu.memory_space<vmem>>
          %dma_wait3A_153 = arith.constant 0 : i32
          %dma_wait3A_154 = arith.constant 0 : i32
          %dma_wait3A_155 = tpu.memref_slice %arg4[%dma_wait3A_153, %dma_wait3A_154] : memref<2x320000xi32, #tpu.memory_space<hbm>> -> memref<2x128xi32, #tpu.memory_space<hbm>>
          tpu.wait_dma2 semaphore(%dma_wait3A_148 : memref<!tpu.dma_semaphore, #tpu.memory_space<semaphore_mem>>) src(%dma_wait3A_155 : memref<2x128xi32, #tpu.memory_space<hbm>>) dst(%dma_wait3A_152 : memref<2x128xi32, #tpu.memory_space<vmem>>)
          %sub3A_156 = arith.constant 1 : i32
          %sub3A_157 = arith.subi %while3A_63, %sub3A_156 : i32
          %jit3A_158 = arith.constant 10 : i32
          %eq3A_159 = arith.constant 0 : i32
          %eq3A_160 = arith.cmpi eq, %jit3A_158, %eq3A_159 : i32
          %jit3A_161 = arith.constant 1 : i32
          %select_n3A_162 = arith.select %eq3A_160, %jit3A_161, %jit3A_158 : i32
          %rem3A_163 = arith.remsi %sub3A_157, %select_n3A_162 : i32
          %ne3A_164 = arith.constant 0 : i32
          %ne3A_165 = arith.cmpi ne, %rem3A_163, %ne3A_164 : i32
          %lt3A_166 = arith.constant 0 : i32
          %lt3A_167 = arith.cmpi slt, %rem3A_163, %lt3A_166 : i32
          %lt3A_168 = arith.constant 0 : i32
          %lt3A_169 = arith.cmpi slt, %select_n3A_162, %lt3A_168 : i32
          %ne3A_170 = arith.xori %lt3A_167, %lt3A_169 : i1
          %and3A_171 = arith.andi %ne3A_170, %ne3A_165 : i1
          %add3A_172 = arith.addi %rem3A_163, %select_n3A_162 : i32
          %select_n3A_173 = arith.select %and3A_171, %add3A_172, %rem3A_163 : i32
          %dma_start3A_174 = arith.constant 0 : i32
          %dma_start3A_175 = arith.constant 0 : i32
          %dma_start3A_176 = arith.constant 0 : i32
          %dma_start3A_177 = tpu.memref_slice %arg8[%select_n3A_173, %dma_start3A_175, %dma_start3A_176] : memref<10x128x64xf32, #tpu.memory_space<vmem>> -> memref<1x128x64xf32, #tpu.memory_space<vmem>>
          %dma_start3A_178 = tpu.memref_squeeze %dma_start3A_177 : memref<1x128x64xf32, #tpu.memory_space<vmem>> -> memref<128x64xf32, #tpu.memory_space<vmem>>
          %dma_start3A_179 = arith.constant 0 : i32
          %dma_start3A_180 = tpu.memref_slice %arg7[%select_n3A_173, %dma_start3A_174, %dma_start3A_179] : memref<10x2x128xi32, #tpu.memory_space<vmem>> -> memref<1x1x128xi32, #tpu.memory_space<vmem>>
          %dma_start3A_181 = tpu.memref_squeeze %dma_start3A_180 : memref<1x1x128xi32, #tpu.memory_space<vmem>> -> memref<128xi32, #tpu.memory_space<vmem>>
          %dma_start3A_182 = arith.constant 0 : i32
          %dma_start3A_183 = arith.constant 0 : i32
          %dma_start3A_184 = tpu.memref_slice %arg2[%dma_start3A_182, %dma_start3A_183] : memref<10000x64xf32, #tpu.memory_space<hbm>> -> memref<10000x64xf32, #tpu.memory_space<hbm>>
          %dma_start3A_185 = tpu.memref_slice %arg11[%select_n3A_173] : memref<10x!tpu.dma_semaphore, #tpu.memory_space<semaphore_mem>> -> memref<1x!tpu.dma_semaphore, #tpu.memory_space<semaphore_mem>>
          %dma_start3A_186 = tpu.memref_squeeze %dma_start3A_185 : memref<1x!tpu.dma_semaphore, #tpu.memory_space<semaphore_mem>> -> memref<!tpu.dma_semaphore, #tpu.memory_space<semaphore_mem>>
          tpu.enqueue_indirect_dma source(%dma_start3A_184 : memref<10000x64xf32, #tpu.memory_space<hbm>>) target(%dma_start3A_178 : memref<128x64xf32, #tpu.memory_space<vmem>>) offsets(%dma_start3A_181 : memref<128xi32, #tpu.memory_space<vmem>>) semaphore(%dma_start3A_186 : memref<!tpu.dma_semaphore, #tpu.memory_space<semaphore_mem>>)
        } else {
        }
        %ge3A_118 = arith.constant 5 : i32
        %ge3A_119 = arith.cmpi sge, %while3A_63, %ge3A_118 : i32
        %convert_element_type3A_120 = arith.extui %ge3A_119 : i1 to i32
        %cond3A_121 = arith.constant 0 : i32
        %cond3A_122 = arith.cmpi ne, %convert_element_type3A_120, %cond3A_121 : i32
        scf.if %cond3A_122 {
          %sub3A_123 = arith.constant 5 : i32
          %sub3A_124 = arith.subi %while3A_63, %sub3A_123 : i32
          %jit3A_125 = arith.constant 10 : i32
          %eq3A_126 = arith.constant 0 : i32
          %eq3A_127 = arith.cmpi eq, %jit3A_125, %eq3A_126 : i32
          %jit3A_128 = arith.constant 1 : i32
          %select_n3A_129 = arith.select %eq3A_127, %jit3A_128, %jit3A_125 : i32
          %rem3A_130 = arith.remsi %sub3A_124, %select_n3A_129 : i32
          %ne3A_131 = arith.constant 0 : i32
          %ne3A_132 = arith.cmpi ne, %rem3A_130, %ne3A_131 : i32
          %lt3A_133 = arith.constant 0 : i32
          %lt3A_134 = arith.cmpi slt, %rem3A_130, %lt3A_133 : i32
          %lt3A_135 = arith.constant 0 : i32
          %lt3A_136 = arith.cmpi slt, %select_n3A_129, %lt3A_135 : i32
          %ne3A_137 = arith.xori %lt3A_134, %lt3A_136 : i1
          %and3A_138 = arith.andi %ne3A_137, %ne3A_132 : i1
          %add3A_139 = arith.addi %rem3A_130, %select_n3A_129 : i32
          %select_n3A_140 = arith.select %and3A_138, %add3A_139, %rem3A_130 : i32
          %dma_wait3A = arith.constant 0 : i32
          %dma_wait3A_141 = arith.constant 0 : i32
          %dma_wait3A_142 = arith.constant 0 : i32
          %dma_wait3A_143 = tpu.memref_slice %arg8[%select_n3A_140, %dma_wait3A_141, %dma_wait3A_142] : memref<10x128x64xf32, #tpu.memory_space<vmem>> -> memref<1x128x64xf32, #tpu.memory_space<vmem>>
          %dma_wait3A_144 = tpu.memref_squeeze %dma_wait3A_143 : memref<1x128x64xf32, #tpu.memory_space<vmem>> -> memref<128x64xf32, #tpu.memory_space<vmem>>
          %dma_wait3A_145 = arith.constant 0 : i32
          %dma_wait3A_146 = tpu.memref_slice %arg7[%select_n3A_140, %dma_wait3A, %dma_wait3A_145] : memref<10x2x128xi32, #tpu.memory_space<vmem>> -> memref<1x1x128xi32, #tpu.memory_space<vmem>>
          %dma_wait3A_147 = tpu.memref_squeeze %dma_wait3A_146 : memref<1x1x128xi32, #tpu.memory_space<vmem>> -> memref<128xi32, #tpu.memory_space<vmem>>
          %dma_wait3A_148 = arith.constant 0 : i32
          %dma_wait3A_149 = arith.constant 0 : i32
          %dma_wait3A_150 = tpu.memref_slice %arg2[%dma_wait3A_148, %dma_wait3A_149] : memref<10000x64xf32, #tpu.memory_space<hbm>> -> memref<10000x64xf32, #tpu.memory_space<hbm>>
          %dma_wait3A_151 = tpu.memref_slice %arg11[%select_n3A_140] : memref<10x!tpu.dma_semaphore, #tpu.memory_space<semaphore_mem>> -> memref<1x!tpu.dma_semaphore, #tpu.memory_space<semaphore_mem>>
          %dma_wait3A_152 = tpu.memref_squeeze %dma_wait3A_151 : memref<1x!tpu.dma_semaphore, #tpu.memory_space<semaphore_mem>> -> memref<!tpu.dma_semaphore, #tpu.memory_space<semaphore_mem>>
          tpu.wait_indirect_dma semaphore(%dma_wait3A_152 : memref<!tpu.dma_semaphore, #tpu.memory_space<semaphore_mem>>) src(%dma_wait3A_150 : memref<10000x64xf32, #tpu.memory_space<hbm>>) dst(%dma_wait3A_144 : memref<128x64xf32, #tpu.memory_space<vmem>>)
          %sub3A_153 = arith.constant 5 : i32
          %sub3A_154 = arith.subi %while3A_63, %sub3A_153 : i32
          %jit3A_155 = arith.constant 10 : i32
          %eq3A_156 = arith.constant 0 : i32
          %eq3A_157 = arith.cmpi eq, %jit3A_155, %eq3A_156 : i32
          %jit3A_158 = arith.constant 1 : i32
          %select_n3A_159 = arith.select %eq3A_157, %jit3A_158, %jit3A_155 : i32
          %rem3A_160 = arith.remsi %sub3A_154, %select_n3A_159 : i32
          %ne3A_161 = arith.constant 0 : i32
          %ne3A_162 = arith.cmpi ne, %rem3A_160, %ne3A_161 : i32
          %lt3A_163 = arith.constant 0 : i32
          %lt3A_164 = arith.cmpi slt, %rem3A_160, %lt3A_163 : i32
          %lt3A_165 = arith.constant 0 : i32
          %lt3A_166 = arith.cmpi slt, %select_n3A_159, %lt3A_165 : i32
          %ne3A_167 = arith.xori %lt3A_164, %lt3A_166 : i1
          %and3A_168 = arith.andi %ne3A_167, %ne3A_162 : i1
          %add3A_169 = arith.addi %rem3A_160, %select_n3A_159 : i32
          %select_n3A_170 = arith.select %and3A_168, %add3A_169, %rem3A_160 : i32
          %dma_start3A_171 = arith.constant 1 : i32
          %dma_start3A_172 = arith.constant 0 : i32
          %dma_start3A_173 = arith.constant 0 : i32
          %dma_start3A_174 = tpu.memref_slice %arg8[%select_n3A_170, %dma_start3A_172, %dma_start3A_173] : memref<10x128x64xf32, #tpu.memory_space<vmem>> -> memref<1x128x64xf32, #tpu.memory_space<vmem>>
          %dma_start3A_175 = tpu.memref_squeeze %dma_start3A_174 : memref<1x128x64xf32, #tpu.memory_space<vmem>> -> memref<128x64xf32, #tpu.memory_space<vmem>>
          %dma_start3A_176 = arith.constant 0 : i32
          %dma_start3A_177 = tpu.memref_slice %arg7[%select_n3A_170, %dma_start3A_171, %dma_start3A_176] : memref<10x2x128xi32, #tpu.memory_space<vmem>> -> memref<1x1x128xi32, #tpu.memory_space<vmem>>
          %dma_start3A_178 = tpu.memref_squeeze %dma_start3A_177 : memref<1x1x128xi32, #tpu.memory_space<vmem>> -> memref<128xi32, #tpu.memory_space<vmem>>
          %dma_start3A_179 = arith.constant 0 : i32
          %dma_start3A_180 = arith.constant 0 : i32
          %dma_start3A_181 = tpu.memref_slice %arg9[%dma_start3A_179, %dma_start3A_180] : memref<10240x64xf32, #tpu.memory_space<vmem_shared>> -> memref<10240x64xf32, #tpu.memory_space<vmem_shared>>
          %dma_start3A_182 = tpu.memref_slice %arg12[%select_n3A_170] : memref<10x!tpu.dma_semaphore, #tpu.memory_space<semaphore_mem>> -> memref<1x!tpu.dma_semaphore, #tpu.memory_space<semaphore_mem>>
          %dma_start3A_183 = tpu.memref_squeeze %dma_start3A_182 : memref<1x!tpu.dma_semaphore, #tpu.memory_space<semaphore_mem>> -> memref<!tpu.dma_semaphore, #tpu.memory_space<semaphore_mem>>
          tpu.enqueue_indirect_dma source(%dma_start3A_175 : memref<128x64xf32, #tpu.memory_space<vmem>>) target(%dma_start3A_181 : memref<10240x64xf32, #tpu.memory_space<vmem_shared>>) offsets(%dma_start3A_178 : memref<128xi32, #tpu.memory_space<vmem>>) semaphore(%dma_start3A_183 : memref<!tpu.dma_semaphore, #tpu.memory_space<semaphore_mem>>) {add = true}
        } else {
        }
      }
      %sub3A = arith.constant 1 : i32
      %sub3A_31 = arith.subi %add3A_3, %sub3A : i32
      %while3A_32 = arith.constant 0 : i32
      %while3A_33 = arith.subi %add3A_3, %sub3A_31 : i32
      %while3A_34 = arith.addi %sub3A_31, %while3A_33 : i32
      %while3A_35 = arith.constant 1 : i32
      %while3A_36 = arith.divsi %while3A_33, %while3A_35 : i32
      %while3A_37 = arith.muli %while3A_36, %while3A_35 : i32
      %while3A_38 = arith.addi %sub3A_31, %while3A_37 : i32
      %while3A_39 = arith.constant 1 : i32
      scf.for %while3A_63 = %sub3A_31 to %while3A_38 step %while3A_39  : i32 {
        %jit3A_64 = arith.constant 10 : i32
        %eq3A_65 = arith.constant 0 : i32
        %eq3A_66 = arith.cmpi eq, %jit3A_64, %eq3A_65 : i32
        %jit3A_67 = arith.constant 1 : i32
        %select_n3A_68 = arith.select %eq3A_66, %jit3A_67, %jit3A_64 : i32
        %rem3A = arith.remsi %while3A_63, %select_n3A_68 : i32
        %ne3A = arith.constant 0 : i32
        %ne3A_69 = arith.cmpi ne, %rem3A, %ne3A : i32
        %lt3A_70 = arith.constant 0 : i32
        %lt3A_71 = arith.cmpi slt, %rem3A, %lt3A_70 : i32
        %lt3A_72 = arith.constant 0 : i32
        %lt3A_73 = arith.cmpi slt, %select_n3A_68, %lt3A_72 : i32
        %ne3A_74 = arith.xori %lt3A_71, %lt3A_73 : i1
        %and3A = arith.andi %ne3A_74, %ne3A_69 : i1
        %add3A_75 = arith.addi %rem3A, %select_n3A_68 : i32
        %select_n3A_76 = arith.select %and3A, %add3A_75, %rem3A : i32
        %dma_wait3A = arith.constant 0 : i32
        %dma_wait3A_77 = arith.constant 0 : i32
        %dma_wait3A_78 = tpu.memref_slice %arg7[%select_n3A_76, %dma_wait3A, %dma_wait3A_77] : memref<10x2x128xi32, #tpu.memory_space<vmem>> -> memref<1x2x128xi32, #tpu.memory_space<vmem>>
        %dma_wait3A_79 = tpu.memref_squeeze %dma_wait3A_78 : memref<1x2x128xi32, #tpu.memory_space<vmem>> -> memref<2x128xi32, #tpu.memory_space<vmem>>
        %dma_wait3A_80 = arith.constant 0 : i32
        %dma_wait3A_81 = arith.constant 0 : i32
        %dma_wait3A_82 = tpu.memref_slice %arg4[%dma_wait3A_80, %dma_wait3A_81] : memref<2x320000xi32, #tpu.memory_space<hbm>> -> memref<2x128xi32, #tpu.memory_space<hbm>>
        %dma_wait3A_83 = tpu.memref_slice %arg10[%select_n3A_76] : memref<10x!tpu.dma_semaphore, #tpu.memory_space<semaphore_mem>> -> memref<1x!tpu.dma_semaphore, #tpu.memory_space<semaphore_mem>>
        %dma_wait3A_84 = tpu.memref_squeeze %dma_wait3A_83 : memref<1x!tpu.dma_semaphore, #tpu.memory_space<semaphore_mem>> -> memref<!tpu.dma_semaphore, #tpu.memory_space<semaphore_mem>>
        %dma_wait3A_85 = arith.constant 0 : i32
        %dma_wait3A_86 = arith.constant 0 : i32
        %dma_wait3A_87 = tpu.memref_slice %arg7[%select_n3A_76, %dma_wait3A_85, %dma_wait3A_86] : memref<10x2x128xi32, #tpu.memory_space<vmem>> -> memref<1x2x128xi32, #tpu.memory_space<vmem>>
        %dma_wait3A_88 = tpu.memref_squeeze %dma_wait3A_87 : memref<1x2x128xi32, #tpu.memory_space<vmem>> -> memref<2x128xi32, #tpu.memory_space<vmem>>
        %dma_wait3A_89 = arith.constant 0 : i32
        %dma_wait3A_90 = arith.constant 0 : i32
        %dma_wait3A_91 = tpu.memref_slice %arg4[%dma_wait3A_89, %dma_wait3A_90] : memref<2x320000xi32, #tpu.memory_space<hbm>> -> memref<2x128xi32, #tpu.memory_space<hbm>>
        tpu.wait_dma2 semaphore(%dma_wait3A_84 : memref<!tpu.dma_semaphore, #tpu.memory_space<semaphore_mem>>) src(%dma_wait3A_91 : memref<2x128xi32, #tpu.memory_space<hbm>>) dst(%dma_wait3A_88 : memref<2x128xi32, #tpu.memory_space<vmem>>)
        %jit3A_92 = arith.constant 10 : i32
        %eq3A_93 = arith.constant 0 : i32
        %eq3A_94 = arith.cmpi eq, %jit3A_92, %eq3A_93 : i32
        %jit3A_95 = arith.constant 1 : i32
        %select_n3A_96 = arith.select %eq3A_94, %jit3A_95, %jit3A_92 : i32
        %rem3A_97 = arith.remsi %while3A_63, %select_n3A_96 : i32
        %ne3A_98 = arith.constant 0 : i32
        %ne3A_99 = arith.cmpi ne, %rem3A_97, %ne3A_98 : i32
        %lt3A_100 = arith.constant 0 : i32
        %lt3A_101 = arith.cmpi slt, %rem3A_97, %lt3A_100 : i32
        %lt3A_102 = arith.constant 0 : i32
        %lt3A_103 = arith.cmpi slt, %select_n3A_96, %lt3A_102 : i32
        %ne3A_104 = arith.xori %lt3A_101, %lt3A_103 : i1
        %and3A_105 = arith.andi %ne3A_104, %ne3A_99 : i1
        %add3A_106 = arith.addi %rem3A_97, %select_n3A_96 : i32
        %select_n3A_107 = arith.select %and3A_105, %add3A_106, %rem3A_97 : i32
        %dma_start3A = arith.constant 0 : i32
        %dma_start3A_108 = arith.constant 0 : i32
        %dma_start3A_109 = arith.constant 0 : i32
        %dma_start3A_110 = tpu.memref_slice %arg8[%select_n3A_107, %dma_start3A_108, %dma_start3A_109] : memref<10x128x64xf32, #tpu.memory_space<vmem>> -> memref<1x128x64xf32, #tpu.memory_space<vmem>>
        %dma_start3A_111 = tpu.memref_squeeze %dma_start3A_110 : memref<1x128x64xf32, #tpu.memory_space<vmem>> -> memref<128x64xf32, #tpu.memory_space<vmem>>
        %dma_start3A_112 = arith.constant 0 : i32
        %dma_start3A_113 = tpu.memref_slice %arg7[%select_n3A_107, %dma_start3A, %dma_start3A_112] : memref<10x2x128xi32, #tpu.memory_space<vmem>> -> memref<1x1x128xi32, #tpu.memory_space<vmem>>
        %dma_start3A_114 = tpu.memref_squeeze %dma_start3A_113 : memref<1x1x128xi32, #tpu.memory_space<vmem>> -> memref<128xi32, #tpu.memory_space<vmem>>
        %dma_start3A_115 = arith.constant 0 : i32
        %dma_start3A_116 = arith.constant 0 : i32
        %dma_start3A_117 = tpu.memref_slice %arg2[%dma_start3A_115, %dma_start3A_116] : memref<10000x64xf32, #tpu.memory_space<hbm>> -> memref<10000x64xf32, #tpu.memory_space<hbm>>
        %dma_start3A_118 = tpu.memref_slice %arg11[%select_n3A_107] : memref<10x!tpu.dma_semaphore, #tpu.memory_space<semaphore_mem>> -> memref<1x!tpu.dma_semaphore, #tpu.memory_space<semaphore_mem>>
        %dma_start3A_119 = tpu.memref_squeeze %dma_start3A_118 : memref<1x!tpu.dma_semaphore, #tpu.memory_space<semaphore_mem>> -> memref<!tpu.dma_semaphore, #tpu.memory_space<semaphore_mem>>
        tpu.enqueue_indirect_dma source(%dma_start3A_117 : memref<10000x64xf32, #tpu.memory_space<hbm>>) target(%dma_start3A_111 : memref<128x64xf32, #tpu.memory_space<vmem>>) offsets(%dma_start3A_114 : memref<128xi32, #tpu.memory_space<vmem>>) semaphore(%dma_start3A_119 : memref<!tpu.dma_semaphore, #tpu.memory_space<semaphore_mem>>)
      }
      %while3A_40 = arith.constant 1 : i32
      scf.for %while3A_63 = %while3A_38 to %while3A_34 step %while3A_40  : i32 {
        %jit3A_64 = arith.constant 10 : i32
        %eq3A_65 = arith.constant 0 : i32
        %eq3A_66 = arith.cmpi eq, %jit3A_64, %eq3A_65 : i32
        %jit3A_67 = arith.constant 1 : i32
        %select_n3A_68 = arith.select %eq3A_66, %jit3A_67, %jit3A_64 : i32
        %rem3A = arith.remsi %while3A_63, %select_n3A_68 : i32
        %ne3A = arith.constant 0 : i32
        %ne3A_69 = arith.cmpi ne, %rem3A, %ne3A : i32
        %lt3A_70 = arith.constant 0 : i32
        %lt3A_71 = arith.cmpi slt, %rem3A, %lt3A_70 : i32
        %lt3A_72 = arith.constant 0 : i32
        %lt3A_73 = arith.cmpi slt, %select_n3A_68, %lt3A_72 : i32
        %ne3A_74 = arith.xori %lt3A_71, %lt3A_73 : i1
        %and3A = arith.andi %ne3A_74, %ne3A_69 : i1
        %add3A_75 = arith.addi %rem3A, %select_n3A_68 : i32
        %select_n3A_76 = arith.select %and3A, %add3A_75, %rem3A : i32
        %dma_wait3A = arith.constant 0 : i32
        %dma_wait3A_77 = arith.constant 0 : i32
        %dma_wait3A_78 = tpu.memref_slice %arg7[%select_n3A_76, %dma_wait3A, %dma_wait3A_77] : memref<10x2x128xi32, #tpu.memory_space<vmem>> -> memref<1x2x128xi32, #tpu.memory_space<vmem>>
        %dma_wait3A_79 = tpu.memref_squeeze %dma_wait3A_78 : memref<1x2x128xi32, #tpu.memory_space<vmem>> -> memref<2x128xi32, #tpu.memory_space<vmem>>
        %dma_wait3A_80 = arith.constant 0 : i32
        %dma_wait3A_81 = arith.constant 0 : i32
        %dma_wait3A_82 = tpu.memref_slice %arg4[%dma_wait3A_80, %dma_wait3A_81] : memref<2x320000xi32, #tpu.memory_space<hbm>> -> memref<2x128xi32, #tpu.memory_space<hbm>>
        %dma_wait3A_83 = tpu.memref_slice %arg10[%select_n3A_76] : memref<10x!tpu.dma_semaphore, #tpu.memory_space<semaphore_mem>> -> memref<1x!tpu.dma_semaphore, #tpu.memory_space<semaphore_mem>>
        %dma_wait3A_84 = tpu.memref_squeeze %dma_wait3A_83 : memref<1x!tpu.dma_semaphore, #tpu.memory_space<semaphore_mem>> -> memref<!tpu.dma_semaphore, #tpu.memory_space<semaphore_mem>>
        %dma_wait3A_85 = arith.constant 0 : i32
        %dma_wait3A_86 = arith.constant 0 : i32
        %dma_wait3A_87 = tpu.memref_slice %arg7[%select_n3A_76, %dma_wait3A_85, %dma_wait3A_86] : memref<10x2x128xi32, #tpu.memory_space<vmem>> -> memref<1x2x128xi32, #tpu.memory_space<vmem>>
        %dma_wait3A_88 = tpu.memref_squeeze %dma_wait3A_87 : memref<1x2x128xi32, #tpu.memory_space<vmem>> -> memref<2x128xi32, #tpu.memory_space<vmem>>
        %dma_wait3A_89 = arith.constant 0 : i32
        %dma_wait3A_90 = arith.constant 0 : i32
        %dma_wait3A_91 = tpu.memref_slice %arg4[%dma_wait3A_89, %dma_wait3A_90] : memref<2x320000xi32, #tpu.memory_space<hbm>> -> memref<2x128xi32, #tpu.memory_space<hbm>>
        tpu.wait_dma2 semaphore(%dma_wait3A_84 : memref<!tpu.dma_semaphore, #tpu.memory_space<semaphore_mem>>) src(%dma_wait3A_91 : memref<2x128xi32, #tpu.memory_space<hbm>>) dst(%dma_wait3A_88 : memref<2x128xi32, #tpu.memory_space<vmem>>)
        %jit3A_92 = arith.constant 10 : i32
        %eq3A_93 = arith.constant 0 : i32
        %eq3A_94 = arith.cmpi eq, %jit3A_92, %eq3A_93 : i32
        %jit3A_95 = arith.constant 1 : i32
        %select_n3A_96 = arith.select %eq3A_94, %jit3A_95, %jit3A_92 : i32
        %rem3A_97 = arith.remsi %while3A_63, %select_n3A_96 : i32
        %ne3A_98 = arith.constant 0 : i32
        %ne3A_99 = arith.cmpi ne, %rem3A_97, %ne3A_98 : i32
        %lt3A_100 = arith.constant 0 : i32
        %lt3A_101 = arith.cmpi slt, %rem3A_97, %lt3A_100 : i32
        %lt3A_102 = arith.constant 0 : i32
        %lt3A_103 = arith.cmpi slt, %select_n3A_96, %lt3A_102 : i32
        %ne3A_104 = arith.xori %lt3A_101, %lt3A_103 : i1
        %and3A_105 = arith.andi %ne3A_104, %ne3A_99 : i1
        %add3A_106 = arith.addi %rem3A_97, %select_n3A_96 : i32
        %select_n3A_107 = arith.select %and3A_105, %add3A_106, %rem3A_97 : i32
        %dma_start3A = arith.constant 0 : i32
        %dma_start3A_108 = arith.constant 0 : i32
        %dma_start3A_109 = arith.constant 0 : i32
        %dma_start3A_110 = tpu.memref_slice %arg8[%select_n3A_107, %dma_start3A_108, %dma_start3A_109] : memref<10x128x64xf32, #tpu.memory_space<vmem>> -> memref<1x128x64xf32, #tpu.memory_space<vmem>>
        %dma_start3A_111 = tpu.memref_squeeze %dma_start3A_110 : memref<1x128x64xf32, #tpu.memory_space<vmem>> -> memref<128x64xf32, #tpu.memory_space<vmem>>
        %dma_start3A_112 = arith.constant 0 : i32
        %dma_start3A_113 = tpu.memref_slice %arg7[%select_n3A_107, %dma_start3A, %dma_start3A_112] : memref<10x2x128xi32, #tpu.memory_space<vmem>> -> memref<1x1x128xi32, #tpu.memory_space<vmem>>
        %dma_start3A_114 = tpu.memref_squeeze %dma_start3A_113 : memref<1x1x128xi32, #tpu.memory_space<vmem>> -> memref<128xi32, #tpu.memory_space<vmem>>
        %dma_start3A_115 = arith.constant 0 : i32
        %dma_start3A_116 = arith.constant 0 : i32
        %dma_start3A_117 = tpu.memref_slice %arg2[%dma_start3A_115, %dma_start3A_116] : memref<10000x64xf32, #tpu.memory_space<hbm>> -> memref<10000x64xf32, #tpu.memory_space<hbm>>
        %dma_start3A_118 = tpu.memref_slice %arg11[%select_n3A_107] : memref<10x!tpu.dma_semaphore, #tpu.memory_space<semaphore_mem>> -> memref<1x!tpu.dma_semaphore, #tpu.memory_space<semaphore_mem>>
        %dma_start3A_119 = tpu.memref_squeeze %dma_start3A_118 : memref<1x!tpu.dma_semaphore, #tpu.memory_space<semaphore_mem>> -> memref<!tpu.dma_semaphore, #tpu.memory_space<semaphore_mem>>
        tpu.enqueue_indirect_dma source(%dma_start3A_117 : memref<10000x64xf32, #tpu.memory_space<hbm>>) target(%dma_start3A_111 : memref<128x64xf32, #tpu.memory_space<vmem>>) offsets(%dma_start3A_114 : memref<128xi32, #tpu.memory_space<vmem>>) semaphore(%dma_start3A_119 : memref<!tpu.dma_semaphore, #tpu.memory_space<semaphore_mem>>)
      }
      %sub3A_41 = arith.constant 5 : i32
      %sub3A_42 = arith.subi %add3A_3, %sub3A_41 : i32
      %while3A_43 = arith.constant 0 : i32
      %while3A_44 = arith.subi %add3A_3, %sub3A_42 : i32
      %while3A_45 = arith.addi %sub3A_42, %while3A_44 : i32
      %while3A_46 = arith.constant 1 : i32
      %while3A_47 = arith.divsi %while3A_44, %while3A_46 : i32
      %while3A_48 = arith.muli %while3A_47, %while3A_46 : i32
      %while3A_49 = arith.addi %sub3A_42, %while3A_48 : i32
      %while3A_50 = arith.constant 1 : i32
      scf.for %while3A_63 = %sub3A_42 to %while3A_49 step %while3A_50  : i32 {
        %jit3A_64 = arith.constant 10 : i32
        %eq3A_65 = arith.constant 0 : i32
        %eq3A_66 = arith.cmpi eq, %jit3A_64, %eq3A_65 : i32
        %jit3A_67 = arith.constant 1 : i32
        %select_n3A_68 = arith.select %eq3A_66, %jit3A_67, %jit3A_64 : i32
        %rem3A = arith.remsi %while3A_63, %select_n3A_68 : i32
        %ne3A = arith.constant 0 : i32
        %ne3A_69 = arith.cmpi ne, %rem3A, %ne3A : i32
        %lt3A_70 = arith.constant 0 : i32
        %lt3A_71 = arith.cmpi slt, %rem3A, %lt3A_70 : i32
        %lt3A_72 = arith.constant 0 : i32
        %lt3A_73 = arith.cmpi slt, %select_n3A_68, %lt3A_72 : i32
        %ne3A_74 = arith.xori %lt3A_71, %lt3A_73 : i1
        %and3A = arith.andi %ne3A_74, %ne3A_69 : i1
        %add3A_75 = arith.addi %rem3A, %select_n3A_68 : i32
        %select_n3A_76 = arith.select %and3A, %add3A_75, %rem3A : i32
        %dma_wait3A = arith.constant 0 : i32
        %dma_wait3A_77 = arith.constant 0 : i32
        %dma_wait3A_78 = arith.constant 0 : i32
        %dma_wait3A_79 = tpu.memref_slice %arg8[%select_n3A_76, %dma_wait3A_77, %dma_wait3A_78] : memref<10x128x64xf32, #tpu.memory_space<vmem>> -> memref<1x128x64xf32, #tpu.memory_space<vmem>>
        %dma_wait3A_80 = tpu.memref_squeeze %dma_wait3A_79 : memref<1x128x64xf32, #tpu.memory_space<vmem>> -> memref<128x64xf32, #tpu.memory_space<vmem>>
        %dma_wait3A_81 = arith.constant 0 : i32
        %dma_wait3A_82 = tpu.memref_slice %arg7[%select_n3A_76, %dma_wait3A, %dma_wait3A_81] : memref<10x2x128xi32, #tpu.memory_space<vmem>> -> memref<1x1x128xi32, #tpu.memory_space<vmem>>
        %dma_wait3A_83 = tpu.memref_squeeze %dma_wait3A_82 : memref<1x1x128xi32, #tpu.memory_space<vmem>> -> memref<128xi32, #tpu.memory_space<vmem>>
        %dma_wait3A_84 = arith.constant 0 : i32
        %dma_wait3A_85 = arith.constant 0 : i32
        %dma_wait3A_86 = tpu.memref_slice %arg2[%dma_wait3A_84, %dma_wait3A_85] : memref<10000x64xf32, #tpu.memory_space<hbm>> -> memref<10000x64xf32, #tpu.memory_space<hbm>>
        %dma_wait3A_87 = tpu.memref_slice %arg11[%select_n3A_76] : memref<10x!tpu.dma_semaphore, #tpu.memory_space<semaphore_mem>> -> memref<1x!tpu.dma_semaphore, #tpu.memory_space<semaphore_mem>>
        %dma_wait3A_88 = tpu.memref_squeeze %dma_wait3A_87 : memref<1x!tpu.dma_semaphore, #tpu.memory_space<semaphore_mem>> -> memref<!tpu.dma_semaphore, #tpu.memory_space<semaphore_mem>>
        tpu.wait_indirect_dma semaphore(%dma_wait3A_88 : memref<!tpu.dma_semaphore, #tpu.memory_space<semaphore_mem>>) src(%dma_wait3A_86 : memref<10000x64xf32, #tpu.memory_space<hbm>>) dst(%dma_wait3A_80 : memref<128x64xf32, #tpu.memory_space<vmem>>)
        %jit3A_89 = arith.constant 10 : i32
        %eq3A_90 = arith.constant 0 : i32
        %eq3A_91 = arith.cmpi eq, %jit3A_89, %eq3A_90 : i32
        %jit3A_92 = arith.constant 1 : i32
        %select_n3A_93 = arith.select %eq3A_91, %jit3A_92, %jit3A_89 : i32
        %rem3A_94 = arith.remsi %while3A_63, %select_n3A_93 : i32
        %ne3A_95 = arith.constant 0 : i32
        %ne3A_96 = arith.cmpi ne, %rem3A_94, %ne3A_95 : i32
        %lt3A_97 = arith.constant 0 : i32
        %lt3A_98 = arith.cmpi slt, %rem3A_94, %lt3A_97 : i32
        %lt3A_99 = arith.constant 0 : i32
        %lt3A_100 = arith.cmpi slt, %select_n3A_93, %lt3A_99 : i32
        %ne3A_101 = arith.xori %lt3A_98, %lt3A_100 : i1
        %and3A_102 = arith.andi %ne3A_101, %ne3A_96 : i1
        %add3A_103 = arith.addi %rem3A_94, %select_n3A_93 : i32
        %select_n3A_104 = arith.select %and3A_102, %add3A_103, %rem3A_94 : i32
        %dma_start3A = arith.constant 1 : i32
        %dma_start3A_105 = arith.constant 0 : i32
        %dma_start3A_106 = arith.constant 0 : i32
        %dma_start3A_107 = tpu.memref_slice %arg8[%select_n3A_104, %dma_start3A_105, %dma_start3A_106] : memref<10x128x64xf32, #tpu.memory_space<vmem>> -> memref<1x128x64xf32, #tpu.memory_space<vmem>>
        %dma_start3A_108 = tpu.memref_squeeze %dma_start3A_107 : memref<1x128x64xf32, #tpu.memory_space<vmem>> -> memref<128x64xf32, #tpu.memory_space<vmem>>
        %dma_start3A_109 = arith.constant 0 : i32
        %dma_start3A_110 = tpu.memref_slice %arg7[%select_n3A_104, %dma_start3A, %dma_start3A_109] : memref<10x2x128xi32, #tpu.memory_space<vmem>> -> memref<1x1x128xi32, #tpu.memory_space<vmem>>
        %dma_start3A_111 = tpu.memref_squeeze %dma_start3A_110 : memref<1x1x128xi32, #tpu.memory_space<vmem>> -> memref<128xi32, #tpu.memory_space<vmem>>
        %dma_start3A_112 = arith.constant 0 : i32
        %dma_start3A_113 = arith.constant 0 : i32
        %dma_start3A_114 = tpu.memref_slice %arg9[%dma_start3A_112, %dma_start3A_113] : memref<10240x64xf32, #tpu.memory_space<vmem_shared>> -> memref<10240x64xf32, #tpu.memory_space<vmem_shared>>
        %dma_start3A_115 = tpu.memref_slice %arg12[%select_n3A_104] : memref<10x!tpu.dma_semaphore, #tpu.memory_space<semaphore_mem>> -> memref<1x!tpu.dma_semaphore, #tpu.memory_space<semaphore_mem>>
        %dma_start3A_116 = tpu.memref_squeeze %dma_start3A_115 : memref<1x!tpu.dma_semaphore, #tpu.memory_space<semaphore_mem>> -> memref<!tpu.dma_semaphore, #tpu.memory_space<semaphore_mem>>
        tpu.enqueue_indirect_dma source(%dma_start3A_108 : memref<128x64xf32, #tpu.memory_space<vmem>>) target(%dma_start3A_114 : memref<10240x64xf32, #tpu.memory_space<vmem_shared>>) offsets(%dma_start3A_111 : memref<128xi32, #tpu.memory_space<vmem>>) semaphore(%dma_start3A_116 : memref<!tpu.dma_semaphore, #tpu.memory_space<semaphore_mem>>) {add = true}
      }
      %while3A_51 = arith.constant 1 : i32
      scf.for %while3A_63 = %while3A_49 to %while3A_45 step %while3A_51  : i32 {
        %jit3A_64 = arith.constant 10 : i32
        %eq3A_65 = arith.constant 0 : i32
        %eq3A_66 = arith.cmpi eq, %jit3A_64, %eq3A_65 : i32
        %jit3A_67 = arith.constant 1 : i32
        %select_n3A_68 = arith.select %eq3A_66, %jit3A_67, %jit3A_64 : i32
        %rem3A = arith.remsi %while3A_63, %select_n3A_68 : i32
        %ne3A = arith.constant 0 : i32
        %ne3A_69 = arith.cmpi ne, %rem3A, %ne3A : i32
        %lt3A_70 = arith.constant 0 : i32
        %lt3A_71 = arith.cmpi slt, %rem3A, %lt3A_70 : i32
        %lt3A_72 = arith.constant 0 : i32
        %lt3A_73 = arith.cmpi slt, %select_n3A_68, %lt3A_72 : i32
        %ne3A_74 = arith.xori %lt3A_71, %lt3A_73 : i1
        %and3A = arith.andi %ne3A_74, %ne3A_69 : i1
        %add3A_75 = arith.addi %rem3A, %select_n3A_68 : i32
        %select_n3A_76 = arith.select %and3A, %add3A_75, %rem3A : i32
        %dma_wait3A = arith.constant 0 : i32
        %dma_wait3A_77 = arith.constant 0 : i32
        %dma_wait3A_78 = arith.constant 0 : i32
        %dma_wait3A_79 = tpu.memref_slice %arg8[%select_n3A_76, %dma_wait3A_77, %dma_wait3A_78] : memref<10x128x64xf32, #tpu.memory_space<vmem>> -> memref<1x128x64xf32, #tpu.memory_space<vmem>>
        %dma_wait3A_80 = tpu.memref_squeeze %dma_wait3A_79 : memref<1x128x64xf32, #tpu.memory_space<vmem>> -> memref<128x64xf32, #tpu.memory_space<vmem>>
        %dma_wait3A_81 = arith.constant 0 : i32
        %dma_wait3A_82 = tpu.memref_slice %arg7[%select_n3A_76, %dma_wait3A, %dma_wait3A_81] : memref<10x2x128xi32, #tpu.memory_space<vmem>> -> memref<1x1x128xi32, #tpu.memory_space<vmem>>
        %dma_wait3A_83 = tpu.memref_squeeze %dma_wait3A_82 : memref<1x1x128xi32, #tpu.memory_space<vmem>> -> memref<128xi32, #tpu.memory_space<vmem>>
        %dma_wait3A_84 = arith.constant 0 : i32
        %dma_wait3A_85 = arith.constant 0 : i32
        %dma_wait3A_86 = tpu.memref_slice %arg2[%dma_wait3A_84, %dma_wait3A_85] : memref<10000x64xf32, #tpu.memory_space<hbm>> -> memref<10000x64xf32, #tpu.memory_space<hbm>>
        %dma_wait3A_87 = tpu.memref_slice %arg11[%select_n3A_76] : memref<10x!tpu.dma_semaphore, #tpu.memory_space<semaphore_mem>> -> memref<1x!tpu.dma_semaphore, #tpu.memory_space<semaphore_mem>>
        %dma_wait3A_88 = tpu.memref_squeeze %dma_wait3A_87 : memref<1x!tpu.dma_semaphore, #tpu.memory_space<semaphore_mem>> -> memref<!tpu.dma_semaphore, #tpu.memory_space<semaphore_mem>>
        tpu.wait_indirect_dma semaphore(%dma_wait3A_88 : memref<!tpu.dma_semaphore, #tpu.memory_space<semaphore_mem>>) src(%dma_wait3A_86 : memref<10000x64xf32, #tpu.memory_space<hbm>>) dst(%dma_wait3A_80 : memref<128x64xf32, #tpu.memory_space<vmem>>)
        %jit3A_89 = arith.constant 10 : i32
        %eq3A_90 = arith.constant 0 : i32
        %eq3A_91 = arith.cmpi eq, %jit3A_89, %eq3A_90 : i32
        %jit3A_92 = arith.constant 1 : i32
        %select_n3A_93 = arith.select %eq3A_91, %jit3A_92, %jit3A_89 : i32
        %rem3A_94 = arith.remsi %while3A_63, %select_n3A_93 : i32
        %ne3A_95 = arith.constant 0 : i32
        %ne3A_96 = arith.cmpi ne, %rem3A_94, %ne3A_95 : i32
        %lt3A_97 = arith.constant 0 : i32
        %lt3A_98 = arith.cmpi slt, %rem3A_94, %lt3A_97 : i32
        %lt3A_99 = arith.constant 0 : i32
        %lt3A_100 = arith.cmpi slt, %select_n3A_93, %lt3A_99 : i32
        %ne3A_101 = arith.xori %lt3A_98, %lt3A_100 : i1
        %and3A_102 = arith.andi %ne3A_101, %ne3A_96 : i1
        %add3A_103 = arith.addi %rem3A_94, %select_n3A_93 : i32
        %select_n3A_104 = arith.select %and3A_102, %add3A_103, %rem3A_94 : i32
        %dma_start3A = arith.constant 1 : i32
        %dma_start3A_105 = arith.constant 0 : i32
        %dma_start3A_106 = arith.constant 0 : i32
        %dma_start3A_107 = tpu.memref_slice %arg8[%select_n3A_104, %dma_start3A_105, %dma_start3A_106] : memref<10x128x64xf32, #tpu.memory_space<vmem>> -> memref<1x128x64xf32, #tpu.memory_space<vmem>>
        %dma_start3A_108 = tpu.memref_squeeze %dma_start3A_107 : memref<1x128x64xf32, #tpu.memory_space<vmem>> -> memref<128x64xf32, #tpu.memory_space<vmem>>
        %dma_start3A_109 = arith.constant 0 : i32
        %dma_start3A_110 = tpu.memref_slice %arg7[%select_n3A_104, %dma_start3A, %dma_start3A_109] : memref<10x2x128xi32, #tpu.memory_space<vmem>> -> memref<1x1x128xi32, #tpu.memory_space<vmem>>
        %dma_start3A_111 = tpu.memref_squeeze %dma_start3A_110 : memref<1x1x128xi32, #tpu.memory_space<vmem>> -> memref<128xi32, #tpu.memory_space<vmem>>
        %dma_start3A_112 = arith.constant 0 : i32
        %dma_start3A_113 = arith.constant 0 : i32
        %dma_start3A_114 = tpu.memref_slice %arg9[%dma_start3A_112, %dma_start3A_113] : memref<10240x64xf32, #tpu.memory_space<vmem_shared>> -> memref<10240x64xf32, #tpu.memory_space<vmem_shared>>
        %dma_start3A_115 = tpu.memref_slice %arg12[%select_n3A_104] : memref<10x!tpu.dma_semaphore, #tpu.memory_space<semaphore_mem>> -> memref<1x!tpu.dma_semaphore, #tpu.memory_space<semaphore_mem>>
        %dma_start3A_116 = tpu.memref_squeeze %dma_start3A_115 : memref<1x!tpu.dma_semaphore, #tpu.memory_space<semaphore_mem>> -> memref<!tpu.dma_semaphore, #tpu.memory_space<semaphore_mem>>
        tpu.enqueue_indirect_dma source(%dma_start3A_108 : memref<128x64xf32, #tpu.memory_space<vmem>>) target(%dma_start3A_114 : memref<10240x64xf32, #tpu.memory_space<vmem_shared>>) offsets(%dma_start3A_111 : memref<128xi32, #tpu.memory_space<vmem>>) semaphore(%dma_start3A_116 : memref<!tpu.dma_semaphore, #tpu.memory_space<semaphore_mem>>) {add = true}
      }
      %sub3A_52 = arith.constant 10 : i32
      %sub3A_53 = arith.subi %add3A_3, %sub3A_52 : i32
      %while3A_54 = arith.constant 0 : i32
      %while3A_55 = arith.subi %add3A_3, %sub3A_53 : i32
      %while3A_56 = arith.addi %sub3A_53, %while3A_55 : i32
      %while3A_57 = arith.constant 1 : i32
      %while3A_58 = arith.divsi %while3A_55, %while3A_57 : i32
      %while3A_59 = arith.muli %while3A_58, %while3A_57 : i32
      %while3A_60 = arith.addi %sub3A_53, %while3A_59 : i32
      %while3A_61 = arith.constant 1 : i32
      scf.for %while3A_63 = %sub3A_53 to %while3A_60 step %while3A_61  : i32 {
        %jit3A_64 = arith.constant 10 : i32
        %eq3A_65 = arith.constant 0 : i32
        %eq3A_66 = arith.cmpi eq, %jit3A_64, %eq3A_65 : i32
        %jit3A_67 = arith.constant 1 : i32
        %select_n3A_68 = arith.select %eq3A_66, %jit3A_67, %jit3A_64 : i32
        %rem3A = arith.remsi %while3A_63, %select_n3A_68 : i32
        %ne3A = arith.constant 0 : i32
        %ne3A_69 = arith.cmpi ne, %rem3A, %ne3A : i32
        %lt3A_70 = arith.constant 0 : i32
        %lt3A_71 = arith.cmpi slt, %rem3A, %lt3A_70 : i32
        %lt3A_72 = arith.constant 0 : i32
        %lt3A_73 = arith.cmpi slt, %select_n3A_68, %lt3A_72 : i32
        %ne3A_74 = arith.xori %lt3A_71, %lt3A_73 : i1
        %and3A = arith.andi %ne3A_74, %ne3A_69 : i1
        %add3A_75 = arith.addi %rem3A, %select_n3A_68 : i32
        %select_n3A_76 = arith.select %and3A, %add3A_75, %rem3A : i32
        %dma_wait3A = arith.constant 1 : i32
        %dma_wait3A_77 = arith.constant 0 : i32
        %dma_wait3A_78 = arith.constant 0 : i32
        %dma_wait3A_79 = tpu.memref_slice %arg8[%select_n3A_76, %dma_wait3A_77, %dma_wait3A_78] : memref<10x128x64xf32, #tpu.memory_space<vmem>> -> memref<1x128x64xf32, #tpu.memory_space<vmem>>
        %dma_wait3A_80 = tpu.memref_squeeze %dma_wait3A_79 : memref<1x128x64xf32, #tpu.memory_space<vmem>> -> memref<128x64xf32, #tpu.memory_space<vmem>>
        %dma_wait3A_81 = arith.constant 0 : i32
        %dma_wait3A_82 = tpu.memref_slice %arg7[%select_n3A_76, %dma_wait3A, %dma_wait3A_81] : memref<10x2x128xi32, #tpu.memory_space<vmem>> -> memref<1x1x128xi32, #tpu.memory_space<vmem>>
        %dma_wait3A_83 = tpu.memref_squeeze %dma_wait3A_82 : memref<1x1x128xi32, #tpu.memory_space<vmem>> -> memref<128xi32, #tpu.memory_space<vmem>>
        %dma_wait3A_84 = arith.constant 0 : i32
        %dma_wait3A_85 = arith.constant 0 : i32
        %dma_wait3A_86 = tpu.memref_slice %arg9[%dma_wait3A_84, %dma_wait3A_85] : memref<10240x64xf32, #tpu.memory_space<vmem_shared>> -> memref<10240x64xf32, #tpu.memory_space<vmem_shared>>
        %dma_wait3A_87 = tpu.memref_slice %arg12[%select_n3A_76] : memref<10x!tpu.dma_semaphore, #tpu.memory_space<semaphore_mem>> -> memref<1x!tpu.dma_semaphore, #tpu.memory_space<semaphore_mem>>
        %dma_wait3A_88 = tpu.memref_squeeze %dma_wait3A_87 : memref<1x!tpu.dma_semaphore, #tpu.memory_space<semaphore_mem>> -> memref<!tpu.dma_semaphore, #tpu.memory_space<semaphore_mem>>
        tpu.wait_indirect_dma semaphore(%dma_wait3A_88 : memref<!tpu.dma_semaphore, #tpu.memory_space<semaphore_mem>>) src(%dma_wait3A_80 : memref<128x64xf32, #tpu.memory_space<vmem>>) dst(%dma_wait3A_86 : memref<10240x64xf32, #tpu.memory_space<vmem_shared>>)
      }
      %while3A_62 = arith.constant 1 : i32
      scf.for %while3A_63 = %while3A_60 to %while3A_56 step %while3A_62  : i32 {
        %jit3A_64 = arith.constant 10 : i32
        %eq3A_65 = arith.constant 0 : i32
        %eq3A_66 = arith.cmpi eq, %jit3A_64, %eq3A_65 : i32
        %jit3A_67 = arith.constant 1 : i32
        %select_n3A_68 = arith.select %eq3A_66, %jit3A_67, %jit3A_64 : i32
        %rem3A = arith.remsi %while3A_63, %select_n3A_68 : i32
        %ne3A = arith.constant 0 : i32
        %ne3A_69 = arith.cmpi ne, %rem3A, %ne3A : i32
        %lt3A_70 = arith.constant 0 : i32
        %lt3A_71 = arith.cmpi slt, %rem3A, %lt3A_70 : i32
        %lt3A_72 = arith.constant 0 : i32
        %lt3A_73 = arith.cmpi slt, %select_n3A_68, %lt3A_72 : i32
        %ne3A_74 = arith.xori %lt3A_71, %lt3A_73 : i1
        %and3A = arith.andi %ne3A_74, %ne3A_69 : i1
        %add3A_75 = arith.addi %rem3A, %select_n3A_68 : i32
        %select_n3A_76 = arith.select %and3A, %add3A_75, %rem3A : i32
        %dma_wait3A = arith.constant 1 : i32
        %dma_wait3A_77 = arith.constant 0 : i32
        %dma_wait3A_78 = arith.constant 0 : i32
        %dma_wait3A_79 = tpu.memref_slice %arg8[%select_n3A_76, %dma_wait3A_77, %dma_wait3A_78] : memref<10x128x64xf32, #tpu.memory_space<vmem>> -> memref<1x128x64xf32, #tpu.memory_space<vmem>>
        %dma_wait3A_80 = tpu.memref_squeeze %dma_wait3A_79 : memref<1x128x64xf32, #tpu.memory_space<vmem>> -> memref<128x64xf32, #tpu.memory_space<vmem>>
        %dma_wait3A_81 = arith.constant 0 : i32
        %dma_wait3A_82 = tpu.memref_slice %arg7[%select_n3A_76, %dma_wait3A, %dma_wait3A_81] : memref<10x2x128xi32, #tpu.memory_space<vmem>> -> memref<1x1x128xi32, #tpu.memory_space<vmem>>
        %dma_wait3A_83 = tpu.memref_squeeze %dma_wait3A_82 : memref<1x1x128xi32, #tpu.memory_space<vmem>> -> memref<128xi32, #tpu.memory_space<vmem>>
        %dma_wait3A_84 = arith.constant 0 : i32
        %dma_wait3A_85 = arith.constant 0 : i32
        %dma_wait3A_86 = tpu.memref_slice %arg9[%dma_wait3A_84, %dma_wait3A_85] : memref<10240x64xf32, #tpu.memory_space<vmem_shared>> -> memref<10240x64xf32, #tpu.memory_space<vmem_shared>>
        %dma_wait3A_87 = tpu.memref_slice %arg12[%select_n3A_76] : memref<10x!tpu.dma_semaphore, #tpu.memory_space<semaphore_mem>> -> memref<1x!tpu.dma_semaphore, #tpu.memory_space<semaphore_mem>>
        %dma_wait3A_88 = tpu.memref_squeeze %dma_wait3A_87 : memref<1x!tpu.dma_semaphore, #tpu.memory_space<semaphore_mem>> -> memref<!tpu.dma_semaphore, #tpu.memory_space<semaphore_mem>>
        tpu.wait_indirect_dma semaphore(%dma_wait3A_88 : memref<!tpu.dma_semaphore, #tpu.memory_space<semaphore_mem>>) src(%dma_wait3A_80 : memref<128x64xf32, #tpu.memory_space<vmem>>) dst(%dma_wait3A_86 : memref<10240x64xf32, #tpu.memory_space<vmem_shared>>)
      }
    } else {
    }
    %eq3A_6 = arith.constant 1 : i32
    %eq3A_7 = arith.cmpi eq, %arg0, %eq3A_6 : i32
    %convert_element_type3A_8 = arith.extui %eq3A_7 : i1 to i32
    %cond3A_9 = arith.constant 0 : i32
    %cond3A_10 = arith.cmpi ne, %convert_element_type3A_8, %cond3A_9 : i32
    scf.if %cond3A_10 {
      %while3A = arith.constant 0 : i32
      %while3A_22 = arith.constant 0 : i32
      %while3A_23 = arith.subi %add3A_3, %while3A_22 : i32
      %while3A_24 = arith.addi %while3A_22, %while3A_23 : i32
      %while3A_25 = arith.constant 1 : i32
      %while3A_26 = arith.divsi %while3A_23, %while3A_25 : i32
      %while3A_27 = arith.muli %while3A_26, %while3A_25 : i32
      %while3A_28 = arith.addi %while3A_22, %while3A_27 : i32
      %while3A_29 = arith.constant 1 : i32
      scf.for %while3A_63 = %while3A_22 to %while3A_28 step %while3A_29  : i32 {
        %ge3A = arith.constant 10 : i32
        %ge3A_64 = arith.cmpi sge, %while3A_63, %ge3A : i32
        %convert_element_type3A_65 = arith.extui %ge3A_64 : i1 to i32
        %cond3A_66 = arith.constant 0 : i32
        %cond3A_67 = arith.cmpi ne, %convert_element_type3A_65, %cond3A_66 : i32
        scf.if %cond3A_67 {
          %jit3A_123 = arith.constant 10 : i32
          %eq3A_124 = arith.constant 0 : i32
          %eq3A_125 = arith.cmpi eq, %jit3A_123, %eq3A_124 : i32
          %jit3A_126 = arith.constant 1 : i32
          %select_n3A_127 = arith.select %eq3A_125, %jit3A_126, %jit3A_123 : i32
          %rem3A_128 = arith.remsi %while3A_63, %select_n3A_127 : i32
          %ne3A_129 = arith.constant 0 : i32
          %ne3A_130 = arith.cmpi ne, %rem3A_128, %ne3A_129 : i32
          %lt3A_131 = arith.constant 0 : i32
          %lt3A_132 = arith.cmpi slt, %rem3A_128, %lt3A_131 : i32
          %lt3A_133 = arith.constant 0 : i32
          %lt3A_134 = arith.cmpi slt, %select_n3A_127, %lt3A_133 : i32
          %ne3A_135 = arith.xori %lt3A_132, %lt3A_134 : i1
          %and3A_136 = arith.andi %ne3A_135, %ne3A_130 : i1
          %add3A_137 = arith.addi %rem3A_128, %select_n3A_127 : i32
          %select_n3A_138 = arith.select %and3A_136, %add3A_137, %rem3A_128 : i32
          %dma_wait3A = arith.constant 1 : i32
          %dma_wait3A_139 = arith.constant 0 : i32
          %dma_wait3A_140 = arith.constant 0 : i32
          %dma_wait3A_141 = tpu.memref_slice %arg8[%select_n3A_138, %dma_wait3A_139, %dma_wait3A_140] : memref<10x128x64xf32, #tpu.memory_space<vmem>> -> memref<1x128x64xf32, #tpu.memory_space<vmem>>
          %dma_wait3A_142 = tpu.memref_squeeze %dma_wait3A_141 : memref<1x128x64xf32, #tpu.memory_space<vmem>> -> memref<128x64xf32, #tpu.memory_space<vmem>>
          %dma_wait3A_143 = arith.constant 0 : i32
          %dma_wait3A_144 = tpu.memref_slice %arg7[%select_n3A_138, %dma_wait3A, %dma_wait3A_143] : memref<10x2x128xi32, #tpu.memory_space<vmem>> -> memref<1x1x128xi32, #tpu.memory_space<vmem>>
          %dma_wait3A_145 = tpu.memref_squeeze %dma_wait3A_144 : memref<1x1x128xi32, #tpu.memory_space<vmem>> -> memref<128xi32, #tpu.memory_space<vmem>>
          %dma_wait3A_146 = arith.constant 0 : i32
          %dma_wait3A_147 = arith.constant 0 : i32
          %dma_wait3A_148 = tpu.memref_slice %arg9[%dma_wait3A_146, %dma_wait3A_147] : memref<10240x64xf32, #tpu.memory_space<vmem_shared>> -> memref<10240x64xf32, #tpu.memory_space<vmem_shared>>
          %dma_wait3A_149 = tpu.memref_slice %arg12[%select_n3A_138] : memref<10x!tpu.dma_semaphore, #tpu.memory_space<semaphore_mem>> -> memref<1x!tpu.dma_semaphore, #tpu.memory_space<semaphore_mem>>
          %dma_wait3A_150 = tpu.memref_squeeze %dma_wait3A_149 : memref<1x!tpu.dma_semaphore, #tpu.memory_space<semaphore_mem>> -> memref<!tpu.dma_semaphore, #tpu.memory_space<semaphore_mem>>
          tpu.wait_indirect_dma semaphore(%dma_wait3A_150 : memref<!tpu.dma_semaphore, #tpu.memory_space<semaphore_mem>>) src(%dma_wait3A_142 : memref<128x64xf32, #tpu.memory_space<vmem>>) dst(%dma_wait3A_148 : memref<10240x64xf32, #tpu.memory_space<vmem_shared>>)
        } else {
        }
        %jit3A_68 = arith.constant 10 : i32
        %eq3A_69 = arith.constant 0 : i32
        %eq3A_70 = arith.cmpi eq, %jit3A_68, %eq3A_69 : i32
        %jit3A_71 = arith.constant 1 : i32
        %select_n3A_72 = arith.select %eq3A_70, %jit3A_71, %jit3A_68 : i32
        %rem3A = arith.remsi %while3A_63, %select_n3A_72 : i32
        %ne3A = arith.constant 0 : i32
        %ne3A_73 = arith.cmpi ne, %rem3A, %ne3A : i32
        %lt3A_74 = arith.constant 0 : i32
        %lt3A_75 = arith.cmpi slt, %rem3A, %lt3A_74 : i32
        %lt3A_76 = arith.constant 0 : i32
        %lt3A_77 = arith.cmpi slt, %select_n3A_72, %lt3A_76 : i32
        %ne3A_78 = arith.xori %lt3A_75, %lt3A_77 : i1
        %and3A = arith.andi %ne3A_78, %ne3A_73 : i1
        %add3A_79 = arith.addi %rem3A, %select_n3A_72 : i32
        %select_n3A_80 = arith.select %and3A, %add3A_79, %rem3A : i32
        %mul3A_81 = arith.constant 16 : i32
        %mul3A_82 = arith.muli %mul3A_81, %while3A_63 : i32
        %add3A_83 = arith.addi %arg1, %mul3A_82 : i32
        %mul3A_84 = arith.constant 128 : i32
        %mul3A_85 = arith.muli %add3A_83, %mul3A_84 : i32
        %dma_start3A = arith.constant 0 : i32
        %dma_start3A_86 = arith.constant 0 : i32
        %dma_start3A_87 = arith.constant 0 : i32
        %dma_start3A_88 = tpu.memref_slice %arg7[%select_n3A_80, %dma_start3A_86, %dma_start3A_87] : memref<10x2x128xi32, #tpu.memory_space<vmem>> -> memref<1x1x128xi32, #tpu.memory_space<vmem>>
        %dma_start3A_89 = tpu.memref_squeeze %dma_start3A_88 : memref<1x1x128xi32, #tpu.memory_space<vmem>> -> memref<128xi32, #tpu.memory_space<vmem>>
        %dma_start3A_90 = tpu.memref_slice %arg4[%dma_start3A, %mul3A_85] : memref<2x320000xi32, #tpu.memory_space<hbm>> -> memref<1x128xi32, #tpu.memory_space<hbm>>
        %dma_start3A_91 = tpu.memref_squeeze %dma_start3A_90 : memref<1x128xi32, #tpu.memory_space<hbm>> -> memref<128xi32, #tpu.memory_space<hbm>>
        %dma_start3A_92 = tpu.memref_slice %arg10[%select_n3A_80] : memref<10x!tpu.dma_semaphore, #tpu.memory_space<semaphore_mem>> -> memref<1x!tpu.dma_semaphore, #tpu.memory_space<semaphore_mem>>
        %dma_start3A_93 = tpu.memref_squeeze %dma_start3A_92 : memref<1x!tpu.dma_semaphore, #tpu.memory_space<semaphore_mem>> -> memref<!tpu.dma_semaphore, #tpu.memory_space<semaphore_mem>>
        %dma_start3A_94 = arith.constant 0 : i32
        %dma_start3A_95 = tpu.memref_slice %arg7[%select_n3A_80, %dma_start3A_86, %dma_start3A_94] : memref<10x2x128xi32, #tpu.memory_space<vmem>> -> memref<1x1x128xi32, #tpu.memory_space<vmem>>
        %dma_start3A_96 = tpu.memref_squeeze %dma_start3A_95 : memref<1x1x128xi32, #tpu.memory_space<vmem>> -> memref<128xi32, #tpu.memory_space<vmem>>
        %dma_start3A_97 = tpu.memref_slice %arg4[%dma_start3A, %mul3A_85] : memref<2x320000xi32, #tpu.memory_space<hbm>> -> memref<1x128xi32, #tpu.memory_space<hbm>>
        %dma_start3A_98 = tpu.memref_squeeze %dma_start3A_97 : memref<1x128xi32, #tpu.memory_space<hbm>> -> memref<128xi32, #tpu.memory_space<hbm>>
        tpu.enqueue_dma source(%dma_start3A_98 : memref<128xi32, #tpu.memory_space<hbm>>) target(%dma_start3A_96 : memref<128xi32, #tpu.memory_space<vmem>>) target_semaphore(%dma_start3A_93 : memref<!tpu.dma_semaphore, #tpu.memory_space<semaphore_mem>>)
        %dma_start3A_99 = arith.constant 1 : i32
        %dma_start3A_100 = arith.constant 1 : i32
        %dma_start3A_101 = arith.constant 0 : i32
        %dma_start3A_102 = tpu.memref_slice %arg7[%select_n3A_80, %dma_start3A_100, %dma_start3A_101] : memref<10x2x128xi32, #tpu.memory_space<vmem>> -> memref<1x1x128xi32, #tpu.memory_space<vmem>>
        %dma_start3A_103 = tpu.memref_squeeze %dma_start3A_102 : memref<1x1x128xi32, #tpu.memory_space<vmem>> -> memref<128xi32, #tpu.memory_space<vmem>>
        %dma_start3A_104 = tpu.memref_slice %arg4[%dma_start3A_99, %mul3A_85] : memref<2x320000xi32, #tpu.memory_space<hbm>> -> memref<1x128xi32, #tpu.memory_space<hbm>>
        %dma_start3A_105 = tpu.memref_squeeze %dma_start3A_104 : memref<1x128xi32, #tpu.memory_space<hbm>> -> memref<128xi32, #tpu.memory_space<hbm>>
        %dma_start3A_106 = tpu.memref_slice %arg10[%select_n3A_80] : memref<10x!tpu.dma_semaphore, #tpu.memory_space<semaphore_mem>> -> memref<1x!tpu.dma_semaphore, #tpu.memory_space<semaphore_mem>>
        %dma_start3A_107 = tpu.memref_squeeze %dma_start3A_106 : memref<1x!tpu.dma_semaphore, #tpu.memory_space<semaphore_mem>> -> memref<!tpu.dma_semaphore, #tpu.memory_space<semaphore_mem>>
        %dma_start3A_108 = arith.constant 0 : i32
        %dma_start3A_109 = tpu.memref_slice %arg7[%select_n3A_80, %dma_start3A_100, %dma_start3A_108] : memref<10x2x128xi32, #tpu.memory_space<vmem>> -> memref<1x1x128xi32, #tpu.memory_space<vmem>>
        %dma_start3A_110 = tpu.memref_squeeze %dma_start3A_109 : memref<1x1x128xi32, #tpu.memory_space<vmem>> -> memref<128xi32, #tpu.memory_space<vmem>>
        %dma_start3A_111 = tpu.memref_slice %arg4[%dma_start3A_99, %mul3A_85] : memref<2x320000xi32, #tpu.memory_space<hbm>> -> memref<1x128xi32, #tpu.memory_space<hbm>>
        %dma_start3A_112 = tpu.memref_squeeze %dma_start3A_111 : memref<1x128xi32, #tpu.memory_space<hbm>> -> memref<128xi32, #tpu.memory_space<hbm>>
        tpu.enqueue_dma source(%dma_start3A_112 : memref<128xi32, #tpu.memory_space<hbm>>) target(%dma_start3A_110 : memref<128xi32, #tpu.memory_space<vmem>>) target_semaphore(%dma_start3A_107 : memref<!tpu.dma_semaphore, #tpu.memory_space<semaphore_mem>>)
        %ge3A_113 = arith.constant 1 : i32
        %ge3A_114 = arith.cmpi sge, %while3A_63, %ge3A_113 : i32
        %convert_element_type3A_115 = arith.extui %ge3A_114 : i1 to i32
        %cond3A_116 = arith.constant 0 : i32
        %cond3A_117 = arith.cmpi ne, %convert_element_type3A_115, %cond3A_116 : i32
        scf.if %cond3A_117 {
          %sub3A_123 = arith.constant 1 : i32
          %sub3A_124 = arith.subi %while3A_63, %sub3A_123 : i32
          %jit3A_125 = arith.constant 10 : i32
          %eq3A_126 = arith.constant 0 : i32
          %eq3A_127 = arith.cmpi eq, %jit3A_125, %eq3A_126 : i32
          %jit3A_128 = arith.constant 1 : i32
          %select_n3A_129 = arith.select %eq3A_127, %jit3A_128, %jit3A_125 : i32
          %rem3A_130 = arith.remsi %sub3A_124, %select_n3A_129 : i32
          %ne3A_131 = arith.constant 0 : i32
          %ne3A_132 = arith.cmpi ne, %rem3A_130, %ne3A_131 : i32
          %lt3A_133 = arith.constant 0 : i32
          %lt3A_134 = arith.cmpi slt, %rem3A_130, %lt3A_133 : i32
          %lt3A_135 = arith.constant 0 : i32
          %lt3A_136 = arith.cmpi slt, %select_n3A_129, %lt3A_135 : i32
          %ne3A_137 = arith.xori %lt3A_134, %lt3A_136 : i1
          %and3A_138 = arith.andi %ne3A_137, %ne3A_132 : i1
          %add3A_139 = arith.addi %rem3A_130, %select_n3A_129 : i32
          %select_n3A_140 = arith.select %and3A_138, %add3A_139, %rem3A_130 : i32
          %dma_wait3A = arith.constant 0 : i32
          %dma_wait3A_141 = arith.constant 0 : i32
          %dma_wait3A_142 = tpu.memref_slice %arg7[%select_n3A_140, %dma_wait3A, %dma_wait3A_141] : memref<10x2x128xi32, #tpu.memory_space<vmem>> -> memref<1x2x128xi32, #tpu.memory_space<vmem>>
          %dma_wait3A_143 = tpu.memref_squeeze %dma_wait3A_142 : memref<1x2x128xi32, #tpu.memory_space<vmem>> -> memref<2x128xi32, #tpu.memory_space<vmem>>
          %dma_wait3A_144 = arith.constant 0 : i32
          %dma_wait3A_145 = arith.constant 0 : i32
          %dma_wait3A_146 = tpu.memref_slice %arg4[%dma_wait3A_144, %dma_wait3A_145] : memref<2x320000xi32, #tpu.memory_space<hbm>> -> memref<2x128xi32, #tpu.memory_space<hbm>>
          %dma_wait3A_147 = tpu.memref_slice %arg10[%select_n3A_140] : memref<10x!tpu.dma_semaphore, #tpu.memory_space<semaphore_mem>> -> memref<1x!tpu.dma_semaphore, #tpu.memory_space<semaphore_mem>>
          %dma_wait3A_148 = tpu.memref_squeeze %dma_wait3A_147 : memref<1x!tpu.dma_semaphore, #tpu.memory_space<semaphore_mem>> -> memref<!tpu.dma_semaphore, #tpu.memory_space<semaphore_mem>>
          %dma_wait3A_149 = arith.constant 0 : i32
          %dma_wait3A_150 = arith.constant 0 : i32
          %dma_wait3A_151 = tpu.memref_slice %arg7[%select_n3A_140, %dma_wait3A_149, %dma_wait3A_150] : memref<10x2x128xi32, #tpu.memory_space<vmem>> -> memref<1x2x128xi32, #tpu.memory_space<vmem>>
          %dma_wait3A_152 = tpu.memref_squeeze %dma_wait3A_151 : memref<1x2x128xi32, #tpu.memory_space<vmem>> -> memref<2x128xi32, #tpu.memory_space<vmem>>
          %dma_wait3A_153 = arith.constant 0 : i32
          %dma_wait3A_154 = arith.constant 0 : i32
          %dma_wait3A_155 = tpu.memref_slice %arg4[%dma_wait3A_153, %dma_wait3A_154] : memref<2x320000xi32, #tpu.memory_space<hbm>> -> memref<2x128xi32, #tpu.memory_space<hbm>>
          tpu.wait_dma2 semaphore(%dma_wait3A_148 : memref<!tpu.dma_semaphore, #tpu.memory_space<semaphore_mem>>) src(%dma_wait3A_155 : memref<2x128xi32, #tpu.memory_space<hbm>>) dst(%dma_wait3A_152 : memref<2x128xi32, #tpu.memory_space<vmem>>)
          %sub3A_156 = arith.constant 1 : i32
          %sub3A_157 = arith.subi %while3A_63, %sub3A_156 : i32
          %jit3A_158 = arith.constant 10 : i32
          %eq3A_159 = arith.constant 0 : i32
          %eq3A_160 = arith.cmpi eq, %jit3A_158, %eq3A_159 : i32
          %jit3A_161 = arith.constant 1 : i32
          %select_n3A_162 = arith.select %eq3A_160, %jit3A_161, %jit3A_158 : i32
          %rem3A_163 = arith.remsi %sub3A_157, %select_n3A_162 : i32
          %ne3A_164 = arith.constant 0 : i32
          %ne3A_165 = arith.cmpi ne, %rem3A_163, %ne3A_164 : i32
          %lt3A_166 = arith.constant 0 : i32
          %lt3A_167 = arith.cmpi slt, %rem3A_163, %lt3A_166 : i32
          %lt3A_168 = arith.constant 0 : i32
          %lt3A_169 = arith.cmpi slt, %select_n3A_162, %lt3A_168 : i32
          %ne3A_170 = arith.xori %lt3A_167, %lt3A_169 : i1
          %and3A_171 = arith.andi %ne3A_170, %ne3A_165 : i1
          %add3A_172 = arith.addi %rem3A_163, %select_n3A_162 : i32
          %select_n3A_173 = arith.select %and3A_171, %add3A_172, %rem3A_163 : i32
          %dma_start3A_174 = arith.constant 0 : i32
          %dma_start3A_175 = arith.constant 0 : i32
          %dma_start3A_176 = arith.constant 0 : i32
          %dma_start3A_177 = tpu.memref_slice %arg8[%select_n3A_173, %dma_start3A_175, %dma_start3A_176] : memref<10x128x64xf32, #tpu.memory_space<vmem>> -> memref<1x128x64xf32, #tpu.memory_space<vmem>>
          %dma_start3A_178 = tpu.memref_squeeze %dma_start3A_177 : memref<1x128x64xf32, #tpu.memory_space<vmem>> -> memref<128x64xf32, #tpu.memory_space<vmem>>
          %dma_start3A_179 = arith.constant 0 : i32
          %dma_start3A_180 = tpu.memref_slice %arg7[%select_n3A_173, %dma_start3A_174, %dma_start3A_179] : memref<10x2x128xi32, #tpu.memory_space<vmem>> -> memref<1x1x128xi32, #tpu.memory_space<vmem>>
          %dma_start3A_181 = tpu.memref_squeeze %dma_start3A_180 : memref<1x1x128xi32, #tpu.memory_space<vmem>> -> memref<128xi32, #tpu.memory_space<vmem>>
          %dma_start3A_182 = arith.constant 0 : i32
          %dma_start3A_183 = arith.constant 0 : i32
          %dma_start3A_184 = tpu.memref_slice %arg3[%dma_start3A_182, %dma_start3A_183] : memref<10000x64xf32, #tpu.memory_space<hbm>> -> memref<10000x64xf32, #tpu.memory_space<hbm>>
          %dma_start3A_185 = tpu.memref_slice %arg11[%select_n3A_173] : memref<10x!tpu.dma_semaphore, #tpu.memory_space<semaphore_mem>> -> memref<1x!tpu.dma_semaphore, #tpu.memory_space<semaphore_mem>>
          %dma_start3A_186 = tpu.memref_squeeze %dma_start3A_185 : memref<1x!tpu.dma_semaphore, #tpu.memory_space<semaphore_mem>> -> memref<!tpu.dma_semaphore, #tpu.memory_space<semaphore_mem>>
          tpu.enqueue_indirect_dma source(%dma_start3A_184 : memref<10000x64xf32, #tpu.memory_space<hbm>>) target(%dma_start3A_178 : memref<128x64xf32, #tpu.memory_space<vmem>>) offsets(%dma_start3A_181 : memref<128xi32, #tpu.memory_space<vmem>>) semaphore(%dma_start3A_186 : memref<!tpu.dma_semaphore, #tpu.memory_space<semaphore_mem>>)
        } else {
        }
        %ge3A_118 = arith.constant 5 : i32
        %ge3A_119 = arith.cmpi sge, %while3A_63, %ge3A_118 : i32
        %convert_element_type3A_120 = arith.extui %ge3A_119 : i1 to i32
        %cond3A_121 = arith.constant 0 : i32
        %cond3A_122 = arith.cmpi ne, %convert_element_type3A_120, %cond3A_121 : i32
        scf.if %cond3A_122 {
          %sub3A_123 = arith.constant 5 : i32
          %sub3A_124 = arith.subi %while3A_63, %sub3A_123 : i32
          %jit3A_125 = arith.constant 10 : i32
          %eq3A_126 = arith.constant 0 : i32
          %eq3A_127 = arith.cmpi eq, %jit3A_125, %eq3A_126 : i32
          %jit3A_128 = arith.constant 1 : i32
          %select_n3A_129 = arith.select %eq3A_127, %jit3A_128, %jit3A_125 : i32
          %rem3A_130 = arith.remsi %sub3A_124, %select_n3A_129 : i32
          %ne3A_131 = arith.constant 0 : i32
          %ne3A_132 = arith.cmpi ne, %rem3A_130, %ne3A_131 : i32
          %lt3A_133 = arith.constant 0 : i32
          %lt3A_134 = arith.cmpi slt, %rem3A_130, %lt3A_133 : i32
          %lt3A_135 = arith.constant 0 : i32
          %lt3A_136 = arith.cmpi slt, %select_n3A_129, %lt3A_135 : i32
          %ne3A_137 = arith.xori %lt3A_134, %lt3A_136 : i1
          %and3A_138 = arith.andi %ne3A_137, %ne3A_132 : i1
          %add3A_139 = arith.addi %rem3A_130, %select_n3A_129 : i32
          %select_n3A_140 = arith.select %and3A_138, %add3A_139, %rem3A_130 : i32
          %dma_wait3A = arith.constant 0 : i32
          %dma_wait3A_141 = arith.constant 0 : i32
          %dma_wait3A_142 = arith.constant 0 : i32
          %dma_wait3A_143 = tpu.memref_slice %arg8[%select_n3A_140, %dma_wait3A_141, %dma_wait3A_142] : memref<10x128x64xf32, #tpu.memory_space<vmem>> -> memref<1x128x64xf32, #tpu.memory_space<vmem>>
          %dma_wait3A_144 = tpu.memref_squeeze %dma_wait3A_143 : memref<1x128x64xf32, #tpu.memory_space<vmem>> -> memref<128x64xf32, #tpu.memory_space<vmem>>
          %dma_wait3A_145 = arith.constant 0 : i32
          %dma_wait3A_146 = tpu.memref_slice %arg7[%select_n3A_140, %dma_wait3A, %dma_wait3A_145] : memref<10x2x128xi32, #tpu.memory_space<vmem>> -> memref<1x1x128xi32, #tpu.memory_space<vmem>>
          %dma_wait3A_147 = tpu.memref_squeeze %dma_wait3A_146 : memref<1x1x128xi32, #tpu.memory_space<vmem>> -> memref<128xi32, #tpu.memory_space<vmem>>
          %dma_wait3A_148 = arith.constant 0 : i32
          %dma_wait3A_149 = arith.constant 0 : i32
          %dma_wait3A_150 = tpu.memref_slice %arg3[%dma_wait3A_148, %dma_wait3A_149] : memref<10000x64xf32, #tpu.memory_space<hbm>> -> memref<10000x64xf32, #tpu.memory_space<hbm>>
          %dma_wait3A_151 = tpu.memref_slice %arg11[%select_n3A_140] : memref<10x!tpu.dma_semaphore, #tpu.memory_space<semaphore_mem>> -> memref<1x!tpu.dma_semaphore, #tpu.memory_space<semaphore_mem>>
          %dma_wait3A_152 = tpu.memref_squeeze %dma_wait3A_151 : memref<1x!tpu.dma_semaphore, #tpu.memory_space<semaphore_mem>> -> memref<!tpu.dma_semaphore, #tpu.memory_space<semaphore_mem>>
          tpu.wait_indirect_dma semaphore(%dma_wait3A_152 : memref<!tpu.dma_semaphore, #tpu.memory_space<semaphore_mem>>) src(%dma_wait3A_150 : memref<10000x64xf32, #tpu.memory_space<hbm>>) dst(%dma_wait3A_144 : memref<128x64xf32, #tpu.memory_space<vmem>>)
          %sub3A_153 = arith.constant 5 : i32
          %sub3A_154 = arith.subi %while3A_63, %sub3A_153 : i32
          %jit3A_155 = arith.constant 10 : i32
          %eq3A_156 = arith.constant 0 : i32
          %eq3A_157 = arith.cmpi eq, %jit3A_155, %eq3A_156 : i32
          %jit3A_158 = arith.constant 1 : i32
          %select_n3A_159 = arith.select %eq3A_157, %jit3A_158, %jit3A_155 : i32
          %rem3A_160 = arith.remsi %sub3A_154, %select_n3A_159 : i32
          %ne3A_161 = arith.constant 0 : i32
          %ne3A_162 = arith.cmpi ne, %rem3A_160, %ne3A_161 : i32
          %lt3A_163 = arith.constant 0 : i32
          %lt3A_164 = arith.cmpi slt, %rem3A_160, %lt3A_163 : i32
          %lt3A_165 = arith.constant 0 : i32
          %lt3A_166 = arith.cmpi slt, %select_n3A_159, %lt3A_165 : i32
          %ne3A_167 = arith.xori %lt3A_164, %lt3A_166 : i1
          %and3A_168 = arith.andi %ne3A_167, %ne3A_162 : i1
          %add3A_169 = arith.addi %rem3A_160, %select_n3A_159 : i32
          %select_n3A_170 = arith.select %and3A_168, %add3A_169, %rem3A_160 : i32
          %dma_start3A_171 = arith.constant 1 : i32
          %dma_start3A_172 = arith.constant 0 : i32
          %dma_start3A_173 = arith.constant 0 : i32
          %dma_start3A_174 = tpu.memref_slice %arg8[%select_n3A_170, %dma_start3A_172, %dma_start3A_173] : memref<10x128x64xf32, #tpu.memory_space<vmem>> -> memref<1x128x64xf32, #tpu.memory_space<vmem>>
          %dma_start3A_175 = tpu.memref_squeeze %dma_start3A_174 : memref<1x128x64xf32, #tpu.memory_space<vmem>> -> memref<128x64xf32, #tpu.memory_space<vmem>>
          %dma_start3A_176 = arith.constant 0 : i32
          %dma_start3A_177 = tpu.memref_slice %arg7[%select_n3A_170, %dma_start3A_171, %dma_start3A_176] : memref<10x2x128xi32, #tpu.memory_space<vmem>> -> memref<1x1x128xi32, #tpu.memory_space<vmem>>
          %dma_start3A_178 = tpu.memref_squeeze %dma_start3A_177 : memref<1x1x128xi32, #tpu.memory_space<vmem>> -> memref<128xi32, #tpu.memory_space<vmem>>
          %dma_start3A_179 = arith.constant 0 : i32
          %dma_start3A_180 = arith.constant 0 : i32
          %dma_start3A_181 = tpu.memref_slice %arg9[%dma_start3A_179, %dma_start3A_180] : memref<10240x64xf32, #tpu.memory_space<vmem_shared>> -> memref<10240x64xf32, #tpu.memory_space<vmem_shared>>
          %dma_start3A_182 = tpu.memref_slice %arg12[%select_n3A_170] : memref<10x!tpu.dma_semaphore, #tpu.memory_space<semaphore_mem>> -> memref<1x!tpu.dma_semaphore, #tpu.memory_space<semaphore_mem>>
          %dma_start3A_183 = tpu.memref_squeeze %dma_start3A_182 : memref<1x!tpu.dma_semaphore, #tpu.memory_space<semaphore_mem>> -> memref<!tpu.dma_semaphore, #tpu.memory_space<semaphore_mem>>
          tpu.enqueue_indirect_dma source(%dma_start3A_175 : memref<128x64xf32, #tpu.memory_space<vmem>>) target(%dma_start3A_181 : memref<10240x64xf32, #tpu.memory_space<vmem_shared>>) offsets(%dma_start3A_178 : memref<128xi32, #tpu.memory_space<vmem>>) semaphore(%dma_start3A_183 : memref<!tpu.dma_semaphore, #tpu.memory_space<semaphore_mem>>) {add = true}
        } else {
        }
      }
      %while3A_30 = arith.constant 1 : i32
      scf.for %while3A_63 = %while3A_28 to %while3A_24 step %while3A_30  : i32 {
        %ge3A = arith.constant 10 : i32
        %ge3A_64 = arith.cmpi sge, %while3A_63, %ge3A : i32
        %convert_element_type3A_65 = arith.extui %ge3A_64 : i1 to i32
        %cond3A_66 = arith.constant 0 : i32
        %cond3A_67 = arith.cmpi ne, %convert_element_type3A_65, %cond3A_66 : i32
        scf.if %cond3A_67 {
          %jit3A_123 = arith.constant 10 : i32
          %eq3A_124 = arith.constant 0 : i32
          %eq3A_125 = arith.cmpi eq, %jit3A_123, %eq3A_124 : i32
          %jit3A_126 = arith.constant 1 : i32
          %select_n3A_127 = arith.select %eq3A_125, %jit3A_126, %jit3A_123 : i32
          %rem3A_128 = arith.remsi %while3A_63, %select_n3A_127 : i32
          %ne3A_129 = arith.constant 0 : i32
          %ne3A_130 = arith.cmpi ne, %rem3A_128, %ne3A_129 : i32
          %lt3A_131 = arith.constant 0 : i32
          %lt3A_132 = arith.cmpi slt, %rem3A_128, %lt3A_131 : i32
          %lt3A_133 = arith.constant 0 : i32
          %lt3A_134 = arith.cmpi slt, %select_n3A_127, %lt3A_133 : i32
          %ne3A_135 = arith.xori %lt3A_132, %lt3A_134 : i1
          %and3A_136 = arith.andi %ne3A_135, %ne3A_130 : i1
          %add3A_137 = arith.addi %rem3A_128, %select_n3A_127 : i32
          %select_n3A_138 = arith.select %and3A_136, %add3A_137, %rem3A_128 : i32
          %dma_wait3A = arith.constant 1 : i32
          %dma_wait3A_139 = arith.constant 0 : i32
          %dma_wait3A_140 = arith.constant 0 : i32
          %dma_wait3A_141 = tpu.memref_slice %arg8[%select_n3A_138, %dma_wait3A_139, %dma_wait3A_140] : memref<10x128x64xf32, #tpu.memory_space<vmem>> -> memref<1x128x64xf32, #tpu.memory_space<vmem>>
          %dma_wait3A_142 = tpu.memref_squeeze %dma_wait3A_141 : memref<1x128x64xf32, #tpu.memory_space<vmem>> -> memref<128x64xf32, #tpu.memory_space<vmem>>
          %dma_wait3A_143 = arith.constant 0 : i32
          %dma_wait3A_144 = tpu.memref_slice %arg7[%select_n3A_138, %dma_wait3A, %dma_wait3A_143] : memref<10x2x128xi32, #tpu.memory_space<vmem>> -> memref<1x1x128xi32, #tpu.memory_space<vmem>>
          %dma_wait3A_145 = tpu.memref_squeeze %dma_wait3A_144 : memref<1x1x128xi32, #tpu.memory_space<vmem>> -> memref<128xi32, #tpu.memory_space<vmem>>
          %dma_wait3A_146 = arith.constant 0 : i32
          %dma_wait3A_147 = arith.constant 0 : i32
          %dma_wait3A_148 = tpu.memref_slice %arg9[%dma_wait3A_146, %dma_wait3A_147] : memref<10240x64xf32, #tpu.memory_space<vmem_shared>> -> memref<10240x64xf32, #tpu.memory_space<vmem_shared>>
          %dma_wait3A_149 = tpu.memref_slice %arg12[%select_n3A_138] : memref<10x!tpu.dma_semaphore, #tpu.memory_space<semaphore_mem>> -> memref<1x!tpu.dma_semaphore, #tpu.memory_space<semaphore_mem>>
          %dma_wait3A_150 = tpu.memref_squeeze %dma_wait3A_149 : memref<1x!tpu.dma_semaphore, #tpu.memory_space<semaphore_mem>> -> memref<!tpu.dma_semaphore, #tpu.memory_space<semaphore_mem>>
          tpu.wait_indirect_dma semaphore(%dma_wait3A_150 : memref<!tpu.dma_semaphore, #tpu.memory_space<semaphore_mem>>) src(%dma_wait3A_142 : memref<128x64xf32, #tpu.memory_space<vmem>>) dst(%dma_wait3A_148 : memref<10240x64xf32, #tpu.memory_space<vmem_shared>>)
        } else {
        }
        %jit3A_68 = arith.constant 10 : i32
        %eq3A_69 = arith.constant 0 : i32
        %eq3A_70 = arith.cmpi eq, %jit3A_68, %eq3A_69 : i32
        %jit3A_71 = arith.constant 1 : i32
        %select_n3A_72 = arith.select %eq3A_70, %jit3A_71, %jit3A_68 : i32
        %rem3A = arith.remsi %while3A_63, %select_n3A_72 : i32
        %ne3A = arith.constant 0 : i32
        %ne3A_73 = arith.cmpi ne, %rem3A, %ne3A : i32
        %lt3A_74 = arith.constant 0 : i32
        %lt3A_75 = arith.cmpi slt, %rem3A, %lt3A_74 : i32
        %lt3A_76 = arith.constant 0 : i32
        %lt3A_77 = arith.cmpi slt, %select_n3A_72, %lt3A_76 : i32
        %ne3A_78 = arith.xori %lt3A_75, %lt3A_77 : i1
        %and3A = arith.andi %ne3A_78, %ne3A_73 : i1
        %add3A_79 = arith.addi %rem3A, %select_n3A_72 : i32
        %select_n3A_80 = arith.select %and3A, %add3A_79, %rem3A : i32
        %mul3A_81 = arith.constant 16 : i32
        %mul3A_82 = arith.muli %mul3A_81, %while3A_63 : i32
        %add3A_83 = arith.addi %arg1, %mul3A_82 : i32
        %mul3A_84 = arith.constant 128 : i32
        %mul3A_85 = arith.muli %add3A_83, %mul3A_84 : i32
        %dma_start3A = arith.constant 0 : i32
        %dma_start3A_86 = arith.constant 0 : i32
        %dma_start3A_87 = arith.constant 0 : i32
        %dma_start3A_88 = tpu.memref_slice %arg7[%select_n3A_80, %dma_start3A_86, %dma_start3A_87] : memref<10x2x128xi32, #tpu.memory_space<vmem>> -> memref<1x1x128xi32, #tpu.memory_space<vmem>>
        %dma_start3A_89 = tpu.memref_squeeze %dma_start3A_88 : memref<1x1x128xi32, #tpu.memory_space<vmem>> -> memref<128xi32, #tpu.memory_space<vmem>>
        %dma_start3A_90 = tpu.memref_slice %arg4[%dma_start3A, %mul3A_85] : memref<2x320000xi32, #tpu.memory_space<hbm>> -> memref<1x128xi32, #tpu.memory_space<hbm>>
        %dma_start3A_91 = tpu.memref_squeeze %dma_start3A_90 : memref<1x128xi32, #tpu.memory_space<hbm>> -> memref<128xi32, #tpu.memory_space<hbm>>
        %dma_start3A_92 = tpu.memref_slice %arg10[%select_n3A_80] : memref<10x!tpu.dma_semaphore, #tpu.memory_space<semaphore_mem>> -> memref<1x!tpu.dma_semaphore, #tpu.memory_space<semaphore_mem>>
        %dma_start3A_93 = tpu.memref_squeeze %dma_start3A_92 : memref<1x!tpu.dma_semaphore, #tpu.memory_space<semaphore_mem>> -> memref<!tpu.dma_semaphore, #tpu.memory_space<semaphore_mem>>
        %dma_start3A_94 = arith.constant 0 : i32
        %dma_start3A_95 = tpu.memref_slice %arg7[%select_n3A_80, %dma_start3A_86, %dma_start3A_94] : memref<10x2x128xi32, #tpu.memory_space<vmem>> -> memref<1x1x128xi32, #tpu.memory_space<vmem>>
        %dma_start3A_96 = tpu.memref_squeeze %dma_start3A_95 : memref<1x1x128xi32, #tpu.memory_space<vmem>> -> memref<128xi32, #tpu.memory_space<vmem>>
        %dma_start3A_97 = tpu.memref_slice %arg4[%dma_start3A, %mul3A_85] : memref<2x320000xi32, #tpu.memory_space<hbm>> -> memref<1x128xi32, #tpu.memory_space<hbm>>
        %dma_start3A_98 = tpu.memref_squeeze %dma_start3A_97 : memref<1x128xi32, #tpu.memory_space<hbm>> -> memref<128xi32, #tpu.memory_space<hbm>>
        tpu.enqueue_dma source(%dma_start3A_98 : memref<128xi32, #tpu.memory_space<hbm>>) target(%dma_start3A_96 : memref<128xi32, #tpu.memory_space<vmem>>) target_semaphore(%dma_start3A_93 : memref<!tpu.dma_semaphore, #tpu.memory_space<semaphore_mem>>)
        %dma_start3A_99 = arith.constant 1 : i32
        %dma_start3A_100 = arith.constant 1 : i32
        %dma_start3A_101 = arith.constant 0 : i32
        %dma_start3A_102 = tpu.memref_slice %arg7[%select_n3A_80, %dma_start3A_100, %dma_start3A_101] : memref<10x2x128xi32, #tpu.memory_space<vmem>> -> memref<1x1x128xi32, #tpu.memory_space<vmem>>
        %dma_start3A_103 = tpu.memref_squeeze %dma_start3A_102 : memref<1x1x128xi32, #tpu.memory_space<vmem>> -> memref<128xi32, #tpu.memory_space<vmem>>
        %dma_start3A_104 = tpu.memref_slice %arg4[%dma_start3A_99, %mul3A_85] : memref<2x320000xi32, #tpu.memory_space<hbm>> -> memref<1x128xi32, #tpu.memory_space<hbm>>
        %dma_start3A_105 = tpu.memref_squeeze %dma_start3A_104 : memref<1x128xi32, #tpu.memory_space<hbm>> -> memref<128xi32, #tpu.memory_space<hbm>>
        %dma_start3A_106 = tpu.memref_slice %arg10[%select_n3A_80] : memref<10x!tpu.dma_semaphore, #tpu.memory_space<semaphore_mem>> -> memref<1x!tpu.dma_semaphore, #tpu.memory_space<semaphore_mem>>
        %dma_start3A_107 = tpu.memref_squeeze %dma_start3A_106 : memref<1x!tpu.dma_semaphore, #tpu.memory_space<semaphore_mem>> -> memref<!tpu.dma_semaphore, #tpu.memory_space<semaphore_mem>>
        %dma_start3A_108 = arith.constant 0 : i32
        %dma_start3A_109 = tpu.memref_slice %arg7[%select_n3A_80, %dma_start3A_100, %dma_start3A_108] : memref<10x2x128xi32, #tpu.memory_space<vmem>> -> memref<1x1x128xi32, #tpu.memory_space<vmem>>
        %dma_start3A_110 = tpu.memref_squeeze %dma_start3A_109 : memref<1x1x128xi32, #tpu.memory_space<vmem>> -> memref<128xi32, #tpu.memory_space<vmem>>
        %dma_start3A_111 = tpu.memref_slice %arg4[%dma_start3A_99, %mul3A_85] : memref<2x320000xi32, #tpu.memory_space<hbm>> -> memref<1x128xi32, #tpu.memory_space<hbm>>
        %dma_start3A_112 = tpu.memref_squeeze %dma_start3A_111 : memref<1x128xi32, #tpu.memory_space<hbm>> -> memref<128xi32, #tpu.memory_space<hbm>>
        tpu.enqueue_dma source(%dma_start3A_112 : memref<128xi32, #tpu.memory_space<hbm>>) target(%dma_start3A_110 : memref<128xi32, #tpu.memory_space<vmem>>) target_semaphore(%dma_start3A_107 : memref<!tpu.dma_semaphore, #tpu.memory_space<semaphore_mem>>)
        %ge3A_113 = arith.constant 1 : i32
        %ge3A_114 = arith.cmpi sge, %while3A_63, %ge3A_113 : i32
        %convert_element_type3A_115 = arith.extui %ge3A_114 : i1 to i32
        %cond3A_116 = arith.constant 0 : i32
        %cond3A_117 = arith.cmpi ne, %convert_element_type3A_115, %cond3A_116 : i32
        scf.if %cond3A_117 {
          %sub3A_123 = arith.constant 1 : i32
          %sub3A_124 = arith.subi %while3A_63, %sub3A_123 : i32
          %jit3A_125 = arith.constant 10 : i32
          %eq3A_126 = arith.constant 0 : i32
          %eq3A_127 = arith.cmpi eq, %jit3A_125, %eq3A_126 : i32
          %jit3A_128 = arith.constant 1 : i32
          %select_n3A_129 = arith.select %eq3A_127, %jit3A_128, %jit3A_125 : i32
          %rem3A_130 = arith.remsi %sub3A_124, %select_n3A_129 : i32
          %ne3A_131 = arith.constant 0 : i32
          %ne3A_132 = arith.cmpi ne, %rem3A_130, %ne3A_131 : i32
          %lt3A_133 = arith.constant 0 : i32
          %lt3A_134 = arith.cmpi slt, %rem3A_130, %lt3A_133 : i32
          %lt3A_135 = arith.constant 0 : i32
          %lt3A_136 = arith.cmpi slt, %select_n3A_129, %lt3A_135 : i32
          %ne3A_137 = arith.xori %lt3A_134, %lt3A_136 : i1
          %and3A_138 = arith.andi %ne3A_137, %ne3A_132 : i1
          %add3A_139 = arith.addi %rem3A_130, %select_n3A_129 : i32
          %select_n3A_140 = arith.select %and3A_138, %add3A_139, %rem3A_130 : i32
          %dma_wait3A = arith.constant 0 : i32
          %dma_wait3A_141 = arith.constant 0 : i32
          %dma_wait3A_142 = tpu.memref_slice %arg7[%select_n3A_140, %dma_wait3A, %dma_wait3A_141] : memref<10x2x128xi32, #tpu.memory_space<vmem>> -> memref<1x2x128xi32, #tpu.memory_space<vmem>>
          %dma_wait3A_143 = tpu.memref_squeeze %dma_wait3A_142 : memref<1x2x128xi32, #tpu.memory_space<vmem>> -> memref<2x128xi32, #tpu.memory_space<vmem>>
          %dma_wait3A_144 = arith.constant 0 : i32
          %dma_wait3A_145 = arith.constant 0 : i32
          %dma_wait3A_146 = tpu.memref_slice %arg4[%dma_wait3A_144, %dma_wait3A_145] : memref<2x320000xi32, #tpu.memory_space<hbm>> -> memref<2x128xi32, #tpu.memory_space<hbm>>
          %dma_wait3A_147 = tpu.memref_slice %arg10[%select_n3A_140] : memref<10x!tpu.dma_semaphore, #tpu.memory_space<semaphore_mem>> -> memref<1x!tpu.dma_semaphore, #tpu.memory_space<semaphore_mem>>
          %dma_wait3A_148 = tpu.memref_squeeze %dma_wait3A_147 : memref<1x!tpu.dma_semaphore, #tpu.memory_space<semaphore_mem>> -> memref<!tpu.dma_semaphore, #tpu.memory_space<semaphore_mem>>
          %dma_wait3A_149 = arith.constant 0 : i32
          %dma_wait3A_150 = arith.constant 0 : i32
          %dma_wait3A_151 = tpu.memref_slice %arg7[%select_n3A_140, %dma_wait3A_149, %dma_wait3A_150] : memref<10x2x128xi32, #tpu.memory_space<vmem>> -> memref<1x2x128xi32, #tpu.memory_space<vmem>>
          %dma_wait3A_152 = tpu.memref_squeeze %dma_wait3A_151 : memref<1x2x128xi32, #tpu.memory_space<vmem>> -> memref<2x128xi32, #tpu.memory_space<vmem>>
          %dma_wait3A_153 = arith.constant 0 : i32
          %dma_wait3A_154 = arith.constant 0 : i32
          %dma_wait3A_155 = tpu.memref_slice %arg4[%dma_wait3A_153, %dma_wait3A_154] : memref<2x320000xi32, #tpu.memory_space<hbm>> -> memref<2x128xi32, #tpu.memory_space<hbm>>
          tpu.wait_dma2 semaphore(%dma_wait3A_148 : memref<!tpu.dma_semaphore, #tpu.memory_space<semaphore_mem>>) src(%dma_wait3A_155 : memref<2x128xi32, #tpu.memory_space<hbm>>) dst(%dma_wait3A_152 : memref<2x128xi32, #tpu.memory_space<vmem>>)
          %sub3A_156 = arith.constant 1 : i32
          %sub3A_157 = arith.subi %while3A_63, %sub3A_156 : i32
          %jit3A_158 = arith.constant 10 : i32
          %eq3A_159 = arith.constant 0 : i32
          %eq3A_160 = arith.cmpi eq, %jit3A_158, %eq3A_159 : i32
          %jit3A_161 = arith.constant 1 : i32
          %select_n3A_162 = arith.select %eq3A_160, %jit3A_161, %jit3A_158 : i32
          %rem3A_163 = arith.remsi %sub3A_157, %select_n3A_162 : i32
          %ne3A_164 = arith.constant 0 : i32
          %ne3A_165 = arith.cmpi ne, %rem3A_163, %ne3A_164 : i32
          %lt3A_166 = arith.constant 0 : i32
          %lt3A_167 = arith.cmpi slt, %rem3A_163, %lt3A_166 : i32
          %lt3A_168 = arith.constant 0 : i32
          %lt3A_169 = arith.cmpi slt, %select_n3A_162, %lt3A_168 : i32
          %ne3A_170 = arith.xori %lt3A_167, %lt3A_169 : i1
          %and3A_171 = arith.andi %ne3A_170, %ne3A_165 : i1
          %add3A_172 = arith.addi %rem3A_163, %select_n3A_162 : i32
          %select_n3A_173 = arith.select %and3A_171, %add3A_172, %rem3A_163 : i32
          %dma_start3A_174 = arith.constant 0 : i32
          %dma_start3A_175 = arith.constant 0 : i32
          %dma_start3A_176 = arith.constant 0 : i32
          %dma_start3A_177 = tpu.memref_slice %arg8[%select_n3A_173, %dma_start3A_175, %dma_start3A_176] : memref<10x128x64xf32, #tpu.memory_space<vmem>> -> memref<1x128x64xf32, #tpu.memory_space<vmem>>
          %dma_start3A_178 = tpu.memref_squeeze %dma_start3A_177 : memref<1x128x64xf32, #tpu.memory_space<vmem>> -> memref<128x64xf32, #tpu.memory_space<vmem>>
          %dma_start3A_179 = arith.constant 0 : i32
          %dma_start3A_180 = tpu.memref_slice %arg7[%select_n3A_173, %dma_start3A_174, %dma_start3A_179] : memref<10x2x128xi32, #tpu.memory_space<vmem>> -> memref<1x1x128xi32, #tpu.memory_space<vmem>>
          %dma_start3A_181 = tpu.memref_squeeze %dma_start3A_180 : memref<1x1x128xi32, #tpu.memory_space<vmem>> -> memref<128xi32, #tpu.memory_space<vmem>>
          %dma_start3A_182 = arith.constant 0 : i32
          %dma_start3A_183 = arith.constant 0 : i32
          %dma_start3A_184 = tpu.memref_slice %arg3[%dma_start3A_182, %dma_start3A_183] : memref<10000x64xf32, #tpu.memory_space<hbm>> -> memref<10000x64xf32, #tpu.memory_space<hbm>>
          %dma_start3A_185 = tpu.memref_slice %arg11[%select_n3A_173] : memref<10x!tpu.dma_semaphore, #tpu.memory_space<semaphore_mem>> -> memref<1x!tpu.dma_semaphore, #tpu.memory_space<semaphore_mem>>
          %dma_start3A_186 = tpu.memref_squeeze %dma_start3A_185 : memref<1x!tpu.dma_semaphore, #tpu.memory_space<semaphore_mem>> -> memref<!tpu.dma_semaphore, #tpu.memory_space<semaphore_mem>>
          tpu.enqueue_indirect_dma source(%dma_start3A_184 : memref<10000x64xf32, #tpu.memory_space<hbm>>) target(%dma_start3A_178 : memref<128x64xf32, #tpu.memory_space<vmem>>) offsets(%dma_start3A_181 : memref<128xi32, #tpu.memory_space<vmem>>) semaphore(%dma_start3A_186 : memref<!tpu.dma_semaphore, #tpu.memory_space<semaphore_mem>>)
        } else {
        }
        %ge3A_118 = arith.constant 5 : i32
        %ge3A_119 = arith.cmpi sge, %while3A_63, %ge3A_118 : i32
        %convert_element_type3A_120 = arith.extui %ge3A_119 : i1 to i32
        %cond3A_121 = arith.constant 0 : i32
        %cond3A_122 = arith.cmpi ne, %convert_element_type3A_120, %cond3A_121 : i32
        scf.if %cond3A_122 {
          %sub3A_123 = arith.constant 5 : i32
          %sub3A_124 = arith.subi %while3A_63, %sub3A_123 : i32
          %jit3A_125 = arith.constant 10 : i32
          %eq3A_126 = arith.constant 0 : i32
          %eq3A_127 = arith.cmpi eq, %jit3A_125, %eq3A_126 : i32
          %jit3A_128 = arith.constant 1 : i32
          %select_n3A_129 = arith.select %eq3A_127, %jit3A_128, %jit3A_125 : i32
          %rem3A_130 = arith.remsi %sub3A_124, %select_n3A_129 : i32
          %ne3A_131 = arith.constant 0 : i32
          %ne3A_132 = arith.cmpi ne, %rem3A_130, %ne3A_131 : i32
          %lt3A_133 = arith.constant 0 : i32
          %lt3A_134 = arith.cmpi slt, %rem3A_130, %lt3A_133 : i32
          %lt3A_135 = arith.constant 0 : i32
          %lt3A_136 = arith.cmpi slt, %select_n3A_129, %lt3A_135 : i32
          %ne3A_137 = arith.xori %lt3A_134, %lt3A_136 : i1
          %and3A_138 = arith.andi %ne3A_137, %ne3A_132 : i1
          %add3A_139 = arith.addi %rem3A_130, %select_n3A_129 : i32
          %select_n3A_140 = arith.select %and3A_138, %add3A_139, %rem3A_130 : i32
          %dma_wait3A = arith.constant 0 : i32
          %dma_wait3A_141 = arith.constant 0 : i32
          %dma_wait3A_142 = arith.constant 0 : i32
          %dma_wait3A_143 = tpu.memref_slice %arg8[%select_n3A_140, %dma_wait3A_141, %dma_wait3A_142] : memref<10x128x64xf32, #tpu.memory_space<vmem>> -> memref<1x128x64xf32, #tpu.memory_space<vmem>>
          %dma_wait3A_144 = tpu.memref_squeeze %dma_wait3A_143 : memref<1x128x64xf32, #tpu.memory_space<vmem>> -> memref<128x64xf32, #tpu.memory_space<vmem>>
          %dma_wait3A_145 = arith.constant 0 : i32
          %dma_wait3A_146 = tpu.memref_slice %arg7[%select_n3A_140, %dma_wait3A, %dma_wait3A_145] : memref<10x2x128xi32, #tpu.memory_space<vmem>> -> memref<1x1x128xi32, #tpu.memory_space<vmem>>
          %dma_wait3A_147 = tpu.memref_squeeze %dma_wait3A_146 : memref<1x1x128xi32, #tpu.memory_space<vmem>> -> memref<128xi32, #tpu.memory_space<vmem>>
          %dma_wait3A_148 = arith.constant 0 : i32
          %dma_wait3A_149 = arith.constant 0 : i32
          %dma_wait3A_150 = tpu.memref_slice %arg3[%dma_wait3A_148, %dma_wait3A_149] : memref<10000x64xf32, #tpu.memory_space<hbm>> -> memref<10000x64xf32, #tpu.memory_space<hbm>>
          %dma_wait3A_151 = tpu.memref_slice %arg11[%select_n3A_140] : memref<10x!tpu.dma_semaphore, #tpu.memory_space<semaphore_mem>> -> memref<1x!tpu.dma_semaphore, #tpu.memory_space<semaphore_mem>>
          %dma_wait3A_152 = tpu.memref_squeeze %dma_wait3A_151 : memref<1x!tpu.dma_semaphore, #tpu.memory_space<semaphore_mem>> -> memref<!tpu.dma_semaphore, #tpu.memory_space<semaphore_mem>>
          tpu.wait_indirect_dma semaphore(%dma_wait3A_152 : memref<!tpu.dma_semaphore, #tpu.memory_space<semaphore_mem>>) src(%dma_wait3A_150 : memref<10000x64xf32, #tpu.memory_space<hbm>>) dst(%dma_wait3A_144 : memref<128x64xf32, #tpu.memory_space<vmem>>)
          %sub3A_153 = arith.constant 5 : i32
          %sub3A_154 = arith.subi %while3A_63, %sub3A_153 : i32
          %jit3A_155 = arith.constant 10 : i32
          %eq3A_156 = arith.constant 0 : i32
          %eq3A_157 = arith.cmpi eq, %jit3A_155, %eq3A_156 : i32
          %jit3A_158 = arith.constant 1 : i32
          %select_n3A_159 = arith.select %eq3A_157, %jit3A_158, %jit3A_155 : i32
          %rem3A_160 = arith.remsi %sub3A_154, %select_n3A_159 : i32
          %ne3A_161 = arith.constant 0 : i32
          %ne3A_162 = arith.cmpi ne, %rem3A_160, %ne3A_161 : i32
          %lt3A_163 = arith.constant 0 : i32
          %lt3A_164 = arith.cmpi slt, %rem3A_160, %lt3A_163 : i32
          %lt3A_165 = arith.constant 0 : i32
          %lt3A_166 = arith.cmpi slt, %select_n3A_159, %lt3A_165 : i32
          %ne3A_167 = arith.xori %lt3A_164, %lt3A_166 : i1
          %and3A_168 = arith.andi %ne3A_167, %ne3A_162 : i1
          %add3A_169 = arith.addi %rem3A_160, %select_n3A_159 : i32
          %select_n3A_170 = arith.select %and3A_168, %add3A_169, %rem3A_160 : i32
          %dma_start3A_171 = arith.constant 1 : i32
          %dma_start3A_172 = arith.constant 0 : i32
          %dma_start3A_173 = arith.constant 0 : i32
          %dma_start3A_174 = tpu.memref_slice %arg8[%select_n3A_170, %dma_start3A_172, %dma_start3A_173] : memref<10x128x64xf32, #tpu.memory_space<vmem>> -> memref<1x128x64xf32, #tpu.memory_space<vmem>>
          %dma_start3A_175 = tpu.memref_squeeze %dma_start3A_174 : memref<1x128x64xf32, #tpu.memory_space<vmem>> -> memref<128x64xf32, #tpu.memory_space<vmem>>
          %dma_start3A_176 = arith.constant 0 : i32
          %dma_start3A_177 = tpu.memref_slice %arg7[%select_n3A_170, %dma_start3A_171, %dma_start3A_176] : memref<10x2x128xi32, #tpu.memory_space<vmem>> -> memref<1x1x128xi32, #tpu.memory_space<vmem>>
          %dma_start3A_178 = tpu.memref_squeeze %dma_start3A_177 : memref<1x1x128xi32, #tpu.memory_space<vmem>> -> memref<128xi32, #tpu.memory_space<vmem>>
          %dma_start3A_179 = arith.constant 0 : i32
          %dma_start3A_180 = arith.constant 0 : i32
          %dma_start3A_181 = tpu.memref_slice %arg9[%dma_start3A_179, %dma_start3A_180] : memref<10240x64xf32, #tpu.memory_space<vmem_shared>> -> memref<10240x64xf32, #tpu.memory_space<vmem_shared>>
          %dma_start3A_182 = tpu.memref_slice %arg12[%select_n3A_170] : memref<10x!tpu.dma_semaphore, #tpu.memory_space<semaphore_mem>> -> memref<1x!tpu.dma_semaphore, #tpu.memory_space<semaphore_mem>>
          %dma_start3A_183 = tpu.memref_squeeze %dma_start3A_182 : memref<1x!tpu.dma_semaphore, #tpu.memory_space<semaphore_mem>> -> memref<!tpu.dma_semaphore, #tpu.memory_space<semaphore_mem>>
          tpu.enqueue_indirect_dma source(%dma_start3A_175 : memref<128x64xf32, #tpu.memory_space<vmem>>) target(%dma_start3A_181 : memref<10240x64xf32, #tpu.memory_space<vmem_shared>>) offsets(%dma_start3A_178 : memref<128xi32, #tpu.memory_space<vmem>>) semaphore(%dma_start3A_183 : memref<!tpu.dma_semaphore, #tpu.memory_space<semaphore_mem>>) {add = true}
        } else {
        }
      }
      %sub3A = arith.constant 1 : i32
      %sub3A_31 = arith.subi %add3A_3, %sub3A : i32
      %while3A_32 = arith.constant 0 : i32
      %while3A_33 = arith.subi %add3A_3, %sub3A_31 : i32
      %while3A_34 = arith.addi %sub3A_31, %while3A_33 : i32
      %while3A_35 = arith.constant 1 : i32
      %while3A_36 = arith.divsi %while3A_33, %while3A_35 : i32
      %while3A_37 = arith.muli %while3A_36, %while3A_35 : i32
      %while3A_38 = arith.addi %sub3A_31, %while3A_37 : i32
      %while3A_39 = arith.constant 1 : i32
      scf.for %while3A_63 = %sub3A_31 to %while3A_38 step %while3A_39  : i32 {
        %jit3A_64 = arith.constant 10 : i32
        %eq3A_65 = arith.constant 0 : i32
        %eq3A_66 = arith.cmpi eq, %jit3A_64, %eq3A_65 : i32
        %jit3A_67 = arith.constant 1 : i32
        %select_n3A_68 = arith.select %eq3A_66, %jit3A_67, %jit3A_64 : i32
        %rem3A = arith.remsi %while3A_63, %select_n3A_68 : i32
        %ne3A = arith.constant 0 : i32
        %ne3A_69 = arith.cmpi ne, %rem3A, %ne3A : i32
        %lt3A_70 = arith.constant 0 : i32
        %lt3A_71 = arith.cmpi slt, %rem3A, %lt3A_70 : i32
        %lt3A_72 = arith.constant 0 : i32
        %lt3A_73 = arith.cmpi slt, %select_n3A_68, %lt3A_72 : i32
        %ne3A_74 = arith.xori %lt3A_71, %lt3A_73 : i1
        %and3A = arith.andi %ne3A_74, %ne3A_69 : i1
        %add3A_75 = arith.addi %rem3A, %select_n3A_68 : i32
        %select_n3A_76 = arith.select %and3A, %add3A_75, %rem3A : i32
        %dma_wait3A = arith.constant 0 : i32
        %dma_wait3A_77 = arith.constant 0 : i32
        %dma_wait3A_78 = tpu.memref_slice %arg7[%select_n3A_76, %dma_wait3A, %dma_wait3A_77] : memref<10x2x128xi32, #tpu.memory_space<vmem>> -> memref<1x2x128xi32, #tpu.memory_space<vmem>>
        %dma_wait3A_79 = tpu.memref_squeeze %dma_wait3A_78 : memref<1x2x128xi32, #tpu.memory_space<vmem>> -> memref<2x128xi32, #tpu.memory_space<vmem>>
        %dma_wait3A_80 = arith.constant 0 : i32
        %dma_wait3A_81 = arith.constant 0 : i32
        %dma_wait3A_82 = tpu.memref_slice %arg4[%dma_wait3A_80, %dma_wait3A_81] : memref<2x320000xi32, #tpu.memory_space<hbm>> -> memref<2x128xi32, #tpu.memory_space<hbm>>
        %dma_wait3A_83 = tpu.memref_slice %arg10[%select_n3A_76] : memref<10x!tpu.dma_semaphore, #tpu.memory_space<semaphore_mem>> -> memref<1x!tpu.dma_semaphore, #tpu.memory_space<semaphore_mem>>
        %dma_wait3A_84 = tpu.memref_squeeze %dma_wait3A_83 : memref<1x!tpu.dma_semaphore, #tpu.memory_space<semaphore_mem>> -> memref<!tpu.dma_semaphore, #tpu.memory_space<semaphore_mem>>
        %dma_wait3A_85 = arith.constant 0 : i32
        %dma_wait3A_86 = arith.constant 0 : i32
        %dma_wait3A_87 = tpu.memref_slice %arg7[%select_n3A_76, %dma_wait3A_85, %dma_wait3A_86] : memref<10x2x128xi32, #tpu.memory_space<vmem>> -> memref<1x2x128xi32, #tpu.memory_space<vmem>>
        %dma_wait3A_88 = tpu.memref_squeeze %dma_wait3A_87 : memref<1x2x128xi32, #tpu.memory_space<vmem>> -> memref<2x128xi32, #tpu.memory_space<vmem>>
        %dma_wait3A_89 = arith.constant 0 : i32
        %dma_wait3A_90 = arith.constant 0 : i32
        %dma_wait3A_91 = tpu.memref_slice %arg4[%dma_wait3A_89, %dma_wait3A_90] : memref<2x320000xi32, #tpu.memory_space<hbm>> -> memref<2x128xi32, #tpu.memory_space<hbm>>
        tpu.wait_dma2 semaphore(%dma_wait3A_84 : memref<!tpu.dma_semaphore, #tpu.memory_space<semaphore_mem>>) src(%dma_wait3A_91 : memref<2x128xi32, #tpu.memory_space<hbm>>) dst(%dma_wait3A_88 : memref<2x128xi32, #tpu.memory_space<vmem>>)
        %jit3A_92 = arith.constant 10 : i32
        %eq3A_93 = arith.constant 0 : i32
        %eq3A_94 = arith.cmpi eq, %jit3A_92, %eq3A_93 : i32
        %jit3A_95 = arith.constant 1 : i32
        %select_n3A_96 = arith.select %eq3A_94, %jit3A_95, %jit3A_92 : i32
        %rem3A_97 = arith.remsi %while3A_63, %select_n3A_96 : i32
        %ne3A_98 = arith.constant 0 : i32
        %ne3A_99 = arith.cmpi ne, %rem3A_97, %ne3A_98 : i32
        %lt3A_100 = arith.constant 0 : i32
        %lt3A_101 = arith.cmpi slt, %rem3A_97, %lt3A_100 : i32
        %lt3A_102 = arith.constant 0 : i32
        %lt3A_103 = arith.cmpi slt, %select_n3A_96, %lt3A_102 : i32
        %ne3A_104 = arith.xori %lt3A_101, %lt3A_103 : i1
        %and3A_105 = arith.andi %ne3A_104, %ne3A_99 : i1
        %add3A_106 = arith.addi %rem3A_97, %select_n3A_96 : i32
        %select_n3A_107 = arith.select %and3A_105, %add3A_106, %rem3A_97 : i32
        %dma_start3A = arith.constant 0 : i32
        %dma_start3A_108 = arith.constant 0 : i32
        %dma_start3A_109 = arith.constant 0 : i32
        %dma_start3A_110 = tpu.memref_slice %arg8[%select_n3A_107, %dma_start3A_108, %dma_start3A_109] : memref<10x128x64xf32, #tpu.memory_space<vmem>> -> memref<1x128x64xf32, #tpu.memory_space<vmem>>
        %dma_start3A_111 = tpu.memref_squeeze %dma_start3A_110 : memref<1x128x64xf32, #tpu.memory_space<vmem>> -> memref<128x64xf32, #tpu.memory_space<vmem>>
        %dma_start3A_112 = arith.constant 0 : i32
        %dma_start3A_113 = tpu.memref_slice %arg7[%select_n3A_107, %dma_start3A, %dma_start3A_112] : memref<10x2x128xi32, #tpu.memory_space<vmem>> -> memref<1x1x128xi32, #tpu.memory_space<vmem>>
        %dma_start3A_114 = tpu.memref_squeeze %dma_start3A_113 : memref<1x1x128xi32, #tpu.memory_space<vmem>> -> memref<128xi32, #tpu.memory_space<vmem>>
        %dma_start3A_115 = arith.constant 0 : i32
        %dma_start3A_116 = arith.constant 0 : i32
        %dma_start3A_117 = tpu.memref_slice %arg3[%dma_start3A_115, %dma_start3A_116] : memref<10000x64xf32, #tpu.memory_space<hbm>> -> memref<10000x64xf32, #tpu.memory_space<hbm>>
        %dma_start3A_118 = tpu.memref_slice %arg11[%select_n3A_107] : memref<10x!tpu.dma_semaphore, #tpu.memory_space<semaphore_mem>> -> memref<1x!tpu.dma_semaphore, #tpu.memory_space<semaphore_mem>>
        %dma_start3A_119 = tpu.memref_squeeze %dma_start3A_118 : memref<1x!tpu.dma_semaphore, #tpu.memory_space<semaphore_mem>> -> memref<!tpu.dma_semaphore, #tpu.memory_space<semaphore_mem>>
        tpu.enqueue_indirect_dma source(%dma_start3A_117 : memref<10000x64xf32, #tpu.memory_space<hbm>>) target(%dma_start3A_111 : memref<128x64xf32, #tpu.memory_space<vmem>>) offsets(%dma_start3A_114 : memref<128xi32, #tpu.memory_space<vmem>>) semaphore(%dma_start3A_119 : memref<!tpu.dma_semaphore, #tpu.memory_space<semaphore_mem>>)
      }
      %while3A_40 = arith.constant 1 : i32
      scf.for %while3A_63 = %while3A_38 to %while3A_34 step %while3A_40  : i32 {
        %jit3A_64 = arith.constant 10 : i32
        %eq3A_65 = arith.constant 0 : i32
        %eq3A_66 = arith.cmpi eq, %jit3A_64, %eq3A_65 : i32
        %jit3A_67 = arith.constant 1 : i32
        %select_n3A_68 = arith.select %eq3A_66, %jit3A_67, %jit3A_64 : i32
        %rem3A = arith.remsi %while3A_63, %select_n3A_68 : i32
        %ne3A = arith.constant 0 : i32
        %ne3A_69 = arith.cmpi ne, %rem3A, %ne3A : i32
        %lt3A_70 = arith.constant 0 : i32
        %lt3A_71 = arith.cmpi slt, %rem3A, %lt3A_70 : i32
        %lt3A_72 = arith.constant 0 : i32
        %lt3A_73 = arith.cmpi slt, %select_n3A_68, %lt3A_72 : i32
        %ne3A_74 = arith.xori %lt3A_71, %lt3A_73 : i1
        %and3A = arith.andi %ne3A_74, %ne3A_69 : i1
        %add3A_75 = arith.addi %rem3A, %select_n3A_68 : i32
        %select_n3A_76 = arith.select %and3A, %add3A_75, %rem3A : i32
        %dma_wait3A = arith.constant 0 : i32
        %dma_wait3A_77 = arith.constant 0 : i32
        %dma_wait3A_78 = tpu.memref_slice %arg7[%select_n3A_76, %dma_wait3A, %dma_wait3A_77] : memref<10x2x128xi32, #tpu.memory_space<vmem>> -> memref<1x2x128xi32, #tpu.memory_space<vmem>>
        %dma_wait3A_79 = tpu.memref_squeeze %dma_wait3A_78 : memref<1x2x128xi32, #tpu.memory_space<vmem>> -> memref<2x128xi32, #tpu.memory_space<vmem>>
        %dma_wait3A_80 = arith.constant 0 : i32
        %dma_wait3A_81 = arith.constant 0 : i32
        %dma_wait3A_82 = tpu.memref_slice %arg4[%dma_wait3A_80, %dma_wait3A_81] : memref<2x320000xi32, #tpu.memory_space<hbm>> -> memref<2x128xi32, #tpu.memory_space<hbm>>
        %dma_wait3A_83 = tpu.memref_slice %arg10[%select_n3A_76] : memref<10x!tpu.dma_semaphore, #tpu.memory_space<semaphore_mem>> -> memref<1x!tpu.dma_semaphore, #tpu.memory_space<semaphore_mem>>
        %dma_wait3A_84 = tpu.memref_squeeze %dma_wait3A_83 : memref<1x!tpu.dma_semaphore, #tpu.memory_space<semaphore_mem>> -> memref<!tpu.dma_semaphore, #tpu.memory_space<semaphore_mem>>
        %dma_wait3A_85 = arith.constant 0 : i32
        %dma_wait3A_86 = arith.constant 0 : i32
        %dma_wait3A_87 = tpu.memref_slice %arg7[%select_n3A_76, %dma_wait3A_85, %dma_wait3A_86] : memref<10x2x128xi32, #tpu.memory_space<vmem>> -> memref<1x2x128xi32, #tpu.memory_space<vmem>>
        %dma_wait3A_88 = tpu.memref_squeeze %dma_wait3A_87 : memref<1x2x128xi32, #tpu.memory_space<vmem>> -> memref<2x128xi32, #tpu.memory_space<vmem>>
        %dma_wait3A_89 = arith.constant 0 : i32
        %dma_wait3A_90 = arith.constant 0 : i32
        %dma_wait3A_91 = tpu.memref_slice %arg4[%dma_wait3A_89, %dma_wait3A_90] : memref<2x320000xi32, #tpu.memory_space<hbm>> -> memref<2x128xi32, #tpu.memory_space<hbm>>
        tpu.wait_dma2 semaphore(%dma_wait3A_84 : memref<!tpu.dma_semaphore, #tpu.memory_space<semaphore_mem>>) src(%dma_wait3A_91 : memref<2x128xi32, #tpu.memory_space<hbm>>) dst(%dma_wait3A_88 : memref<2x128xi32, #tpu.memory_space<vmem>>)
        %jit3A_92 = arith.constant 10 : i32
        %eq3A_93 = arith.constant 0 : i32
        %eq3A_94 = arith.cmpi eq, %jit3A_92, %eq3A_93 : i32
        %jit3A_95 = arith.constant 1 : i32
        %select_n3A_96 = arith.select %eq3A_94, %jit3A_95, %jit3A_92 : i32
        %rem3A_97 = arith.remsi %while3A_63, %select_n3A_96 : i32
        %ne3A_98 = arith.constant 0 : i32
        %ne3A_99 = arith.cmpi ne, %rem3A_97, %ne3A_98 : i32
        %lt3A_100 = arith.constant 0 : i32
        %lt3A_101 = arith.cmpi slt, %rem3A_97, %lt3A_100 : i32
        %lt3A_102 = arith.constant 0 : i32
        %lt3A_103 = arith.cmpi slt, %select_n3A_96, %lt3A_102 : i32
        %ne3A_104 = arith.xori %lt3A_101, %lt3A_103 : i1
        %and3A_105 = arith.andi %ne3A_104, %ne3A_99 : i1
        %add3A_106 = arith.addi %rem3A_97, %select_n3A_96 : i32
        %select_n3A_107 = arith.select %and3A_105, %add3A_106, %rem3A_97 : i32
        %dma_start3A = arith.constant 0 : i32
        %dma_start3A_108 = arith.constant 0 : i32
        %dma_start3A_109 = arith.constant 0 : i32
        %dma_start3A_110 = tpu.memref_slice %arg8[%select_n3A_107, %dma_start3A_108, %dma_start3A_109] : memref<10x128x64xf32, #tpu.memory_space<vmem>> -> memref<1x128x64xf32, #tpu.memory_space<vmem>>
        %dma_start3A_111 = tpu.memref_squeeze %dma_start3A_110 : memref<1x128x64xf32, #tpu.memory_space<vmem>> -> memref<128x64xf32, #tpu.memory_space<vmem>>
        %dma_start3A_112 = arith.constant 0 : i32
        %dma_start3A_113 = tpu.memref_slice %arg7[%select_n3A_107, %dma_start3A, %dma_start3A_112] : memref<10x2x128xi32, #tpu.memory_space<vmem>> -> memref<1x1x128xi32, #tpu.memory_space<vmem>>
        %dma_start3A_114 = tpu.memref_squeeze %dma_start3A_113 : memref<1x1x128xi32, #tpu.memory_space<vmem>> -> memref<128xi32, #tpu.memory_space<vmem>>
        %dma_start3A_115 = arith.constant 0 : i32
        %dma_start3A_116 = arith.constant 0 : i32
        %dma_start3A_117 = tpu.memref_slice %arg3[%dma_start3A_115, %dma_start3A_116] : memref<10000x64xf32, #tpu.memory_space<hbm>> -> memref<10000x64xf32, #tpu.memory_space<hbm>>
        %dma_start3A_118 = tpu.memref_slice %arg11[%select_n3A_107] : memref<10x!tpu.dma_semaphore, #tpu.memory_space<semaphore_mem>> -> memref<1x!tpu.dma_semaphore, #tpu.memory_space<semaphore_mem>>
        %dma_start3A_119 = tpu.memref_squeeze %dma_start3A_118 : memref<1x!tpu.dma_semaphore, #tpu.memory_space<semaphore_mem>> -> memref<!tpu.dma_semaphore, #tpu.memory_space<semaphore_mem>>
        tpu.enqueue_indirect_dma source(%dma_start3A_117 : memref<10000x64xf32, #tpu.memory_space<hbm>>) target(%dma_start3A_111 : memref<128x64xf32, #tpu.memory_space<vmem>>) offsets(%dma_start3A_114 : memref<128xi32, #tpu.memory_space<vmem>>) semaphore(%dma_start3A_119 : memref<!tpu.dma_semaphore, #tpu.memory_space<semaphore_mem>>)
      }
      %sub3A_41 = arith.constant 5 : i32
      %sub3A_42 = arith.subi %add3A_3, %sub3A_41 : i32
      %while3A_43 = arith.constant 0 : i32
      %while3A_44 = arith.subi %add3A_3, %sub3A_42 : i32
      %while3A_45 = arith.addi %sub3A_42, %while3A_44 : i32
      %while3A_46 = arith.constant 1 : i32
      %while3A_47 = arith.divsi %while3A_44, %while3A_46 : i32
      %while3A_48 = arith.muli %while3A_47, %while3A_46 : i32
      %while3A_49 = arith.addi %sub3A_42, %while3A_48 : i32
      %while3A_50 = arith.constant 1 : i32
      scf.for %while3A_63 = %sub3A_42 to %while3A_49 step %while3A_50  : i32 {
        %jit3A_64 = arith.constant 10 : i32
        %eq3A_65 = arith.constant 0 : i32
        %eq3A_66 = arith.cmpi eq, %jit3A_64, %eq3A_65 : i32
        %jit3A_67 = arith.constant 1 : i32
        %select_n3A_68 = arith.select %eq3A_66, %jit3A_67, %jit3A_64 : i32
        %rem3A = arith.remsi %while3A_63, %select_n3A_68 : i32
        %ne3A = arith.constant 0 : i32
        %ne3A_69 = arith.cmpi ne, %rem3A, %ne3A : i32
        %lt3A_70 = arith.constant 0 : i32
        %lt3A_71 = arith.cmpi slt, %rem3A, %lt3A_70 : i32
        %lt3A_72 = arith.constant 0 : i32
        %lt3A_73 = arith.cmpi slt, %select_n3A_68, %lt3A_72 : i32
        %ne3A_74 = arith.xori %lt3A_71, %lt3A_73 : i1
        %and3A = arith.andi %ne3A_74, %ne3A_69 : i1
        %add3A_75 = arith.addi %rem3A, %select_n3A_68 : i32
        %select_n3A_76 = arith.select %and3A, %add3A_75, %rem3A : i32
        %dma_wait3A = arith.constant 0 : i32
        %dma_wait3A_77 = arith.constant 0 : i32
        %dma_wait3A_78 = arith.constant 0 : i32
        %dma_wait3A_79 = tpu.memref_slice %arg8[%select_n3A_76, %dma_wait3A_77, %dma_wait3A_78] : memref<10x128x64xf32, #tpu.memory_space<vmem>> -> memref<1x128x64xf32, #tpu.memory_space<vmem>>
        %dma_wait3A_80 = tpu.memref_squeeze %dma_wait3A_79 : memref<1x128x64xf32, #tpu.memory_space<vmem>> -> memref<128x64xf32, #tpu.memory_space<vmem>>
        %dma_wait3A_81 = arith.constant 0 : i32
        %dma_wait3A_82 = tpu.memref_slice %arg7[%select_n3A_76, %dma_wait3A, %dma_wait3A_81] : memref<10x2x128xi32, #tpu.memory_space<vmem>> -> memref<1x1x128xi32, #tpu.memory_space<vmem>>
        %dma_wait3A_83 = tpu.memref_squeeze %dma_wait3A_82 : memref<1x1x128xi32, #tpu.memory_space<vmem>> -> memref<128xi32, #tpu.memory_space<vmem>>
        %dma_wait3A_84 = arith.constant 0 : i32
        %dma_wait3A_85 = arith.constant 0 : i32
        %dma_wait3A_86 = tpu.memref_slice %arg3[%dma_wait3A_84, %dma_wait3A_85] : memref<10000x64xf32, #tpu.memory_space<hbm>> -> memref<10000x64xf32, #tpu.memory_space<hbm>>
        %dma_wait3A_87 = tpu.memref_slice %arg11[%select_n3A_76] : memref<10x!tpu.dma_semaphore, #tpu.memory_space<semaphore_mem>> -> memref<1x!tpu.dma_semaphore, #tpu.memory_space<semaphore_mem>>
        %dma_wait3A_88 = tpu.memref_squeeze %dma_wait3A_87 : memref<1x!tpu.dma_semaphore, #tpu.memory_space<semaphore_mem>> -> memref<!tpu.dma_semaphore, #tpu.memory_space<semaphore_mem>>
        tpu.wait_indirect_dma semaphore(%dma_wait3A_88 : memref<!tpu.dma_semaphore, #tpu.memory_space<semaphore_mem>>) src(%dma_wait3A_86 : memref<10000x64xf32, #tpu.memory_space<hbm>>) dst(%dma_wait3A_80 : memref<128x64xf32, #tpu.memory_space<vmem>>)
        %jit3A_89 = arith.constant 10 : i32
        %eq3A_90 = arith.constant 0 : i32
        %eq3A_91 = arith.cmpi eq, %jit3A_89, %eq3A_90 : i32
        %jit3A_92 = arith.constant 1 : i32
        %select_n3A_93 = arith.select %eq3A_91, %jit3A_92, %jit3A_89 : i32
        %rem3A_94 = arith.remsi %while3A_63, %select_n3A_93 : i32
        %ne3A_95 = arith.constant 0 : i32
        %ne3A_96 = arith.cmpi ne, %rem3A_94, %ne3A_95 : i32
        %lt3A_97 = arith.constant 0 : i32
        %lt3A_98 = arith.cmpi slt, %rem3A_94, %lt3A_97 : i32
        %lt3A_99 = arith.constant 0 : i32
        %lt3A_100 = arith.cmpi slt, %select_n3A_93, %lt3A_99 : i32
        %ne3A_101 = arith.xori %lt3A_98, %lt3A_100 : i1
        %and3A_102 = arith.andi %ne3A_101, %ne3A_96 : i1
        %add3A_103 = arith.addi %rem3A_94, %select_n3A_93 : i32
        %select_n3A_104 = arith.select %and3A_102, %add3A_103, %rem3A_94 : i32
        %dma_start3A = arith.constant 1 : i32
        %dma_start3A_105 = arith.constant 0 : i32
        %dma_start3A_106 = arith.constant 0 : i32
        %dma_start3A_107 = tpu.memref_slice %arg8[%select_n3A_104, %dma_start3A_105, %dma_start3A_106] : memref<10x128x64xf32, #tpu.memory_space<vmem>> -> memref<1x128x64xf32, #tpu.memory_space<vmem>>
        %dma_start3A_108 = tpu.memref_squeeze %dma_start3A_107 : memref<1x128x64xf32, #tpu.memory_space<vmem>> -> memref<128x64xf32, #tpu.memory_space<vmem>>
        %dma_start3A_109 = arith.constant 0 : i32
        %dma_start3A_110 = tpu.memref_slice %arg7[%select_n3A_104, %dma_start3A, %dma_start3A_109] : memref<10x2x128xi32, #tpu.memory_space<vmem>> -> memref<1x1x128xi32, #tpu.memory_space<vmem>>
        %dma_start3A_111 = tpu.memref_squeeze %dma_start3A_110 : memref<1x1x128xi32, #tpu.memory_space<vmem>> -> memref<128xi32, #tpu.memory_space<vmem>>
        %dma_start3A_112 = arith.constant 0 : i32
        %dma_start3A_113 = arith.constant 0 : i32
        %dma_start3A_114 = tpu.memref_slice %arg9[%dma_start3A_112, %dma_start3A_113] : memref<10240x64xf32, #tpu.memory_space<vmem_shared>> -> memref<10240x64xf32, #tpu.memory_space<vmem_shared>>
        %dma_start3A_115 = tpu.memref_slice %arg12[%select_n3A_104] : memref<10x!tpu.dma_semaphore, #tpu.memory_space<semaphore_mem>> -> memref<1x!tpu.dma_semaphore, #tpu.memory_space<semaphore_mem>>
        %dma_start3A_116 = tpu.memref_squeeze %dma_start3A_115 : memref<1x!tpu.dma_semaphore, #tpu.memory_space<semaphore_mem>> -> memref<!tpu.dma_semaphore, #tpu.memory_space<semaphore_mem>>
        tpu.enqueue_indirect_dma source(%dma_start3A_108 : memref<128x64xf32, #tpu.memory_space<vmem>>) target(%dma_start3A_114 : memref<10240x64xf32, #tpu.memory_space<vmem_shared>>) offsets(%dma_start3A_111 : memref<128xi32, #tpu.memory_space<vmem>>) semaphore(%dma_start3A_116 : memref<!tpu.dma_semaphore, #tpu.memory_space<semaphore_mem>>) {add = true}
      }
      %while3A_51 = arith.constant 1 : i32
      scf.for %while3A_63 = %while3A_49 to %while3A_45 step %while3A_51  : i32 {
        %jit3A_64 = arith.constant 10 : i32
        %eq3A_65 = arith.constant 0 : i32
        %eq3A_66 = arith.cmpi eq, %jit3A_64, %eq3A_65 : i32
        %jit3A_67 = arith.constant 1 : i32
        %select_n3A_68 = arith.select %eq3A_66, %jit3A_67, %jit3A_64 : i32
        %rem3A = arith.remsi %while3A_63, %select_n3A_68 : i32
        %ne3A = arith.constant 0 : i32
        %ne3A_69 = arith.cmpi ne, %rem3A, %ne3A : i32
        %lt3A_70 = arith.constant 0 : i32
        %lt3A_71 = arith.cmpi slt, %rem3A, %lt3A_70 : i32
        %lt3A_72 = arith.constant 0 : i32
        %lt3A_73 = arith.cmpi slt, %select_n3A_68, %lt3A_72 : i32
        %ne3A_74 = arith.xori %lt3A_71, %lt3A_73 : i1
        %and3A = arith.andi %ne3A_74, %ne3A_69 : i1
        %add3A_75 = arith.addi %rem3A, %select_n3A_68 : i32
        %select_n3A_76 = arith.select %and3A, %add3A_75, %rem3A : i32
        %dma_wait3A = arith.constant 0 : i32
        %dma_wait3A_77 = arith.constant 0 : i32
        %dma_wait3A_78 = arith.constant 0 : i32
        %dma_wait3A_79 = tpu.memref_slice %arg8[%select_n3A_76, %dma_wait3A_77, %dma_wait3A_78] : memref<10x128x64xf32, #tpu.memory_space<vmem>> -> memref<1x128x64xf32, #tpu.memory_space<vmem>>
        %dma_wait3A_80 = tpu.memref_squeeze %dma_wait3A_79 : memref<1x128x64xf32, #tpu.memory_space<vmem>> -> memref<128x64xf32, #tpu.memory_space<vmem>>
        %dma_wait3A_81 = arith.constant 0 : i32
        %dma_wait3A_82 = tpu.memref_slice %arg7[%select_n3A_76, %dma_wait3A, %dma_wait3A_81] : memref<10x2x128xi32, #tpu.memory_space<vmem>> -> memref<1x1x128xi32, #tpu.memory_space<vmem>>
        %dma_wait3A_83 = tpu.memref_squeeze %dma_wait3A_82 : memref<1x1x128xi32, #tpu.memory_space<vmem>> -> memref<128xi32, #tpu.memory_space<vmem>>
        %dma_wait3A_84 = arith.constant 0 : i32
        %dma_wait3A_85 = arith.constant 0 : i32
        %dma_wait3A_86 = tpu.memref_slice %arg3[%dma_wait3A_84, %dma_wait3A_85] : memref<10000x64xf32, #tpu.memory_space<hbm>> -> memref<10000x64xf32, #tpu.memory_space<hbm>>
        %dma_wait3A_87 = tpu.memref_slice %arg11[%select_n3A_76] : memref<10x!tpu.dma_semaphore, #tpu.memory_space<semaphore_mem>> -> memref<1x!tpu.dma_semaphore, #tpu.memory_space<semaphore_mem>>
        %dma_wait3A_88 = tpu.memref_squeeze %dma_wait3A_87 : memref<1x!tpu.dma_semaphore, #tpu.memory_space<semaphore_mem>> -> memref<!tpu.dma_semaphore, #tpu.memory_space<semaphore_mem>>
        tpu.wait_indirect_dma semaphore(%dma_wait3A_88 : memref<!tpu.dma_semaphore, #tpu.memory_space<semaphore_mem>>) src(%dma_wait3A_86 : memref<10000x64xf32, #tpu.memory_space<hbm>>) dst(%dma_wait3A_80 : memref<128x64xf32, #tpu.memory_space<vmem>>)
        %jit3A_89 = arith.constant 10 : i32
        %eq3A_90 = arith.constant 0 : i32
        %eq3A_91 = arith.cmpi eq, %jit3A_89, %eq3A_90 : i32
        %jit3A_92 = arith.constant 1 : i32
        %select_n3A_93 = arith.select %eq3A_91, %jit3A_92, %jit3A_89 : i32
        %rem3A_94 = arith.remsi %while3A_63, %select_n3A_93 : i32
        %ne3A_95 = arith.constant 0 : i32
        %ne3A_96 = arith.cmpi ne, %rem3A_94, %ne3A_95 : i32
        %lt3A_97 = arith.constant 0 : i32
        %lt3A_98 = arith.cmpi slt, %rem3A_94, %lt3A_97 : i32
        %lt3A_99 = arith.constant 0 : i32
        %lt3A_100 = arith.cmpi slt, %select_n3A_93, %lt3A_99 : i32
        %ne3A_101 = arith.xori %lt3A_98, %lt3A_100 : i1
        %and3A_102 = arith.andi %ne3A_101, %ne3A_96 : i1
        %add3A_103 = arith.addi %rem3A_94, %select_n3A_93 : i32
        %select_n3A_104 = arith.select %and3A_102, %add3A_103, %rem3A_94 : i32
        %dma_start3A = arith.constant 1 : i32
        %dma_start3A_105 = arith.constant 0 : i32
        %dma_start3A_106 = arith.constant 0 : i32
        %dma_start3A_107 = tpu.memref_slice %arg8[%select_n3A_104, %dma_start3A_105, %dma_start3A_106] : memref<10x128x64xf32, #tpu.memory_space<vmem>> -> memref<1x128x64xf32, #tpu.memory_space<vmem>>
        %dma_start3A_108 = tpu.memref_squeeze %dma_start3A_107 : memref<1x128x64xf32, #tpu.memory_space<vmem>> -> memref<128x64xf32, #tpu.memory_space<vmem>>
        %dma_start3A_109 = arith.constant 0 : i32
        %dma_start3A_110 = tpu.memref_slice %arg7[%select_n3A_104, %dma_start3A, %dma_start3A_109] : memref<10x2x128xi32, #tpu.memory_space<vmem>> -> memref<1x1x128xi32, #tpu.memory_space<vmem>>
        %dma_start3A_111 = tpu.memref_squeeze %dma_start3A_110 : memref<1x1x128xi32, #tpu.memory_space<vmem>> -> memref<128xi32, #tpu.memory_space<vmem>>
        %dma_start3A_112 = arith.constant 0 : i32
        %dma_start3A_113 = arith.constant 0 : i32
        %dma_start3A_114 = tpu.memref_slice %arg9[%dma_start3A_112, %dma_start3A_113] : memref<10240x64xf32, #tpu.memory_space<vmem_shared>> -> memref<10240x64xf32, #tpu.memory_space<vmem_shared>>
        %dma_start3A_115 = tpu.memref_slice %arg12[%select_n3A_104] : memref<10x!tpu.dma_semaphore, #tpu.memory_space<semaphore_mem>> -> memref<1x!tpu.dma_semaphore, #tpu.memory_space<semaphore_mem>>
        %dma_start3A_116 = tpu.memref_squeeze %dma_start3A_115 : memref<1x!tpu.dma_semaphore, #tpu.memory_space<semaphore_mem>> -> memref<!tpu.dma_semaphore, #tpu.memory_space<semaphore_mem>>
        tpu.enqueue_indirect_dma source(%dma_start3A_108 : memref<128x64xf32, #tpu.memory_space<vmem>>) target(%dma_start3A_114 : memref<10240x64xf32, #tpu.memory_space<vmem_shared>>) offsets(%dma_start3A_111 : memref<128xi32, #tpu.memory_space<vmem>>) semaphore(%dma_start3A_116 : memref<!tpu.dma_semaphore, #tpu.memory_space<semaphore_mem>>) {add = true}
      }
      %sub3A_52 = arith.constant 10 : i32
      %sub3A_53 = arith.subi %add3A_3, %sub3A_52 : i32
      %while3A_54 = arith.constant 0 : i32
      %while3A_55 = arith.subi %add3A_3, %sub3A_53 : i32
      %while3A_56 = arith.addi %sub3A_53, %while3A_55 : i32
      %while3A_57 = arith.constant 1 : i32
      %while3A_58 = arith.divsi %while3A_55, %while3A_57 : i32
      %while3A_59 = arith.muli %while3A_58, %while3A_57 : i32
      %while3A_60 = arith.addi %sub3A_53, %while3A_59 : i32
      %while3A_61 = arith.constant 1 : i32
      scf.for %while3A_63 = %sub3A_53 to %while3A_60 step %while3A_61  : i32 {
        %jit3A_64 = arith.constant 10 : i32
        %eq3A_65 = arith.constant 0 : i32
        %eq3A_66 = arith.cmpi eq, %jit3A_64, %eq3A_65 : i32
        %jit3A_67 = arith.constant 1 : i32
        %select_n3A_68 = arith.select %eq3A_66, %jit3A_67, %jit3A_64 : i32
        %rem3A = arith.remsi %while3A_63, %select_n3A_68 : i32
        %ne3A = arith.constant 0 : i32
        %ne3A_69 = arith.cmpi ne, %rem3A, %ne3A : i32
        %lt3A_70 = arith.constant 0 : i32
        %lt3A_71 = arith.cmpi slt, %rem3A, %lt3A_70 : i32
        %lt3A_72 = arith.constant 0 : i32
        %lt3A_73 = arith.cmpi slt, %select_n3A_68, %lt3A_72 : i32
        %ne3A_74 = arith.xori %lt3A_71, %lt3A_73 : i1
        %and3A = arith.andi %ne3A_74, %ne3A_69 : i1
        %add3A_75 = arith.addi %rem3A, %select_n3A_68 : i32
        %select_n3A_76 = arith.select %and3A, %add3A_75, %rem3A : i32
        %dma_wait3A = arith.constant 1 : i32
        %dma_wait3A_77 = arith.constant 0 : i32
        %dma_wait3A_78 = arith.constant 0 : i32
        %dma_wait3A_79 = tpu.memref_slice %arg8[%select_n3A_76, %dma_wait3A_77, %dma_wait3A_78] : memref<10x128x64xf32, #tpu.memory_space<vmem>> -> memref<1x128x64xf32, #tpu.memory_space<vmem>>
        %dma_wait3A_80 = tpu.memref_squeeze %dma_wait3A_79 : memref<1x128x64xf32, #tpu.memory_space<vmem>> -> memref<128x64xf32, #tpu.memory_space<vmem>>
        %dma_wait3A_81 = arith.constant 0 : i32
        %dma_wait3A_82 = tpu.memref_slice %arg7[%select_n3A_76, %dma_wait3A, %dma_wait3A_81] : memref<10x2x128xi32, #tpu.memory_space<vmem>> -> memref<1x1x128xi32, #tpu.memory_space<vmem>>
        %dma_wait3A_83 = tpu.memref_squeeze %dma_wait3A_82 : memref<1x1x128xi32, #tpu.memory_space<vmem>> -> memref<128xi32, #tpu.memory_space<vmem>>
        %dma_wait3A_84 = arith.constant 0 : i32
        %dma_wait3A_85 = arith.constant 0 : i32
        %dma_wait3A_86 = tpu.memref_slice %arg9[%dma_wait3A_84, %dma_wait3A_85] : memref<10240x64xf32, #tpu.memory_space<vmem_shared>> -> memref<10240x64xf32, #tpu.memory_space<vmem_shared>>
        %dma_wait3A_87 = tpu.memref_slice %arg12[%select_n3A_76] : memref<10x!tpu.dma_semaphore, #tpu.memory_space<semaphore_mem>> -> memref<1x!tpu.dma_semaphore, #tpu.memory_space<semaphore_mem>>
        %dma_wait3A_88 = tpu.memref_squeeze %dma_wait3A_87 : memref<1x!tpu.dma_semaphore, #tpu.memory_space<semaphore_mem>> -> memref<!tpu.dma_semaphore, #tpu.memory_space<semaphore_mem>>
        tpu.wait_indirect_dma semaphore(%dma_wait3A_88 : memref<!tpu.dma_semaphore, #tpu.memory_space<semaphore_mem>>) src(%dma_wait3A_80 : memref<128x64xf32, #tpu.memory_space<vmem>>) dst(%dma_wait3A_86 : memref<10240x64xf32, #tpu.memory_space<vmem_shared>>)
      }
      %while3A_62 = arith.constant 1 : i32
      scf.for %while3A_63 = %while3A_60 to %while3A_56 step %while3A_62  : i32 {
        %jit3A_64 = arith.constant 10 : i32
        %eq3A_65 = arith.constant 0 : i32
        %eq3A_66 = arith.cmpi eq, %jit3A_64, %eq3A_65 : i32
        %jit3A_67 = arith.constant 1 : i32
        %select_n3A_68 = arith.select %eq3A_66, %jit3A_67, %jit3A_64 : i32
        %rem3A = arith.remsi %while3A_63, %select_n3A_68 : i32
        %ne3A = arith.constant 0 : i32
        %ne3A_69 = arith.cmpi ne, %rem3A, %ne3A : i32
        %lt3A_70 = arith.constant 0 : i32
        %lt3A_71 = arith.cmpi slt, %rem3A, %lt3A_70 : i32
        %lt3A_72 = arith.constant 0 : i32
        %lt3A_73 = arith.cmpi slt, %select_n3A_68, %lt3A_72 : i32
        %ne3A_74 = arith.xori %lt3A_71, %lt3A_73 : i1
        %and3A = arith.andi %ne3A_74, %ne3A_69 : i1
        %add3A_75 = arith.addi %rem3A, %select_n3A_68 : i32
        %select_n3A_76 = arith.select %and3A, %add3A_75, %rem3A : i32
        %dma_wait3A = arith.constant 1 : i32
        %dma_wait3A_77 = arith.constant 0 : i32
        %dma_wait3A_78 = arith.constant 0 : i32
        %dma_wait3A_79 = tpu.memref_slice %arg8[%select_n3A_76, %dma_wait3A_77, %dma_wait3A_78] : memref<10x128x64xf32, #tpu.memory_space<vmem>> -> memref<1x128x64xf32, #tpu.memory_space<vmem>>
        %dma_wait3A_80 = tpu.memref_squeeze %dma_wait3A_79 : memref<1x128x64xf32, #tpu.memory_space<vmem>> -> memref<128x64xf32, #tpu.memory_space<vmem>>
        %dma_wait3A_81 = arith.constant 0 : i32
        %dma_wait3A_82 = tpu.memref_slice %arg7[%select_n3A_76, %dma_wait3A, %dma_wait3A_81] : memref<10x2x128xi32, #tpu.memory_space<vmem>> -> memref<1x1x128xi32, #tpu.memory_space<vmem>>
        %dma_wait3A_83 = tpu.memref_squeeze %dma_wait3A_82 : memref<1x1x128xi32, #tpu.memory_space<vmem>> -> memref<128xi32, #tpu.memory_space<vmem>>
        %dma_wait3A_84 = arith.constant 0 : i32
        %dma_wait3A_85 = arith.constant 0 : i32
        %dma_wait3A_86 = tpu.memref_slice %arg9[%dma_wait3A_84, %dma_wait3A_85] : memref<10240x64xf32, #tpu.memory_space<vmem_shared>> -> memref<10240x64xf32, #tpu.memory_space<vmem_shared>>
        %dma_wait3A_87 = tpu.memref_slice %arg12[%select_n3A_76] : memref<10x!tpu.dma_semaphore, #tpu.memory_space<semaphore_mem>> -> memref<1x!tpu.dma_semaphore, #tpu.memory_space<semaphore_mem>>
        %dma_wait3A_88 = tpu.memref_squeeze %dma_wait3A_87 : memref<1x!tpu.dma_semaphore, #tpu.memory_space<semaphore_mem>> -> memref<!tpu.dma_semaphore, #tpu.memory_space<semaphore_mem>>
        tpu.wait_indirect_dma semaphore(%dma_wait3A_88 : memref<!tpu.dma_semaphore, #tpu.memory_space<semaphore_mem>>) src(%dma_wait3A_80 : memref<128x64xf32, #tpu.memory_space<vmem>>) dst(%dma_wait3A_86 : memref<10240x64xf32, #tpu.memory_space<vmem_shared>>)
      }
    } else {
    }
    %barrier3A_11 = arith.constant 0 : index
    tpu.barrier barrier_id(%barrier3A_11)
    %lt3A_12 = arith.constant 15 : i32
    %lt3A_13 = arith.cmpi slt, %arg1, %lt3A_12 : i32
    %convert_element_type3A_14 = arith.extui %lt3A_13 : i1 to i32
    %cond3A_15 = arith.constant 0 : i32
    %cond3A_16 = arith.cmpi ne, %convert_element_type3A_14, %cond3A_15 : i32
    scf.if %cond3A_16 {
      %mul3A_22 = arith.constant 64 : i32
      %mul3A_23 = arith.muli %arg0, %mul3A_22 : i32
      "tpu.region"() ({
        %run_scoped3A = tpu.sem_alloc : memref<!tpu.dma_semaphore, #tpu.memory_space<semaphore_mem>>
        %dma_start3A = tpu.memref_slice %arg6[%mul3A_0, %mul3A_23] : memref<10240x128xf32, #tpu.memory_space<hbm>> -> memref<640x64xf32, #tpu.memory_space<hbm>>
        %dma_start3A_24 = arith.constant 0 : i32
        %dma_start3A_25 = tpu.memref_slice %arg9[%mul3A_0, %dma_start3A_24] : memref<10240x64xf32, #tpu.memory_space<vmem_shared>> -> memref<640x64xf32, #tpu.memory_space<vmem_shared>>
        tpu.enqueue_dma source(%dma_start3A_25 : memref<640x64xf32, #tpu.memory_space<vmem_shared>>) target(%dma_start3A : memref<640x64xf32, #tpu.memory_space<hbm>>) target_semaphore(%run_scoped3A : memref<!tpu.dma_semaphore, #tpu.memory_space<semaphore_mem>>)
        %dma_wait3A = tpu.memref_slice %arg6[%mul3A_0, %mul3A_23] : memref<10240x128xf32, #tpu.memory_space<hbm>> -> memref<640x64xf32, #tpu.memory_space<hbm>>
        %dma_wait3A_26 = arith.constant 0 : i32
        %dma_wait3A_27 = tpu.memref_slice %arg9[%mul3A_0, %dma_wait3A_26] : memref<10240x64xf32, #tpu.memory_space<vmem_shared>> -> memref<640x64xf32, #tpu.memory_space<vmem_shared>>
        tpu.wait_dma2 semaphore(%run_scoped3A : memref<!tpu.dma_semaphore, #tpu.memory_space<semaphore_mem>>) src(%dma_wait3A_27 : memref<640x64xf32, #tpu.memory_space<vmem_shared>>) dst(%dma_wait3A : memref<640x64xf32, #tpu.memory_space<hbm>>)
        tpu.yield
      }) : () -> ()
    } else {
    }
    %eq3A_17 = arith.constant 15 : i32
    %eq3A_18 = arith.cmpi eq, %arg1, %eq3A_17 : i32
    %convert_element_type3A_19 = arith.extui %eq3A_18 : i1 to i32
    %cond3A_20 = arith.constant 0 : i32
    %cond3A_21 = arith.cmpi ne, %convert_element_type3A_19, %cond3A_20 : i32
    scf.if %cond3A_21 {
      %mul3A_22 = arith.constant 64 : i32
      %mul3A_23 = arith.muli %arg0, %mul3A_22 : i32
      "tpu.region"() ({
        %run_scoped3A = tpu.sem_alloc : memref<!tpu.dma_semaphore, #tpu.memory_space<semaphore_mem>>
        %dma_start3A = arith.constant 9600 : i32
        %dma_start3A_24 = tpu.memref_slice %arg6[%dma_start3A, %mul3A_23] : memref<10240x128xf32, #tpu.memory_space<hbm>> -> memref<640x64xf32, #tpu.memory_space<hbm>>
        %dma_start3A_25 = arith.constant 9600 : i32
        %dma_start3A_26 = arith.constant 0 : i32
        %dma_start3A_27 = tpu.memref_slice %arg9[%dma_start3A_25, %dma_start3A_26] : memref<10240x64xf32, #tpu.memory_space<vmem_shared>> -> memref<640x64xf32, #tpu.memory_space<vmem_shared>>
        tpu.enqueue_dma source(%dma_start3A_27 : memref<640x64xf32, #tpu.memory_space<vmem_shared>>) target(%dma_start3A_24 : memref<640x64xf32, #tpu.memory_space<hbm>>) target_semaphore(%run_scoped3A : memref<!tpu.dma_semaphore, #tpu.memory_space<semaphore_mem>>)
        %dma_wait3A = arith.constant 9600 : i32
        %dma_wait3A_28 = tpu.memref_slice %arg6[%dma_wait3A, %mul3A_23] : memref<10240x128xf32, #tpu.memory_space<hbm>> -> memref<640x64xf32, #tpu.memory_space<hbm>>
        %dma_wait3A_29 = arith.constant 9600 : i32
        %dma_wait3A_30 = arith.constant 0 : i32
        %dma_wait3A_31 = tpu.memref_slice %arg9[%dma_wait3A_29, %dma_wait3A_30] : memref<10240x64xf32, #tpu.memory_space<vmem_shared>> -> memref<640x64xf32, #tpu.memory_space<vmem_shared>>
        tpu.wait_dma2 semaphore(%run_scoped3A : memref<!tpu.dma_semaphore, #tpu.memory_space<semaphore_mem>>) src(%dma_wait3A_31 : memref<640x64xf32, #tpu.memory_space<vmem_shared>>) dst(%dma_wait3A_28 : memref<640x64xf32, #tpu.memory_space<hbm>>)
        tpu.yield
      }) : () -> ()
    } else {
    }
    return
  }
}

module attributes {stable_mosaic.version = 14 : i64} {
  func.func @body(%arg0: i32, %arg1: memref<10000x128xf32, #tpu.memory_space<vmem>>, %arg2: memref<128x128xf32, #tpu.memory_space<vmem>>, %arg3: memref<1x128xf32, #tpu.memory_space<vmem>>, %arg4: memref<10000x64xf32, #tpu.memory_space<vmem>>, %arg5: memref<10000x64xf32, #tpu.memory_space<vmem>>) attributes {dimension_semantics = [#tpu.dimension_semantics<arbitrary>], iteration_bounds = array<i64: 1>, scalar_prefetch = 0 : i64, scratch_operands = 0 : i64, tpu.core_type = #tpu.core_type<tc>, window_params = [{transform_indices = @transform_0, window_bounds = array<i64: 10000, 128>}, {pipeline_mode = #tpu.pipeline_mode<synchronous>, transform_indices = @transform_1, window_bounds = array<i64: 128, 128>}, {pipeline_mode = #tpu.pipeline_mode<synchronous>, transform_indices = @transform_2, window_bounds = array<i64: 1, 128>}, {transform_indices = @transform_3, window_bounds = array<i64: 10000, 64>}, {transform_indices = @transform_4, window_bounds = array<i64: 10000, 64>}]} {
    %get3A = arith.constant 0 : index
    %get3A_0 = arith.constant 0 : index
    %get3A_1 = vector.load %arg1[%get3A, %get3A_0] : memref<10000x128xf32, #tpu.memory_space<vmem>>, vector<10000x128xf32>
    %get3A_2 = arith.constant 0 : index
    %get3A_3 = arith.constant 0 : index
    %get3A_4 = vector.load %arg2[%get3A_2, %get3A_3] : memref<128x128xf32, #tpu.memory_space<vmem>>, vector<128x128xf32>
    %dot_general3A = arith.constant dense<0.000000e+00> : vector<10000x128xf32>
    %dot_general3A_5 = tpu.matmul %get3A_1, %get3A_4, %dot_general3A {dimension_numbers = #tpu.dot_dimension_numbers<[1], [0], [0], [1], [0, 0, 1, 1], [], []>, transpose_lhs_hint = false} : vector<10000x128xf32>, vector<128x128xf32>, vector<10000x128xf32> -> vector<10000x128xf32>
    %get3A_6 = arith.constant 0 : index
    %get3A_7 = arith.constant 0 : index
    %get3A_8 = vector.load %arg3[%get3A_6, %get3A_7] : memref<1x128xf32, #tpu.memory_space<vmem>>, vector<1x128xf32>
    %add3A = vector.broadcast %get3A_8 : vector<1x128xf32> to vector<10000x128xf32>
    %add3A_9 = arith.addf %dot_general3A_5, %add3A : vector<10000x128xf32>
    %slice3A = vector.extract_strided_slice %add3A_9 {offsets = [0, 0], sizes = [10000, 64], strides = [1, 1]} : vector<10000x128xf32> to vector<10000x64xf32>
    %swap3A = arith.constant 0 : index
    %swap3A_10 = arith.constant 0 : index
    %swap3A_11 = vector.load %arg4[%swap3A, %swap3A_10] : memref<10000x64xf32, #tpu.memory_space<vmem>>, vector<10000x64xf32>
    tpu.vector_store %arg4[%swap3A, %swap3A_10], %slice3A {strides = array<i32>} : memref<10000x64xf32, #tpu.memory_space<vmem>>, vector<10000x64xf32>,
    %slice3A_12 = vector.extract_strided_slice %add3A_9 {offsets = [0, 64], sizes = [10000, 64], strides = [1, 1]} : vector<10000x128xf32> to vector<10000x64xf32>
    %swap3A_13 = arith.constant 0 : index
    %swap3A_14 = arith.constant 0 : index
    %swap3A_15 = vector.load %arg5[%swap3A_13, %swap3A_14] : memref<10000x64xf32, #tpu.memory_space<vmem>>, vector<10000x64xf32>
    tpu.vector_store %arg5[%swap3A_13, %swap3A_14], %slice3A_12 {strides = array<i32>} : memref<10000x64xf32, #tpu.memory_space<vmem>>, vector<10000x64xf32>,
    return
  }
  func.func @transform_0(%arg0: i32) -> (i32, i32) {
    %c0_i32 = arith.constant 0 : i32
    %c0_i32_0 = arith.constant 0 : i32
    return %arg0, %c0_i32 : i32, i32
  }
  func.func @transform_1(%arg0: i32) -> (i32, i32) {
    %c0_i32 = arith.constant 0 : i32
    %c0_i32_0 = arith.constant 0 : i32
    %c0_i32_1 = arith.constant 0 : i32
    return %c0_i32, %c0_i32_0 : i32, i32
  }
  func.func @transform_2(%arg0: i32) -> (i32, i32) {
    %c0_i32 = arith.constant 0 : i32
    %c0_i32_0 = arith.constant 0 : i32
    %c0_i32_1 = arith.constant 0 : i32
    return %c0_i32, %c0_i32_0 : i32, i32
  }
  func.func @transform_3(%arg0: i32) -> (i32, i32) {
    %c0_i32 = arith.constant 0 : i32
    %c0_i32_0 = arith.constant 0 : i32
    return %arg0, %c0_i32 : i32, i32
  }
  func.func @transform_4(%arg0: i32) -> (i32, i32) {
    %c0_i32 = arith.constant 0 : i32
    %c0_i32_0 = arith.constant 0 : i32
    return %arg0, %c0_i32 : i32, i32
  }
}

module attributes {stable_mosaic.version = 14 : i64} {
  func.func @body(%arg0: i32, %arg1: memref<10240x128xf32, #tpu.memory_space<vmem>>, %arg2: memref<128x64xf32, #tpu.memory_space<vmem>>, %arg3: memref<1x64xf32, #tpu.memory_space<vmem>>, %arg4: memref<10240x32xf32, #tpu.memory_space<vmem>>, %arg5: memref<10240x32xf32, #tpu.memory_space<vmem>>) attributes {dimension_semantics = [#tpu.dimension_semantics<arbitrary>], iteration_bounds = array<i64: 1>, scalar_prefetch = 0 : i64, scratch_operands = 0 : i64, tpu.core_type = #tpu.core_type<tc>, window_params = [{transform_indices = @transform_0, window_bounds = array<i64: 10240, 128>}, {pipeline_mode = #tpu.pipeline_mode<synchronous>, transform_indices = @transform_1, window_bounds = array<i64: 128, 64>}, {pipeline_mode = #tpu.pipeline_mode<synchronous>, transform_indices = @transform_2, window_bounds = array<i64: 1, 64>}, {transform_indices = @transform_3, window_bounds = array<i64: 10240, 32>}, {transform_indices = @transform_4, window_bounds = array<i64: 10240, 32>}]} {
    %get3A = arith.constant 0 : index
    %get3A_0 = arith.constant 0 : index
    %get3A_1 = vector.load %arg1[%get3A, %get3A_0] : memref<10240x128xf32, #tpu.memory_space<vmem>>, vector<10240x128xf32>
    %get3A_2 = arith.constant 0 : index
    %get3A_3 = arith.constant 0 : index
    %get3A_4 = vector.load %arg2[%get3A_2, %get3A_3] : memref<128x64xf32, #tpu.memory_space<vmem>>, vector<128x64xf32>
    %dot_general3A = arith.constant dense<0.000000e+00> : vector<10240x64xf32>
    %dot_general3A_5 = tpu.matmul %get3A_1, %get3A_4, %dot_general3A {dimension_numbers = #tpu.dot_dimension_numbers<[1], [0], [0], [1], [0, 0, 1, 1], [], []>, transpose_lhs_hint = false} : vector<10240x128xf32>, vector<128x64xf32>, vector<10240x64xf32> -> vector<10240x64xf32>
    %get3A_6 = arith.constant 0 : index
    %get3A_7 = arith.constant 0 : index
    %get3A_8 = vector.load %arg3[%get3A_6, %get3A_7] : memref<1x64xf32, #tpu.memory_space<vmem>>, vector<1x64xf32>
    %add3A = vector.broadcast %get3A_8 : vector<1x64xf32> to vector<10240x64xf32>
    %add3A_9 = arith.addf %dot_general3A_5, %add3A : vector<10240x64xf32>
    %slice3A = vector.extract_strided_slice %add3A_9 {offsets = [0, 0], sizes = [10240, 32], strides = [1, 1]} : vector<10240x64xf32> to vector<10240x32xf32>
    %swap3A = arith.constant 0 : index
    %swap3A_10 = arith.constant 0 : index
    %swap3A_11 = vector.load %arg4[%swap3A, %swap3A_10] : memref<10240x32xf32, #tpu.memory_space<vmem>>, vector<10240x32xf32>
    tpu.vector_store %arg4[%swap3A, %swap3A_10], %slice3A {strides = array<i32>} : memref<10240x32xf32, #tpu.memory_space<vmem>>, vector<10240x32xf32>,
    %slice3A_12 = vector.extract_strided_slice %add3A_9 {offsets = [0, 32], sizes = [10240, 32], strides = [1, 1]} : vector<10240x64xf32> to vector<10240x32xf32>
    %swap3A_13 = arith.constant 0 : index
    %swap3A_14 = arith.constant 0 : index
    %swap3A_15 = vector.load %arg5[%swap3A_13, %swap3A_14] : memref<10240x32xf32, #tpu.memory_space<vmem>>, vector<10240x32xf32>
    tpu.vector_store %arg5[%swap3A_13, %swap3A_14], %slice3A_12 {strides = array<i32>} : memref<10240x32xf32, #tpu.memory_space<vmem>>, vector<10240x32xf32>,
    return
  }
  func.func @transform_0(%arg0: i32) -> (i32, i32) {
    %c0_i32 = arith.constant 0 : i32
    %c0_i32_0 = arith.constant 0 : i32
    return %arg0, %c0_i32 : i32, i32
  }
  func.func @transform_1(%arg0: i32) -> (i32, i32) {
    %c0_i32 = arith.constant 0 : i32
    %c0_i32_0 = arith.constant 0 : i32
    %c0_i32_1 = arith.constant 0 : i32
    return %c0_i32, %c0_i32_0 : i32, i32
  }
  func.func @transform_2(%arg0: i32) -> (i32, i32) {
    %c0_i32 = arith.constant 0 : i32
    %c0_i32_0 = arith.constant 0 : i32
    %c0_i32_1 = arith.constant 0 : i32
    return %c0_i32, %c0_i32_0 : i32, i32
  }
  func.func @transform_3(%arg0: i32) -> (i32, i32) {
    %c0_i32 = arith.constant 0 : i32
    %c0_i32_0 = arith.constant 0 : i32
    return %arg0, %c0_i32 : i32, i32
  }
  func.func @transform_4(%arg0: i32) -> (i32, i32) {
    %c0_i32 = arith.constant 0 : i32
    %c0_i32_0 = arith.constant 0 : i32
    return %arg0, %c0_i32 : i32, i32
  }
}

</mosaic_0001>

<sc_bundles>
// kernel: kernel.6.cloned.1.call-start
scs
__scs_entry_jumppad:
0x0: {  	(pc) =	sbr.rel $0x88, $3  }
0x1: {  	(tag) =	ssettag $0x0;
	lr =	simm.s32 $0x1  }
0x2: {  	[smem:$0x3F9B] =	sst lr;
	_ =	strace $0xD0000000  }
0x3: {  	_ = 	snop  }
0x4: {  	_ = 	snop  }
0x5: {  	_ = 	snop  }
0x6: {  	_ = 	snop  }
0x7: {  	_ = 	snop  }
__scs_overlays_trampoline_lowered:
0x8: {  	[smem:$0x3FAA] =	sst s0  }
0x9: {  	[smem:$0x3FAB] =	sst s1  }
0xa: {  	[smem:$0x3FAC] =	sst s2  }
0xb: {  	[smem:$0x3FAD] =	sst s3  }
0xc: {  	[smem:$0x3FAE] =	sst s4  }
0xd: {  	[smem:$0x3FAF] =	sst s5  }
0xe: {  	[smem:$0x3FB0] =	sst s6  }
0xf: {  	[smem:$0x3FB1] =	sst s7  }
0x10: {  	[smem:$0x3FB2] =	sst s8  }
0x11: {  	[smem:$0x3FB3] =	sst s9;
	s0 =	simm.s32 @!p0 $0x0  }
0x12: {  	s1 =	sld [smem:$0x3F99];
	s0 =	simm.s32 @p0 $0x1  }
0x13: {  	[smem:$0x3FB4] =	sst s0;
	s0 =	simm.s32 @!p1 $0x0  }
0x14: {  	s2 =	sld [smem:$0x3F98];
	s0 =	simm.s32 @p1 $0x1  }
0x15: {  	[smem:$0x3FB5] =	sst s0;
	s0 =	simm.s32 @!p2 $0x0  }
0x16: {  	s3 =	sld [smem:$0x3FDB];
	s0 =	simm.s32 @p2 $0x1  }
0x17: {  	s4 =	simm.s32 $0x1BF5;
	[smem:$0x3FB7] =	sst s0  }
0x18: {  	s0 =	sld [smem:$0x3F9A];
	_ =	swait.ge [sflag:s4], $0x0  }
0x19: {  	s7 =	sld [smem:$0x3F9B]  }
0x1a: {  	s8 =	sadd.s32 $0xFFFFE003, lr  }
0x1b: {  	s9 =	sadd.s32 $0xFFFFFEF7, lr;
	s5 =	simm.s32 $0xFFFFFFFF;
	p2 =	slt.u32 s8, $0xFFFFF086  }
0x1c: {  	p1 =	slt.u32 s9, $0xF7A;
	s5 =	simm.s32 @!p2 $0x0  }
0x1d: {  	s5 =	simm.s32 @p1 $0x1;
	p0 =	seq.s32 s7, s2  }
0x1e: {  	s7 =	smul.u32 @!p0 $0xF7A, s2;
	p2 =	seq.s32 @!p0 s5, $0x0  }
0x1f: {  	s9 =	smul.u32 $0xF7A, s1;
	s8 =	simm.s32 @!p0 $0x1BF5;
	p2 =	por !p2, p0  }
0x20: {  	[sflag:s8] =	ssyncset.s32 @!p0 $0xFFFFF086;
	s6 =	sadd.s32 @!p0 s3, s7;
	s7 =	simm.s32 @!p0 $0x108  }
0x21: {  	s3 =	sadd.s32 s3, s9;
	s6 =	sadd.s32 @!p0 $0x88, s6;
	s7 =	simm.s32 @p2 $0x1082  }
0x22: {  	[simem:s7], [sflag:s8] =	dma.local @!p0 [hbm:s6], $0xF7A  }
0x23: {  	s9 =	sor.u32 $0xD0000000, s2;
	s6 =	simm.s32 $0x108;
	_ =	swait.ge @!p0 [sflag:s8], $0x0  }
0x24: {  	s3 =	sadd.s32 $0x88, s3;
	s6 =	simm.s32 @!p1 $0x1082;
	[sflag:s4] =	ssyncset.s32 $0xFFFFF086  }
0x25: {  	[simem:s6], [sflag:s4] =	dma.local [hbm:s3], $0xF7A  }
0x26: {  	[smem:$0x3F9B] =	sst s1;
	(tag) =	ssettag s2;
	_ =	strace s9  }
0x27: {  	s1 =	sld [smem:$0x3FAB]  }
0x28: {  	s2 =	sld [smem:$0x3FAC]  }
0x29: {  	s4 =	sld [smem:$0x3FAE]  }
0x2a: {  	p0 =	seq.s32 s5, $0x0;
	s5 =	sld [smem:$0x3FAF]  }
0x2b: {  	s6 =	sld [smem:$0x3FB0]  }
0x2c: {  	s7 =	sld [smem:$0x3FB1]  }
0x2d: {  	s3 =	simm.s32 $0x108;
	s8 =	sld [smem:$0x3FB2]  }
0x2e: {  	s3 =	simm.s32 @!p0 $0x1082;
	s9 =	sld [smem:$0x3FB3]  }
0x2f: {  	lr =	sadd.s32 s0, s3;
	s0 =	sld [smem:$0x3FAA]  }
0x30: {  	s3 =	sld [smem:$0x3FAD]  }
0x31: {  	[smem:$0x3FB6] =	sst s10  }
0x32: {  	s10 =	sld [smem:$0x3FB4];
	_ =	sdelay $0x3  }
0x33: {  	p0 =	seq.s32 s10, $0x1;
	s10 =	sld [smem:$0x3FB6];
	_ =	sdelay $0x3  }
0x34: {  	[smem:$0x3FB6] =	sst s10  }
0x35: {  	s10 =	sld [smem:$0x3FB5];
	_ =	sdelay $0x3  }
0x36: {  	p1 =	seq.s32 s10, $0x1;
	s10 =	sld [smem:$0x3FB6];
	_ =	sdelay $0x3  }
0x37: {  	[smem:$0x3FB6] =	sst s10  }
0x38: {  	s10 =	sld [smem:$0x3FB7]  }
0x39: {  	_ = 	snop;
	(pc) =	sbr.ind lr, $3  }
0x3a: {  	_ = 	snop  }
0x3b: {  	_ = 	snop  }
0x3c: {  	p2 =	seq.s32 s10, $0x1;
	s10 =	sld [smem:$0x3FB6]  }
0x3d: {  	_ =	shalt  }
0x3e: {  	_ =	shalt  }
0x3f: {  	_ =	shalt  }
0x40: {  	_ =	shalt  }
0x41: {  	_ =	shalt  }
0x42: {  	_ =	shalt  }
0x43: {  	_ =	shalt  }
0x44: {  	_ =	shalt  }
0x45: {  	_ =	shalt  }
0x46: {  	_ =	shalt  }
0x47: {  	_ =	shalt  }
0x48: {  	_ =	shalt  }
0x49: {  	_ =	shalt  }
0x4a: {  	_ =	shalt  }
0x4b: {  	_ =	shalt  }
0x4c: {  	_ =	shalt  }
0x4d: {  	_ =	shalt  }
0x4e: {  	_ =	shalt  }
0x4f: {  	_ =	shalt  }
0x50: {  	_ =	shalt  }
0x51: {  	_ =	shalt  }
0x52: {  	_ =	shalt  }
0x53: {  	_ =	shalt  }
0x54: {  	_ =	shalt  }
0x55: {  	_ =	shalt  }
0x56: {  	_ =	shalt  }
0x57: {  	_ =	shalt  }
0x58: {  	_ =	shalt  }
0x59: {  	_ =	shalt  }
0x5a: {  	_ =	shalt  }
0x5b: {  	_ =	shalt  }
0x5c: {  	_ =	shalt  }
0x5d: {  	_ =	shalt  }
0x5e: {  	_ =	shalt  }
0x5f: {  	_ =	shalt  }
0x60: {  	_ =	shalt  }
0x61: {  	_ =	shalt  }
0x62: {  	_ =	shalt  }
0x63: {  	_ =	shalt  }
0x64: {  	_ =	shalt  }
0x65: {  	_ =	shalt  }
0x66: {  	_ =	shalt  }
0x67: {  	_ =	shalt  }
0x68: {  	_ =	shalt  }
0x69: {  	_ =	shalt  }
0x6a: {  	_ =	shalt  }
0x6b: {  	_ =	shalt  }
0x6c: {  	_ =	shalt  }
0x6d: {  	_ =	shalt  }
0x6e: {  	_ =	shalt  }
0x6f: {  	_ =	shalt  }
0x70: {  	_ =	shalt  }
0x71: {  	_ =	shalt  }
0x72: {  	_ =	shalt  }
0x73: {  	_ =	shalt  }
0x74: {  	_ =	shalt  }
0x75: {  	_ =	shalt  }
0x76: {  	_ =	shalt  }
0x77: {  	_ =	shalt  }
0x78: {  	_ =	shalt  }
0x79: {  	_ =	shalt  }
0x7a: {  	_ =	shalt  }
0x7b: {  	_ =	shalt  }
0x7c: {  	_ =	shalt  }
0x7d: {  	_ =	shalt  }
0x7e: {  	_ =	shalt  }
0x7f: {  	_ =	shalt  }
0x80: {  	_ =	shalt  }
0x81: {  	_ =	shalt  }
0x82: {  	_ =	shalt  }
0x83: {  	_ =	shalt  }
0x84: {  	_ =	shalt  }
0x85: {  	_ =	shalt  }
0x86: {  	_ =	shalt  }
0x87: {  	_ =	shalt  }
.Lfunc_end0:
.L_simem_size_0:
called_computation_lowered:
.L_overlay_start_0:
0x88: {  	s2 =	sld [smem:$0x3FD9]  }
0x89: {  	s3 =	sld [smem:$0x3FFE];
	_ =	sdelay $0x1  }
0x8a: {  	s1 =	srdreg.scid  }
0x8b: {  	s0 =	sand.u32 $0x1, s1  }
0x8c: {  	s17 =	sshll.u32 s0, $0xA;
	s2 =	sadd.s32 s3, s2  }
0x8d: {  	s2 =	sadd.s32 s2, s17  }
0x8e: {  	[smem:$0x3FC2] =	sst s2  }
0x8f: {  	_ = 	snop  }
0x90: {  	s2 =	sld [smem:$0x3FD0];
	(tm) =	ssettm $0x1  }
0x91: {  	s18 =	sld [smem:$0x3FFB];
	_ =	sdelay $0x3  }
0x92: {  	_ =	strace s18  }
0x93: {  	s3 =	sld [smem:$0x3FFC];
	_ =	sdelay $0x3  }
0x94: {  	_ =	strace s3  }
0x95: {  	s3 =	sld [smem:$0x3FFD];
	_ =	sdelay $0x3  }
0x96: {  	_ =	strace s3  }
0x97: {  	_ =	strace $0x8FFFFFFF  }
0x98: {  	s19 =	sld [smem:$0x3FDB];
	_ =	sdelay $0x1  }
0x99: {  	s4 =	simm.s32 $_scs_section_size  }
0x9a: {  	s5 =	simm.s32 $_size__tile_overlayer_lowered;
	s6 =	simm.s32 $_tile_overlayer_lowered  }
0x9b: {  	s22 =	simm.s32 $0x1BFF;
	s21 =	sshll.u32 s6, $0x1;
	s3 =	sadd.s32 s4, s19  }
0x9c: {  	s7 =	simm.s32 $0x0;
	s20 =	sshll.u32 s5, $0x1;
	s5 =	sadd.s32 s21, s3  }
0x9d: {  	[timem:s7], [sflag:s22] =	dma.local [hbm:s5], s20  }
0x9e: {  	_ =	swait.ge [sflag:s22], s20  }
0x9f: {  	s4 =	ssub.s32 $0x0, s20;
	[sflag:s22] =	ssyncset.done $0x0  }
0xa0: {  	[sflag:s22] =	ssyncadd.s32 s4;
	_ =	sdelay $0x1  }
0xa1: {  	s23 =	simm.s32 $0x1B8B  }
0xa2: {  	_ =	swait.ge [sflag:s23], $0x1  }
0xa3: {  	[sflag:s23] =	ssyncset.done $0x0  }
0xa4: {  	s25 =	simm.s32 $0x1B8E;
	s24 =	sld [smem:$0x3FFE];
	[sflag:s23] =	ssyncadd.s32 $0xFFFFFFFF  }
0xa5: {  	s26 =	simm.s32 $execute0_lowered;
	[smem:$0x3FD2] =	sst s25  }
0xa6: {  	s5 =	sshll.u32 s26, $0x1;
	_ =	strace $0x80000046;
	[dreg:$0x1] =	wrdreg $0xFFFFFFFF  }
0xa7: {  	s28 =	simm.s32 $_size_execute0_lowered;
	s3 =	sadd.s32 s3, s5;
	[dreg:$0x0] =	wrdreg $0x0  }
0xa8: {  	s5 =	sshll.u32 s28, $0x1;
	[dreg:$0x2] =	wrdreg s3  }
0xa9: {  	[dreg:$0x3] =	wrdreg s5  }
0xaa: {  	[dreg:$0x4] =	wrdreg $0xC0  }
0xab: {  	_ =	task [dreg:s7], $0x5FFFF  }
0xac: {  	[dreg:$0x1] =	wrdreg $0xFFFFFFFF  }
0xad: {  	[dreg:$0x0] =	wrdreg $0x60  }
0xae: {  	[dreg:$0x2] =	wrdreg s2  }
0xaf: {  	[dreg:$0x3] =	wrdreg s24  }
0xb0: {  	[dreg:$0x4] =	wrdreg $0x14A000  }
0xb1: {  	[dreg:$0x5] =	wrdreg $0x9  }
0xb2: {  	_ =	task.clear_ibuf [dreg:s7], $0x6FFFF;
	_ =	strace $0x90000046  }
0xb3: {  	s29 =	simm.s32 $0x9;
	_ =	strace $0x80000048  }
0xb4: {  	_ =	swait.ge [sflag:s29], $0x1  }
0xb5: {  	[sflag:s29] =	ssyncadd.s32 $0xFFFFFFFF  }
0xb6: {  	_ =	strace $0x90000048  }
0xb7: {  	_ =	sfence  }
0xb8: {  	s30 =	sld [smem:$0x0];
	_ =	sdelay $0x2  }
0xb9: {  	s31 =	sshll.u32 s1, $0xD;
	s1 =	sshrl.u32 s1, $0x2  }
0xba: {  	s3 =	sand.u32 $0x4000, s31;
	s1 =	sadd.s32 s1, s30  }
0xbb: {  	s0 =	sor.u32 s3, s0;
	s1 =	sshll.u32 s1, $0x11  }
0xbc: {  	s0 =	sor.u32 s1, s0  }
0xbd: {  	s0 =	sadd.s32 $0x8F2B, s0  }
0xbe: {  	[sflag:s0] =	ssyncadd.remote.s32 $0x1  }
0xbf: {  	_ =	sfence.sel $0xFFFF  }
0xc0: {  	[dreg:$0x0] =	wrdreg $0xFFFFFFFF;
	(pc) =	sbr.abs _section_cstart, $3  }
0xc1: {  	[dreg:$0x1] =	wrdreg $0xFFFFFFFF  }
0xc2: {  	_ =	task.clear_ibuf [dreg:s7], $0x2FFFF;
	_ =	strace $0x9FFFFFFF  }
0xc3: {  	(tm) =	ssettm $0x7FFFFFFF  }
tec
execute0_lowered:
.L_overlay_start_1:
0x0: {  	(tag) =	ssettag $0x1  }
0x1: {  	s0 =	rddreg [dreg:$0x1]  }
0x2: {  	s5 =	rddreg [dreg:$0x2];
	s15 =	simm.s32 $0x0;
	s3 =	stileid.u32  }
0x3: {  	s1 =	srdreg.scid;
	s18 =	simm.s32 $0x9D;
	s10 =	simm.s32 $0x9C  }
0x4: {  	s11 =	simm.s32 $0x98;
	s12 =	simm.s32 $0x93;
	[smem:$0x7FF] =	sst s15  }
0x5: {  	s2 =	sshll.u32 s3, $0x4;
	s1 =	sand.u32 $0x1, s1;
	s30 =	sadd.s32 $0x1A00, s0  }
0x6: {  	s4 =	sadd.s32 $0x28E00, s0;
	s8 =	smul.u32 $0x28000, s3;
	p1 =	slt.u32 s3, $0x4  }
0x7: {  	s9 =	sshll.u32 s3, $0x6;
	_ =	strace $0x80000047;
	[dreg:$0x5] =	wrdreg s4  }
0x8: {  	s2 =	sadd.s32 s2, s0;
	s10 =	simm.s32 @!p1 $0x9B;
	[dreg:$0x4] =	wrdreg s30  }
0x9: {  	s6 =	ssub.s32 $0x2, s1;
	s11 =	simm.s32 @!p1 $0x97;
	[dreg:$0x8] =	wrdreg s10  }
0xa: {  	s0 =	sadd.s32 $0x2A200, s0;
	s12 =	simm.s32 @!p1 $0x92;
	[dreg:$0x9] =	wrdreg s11  }
0xb: {  	s18 =	simm.s32 @!p1 $0x9C;
	s17 =	sor.u32 $0x1C1F, s9;
	[dreg:$0xa] =	wrdreg s12  }
0xc: {  	p0 =	seq.s32 s1, $0x1;
	s9 =	smul.u32 $0x14000, s3;
	[dreg:$0x7] =	wrdreg s17  }
0xd: {  	s13 =	sshll.u32 s1, $0x6;
	s14 =	sadd.s32 $0x1F040, s2;
	[dreg:$0xe] =	wrdreg s18  }
0xe: {  	s1 =	sshll.u32 s1, $0x3;
	s16 =	sadd.s32 $0x1, s10;
	[dreg:$0xf] =	wrdreg s14  }
0xf: {  	p1 =	seq.s32 s3, $0xF;
	s20 =	sadd.s32 $0xB, s10;
	[dreg:$0x10] =	wrdreg s16  }
0x10: {  	s7 =	sshrl.u32 s6, $0x1;
	s21 =	sshll.u32 s10, $0x8;
	[dreg:$0x11] =	wrdreg s20  }
0x11: {  	s8 =	sshrl.u32 s8, $0x2;
	s22 =	sadd.s32 $0xB, s11;
	[dreg:$0x13] =	wrdreg s21  }
0x12: {  	s19 =	sshll.u32 s10, $0xD;
	s25 =	sadd.s32 $0x15, s11;
	[dreg:$0x14] =	wrdreg s22  }
0x13: {  	s24 =	sshll.u32 s11, $0x8;
	s29 =	ssub.s32 s18, s12;
	[dreg:$0x15] =	wrdreg s25  }
0x14: {  	s31 =	sadd.s32 $0x15, s12;
	s6 =	ssub.s32 s6, s7;
	[dreg:$0x19] =	wrdreg s29  }
0x15: {  	s7 =	sadd.s32 s8, s5;
	s8 =	sor.u32 s13, s9;
	[dreg:$0x1a] =	wrdreg s31  }
0x16: {  	s26 =	sor.u32 $0x80, s24;
	s8 =	sshrl.u32 s8, $0x3;
	[dreg:$0x6] =	wrdreg s7  }
0x17: {  	s6 =	smax.u32 s6, $0x1;
	[dreg:$0x17] =	wrdreg s26;
	s3 =	sadd.s32 s0, s8  }
0x18: {  	s0 =	sadd.s32 s1, s0;
	s1 =	sadd.s32 $0x96000, s5;
	[dreg:$0xc] =	wrdreg s6  }
0x19: {  	s6 =	smov.u32 s7;
	s7 =	sshll.u32 s18, $0x2;
	s0 =	sadd.s32 $0x25800, s0  }
.Ltmp0:
0x1a: {  	[dreg:$0xd] =	wrdreg s7;
	s3 =	smov.u32 @p1 s0;
	(pc) =	sbr.rel .LBB2_1-.Ltmp0, $4  }
0x1b: {  	s6 =	smov.u32 @p1 s1;
	s0 =	sor.u32 $0xA00, s19;
	[dreg:$0xb] =	wrdreg s3  }
0x1c: {  	s23 =	sshll.u32 s11, $0xD;
	s28 =	sshrl.u32 s6, $0x3;
	[dreg:$0x12] =	wrdreg s0  }
0x1d: {  	s0 =	sor.u32 $0xA00, s23;
	[dreg:$0x18] =	wrdreg s28  }
0x1e: {  	s2 =	simm.s32 $0x1F;
	s8 =	simm.s32 $0x0;
	[dreg:$0x16] =	wrdreg s0  }
.LBB2_16:
0x1f: {  	s0 =	sadd.s32 s6, s1  }
0x20: {  	_ =	swait.ge [sflag:s0], $0x2000  }
0x21: {  	[sflag:s0] =	ssyncset.done $0x0;
	s7 =	rddreg [dreg:$0xd]  }
0x22: {  	s2 =	simm.s32 $0x1F;
	s8 =	rddreg [dreg:$0x1b];
	[sflag:s0] =	ssyncadd.s32 $0xFFFFE000  }
.LBB2_30:
0x23: {  	[bflag:$0x0] =	sbarrier.arrive $0xFFFF  }
0x24: {  	s3 =	simm.s32 $0x1;
	s0 =	rddreg [dreg:$0xb]  }
0x25: {  	s4 =	simm.s32 $0x10;
	s6 =	simm.s32 $0x8;
	s1 =	rddreg [dreg:$0x18]  }
0x26: {  	[hbm:s0@s4], [sflag:s17] =	dma.strided [spmem:s1@s6], $0x1400, s3, $0x8   }
0x27: {  	_ =	swait.ge [sflag:s2], $0x1400  }
0x28: {  	s8 =	sadd.s32 $0x1, s8;
	s31 =	rddreg [dreg:$0xc]  }
0x29: {  	p1 =	sne.s32 s8, s31  }
.Ltmp1:
0x2a: {  	_ = 	snop;
	(pc) =	sbr.rel @!p1 .LBB2_31-.Ltmp1, $3  }
0x2b: {  	_ =	sdelay $0x1  }
0x2c: {  	[sflag:s2] =	ssyncset.done $0x0  }
0x2d: {  	[sflag:s2] =	ssyncadd.s32 $0xFFFFEC00  }
.LBB2_1:
0x2e: {  	[dreg:$0x1b] =	wrdreg s8  }
0x2f: {  	s0 =	rddreg [dreg:$0x6]  }
0x30: {  	s1 =	rddreg [dreg:$0x5];
	s0 =	sshrl.u32 s0, $0x3  }
0x31: {  	[spmem:s0], [sflag:s17] =	dma.local [hbm:s1], $0x1400  }
.Ltmp2:
0x32: {  	_ =	swait.ge [sflag:s2], $0x1400;
	(pc) =	sbr.rel @!p0 .LBB2_2-.Ltmp2, $4  }
0x33: {  	s10 =	simm.s32 $0xFFFFFFFB;
	s11 =	simm.s32 $0xFFFFFFFF;
	[sflag:s2] =	ssyncset.done $0x0  }
0x34: {  	s6 =	simm.s32 $0xFFFFEA00;
	s31 =	smulhi.u32 $0xCCCCCCCD, s15;
	[sflag:s2] =	ssyncadd.s32 $0xFFFFEC00  }
0x35: {  	p1 =	por $0x1, $0x1;
	s14 =	simm.s32 $0x4;
	[bflag:$0x0] =	sbarrier.arrive $0xFFFF  }
0x36: {  	s0 =	simm.s32 $0xFFFFFB80;
	s1 =	sshrl.u32 s31, $0x3;
	s2 =	simm.s32 $0xFFFF6A00  }
0x37: {  	s3 =	smulhi.u32 @!p1 $0xCCCCCCCD, s15  }
0x38: {  	p3 =	sne.s32 s7, $0x4;
	s1 =	smul.u32 $0xFFFFFFD8, s1  }
0x39: {  	s25 =	simm.s32 $0x0;
	s20 =	rddreg [dreg:$0xf];
	s28 =	simm.s32 $0x0  }
0x3a: {  	s13 =	simm.s32 $0xA00;
	s9 =	simm.s32 $0xFFFFFC80;
	s4 =	smulhi.u32 $0xCCCCCCCD, s11  }
0x3b: {  	s17 =	simm.s32 $0xFFFF8A00;
	s10 =	smulhi.u32 $0xCCCCCCCD, s10;
	p2 =	por $0x1, $0x1  }
0x3c: {  	s8 =	sadd.s32 $0x100, s20;
	s26 =	sadd.s32 $0xFFFF63C0, s20;
	s3 =	sshrl.u32 @!p1 s3, $0x3  }
0x3d: {  	s1 =	sshra.s32 s1, $0x2;
	s4 =	sshrl.u32 s4, $0x3;
	s3 =	smul.u32 @!p1 $0xA, s3  }
0x3e: {  	s23 =	simm.s32 @!p2 $0x0;
	s1 =	sadd.s32 $0x15, s1;
	s24 =	smul.u32 $0xFFFFD800, s4  }
0x3f: {  	s12 =	sshrl.u32 s10, $0x3;
	s16 =	smul.u32 $0xFFFB0000, s4;
	s1 =	sadd.s32 @!p1 $0x0, s1  }
0x40: {  	s10 =	smul.u32 $0xFFFB0000, s12;
	s3 =	ssub.s32 @!p1 $0x0, s3;
	_ =	swait.ge @!p1 [sflag:s1], $0x2000  }
0x41: {  	s18 =	smul.u32 $0xFFFFFFD8, s12;
	s3 =	smov.u32 @p1 s15;
	[sflag:s1] =	ssyncset.done @!p1 $0x0  }
0x42: {  	s19 =	sadd.s32 $0x1, s3;
	s3 =	sshll.u32 s3, $0x8;
	[sflag:s1] =	ssyncadd.s32 @!p1 $0xFFFFE000  }
0x43: {  	p1 =	por @!p2 $0x1, $0x1;
	s11 =	sand.u32 $0x3FFFFF00, s3;
	s3 =	sshra.s32 s24, $0x2  }
0x44: {  	s16 =	sshra.s32 s16, $0x2;
	p1 =	por p1, p2;
	s24 =	sadd.s32 $0xFFFFFF00, s3  }
0x45: {  	[tilespmem:s11], [sflag:s19] =	stream.linear.gather [hbm4b:s26+s15], $0x80, $0x38;
	[tilespmem:$0x1EA00] =	vst v63  }
.Ltmp3:
0x46: {  	s22 =	sor.u32 $0x80, s11;
	s21 =	simm.s32 @!p1 $0x80;
	(pc) =	sbr.rel @!p3 .LBB2_19-.Ltmp3, $4  }
0x47: {  	s11 =	sshra.s32 s18, $0x2;
	s26 =	smul.u32 $0xFFFFFFD8, s4;
	s18 =	simm.s32 $0xFFFFFFFC  }
0x48: {  	[tilespmem:s22], [sflag:s19] =	stream.linear.gather [hbm4b:s20+s15], $0x80, $0x38;
	[tilespmem:$0x1EA00] =	vst v63  }
0x49: {  	s29 =	simm.s32 @!p1 $0x0;
	s20 =	sadd.s32 $0x6, s11;
	s1 =	sshra.s32 s26, $0x2  }
0x4a: {  	s19 =	simm.s32 $0x1;
	s31 =	sadd.s32 $0xA, s1;
	s1 =	sadd.s32 @!p2 $0x0, s1  }
.LBB2_18:
0x4b: {  	_ =	swait.ge @!p2 [sflag:s1], $0x100;
	s3 =	simm.s32 @!p2 $0x80;
	s4 =	sadd.s32 @!p1 s29, s20  }
0x4c: {  	s26 =	smov.u32 s14;
	s22 =	smov.u32 s25;
	s20 =	smov.u32 s8  }
0x4d: {  	s10 =	sshra.s32 s10, $0x2;
	s12 =	smul.u32 $0xFFFFD800, s12;
	[sflag:s1] =	ssyncset.done @!p2 $0x0  }
0x4e: {  	s6 =	sadd.s32 s16, s6;
	[sflag:s1] =	ssyncadd.s32 @!p2 $0xFFFFFF00;
	s1 =	sadd.s32 @!p2 s23, s31  }
0x4f: {  	s14 =	sadd.s32 $0x4, s14;
	s16 =	smov.u32 s28;
	s12 =	sshra.s32 s12, $0x2  }
0x50: {  	[tilespmem:s6], [sflag:s1] =	stream.indirect.gather @!p2 [hbm4b:s30+s3], $0x40, s24, s3, $0xb8;
	[tilespmem:$0x1EA00] =	vst v63  }
0x51: {  	s2 =	sadd.s32 s10, s2;
	s1 =	sadd.s32 $0x10, s11;
	_ =	swait.ge @!p1 [sflag:s4], $0x2000  }
0x52: {  	s0 =	sadd.s32 s12, s0;
	s1 =	sadd.s32 @!p1 s29, s1;
	[sflag:s4] =	ssyncset.done @!p1 $0x0  }
0x53: {  	p3 =	sne.s32 s7, s14;
	s3 =	smulhi.u32 $0xCCCCCCCD, s19;
	[sflag:s4] =	ssyncadd.s32 @!p1 $0xFFFFE000  }
0x54: {  	[spmem:s5] =	stream.indirect.scatter.add.f32 @!p1 [tilespmem:s2], [sflag:s1], $0x40, s0, s21, $0xb8;
	[tilespmem:$0x1EA00] =	vst v63  }
0x55: {  	s6 =	smov.u32 s13;
	p1 =	slt.u32 s19, $0xA;
	s0 =	smov.u32 s9  }
0x56: {  	s1 =	sshrl.u32 s3, $0x3;
	s2 =	smov.u32 s17;
	s3 =	smulhi.u32 @!p1 $0xCCCCCCCD, s19  }
0x57: {  	s25 =	sadd.s32 $0x100, s25;
	s8 =	sadd.s32 $0x100, s8;
	s1 =	smul.u32 $0xFFFFFFD8, s1  }
0x58: {  	s28 =	sadd.s32 $0x1, s28;
	s13 =	sadd.s32 $0x2000, s13;
	s3 =	sshrl.u32 @!p1 s3, $0x3  }
0x59: {  	s9 =	sadd.s32 $0x100, s9;
	s1 =	sshra.s32 s1, $0x2;
	s3 =	smul.u32 @!p1 $0xA, s3  }
0x5a: {  	s17 =	sadd.s32 $0x2000, s17;
	s4 =	sshra.s32 @!p1 s26, $0x2;
	s1 =	sadd.s32 $0x15, s1  }
0x5b: {  	s10 =	smulhi.u32 $0xCCCCCCCD, s16;
	s1 =	sadd.s32 @!p1 s4, s1;
	s3 =	ssub.s32 @!p1 s19, s3  }
0x5c: {  	s4 =	smulhi.u32 $0xCCCCCCCD, s18;
	s3 =	smov.u32 @p1 s19;
	_ =	swait.ge @!p1 [sflag:s1], $0x2000  }
0x5d: {  	s29 =	sadd.s32 $0x1, s3;
	s3 =	sshll.u32 s3, $0x8;
	[sflag:s1] =	ssyncset.done @!p1 $0x0  }
0x5e: {  	s31 =	sshrl.u32 s10, $0x3;
	[sflag:s1] =	ssyncadd.s32 @!p1 $0xFFFFE000;
	s1 =	sand.u32 $0x3FFFFF00, s3  }
0x5f: {  	s11 =	sadd.s32 $0xFFFF63C0, s20;
	p2 =	seq.s32 s26, $0x0;
	s3 =	smul.u32 $0xFFFFD800, s31  }
0x60: {  	s23 =	sshra.s32 @!p2 s26, $0x2;
	s12 =	sshrl.u32 s4, $0x3;
	s4 =	smul.u32 $0xFFFB0000, s31  }
0x61: {  	s10 =	smul.u32 $0xFFFB0000, s12;
	p1 =	slt.u32 @!p2 s19, $0x5;
	s3 =	sshra.s32 s3, $0x2  }
0x62: {  	p1 =	por p1, p2;
	s24 =	sadd.s32 s3, s22;
	s3 =	sor.u32 $0x80, s1  }
0x63: {  	s16 =	sshra.s32 s4, $0x2;
	s21 =	simm.s32 @!p1 $0x80;
	s22 =	smul.u32 $0xFFFFFFD8, s12  }
0x64: {  	[tilespmem:s1], [sflag:s29] =	stream.linear.gather [hbm4b:s11+s15], $0x80, $0x38;
	[tilespmem:$0x1EA00] =	vst v63  }
.Ltmp4:
0x65: {  	_ = 	snop;
	(pc) =	sbr.rel @p3 .LBB2_18-.Ltmp4, $4  }
0x66: {  	s18 =	sadd.s32 $0x1, s18;
	s11 =	sshra.s32 s22, $0x2;
	s1 =	smul.u32 $0xFFFFFFD8, s31  }
0x67: {  	[tilespmem:s3], [sflag:s29] =	stream.linear.gather [hbm4b:s20+s15], $0x80, $0x38;
	[tilespmem:$0x1EA00] =	vst v63  }
0x68: {  	s19 =	sadd.s32 $0x1, s19;
	s20 =	sadd.s32 $0x6, s11;
	s1 =	sshra.s32 s1, $0x2  }
0x69: {  	s29 =	sshra.s32 @!p1 s26, $0x2;
	s31 =	sadd.s32 $0xA, s1;
	s1 =	sadd.s32 @!p2 s23, s1  }
.LBB2_19:
0x6a: {  	_ =	swait.ge @!p2 [sflag:s1], $0x100;
	s3 =	simm.s32 @!p2 $0x80;
	s4 =	sadd.s32 @!p1 s29, s20  }
0x6b: {  	s8 =	smul.u32 $0xFFFFD800, s12;
	s6 =	sadd.s32 s16, s6;
	[sflag:s1] =	ssyncset.done @!p2 $0x0  }
0x6c: {  	s26 =	sshra.s32 s10, $0x2;
	[sflag:s1] =	ssyncadd.s32 @!p2 $0xFFFFFF00;
	s1 =	sadd.s32 @!p2 s23, s31  }
0x6d: {  	[tilespmem:s6], [sflag:s1] =	stream.indirect.gather @!p2 [hbm4b:s30+s3], $0x40, s24, s3, $0xb8;
	[tilespmem:$0x1EA00] =	vst v63  }
0x6e: {  	s28 =	sshra.s32 s8, $0x2;
	s6 =	sadd.s32 $0x10, s11;
	_ =	swait.ge @!p1 [sflag:s4], $0x2000  }
0x6f: {  	s1 =	sadd.s32 s26, s2;
	s0 =	sadd.s32 s28, s0;
	[sflag:s4] =	ssyncset.done @!p1 $0x0  }
0x70: {  	s2 =	sadd.s32 @!p1 s29, s6;
	s31 =	rddreg [dreg:$0x8];
	[sflag:s4] =	ssyncadd.s32 @!p1 $0xFFFFE000  }
0x71: {  	[spmem:s5] =	stream.indirect.scatter.add.f32 @!p1 [tilespmem:s1], [sflag:s2], $0x40, s0, s21, $0xb8;
	[tilespmem:$0x1EA00] =	vst v63  }
0x72: {  	s18 =	rddreg [dreg:$0xe];
	s1 =	sadd.s32 $0x1, s31  }
0x73: {  	p2 =	slt.u32 s1, s18  }
.Ltmp5:
0x74: {  	_ = 	snop;
	(pc) =	sbr.rel @!p2 .LBB2_20-.Ltmp5, $2  }
0x75: {  	_ =	sdelay $0x2  }
0x76: {  	s19 =	simm.s32 $0x80;
	s11 =	smulhi.u32 $0xCCCCCCCD, s31;
	p1 =	por $0x0, $0x0  }
0x77: {  	s10 =	rddreg [dreg:$0x12]  }
0x78: {  	s14 =	rddreg [dreg:$0x13]  }
0x79: {  	s31 =	rddreg [dreg:$0x11];
	s3 =	sshrl.u32 s11, $0x3  }
0x7a: {  	s8 =	sadd.s32 $0x1, s1;
	s7 =	rddreg [dreg:$0x10];
	s4 =	smul.u32 $0xFFFFFFD8, s3  }
0x7b: {  	p2 =	por $0x1, $0x1;
	p3 =	slt.u32 s8, s18;
	s9 =	smul.u32 $0xFFFB0000, s3  }
0x7c: {  	s2 =	sadd.s32 $0x2000, s10;
	s0 =	sadd.s32 $0x100, s14;
	s3 =	smul.u32 $0xFFFFD800, s3  }
.Ltmp6:
0x7d: {  	s6 =	sadd.s32 $0x1, s31;
	s4 =	sshra.s32 s4, $0x2;
	(pc) =	sbr.rel @!p3 .LBB2_23-.Ltmp6, $4  }
0x7e: {  	s11 =	smulhi.u32 $0xCCCCCCCD, s1;
	s9 =	sshra.s32 s9, $0x2;
	s13 =	sadd.s32 s4, s7  }
0x7f: {  	s3 =	sshra.s32 s3, $0x2;
	s10 =	sadd.s32 s9, s10;
	_ =	swait.ge [sflag:s13], $0x100  }
0x80: {  	s9 =	sadd.s32 $0x1, s7;
	s12 =	sadd.s32 s4, s31;
	[sflag:s13] =	ssyncset.done $0x0  }
0x81: {  	s1 =	sadd.s32 s3, s14;
	s17 =	rddreg [dreg:$0x7];
	[sflag:s13] =	ssyncadd.s32 $0xFFFFFF00  }
.LBB2_22:
0x82: {  	[tilespmem:s10], [sflag:s12] =	stream.indirect.gather [hbm4b:s30+s19], $0x40, s1, s19, $0xb8;
	[tilespmem:$0x1EA00] =	vst v63  }
0x83: {  	s1 =	smov.u32 s8;
	s3 =	smov.u32 s2;
	s4 =	smov.u32 s0  }
0x84: {  	s8 =	sadd.s32 $0x1, s8;
	s10 =	sshrl.u32 s11, $0x3;
	s11 =	smov.u32 s6  }
0x85: {  	p3 =	slt.u32 s8, s18;
	s12 =	smul.u32 $0xFFFFFFD8, s10  }
0x86: {  	s2 =	sadd.s32 $0x2000, s2;
	s0 =	sadd.s32 $0x100, s0;
	s13 =	smul.u32 $0xFFFB0000, s10  }
.Ltmp7:
0x87: {  	s6 =	sadd.s32 $0x1, s6;
	s12 =	sshra.s32 s12, $0x2;
	(pc) =	sbr.rel @p3 .LBB2_22-.Ltmp7, $4  }
0x88: {  	s16 =	smul.u32 $0xFFFFD800, s10;
	s13 =	sshra.s32 s13, $0x2;
	s14 =	sadd.s32 s12, s9  }
0x89: {  	s10 =	sadd.s32 s13, s3;
	s9 =	sadd.s32 $0x1, s9;
	_ =	swait.ge [sflag:s14], $0x100  }
0x8a: {  	s12 =	sadd.s32 s12, s11;
	s3 =	sshra.s32 s16, $0x2;
	[sflag:s14] =	ssyncset.done $0x0  }
0x8b: {  	s11 =	smulhi.u32 $0xCCCCCCCD, s1;
	s1 =	sadd.s32 s3, s4;
	[sflag:s14] =	ssyncadd.s32 $0xFFFFFF00  }
.LBB2_23:
0x8c: {  	[tilespmem:s10], [sflag:s12] =	stream.indirect.gather @p2 [hbm4b:s30+s19], $0x40, s1, s19, $0xb8;
	[tilespmem:$0x1EA00] =	vst v63  }
0x8d: {  	s3 =	sshrl.u32 s11, $0x3  }
0x8e: {  	s4 =	smul.u32 $0xFFFFFFD8, s3  }
0x8f: {  	s26 =	smul.u32 $0xFFFB0000, s3  }
0x90: {  	s3 =	smul.u32 $0xFFFFD800, s3;
	s4 =	sshra.s32 s4, $0x2  }
0x91: {  	s8 =	sadd.s32 s4, s9  }
0x92: {  	s1 =	sshra.s32 s26, $0x2;
	s28 =	sshra.s32 s3, $0x2;
	_ =	swait.ge [sflag:s8], $0x100  }
0x93: {  	s1 =	sadd.s32 s1, s2;
	s29 =	sadd.s32 s4, s6;
	[sflag:s8] =	ssyncset.done $0x0  }
0x94: {  	s0 =	sadd.s32 s28, s0;
	s31 =	rddreg [dreg:$0x9];
	[sflag:s8] =	ssyncadd.s32 $0xFFFFFF00  }
0x95: {  	[tilespmem:s1], [sflag:s29] =	stream.indirect.gather [hbm4b:s30+s19], $0x40, s0, s19, $0xb8;
	[tilespmem:$0x1EA00] =	vst v63  }
0x96: {  	s1 =	sadd.s32 $0x1, s31  }
0x97: {  	p2 =	slt.u32 s1, s18  }
.Ltmp8:
0x98: {  	_ = 	snop;
	(pc) =	sbr.rel @!p2 .LBB2_24-.Ltmp8, $2  }
0x99: {  	_ =	sdelay $0x2  }
0x9a: {  	s11 =	smulhi.u32 $0xCCCCCCCD, s31  }
0x9b: {  	s10 =	rddreg [dreg:$0x16]  }
0x9c: {  	s14 =	rddreg [dreg:$0x17];
	s3 =	sshrl.u32 s11, $0x3  }
0x9d: {  	s8 =	sadd.s32 $0x1, s1;
	s31 =	rddreg [dreg:$0x15];
	s4 =	smul.u32 $0xFFFFFFD8, s3  }
0x9e: {  	s7 =	rddreg [dreg:$0x14];
	p1 =	por $0x1, $0x1;
	s9 =	smul.u32 $0xFFFB0000, s3  }
0x9f: {  	p2 =	slt.u32 s8, s18;
	s2 =	sadd.s32 $0x2000, s10;
	s3 =	smul.u32 $0xFFFFD800, s3  }
.Ltmp9:
0xa0: {  	s0 =	sadd.s32 $0x100, s14;
	s4 =	sshra.s32 s4, $0x2;
	(pc) =	sbr.rel @!p2 .LBB2_27-.Ltmp9, $4  }
0xa1: {  	s6 =	sadd.s32 $0x1, s31;
	s11 =	smulhi.u32 $0xCCCCCCCD, s1;
	s13 =	sadd.s32 s4, s7  }
0xa2: {  	s9 =	sshra.s32 s9, $0x2;
	s3 =	sshra.s32 s3, $0x2;
	_ =	swait.ge [sflag:s13], $0x2000  }
0xa3: {  	s10 =	sadd.s32 s9, s10;
	s9 =	sadd.s32 $0x1, s7;
	[sflag:s13] =	ssyncset.done $0x0  }
0xa4: {  	s12 =	sadd.s32 s4, s31;
	s1 =	sadd.s32 s3, s14;
	[sflag:s13] =	ssyncadd.s32 $0xFFFFE000  }
.LBB2_26:
0xa5: {  	[spmem:s5] =	stream.indirect.scatter.add.f32 [tilespmem:s10], [sflag:s12], $0x40, s1, s19, $0xb8;
	[tilespmem:$0x1EA00] =	vst v63  }
0xa6: {  	s1 =	smov.u32 s8;
	s3 =	smov.u32 s2;
	s4 =	smov.u32 s0  }
0xa7: {  	s8 =	sadd.s32 $0x1, s8;
	s10 =	sshrl.u32 s11, $0x3;
	s11 =	smov.u32 s6  }
0xa8: {  	p2 =	slt.u32 s8, s18;
	s12 =	smul.u32 $0xFFFFFFD8, s10  }
0xa9: {  	s2 =	sadd.s32 $0x2000, s2;
	s0 =	sadd.s32 $0x100, s0;
	s13 =	smul.u32 $0xFFFB0000, s10  }
.Ltmp10:
0xaa: {  	s6 =	sadd.s32 $0x1, s6;
	s12 =	sshra.s32 s12, $0x2;
	(pc) =	sbr.rel @p2 .LBB2_26-.Ltmp10, $4  }
0xab: {  	s16 =	smul.u32 $0xFFFFD800, s10;
	s13 =	sshra.s32 s13, $0x2;
	s14 =	sadd.s32 s12, s9  }
0xac: {  	s10 =	sadd.s32 s13, s3;
	s9 =	sadd.s32 $0x1, s9;
	_ =	swait.ge [sflag:s14], $0x2000  }
0xad: {  	s12 =	sadd.s32 s12, s11;
	s3 =	sshra.s32 s16, $0x2;
	[sflag:s14] =	ssyncset.done $0x0  }
0xae: {  	s11 =	smulhi.u32 $0xCCCCCCCD, s1;
	s1 =	sadd.s32 s3, s4;
	[sflag:s14] =	ssyncadd.s32 $0xFFFFE000  }
.LBB2_27:
0xaf: {  	[spmem:s5] =	stream.indirect.scatter.add.f32 @p1 [tilespmem:s10], [sflag:s12], $0x40, s1, s19, $0xb8;
	[tilespmem:$0x1EA00] =	vst v63  }
0xb0: {  	s25 =	sshrl.u32 s11, $0x3  }
0xb1: {  	s3 =	smul.u32 $0xFFFFFFD8, s25  }
0xb2: {  	s4 =	smul.u32 $0xFFFB0000, s25  }
0xb3: {  	s1 =	smul.u32 $0xFFFFD800, s25;
	s3 =	sshra.s32 s3, $0x2  }
0xb4: {  	s8 =	sadd.s32 s3, s9  }
0xb5: {  	s4 =	sshra.s32 s4, $0x2;
	s1 =	sshra.s32 s1, $0x2;
	_ =	swait.ge [sflag:s8], $0x2000  }
0xb6: {  	s2 =	sadd.s32 s4, s2;
	s3 =	sadd.s32 s3, s6;
	s26 =	rddreg [dreg:$0xa]  }
0xb7: {  	s0 =	sadd.s32 s1, s0;
	[sflag:s8] =	ssyncset.done $0x0;
	s31 =	rddreg [dreg:$0x19]  }
0xb8: {  	[sflag:s8] =	ssyncadd.s32 $0xFFFFE000;
	s28 =	smulhi.u32 $0xCCCCCCCD, s26;
	p1 =	sne.s32 s31, $0x1  }
0xb9: {  	[spmem:s5] =	stream.indirect.scatter.add.f32 [tilespmem:s2], [sflag:s3], $0x40, s0, s19, $0xb8;
	[tilespmem:$0x1EA00] =	vst v63  }
.Ltmp11:
0xba: {  	_ = 	snop;
	(pc) =	sbr.rel @!p1 .LBB2_29-.Ltmp11, $4  }
0xbb: {  	s29 =	sshrl.u32 s28, $0x3  }
0xbc: {  	s1 =	smul.u32 $0xFFFFFFD8, s29  }
0xbd: {  	s0 =	sadd.s32 $0xFFFFFFFF, s31  }
0xbe: {  	s2 =	sadd.s32 $0x1, s26;
	s6 =	sshra.s32 s1, $0x2;
	s1 =	rddreg [dreg:$0x1a]  }
.LBB2_28:
0xbf: {  	s3 =	smulhi.u32 $0xCCCCCCCD, s2;
	s4 =	sadd.s32 s6, s1;
	p1 =	sne.s32 s0, $0x1  }
.Ltmp12:
0xc0: {  	s0 =	sadd.s32 $0xFFFFFFFF, s0;
	_ =	swait.ge [sflag:s4], $0x2000;
	(pc) =	sbr.rel @p1 .LBB2_28-.Ltmp12, $3  }
0xc1: {  	s3 =	sshrl.u32 s3, $0x3;
	[sflag:s4] =	ssyncset.done $0x0  }
0xc2: {  	s3 =	smul.u32 $0xFFFFFFD8, s3;
	[sflag:s4] =	ssyncadd.s32 $0xFFFFE000;
	_ =	sdelay $0x1  }
0xc3: {  	s2 =	sadd.s32 $0x1, s2;
	s1 =	sadd.s32 $0x1, s1;
	s6 =	sshra.s32 s3, $0x2  }
.LBB2_29:
.Ltmp13:
0xc4: {  	(pc) =	sbr.rel .LBB2_30-.Ltmp13, $4  }
0xc5: {  	s0 =	sadd.s32 s6, s1  }
0xc6: {  	_ =	swait.ge [sflag:s0], $0x2000  }
0xc7: {  	[sflag:s0] =	ssyncset.done $0x0;
	s7 =	rddreg [dreg:$0xd]  }
0xc8: {  	s2 =	simm.s32 $0x1F;
	s8 =	rddreg [dreg:$0x1b];
	[sflag:s0] =	ssyncadd.s32 $0xFFFFE000  }
.LBB2_2:
0xc9: {  	s9 =	smulhi.u32 @!p1 $0xCCCCCCCD, s15  }
0xca: {  	p3 =	sne.s32 s7, $0x4;
	s1 =	smul.u32 $0xFFFFFFD8, s1  }
0xcb: {  	s25 =	simm.s32 $0x0;
	s3 =	rddreg [dreg:$0xf];
	s28 =	simm.s32 $0x0  }
0xcc: {  	s13 =	simm.s32 $0xA00;
	s17 =	simm.s32 $0xFFFF8A00;
	s11 =	smulhi.u32 $0xCCCCCCCD, s11  }
0xcd: {  	s10 =	smulhi.u32 $0xCCCCCCCD, s10;
	p2 =	por $0x1, $0x1;
	s30 =	simm.s32 $0x0  }
0xce: {  	s8 =	sadd.s32 $0x100, s3;
	s20 =	sadd.s32 $0xFFFF63C0, s3;
	s9 =	sshrl.u32 @!p1 s9, $0x3  }
0xcf: {  	s23 =	simm.s32 @!p2 $0x0;
	s1 =	sshra.s32 s1, $0x2;
	s12 =	smul.u32 @!p1 $0xA, s9  }
0xd0: {  	s18 =	sshrl.u32 s11, $0x3;
	s9 =	simm.s32 $0xFFFFFC80;
	s1 =	sadd.s32 $0x15, s1  }
0xd1: {  	s11 =	smul.u32 $0xFFFFD800, s18;
	s1 =	sadd.s32 @!p1 $0x0, s1;
	s12 =	ssub.s32 @!p1 $0x0, s12  }
0xd2: {  	s16 =	smul.u32 $0xFFFB0000, s18;
	_ =	swait.ge @!p1 [sflag:s1], $0x2000;
	s12 =	smov.u32 @p1 s15  }
0xd3: {  	s11 =	sshra.s32 s11, $0x2;
	s19 =	sadd.s32 $0x1, s12;
	s12 =	sshll.u32 s12, $0x8  }
0xd4: {  	s16 =	sshra.s32 s16, $0x2;
	s26 =	sand.u32 $0x3FFFFF00, s12;
	s12 =	sshrl.u32 s10, $0x3  }
0xd5: {  	[sflag:s1] =	ssyncset.done @!p1 $0x0;
	s24 =	sadd.s32 $0xFFFFFF00, s11;
	s10 =	smul.u32 $0xFFFB0000, s12  }
0xd6: {  	[sflag:s1] =	ssyncadd.s32 @!p1 $0xFFFFE000;
	p1 =	por @!p2 $0x1, $0x1;
	s4 =	smul.u32 $0xFFFFFFD8, s12  }
0xd7: {  	[tilespmem:s26], [sflag:s19] =	stream.linear.gather [hbm4b:s20+s15], $0x80, $0x38;
	[tilespmem:$0x1EA00] =	vst v63  }
0xd8: {  	p1 =	por p1, p2;
	s22 =	sor.u32 $0x80, s26;
	s26 =	smul.u32 $0xFFFFFFD8, s18  }
.Ltmp14:
0xd9: {  	s21 =	simm.s32 @!p1 $0x80;
	s18 =	simm.s32 $0xFFFFFFFC;
	(pc) =	sbr.rel @!p3 .LBB2_4-.Ltmp14, $4  }
0xda: {  	[tilespmem:s22], [sflag:s19] =	stream.linear.gather [hbm4b:s3+s15], $0x80, $0x38;
	[tilespmem:$0x1EA00] =	vst v63  }
0xdb: {  	s29 =	simm.s32 @!p1 $0x0;
	s11 =	sshra.s32 s4, $0x2;
	s1 =	sshra.s32 s26, $0x2  }
0xdc: {  	s19 =	simm.s32 $0x1;
	s15 =	smov.u32 s5;
	s5 =	rddreg [dreg:$0x0]  }
0xdd: {  	s20 =	sadd.s32 $0x6, s11;
	s31 =	sadd.s32 $0xA, s1;
	s1 =	sadd.s32 @!p2 $0x0, s1  }
.LBB2_3:
0xde: {  	_ =	swait.ge @!p2 [sflag:s1], $0x100;
	s3 =	simm.s32 @!p2 $0x80;
	s4 =	sadd.s32 @!p1 s29, s20  }
0xdf: {  	s26 =	smov.u32 s14;
	s22 =	smov.u32 s25;
	s20 =	smov.u32 s8  }
0xe0: {  	s10 =	sshra.s32 s10, $0x2;
	s12 =	smul.u32 $0xFFFFD800, s12;
	[sflag:s1] =	ssyncset.done @!p2 $0x0  }
0xe1: {  	s6 =	sadd.s32 s16, s6;
	[sflag:s1] =	ssyncadd.s32 @!p2 $0xFFFFFF00;
	s1 =	sadd.s32 @!p2 s23, s31  }
0xe2: {  	s14 =	sadd.s32 $0x4, s14;
	s16 =	smov.u32 s28;
	s12 =	sshra.s32 s12, $0x2  }
0xe3: {  	[tilespmem:s6], [sflag:s1] =	stream.indirect.gather @!p2 [hbm4b:s5+s3], $0x40, s24, s3, $0xb8;
	[tilespmem:$0x1EA00] =	vst v63  }
0xe4: {  	s2 =	sadd.s32 s10, s2;
	s1 =	sadd.s32 $0x10, s11;
	_ =	swait.ge @!p1 [sflag:s4], $0x2000  }
0xe5: {  	s0 =	sadd.s32 s12, s0;
	s1 =	sadd.s32 @!p1 s29, s1;
	[sflag:s4] =	ssyncset.done @!p1 $0x0  }
0xe6: {  	p3 =	sne.s32 s7, s14;
	s3 =	smulhi.u32 $0xCCCCCCCD, s19;
	[sflag:s4] =	ssyncadd.s32 @!p1 $0xFFFFE000  }
0xe7: {  	[spmem:s15] =	stream.indirect.scatter.add.f32 @!p1 [tilespmem:s2], [sflag:s1], $0x40, s0, s21, $0xb8;
	[tilespmem:$0x1EA00] =	vst v63  }
0xe8: {  	s6 =	smov.u32 s13;
	p1 =	slt.u32 s19, $0xA;
	s0 =	smov.u32 s9  }
0xe9: {  	s1 =	sshrl.u32 s3, $0x3;
	s2 =	smov.u32 s17;
	s3 =	smulhi.u32 @!p1 $0xCCCCCCCD, s19  }
0xea: {  	s25 =	sadd.s32 $0x100, s25;
	s8 =	sadd.s32 $0x100, s8;
	s1 =	smul.u32 $0xFFFFFFD8, s1  }
0xeb: {  	s28 =	sadd.s32 $0x1, s28;
	s13 =	sadd.s32 $0x2000, s13;
	s3 =	sshrl.u32 @!p1 s3, $0x3  }
0xec: {  	s9 =	sadd.s32 $0x100, s9;
	s1 =	sshra.s32 s1, $0x2;
	s3 =	smul.u32 @!p1 $0xA, s3  }
0xed: {  	s17 =	sadd.s32 $0x2000, s17;
	s4 =	sshra.s32 @!p1 s26, $0x2;
	s1 =	sadd.s32 $0x15, s1  }
0xee: {  	s10 =	smulhi.u32 $0xCCCCCCCD, s16;
	s1 =	sadd.s32 @!p1 s4, s1;
	s3 =	ssub.s32 @!p1 s19, s3  }
0xef: {  	s4 =	smulhi.u32 $0xCCCCCCCD, s18;
	s3 =	smov.u32 @p1 s19;
	_ =	swait.ge @!p1 [sflag:s1], $0x2000  }
0xf0: {  	s29 =	sadd.s32 $0x1, s3;
	s3 =	sshll.u32 s3, $0x8;
	[sflag:s1] =	ssyncset.done @!p1 $0x0  }
0xf1: {  	s31 =	sshrl.u32 s10, $0x3;
	[sflag:s1] =	ssyncadd.s32 @!p1 $0xFFFFE000;
	s1 =	sand.u32 $0x3FFFFF00, s3  }
0xf2: {  	s11 =	sadd.s32 $0xFFFF63C0, s20;
	p2 =	seq.s32 s26, $0x0;
	s3 =	smul.u32 $0xFFFFD800, s31  }
0xf3: {  	s23 =	sshra.s32 @!p2 s26, $0x2;
	s12 =	sshrl.u32 s4, $0x3;
	s4 =	smul.u32 $0xFFFB0000, s31  }
0xf4: {  	s10 =	smul.u32 $0xFFFB0000, s12;
	p1 =	slt.u32 @!p2 s19, $0x5;
	s3 =	sshra.s32 s3, $0x2  }
0xf5: {  	p1 =	por p1, p2;
	s24 =	sadd.s32 s3, s22;
	s3 =	sor.u32 $0x80, s1  }
0xf6: {  	s16 =	sshra.s32 s4, $0x2;
	s21 =	simm.s32 @!p1 $0x80;
	s22 =	smul.u32 $0xFFFFFFD8, s12  }
0xf7: {  	[tilespmem:s1], [sflag:s29] =	stream.linear.gather [hbm4b:s11+s30], $0x80, $0x38;
	[tilespmem:$0x1EA00] =	vst v63  }
.Ltmp15:
0xf8: {  	_ = 	snop;
	(pc) =	sbr.rel @p3 .LBB2_3-.Ltmp15, $4  }
0xf9: {  	s18 =	sadd.s32 $0x1, s18;
	s11 =	sshra.s32 s22, $0x2;
	s1 =	smul.u32 $0xFFFFFFD8, s31  }
0xfa: {  	[tilespmem:s3], [sflag:s29] =	stream.linear.gather [hbm4b:s20+s30], $0x80, $0x38;
	[tilespmem:$0x1EA00] =	vst v63  }
0xfb: {  	s19 =	sadd.s32 $0x1, s19;
	s20 =	sadd.s32 $0x6, s11;
	s1 =	sshra.s32 s1, $0x2  }
0xfc: {  	s29 =	sshra.s32 @!p1 s26, $0x2;
	s31 =	sadd.s32 $0xA, s1;
	s1 =	sadd.s32 @!p2 s23, s1  }
.LBB2_4:
0xfd: {  	_ =	swait.ge @!p2 [sflag:s1], $0x100;
	s3 =	simm.s32 @!p2 $0x80;
	s4 =	sadd.s32 @!p1 s29, s20  }
0xfe: {  	s8 =	smul.u32 $0xFFFFD800, s12;
	s6 =	sadd.s32 s16, s6;
	[sflag:s1] =	ssyncset.done @!p2 $0x0  }
0xff: {  	s28 =	sshra.s32 s10, $0x2;
	[sflag:s1] =	ssyncadd.s32 @!p2 $0xFFFFFF00;
	s1 =	sadd.s32 @!p2 s23, s31  }
0x100: {  	[tilespmem:s6], [sflag:s1] =	stream.indirect.gather @!p2 [hbm4b:s5+s3], $0x40, s24, s3, $0xb8;
	[tilespmem:$0x1EA00] =	vst v63  }
0x101: {  	s30 =	sshra.s32 s8, $0x2;
	s6 =	sadd.s32 $0x10, s11;
	_ =	swait.ge @!p1 [sflag:s4], $0x2000  }
0x102: {  	s1 =	sadd.s32 s28, s2;
	s0 =	sadd.s32 s30, s0;
	[sflag:s4] =	ssyncset.done @!p1 $0x0  }
0x103: {  	s2 =	sadd.s32 @!p1 s29, s6;
	s31 =	rddreg [dreg:$0x8];
	[sflag:s4] =	ssyncadd.s32 @!p1 $0xFFFFE000  }
0x104: {  	[spmem:s15] =	stream.indirect.scatter.add.f32 @!p1 [tilespmem:s1], [sflag:s2], $0x40, s0, s21, $0xb8;
	[tilespmem:$0x1EA00] =	vst v63  }
0x105: {  	s18 =	rddreg [dreg:$0xe];
	s1 =	sadd.s32 $0x1, s31  }
0x106: {  	p2 =	slt.u32 s1, s18  }
.Ltmp16:
0x107: {  	_ = 	snop;
	(pc) =	sbr.rel @!p2 .LBB2_5-.Ltmp16, $3  }
0x108: {  	_ =	sdelay $0x1  }
0x109: {  	s17 =	smov.u32 s15  }
0x10a: {  	s19 =	simm.s32 $0x80;
	s11 =	smulhi.u32 $0xCCCCCCCD, s31;
	p1 =	por $0x0, $0x0  }
0x10b: {  	s10 =	rddreg [dreg:$0x12]  }
0x10c: {  	s14 =	rddreg [dreg:$0x13]  }
0x10d: {  	s8 =	sadd.s32 $0x1, s1;
	s31 =	rddreg [dreg:$0x11];
	s3 =	sshrl.u32 s11, $0x3  }
0x10e: {  	s7 =	rddreg [dreg:$0x10];
	p2 =	por $0x1, $0x1;
	s4 =	smul.u32 $0xFFFFFFD8, s3  }
0x10f: {  	s15 =	simm.s32 $0x0;
	p3 =	slt.u32 s8, s18;
	s9 =	smul.u32 $0xFFFB0000, s3  }
0x110: {  	s2 =	sadd.s32 $0x2000, s10;
	s0 =	sadd.s32 $0x100, s14;
	s3 =	smul.u32 $0xFFFFD800, s3  }
.Ltmp17:
0x111: {  	s6 =	sadd.s32 $0x1, s31;
	s4 =	sshra.s32 s4, $0x2;
	(pc) =	sbr.rel @!p3 .LBB2_8-.Ltmp17, $4  }
0x112: {  	s11 =	smulhi.u32 $0xCCCCCCCD, s1;
	s9 =	sshra.s32 s9, $0x2;
	s13 =	sadd.s32 s4, s7  }
0x113: {  	s3 =	sshra.s32 s3, $0x2;
	s10 =	sadd.s32 s9, s10;
	_ =	swait.ge [sflag:s13], $0x100  }
0x114: {  	s9 =	sadd.s32 $0x1, s7;
	s12 =	sadd.s32 s4, s31;
	[sflag:s13] =	ssyncset.done $0x0  }
0x115: {  	s1 =	sadd.s32 s3, s14;
	s30 =	rddreg [dreg:$0x4];
	[sflag:s13] =	ssyncadd.s32 $0xFFFFFF00  }
.LBB2_7:
0x116: {  	[tilespmem:s10], [sflag:s12] =	stream.indirect.gather [hbm4b:s5+s19], $0x40, s1, s19, $0xb8;
	[tilespmem:$0x1EA00] =	vst v63  }
0x117: {  	s1 =	smov.u32 s8;
	s3 =	smov.u32 s2;
	s4 =	smov.u32 s0  }
0x118: {  	s8 =	sadd.s32 $0x1, s8;
	s10 =	sshrl.u32 s11, $0x3;
	s11 =	smov.u32 s6  }
0x119: {  	p3 =	slt.u32 s8, s18;
	s12 =	smul.u32 $0xFFFFFFD8, s10  }
0x11a: {  	s2 =	sadd.s32 $0x2000, s2;
	s0 =	sadd.s32 $0x100, s0;
	s13 =	smul.u32 $0xFFFB0000, s10  }
.Ltmp18:
0x11b: {  	s6 =	sadd.s32 $0x1, s6;
	s12 =	sshra.s32 s12, $0x2;
	(pc) =	sbr.rel @p3 .LBB2_7-.Ltmp18, $4  }
0x11c: {  	s16 =	smul.u32 $0xFFFFD800, s10;
	s13 =	sshra.s32 s13, $0x2;
	s14 =	sadd.s32 s12, s9  }
0x11d: {  	s10 =	sadd.s32 s13, s3;
	s9 =	sadd.s32 $0x1, s9;
	_ =	swait.ge [sflag:s14], $0x100  }
0x11e: {  	s12 =	sadd.s32 s12, s11;
	s3 =	sshra.s32 s16, $0x2;
	[sflag:s14] =	ssyncset.done $0x0  }
0x11f: {  	s11 =	smulhi.u32 $0xCCCCCCCD, s1;
	s1 =	sadd.s32 s3, s4;
	[sflag:s14] =	ssyncadd.s32 $0xFFFFFF00  }
.LBB2_8:
0x120: {  	[tilespmem:s10], [sflag:s12] =	stream.indirect.gather @p2 [hbm4b:s5+s19], $0x40, s1, s19, $0xb8;
	[tilespmem:$0x1EA00] =	vst v63  }
0x121: {  	s3 =	sshrl.u32 s11, $0x3  }
0x122: {  	s4 =	smul.u32 $0xFFFFFFD8, s3  }
0x123: {  	s26 =	smul.u32 $0xFFFB0000, s3  }
0x124: {  	s3 =	smul.u32 $0xFFFFD800, s3;
	s4 =	sshra.s32 s4, $0x2  }
0x125: {  	s8 =	sadd.s32 s4, s9  }
0x126: {  	s1 =	sshra.s32 s26, $0x2;
	s28 =	sshra.s32 s3, $0x2;
	_ =	swait.ge [sflag:s8], $0x100  }
0x127: {  	s1 =	sadd.s32 s1, s2;
	s29 =	sadd.s32 s4, s6;
	[sflag:s8] =	ssyncset.done $0x0  }
0x128: {  	s0 =	sadd.s32 s28, s0;
	s31 =	rddreg [dreg:$0x9];
	[sflag:s8] =	ssyncadd.s32 $0xFFFFFF00  }
0x129: {  	[tilespmem:s1], [sflag:s29] =	stream.indirect.gather [hbm4b:s5+s19], $0x40, s0, s19, $0xb8;
	[tilespmem:$0x1EA00] =	vst v63  }
0x12a: {  	s1 =	sadd.s32 $0x1, s31  }
0x12b: {  	p2 =	slt.u32 s1, s18  }
.Ltmp19:
0x12c: {  	_ = 	snop;
	(pc) =	sbr.rel @!p2 .LBB2_9-.Ltmp19, $2  }
0x12d: {  	_ =	sdelay $0x2  }
0x12e: {  	s11 =	smulhi.u32 $0xCCCCCCCD, s31  }
0x12f: {  	s10 =	rddreg [dreg:$0x16]  }
0x130: {  	s14 =	rddreg [dreg:$0x17]  }
0x131: {  	s7 =	rddreg [dreg:$0x15];
	s3 =	sshrl.u32 s11, $0x3  }
0x132: {  	s8 =	sadd.s32 $0x1, s1;
	s5 =	rddreg [dreg:$0x14];
	s4 =	smul.u32 $0xFFFFFFD8, s3  }
0x133: {  	p1 =	por $0x1, $0x1;
	p2 =	slt.u32 s8, s18;
	s9 =	smul.u32 $0xFFFB0000, s3  }
0x134: {  	s2 =	sadd.s32 $0x2000, s10;
	s0 =	sadd.s32 $0x100, s14;
	s3 =	smul.u32 $0xFFFFD800, s3  }
.Ltmp20:
0x135: {  	s6 =	sadd.s32 $0x1, s7;
	s4 =	sshra.s32 s4, $0x2;
	(pc) =	sbr.rel @!p2 .LBB2_11-.Ltmp20, $4  }
0x136: {  	s11 =	smulhi.u32 $0xCCCCCCCD, s1;
	s9 =	sshra.s32 s9, $0x2;
	s13 =	sadd.s32 s4, s5  }
0x137: {  	s3 =	sshra.s32 s3, $0x2;
	s10 =	sadd.s32 s9, s10;
	_ =	swait.ge [sflag:s13], $0x2000  }
0x138: {  	s9 =	sadd.s32 $0x1, s5;
	s12 =	sadd.s32 s4, s7;
	[sflag:s13] =	ssyncset.done $0x0  }
0x139: {  	s1 =	sadd.s32 s3, s14;
	s5 =	smov.u32 s17;
	[sflag:s13] =	ssyncadd.s32 $0xFFFFE000  }
.LBB2_12:
0x13a: {  	[spmem:s5] =	stream.indirect.scatter.add.f32 [tilespmem:s10], [sflag:s12], $0x40, s1, s19, $0xb8;
	[tilespmem:$0x1EA00] =	vst v63  }
0x13b: {  	s1 =	smov.u32 s8;
	s3 =	smov.u32 s2;
	s4 =	smov.u32 s0  }
0x13c: {  	s8 =	sadd.s32 $0x1, s8;
	s10 =	sshrl.u32 s11, $0x3;
	s11 =	smov.u32 s6  }
0x13d: {  	p2 =	slt.u32 s8, s18;
	s12 =	smul.u32 $0xFFFFFFD8, s10  }
0x13e: {  	s2 =	sadd.s32 $0x2000, s2;
	s0 =	sadd.s32 $0x100, s0;
	s13 =	smul.u32 $0xFFFB0000, s10  }
.Ltmp21:
0x13f: {  	s6 =	sadd.s32 $0x1, s6;
	s12 =	sshra.s32 s12, $0x2;
	(pc) =	sbr.rel @p2 .LBB2_12-.Ltmp21, $4  }
0x140: {  	s16 =	smul.u32 $0xFFFFD800, s10;
	s13 =	sshra.s32 s13, $0x2;
	s14 =	sadd.s32 s12, s9  }
0x141: {  	s10 =	sadd.s32 s13, s3;
	s9 =	sadd.s32 $0x1, s9;
	_ =	swait.ge [sflag:s14], $0x2000  }
0x142: {  	s12 =	sadd.s32 s12, s11;
	s3 =	sshra.s32 s16, $0x2;
	[sflag:s14] =	ssyncset.done $0x0  }
0x143: {  	s11 =	smulhi.u32 $0xCCCCCCCD, s1;
	s1 =	sadd.s32 s3, s4;
	[sflag:s14] =	ssyncadd.s32 $0xFFFFE000  }
0x144: {  	s17 =	rddreg [dreg:$0x7]  }
.LBB2_14:
0x145: {  	[spmem:s5] =	stream.indirect.scatter.add.f32 @p1 [tilespmem:s10], [sflag:s12], $0x40, s1, s19, $0xb8;
	[tilespmem:$0x1EA00] =	vst v63  }
0x146: {  	s25 =	sshrl.u32 s11, $0x3  }
0x147: {  	s3 =	smul.u32 $0xFFFFFFD8, s25  }
0x148: {  	s4 =	smul.u32 $0xFFFB0000, s25  }
0x149: {  	s1 =	smul.u32 $0xFFFFD800, s25;
	s3 =	sshra.s32 s3, $0x2  }
0x14a: {  	s8 =	sadd.s32 s3, s9  }
0x14b: {  	s4 =	sshra.s32 s4, $0x2;
	s1 =	sshra.s32 s1, $0x2;
	_ =	swait.ge [sflag:s8], $0x2000  }
0x14c: {  	s2 =	sadd.s32 s4, s2;
	s3 =	sadd.s32 s3, s6;
	s26 =	rddreg [dreg:$0xa]  }
0x14d: {  	s0 =	sadd.s32 s1, s0;
	[sflag:s8] =	ssyncset.done $0x0;
	s31 =	rddreg [dreg:$0x19]  }
0x14e: {  	[sflag:s8] =	ssyncadd.s32 $0xFFFFE000;
	s28 =	smulhi.u32 $0xCCCCCCCD, s26;
	p1 =	seq.s32 s31, $0x1  }
0x14f: {  	[spmem:s5] =	stream.indirect.scatter.add.f32 [tilespmem:s2], [sflag:s3], $0x40, s0, s19, $0xb8;
	[tilespmem:$0x1EA00] =	vst v63  }
.Ltmp22:
0x150: {  	_ = 	snop;
	(pc) =	sbr.rel @p1 .LBB2_16-.Ltmp22, $4  }
0x151: {  	s29 =	sshrl.u32 s28, $0x3  }
0x152: {  	s1 =	smul.u32 $0xFFFFFFD8, s29  }
0x153: {  	s0 =	sadd.s32 $0xFFFFFFFF, s31  }
0x154: {  	s2 =	sadd.s32 $0x1, s26;
	s6 =	sshra.s32 s1, $0x2;
	s1 =	rddreg [dreg:$0x1a]  }
.LBB2_15:
0x155: {  	s3 =	smulhi.u32 $0xCCCCCCCD, s2;
	s4 =	sadd.s32 s6, s1;
	p1 =	seq.s32 s0, $0x1  }
.Ltmp23:
0x156: {  	s0 =	sadd.s32 $0xFFFFFFFF, s0;
	_ =	swait.ge [sflag:s4], $0x2000;
	(pc) =	sbr.rel @!p1 .LBB2_15-.Ltmp23, $3  }
0x157: {  	s3 =	sshrl.u32 s3, $0x3;
	[sflag:s4] =	ssyncset.done $0x0  }
0x158: {  	s3 =	smul.u32 $0xFFFFFFD8, s3;
	[sflag:s4] =	ssyncadd.s32 $0xFFFFE000;
	_ =	sdelay $0x1  }
0x159: {  	s2 =	sadd.s32 $0x1, s2;
	s1 =	sadd.s32 $0x1, s1;
	s6 =	sshra.s32 s3, $0x2  }
.Ltmp24:
0x15a: {  	_ = 	snop;
	(pc) =	sbr.rel .LBB2_16-.Ltmp24, $1  }
0x15b: {  	_ =	sdelay $0x3  }
.LBB2_20:
.Ltmp25:
0x15c: {  	s2 =	rddreg [dreg:$0x12];
	(pc) =	sbr.rel .LBB2_23-.Ltmp25, $4  }
0x15d: {  	s0 =	rddreg [dreg:$0x13]  }
0x15e: {  	s6 =	rddreg [dreg:$0x11]  }
0x15f: {  	s9 =	rddreg [dreg:$0x10]  }
0x160: {  	p2 =	por $0x0, $0x0;
	s17 =	rddreg [dreg:$0x7]  }
.LBB2_24:
.Ltmp26:
0x161: {  	(pc) =	sbr.rel .LBB2_27-.Ltmp26, $4  }
0x162: {  	s2 =	rddreg [dreg:$0x16]  }
0x163: {  	s0 =	rddreg [dreg:$0x17]  }
0x164: {  	s6 =	rddreg [dreg:$0x15]  }
0x165: {  	s9 =	rddreg [dreg:$0x14]  }
.LBB2_5:
.Ltmp27:
0x166: {  	s2 =	rddreg [dreg:$0x12];
	(pc) =	sbr.rel .LBB2_8-.Ltmp27, $4  }
0x167: {  	s0 =	rddreg [dreg:$0x13]  }
0x168: {  	s6 =	rddreg [dreg:$0x11]  }
0x169: {  	s9 =	rddreg [dreg:$0x10]  }
0x16a: {  	p2 =	por $0x0, $0x0;
	s15 =	simm.s32 $0x0;
	s30 =	rddreg [dreg:$0x4]  }
.LBB2_9:
.Ltmp28:
0x16b: {  	s2 =	rddreg [dreg:$0x16];
	(pc) =	sbr.rel .LBB2_14-.Ltmp28, $4  }
0x16c: {  	s0 =	rddreg [dreg:$0x17]  }
0x16d: {  	s6 =	rddreg [dreg:$0x15]  }
0x16e: {  	s9 =	rddreg [dreg:$0x14]  }
0x16f: {  	s5 =	smov.u32 s17;
	s17 =	rddreg [dreg:$0x7]  }
.LBB2_11:
.Ltmp29:
0x170: {  	(pc) =	sbr.rel .LBB2_14-.Ltmp29, $2  }
0x171: {  	_ =	sdelay $0x2  }
0x172: {  	s17 =	rddreg [dreg:$0x7]  }
.LBB2_31:
0x173: {  	_ =	sfence.sel $0x180000  }
0x174: {  	[bflag:$0x0] =	sbarrier.arrive $0xFFFF  }
0x175: {  	_ =	strace $0x90000047  }
0x176: {  	s0 =	stileid.u32;
	[bflag:$0x2] =	sbarrier.arrive $0xFFFF  }
0x177: {  	p0 =	sne.s32 s0, $0x0;
	s0 =	rddreg [dreg:$0x3]  }
0x178: {  	s0 =	sadd.s32 @!p0 $0x100000, s0  }
0x179: {  	[sflag:s0] =	ssyncadd.tile.s32 @!p0 $0x1;
	_ =	shalt  }
.Lfunc_end2:
_tile_overlayer_lowered:
.L_overlay_start_2:
0x17a: {  	(tag) =	ssettag $0x2  }
0x17b: {  	s0 =	rddreg [dreg:$0x0];
	s2 =	stileid.u32  }
0x17c: {  	s1 =	rddreg [dreg:$0x1];
	p0 =	sne.s32 s2, $0x0  }
0x17d: {  	s3 =	rddreg [dreg:$0x2];
	[bflag:$0x3] =	sbarrier.arrive $0xFFFF;
	s2 =	simm.s32 @!p0 $0x1C1F  }
0x17e: {  	[timem:s3], [sflag:s2] =	dma.local @!p0 [hbm:s0], s1  }
0x17f: {  	s0 =	simm.s32 @!p0 $0x1F  }
0x180: {  	_ =	swait.ge @!p0 [sflag:s0], s1  }
0x181: {  	s1 =	ssub.s32 @!p0 $0x0, s1;
	[sflag:s0] =	ssyncset.done @!p0 $0x0  }
0x182: {  	[sflag:s0] =	ssyncadd.s32 @!p0 s1  }
0x183: {  	[bflag:$0x3] =	sbarrier.arrive $0xFFFF  }
0x184: {  	_ =	shalt  }

// kernel: kernel.9.cloned.1.call-start
scs
__scs_entry_jumppad:
0x0: {  	(pc) =	sbr.rel $0x88, $3  }
0x1: {  	(tag) =	ssettag $0x0;
	lr =	simm.s32 $0x1  }
0x2: {  	[smem:$0x3F9B] =	sst lr;
	_ =	strace $0xD0000000  }
0x3: {  	_ = 	snop  }
0x4: {  	_ = 	snop  }
0x5: {  	_ = 	snop  }
0x6: {  	_ = 	snop  }
0x7: {  	_ = 	snop  }
__scs_overlays_trampoline_lowered:
0x8: {  	[smem:$0x3FAA] =	sst s0  }
0x9: {  	[smem:$0x3FAB] =	sst s1  }
0xa: {  	[smem:$0x3FAC] =	sst s2  }
0xb: {  	[smem:$0x3FAD] =	sst s3  }
0xc: {  	[smem:$0x3FAE] =	sst s4  }
0xd: {  	[smem:$0x3FAF] =	sst s5  }
0xe: {  	[smem:$0x3FB0] =	sst s6  }
0xf: {  	[smem:$0x3FB1] =	sst s7  }
0x10: {  	[smem:$0x3FB2] =	sst s8  }
0x11: {  	[smem:$0x3FB3] =	sst s9;
	s0 =	simm.s32 @!p0 $0x0  }
0x12: {  	s1 =	sld [smem:$0x3F99];
	s0 =	simm.s32 @p0 $0x1  }
0x13: {  	[smem:$0x3FB4] =	sst s0;
	s0 =	simm.s32 @!p1 $0x0  }
0x14: {  	s2 =	sld [smem:$0x3F98];
	s0 =	simm.s32 @p1 $0x1  }
0x15: {  	[smem:$0x3FB5] =	sst s0;
	s0 =	simm.s32 @!p2 $0x0  }
0x16: {  	s3 =	sld [smem:$0x3FDB];
	s0 =	simm.s32 @p2 $0x1  }
0x17: {  	s4 =	simm.s32 $0x1BF5;
	[smem:$0x3FB7] =	sst s0  }
0x18: {  	s0 =	sld [smem:$0x3F9A];
	_ =	swait.ge [sflag:s4], $0x0  }
0x19: {  	s7 =	sld [smem:$0x3F9B]  }
0x1a: {  	s8 =	sadd.s32 $0xFFFFE003, lr  }
0x1b: {  	s9 =	sadd.s32 $0xFFFFFEF7, lr;
	s5 =	simm.s32 $0xFFFFFFFF;
	p2 =	slt.u32 s8, $0xFFFFF086  }
0x1c: {  	p1 =	slt.u32 s9, $0xF7A;
	s5 =	simm.s32 @!p2 $0x0  }
0x1d: {  	s5 =	simm.s32 @p1 $0x1;
	p0 =	seq.s32 s7, s2  }
0x1e: {  	s7 =	smul.u32 @!p0 $0xF7A, s2;
	p2 =	seq.s32 @!p0 s5, $0x0  }
0x1f: {  	s9 =	smul.u32 $0xF7A, s1;
	s8 =	simm.s32 @!p0 $0x1BF5;
	p2 =	por !p2, p0  }
0x20: {  	[sflag:s8] =	ssyncset.s32 @!p0 $0xFFFFF086;
	s6 =	sadd.s32 @!p0 s3, s7;
	s7 =	simm.s32 @!p0 $0x108  }
0x21: {  	s3 =	sadd.s32 s3, s9;
	s6 =	sadd.s32 @!p0 $0x88, s6;
	s7 =	simm.s32 @p2 $0x1082  }
0x22: {  	[simem:s7], [sflag:s8] =	dma.local @!p0 [hbm:s6], $0xF7A  }
0x23: {  	s9 =	sor.u32 $0xD0000000, s2;
	s6 =	simm.s32 $0x108;
	_ =	swait.ge @!p0 [sflag:s8], $0x0  }
0x24: {  	s3 =	sadd.s32 $0x88, s3;
	s6 =	simm.s32 @!p1 $0x1082;
	[sflag:s4] =	ssyncset.s32 $0xFFFFF086  }
0x25: {  	[simem:s6], [sflag:s4] =	dma.local [hbm:s3], $0xF7A  }
0x26: {  	[smem:$0x3F9B] =	sst s1;
	(tag) =	ssettag s2;
	_ =	strace s9  }
0x27: {  	s1 =	sld [smem:$0x3FAB]  }
0x28: {  	s2 =	sld [smem:$0x3FAC]  }
0x29: {  	s4 =	sld [smem:$0x3FAE]  }
0x2a: {  	p0 =	seq.s32 s5, $0x0;
	s5 =	sld [smem:$0x3FAF]  }
0x2b: {  	s6 =	sld [smem:$0x3FB0]  }
0x2c: {  	s7 =	sld [smem:$0x3FB1]  }
0x2d: {  	s3 =	simm.s32 $0x108;
	s8 =	sld [smem:$0x3FB2]  }
0x2e: {  	s3 =	simm.s32 @!p0 $0x1082;
	s9 =	sld [smem:$0x3FB3]  }
0x2f: {  	lr =	sadd.s32 s0, s3;
	s0 =	sld [smem:$0x3FAA]  }
0x30: {  	s3 =	sld [smem:$0x3FAD]  }
0x31: {  	[smem:$0x3FB6] =	sst s10  }
0x32: {  	s10 =	sld [smem:$0x3FB4];
	_ =	sdelay $0x3  }
0x33: {  	p0 =	seq.s32 s10, $0x1;
	s10 =	sld [smem:$0x3FB6];
	_ =	sdelay $0x3  }
0x34: {  	[smem:$0x3FB6] =	sst s10  }
0x35: {  	s10 =	sld [smem:$0x3FB5];
	_ =	sdelay $0x3  }
0x36: {  	p1 =	seq.s32 s10, $0x1;
	s10 =	sld [smem:$0x3FB6];
	_ =	sdelay $0x3  }
0x37: {  	[smem:$0x3FB6] =	sst s10  }
0x38: {  	s10 =	sld [smem:$0x3FB7]  }
0x39: {  	_ = 	snop;
	(pc) =	sbr.ind lr, $3  }
0x3a: {  	_ = 	snop  }
0x3b: {  	_ = 	snop  }
0x3c: {  	p2 =	seq.s32 s10, $0x1;
	s10 =	sld [smem:$0x3FB6]  }
0x3d: {  	_ =	shalt  }
0x3e: {  	_ =	shalt  }
0x3f: {  	_ =	shalt  }
0x40: {  	_ =	shalt  }
0x41: {  	_ =	shalt  }
0x42: {  	_ =	shalt  }
0x43: {  	_ =	shalt  }
0x44: {  	_ =	shalt  }
0x45: {  	_ =	shalt  }
0x46: {  	_ =	shalt  }
0x47: {  	_ =	shalt  }
0x48: {  	_ =	shalt  }
0x49: {  	_ =	shalt  }
0x4a: {  	_ =	shalt  }
0x4b: {  	_ =	shalt  }
0x4c: {  	_ =	shalt  }
0x4d: {  	_ =	shalt  }
0x4e: {  	_ =	shalt  }
0x4f: {  	_ =	shalt  }
0x50: {  	_ =	shalt  }
0x51: {  	_ =	shalt  }
0x52: {  	_ =	shalt  }
0x53: {  	_ =	shalt  }
0x54: {  	_ =	shalt  }
0x55: {  	_ =	shalt  }
0x56: {  	_ =	shalt  }
0x57: {  	_ =	shalt  }
0x58: {  	_ =	shalt  }
0x59: {  	_ =	shalt  }
0x5a: {  	_ =	shalt  }
0x5b: {  	_ =	shalt  }
0x5c: {  	_ =	shalt  }
0x5d: {  	_ =	shalt  }
0x5e: {  	_ =	shalt  }
0x5f: {  	_ =	shalt  }
0x60: {  	_ =	shalt  }
0x61: {  	_ =	shalt  }
0x62: {  	_ =	shalt  }
0x63: {  	_ =	shalt  }
0x64: {  	_ =	shalt  }
0x65: {  	_ =	shalt  }
0x66: {  	_ =	shalt  }
0x67: {  	_ =	shalt  }
0x68: {  	_ =	shalt  }
0x69: {  	_ =	shalt  }
0x6a: {  	_ =	shalt  }
0x6b: {  	_ =	shalt  }
0x6c: {  	_ =	shalt  }
0x6d: {  	_ =	shalt  }
0x6e: {  	_ =	shalt  }
0x6f: {  	_ =	shalt  }
0x70: {  	_ =	shalt  }
0x71: {  	_ =	shalt  }
0x72: {  	_ =	shalt  }
0x73: {  	_ =	shalt  }
0x74: {  	_ =	shalt  }
0x75: {  	_ =	shalt  }
0x76: {  	_ =	shalt  }
0x77: {  	_ =	shalt  }
0x78: {  	_ =	shalt  }
0x79: {  	_ =	shalt  }
0x7a: {  	_ =	shalt  }
0x7b: {  	_ =	shalt  }
0x7c: {  	_ =	shalt  }
0x7d: {  	_ =	shalt  }
0x7e: {  	_ =	shalt  }
0x7f: {  	_ =	shalt  }
0x80: {  	_ =	shalt  }
0x81: {  	_ =	shalt  }
0x82: {  	_ =	shalt  }
0x83: {  	_ =	shalt  }
0x84: {  	_ =	shalt  }
0x85: {  	_ =	shalt  }
0x86: {  	_ =	shalt  }
0x87: {  	_ =	shalt  }
.Lfunc_end0:
.L_simem_size_0:
called_computation.1_lowered:
.L_overlay_start_0:
0x88: {  	s2 =	sld [smem:$0x3FD9]  }
0x89: {  	s3 =	sld [smem:$0x3FFE];
	_ =	sdelay $0x1  }
0x8a: {  	s1 =	srdreg.scid  }
0x8b: {  	s0 =	sand.u32 $0x1, s1  }
0x8c: {  	s17 =	sshll.u32 s0, $0xA;
	s2 =	sadd.s32 s3, s2  }
0x8d: {  	s2 =	sadd.s32 s2, s17  }
0x8e: {  	[smem:$0x3FC2] =	sst s2  }
0x8f: {  	_ = 	snop  }
0x90: {  	s2 =	sld [smem:$0x3FD0];
	(tm) =	ssettm $0x1  }
0x91: {  	s18 =	sld [smem:$0x3FFB];
	_ =	sdelay $0x3  }
0x92: {  	_ =	strace s18  }
0x93: {  	s3 =	sld [smem:$0x3FFC];
	_ =	sdelay $0x3  }
0x94: {  	_ =	strace s3  }
0x95: {  	s3 =	sld [smem:$0x3FFD];
	_ =	sdelay $0x3  }
0x96: {  	_ =	strace s3  }
0x97: {  	_ =	strace $0x8FFFFFFF  }
0x98: {  	s19 =	sld [smem:$0x3FDB];
	_ =	sdelay $0x1  }
0x99: {  	s4 =	simm.s32 $_scs_section_size  }
0x9a: {  	s5 =	simm.s32 $_size__tile_overlayer_lowered;
	s6 =	simm.s32 $_tile_overlayer_lowered  }
0x9b: {  	s22 =	simm.s32 $0x1BFF;
	s21 =	sshll.u32 s6, $0x1;
	s3 =	sadd.s32 s4, s19  }
0x9c: {  	s7 =	simm.s32 $0x0;
	s20 =	sshll.u32 s5, $0x1;
	s5 =	sadd.s32 s21, s3  }
0x9d: {  	[timem:s7], [sflag:s22] =	dma.local [hbm:s5], s20  }
0x9e: {  	_ =	swait.ge [sflag:s22], s20  }
0x9f: {  	s4 =	ssub.s32 $0x0, s20;
	[sflag:s22] =	ssyncset.done $0x0  }
0xa0: {  	[sflag:s22] =	ssyncadd.s32 s4;
	_ =	sdelay $0x1  }
0xa1: {  	s23 =	simm.s32 $0x1B8B  }
0xa2: {  	_ =	swait.ge [sflag:s23], $0x1  }
0xa3: {  	[sflag:s23] =	ssyncset.done $0x0  }
0xa4: {  	s25 =	simm.s32 $0x1B8E;
	s24 =	sld [smem:$0x3FFE];
	[sflag:s23] =	ssyncadd.s32 $0xFFFFFFFF  }
0xa5: {  	s26 =	simm.s32 $execute0_lowered;
	[smem:$0x3FD2] =	sst s25  }
0xa6: {  	s5 =	sshll.u32 s26, $0x1;
	_ =	strace $0x80000049;
	[dreg:$0x1] =	wrdreg $0xFFFFFFFF  }
0xa7: {  	s28 =	simm.s32 $_size_execute0_lowered;
	s3 =	sadd.s32 s3, s5;
	[dreg:$0x0] =	wrdreg $0x0  }
0xa8: {  	s5 =	sshll.u32 s28, $0x1;
	[dreg:$0x2] =	wrdreg s3  }
0xa9: {  	[dreg:$0x3] =	wrdreg s5  }
0xaa: {  	[dreg:$0x4] =	wrdreg $0xC0  }
0xab: {  	_ =	task [dreg:s7], $0x5FFFF  }
0xac: {  	[dreg:$0x1] =	wrdreg $0xFFFFFFFF  }
0xad: {  	[dreg:$0x0] =	wrdreg $0x60  }
0xae: {  	[dreg:$0x2] =	wrdreg s24  }
0xaf: {  	[dreg:$0x3] =	wrdreg s2  }
0xb0: {  	[dreg:$0x4] =	wrdreg $0xAA000  }
0xb1: {  	[dreg:$0x5] =	wrdreg $0x9  }
0xb2: {  	_ =	task.clear_ibuf [dreg:s7], $0x6FFFF;
	_ =	strace $0x90000049  }
0xb3: {  	s29 =	simm.s32 $0x9;
	_ =	strace $0x8000004B  }
0xb4: {  	_ =	swait.ge [sflag:s29], $0x1  }
0xb5: {  	[sflag:s29] =	ssyncadd.s32 $0xFFFFFFFF  }
0xb6: {  	_ =	strace $0x9000004B  }
0xb7: {  	_ =	sfence  }
0xb8: {  	s30 =	sld [smem:$0x0];
	_ =	sdelay $0x2  }
0xb9: {  	s31 =	sshll.u32 s1, $0xD;
	s1 =	sshrl.u32 s1, $0x2  }
0xba: {  	s3 =	sand.u32 $0x4000, s31;
	s1 =	sadd.s32 s1, s30  }
0xbb: {  	s0 =	sor.u32 s3, s0;
	s1 =	sshll.u32 s1, $0x11  }
0xbc: {  	s0 =	sor.u32 s1, s0  }
0xbd: {  	s0 =	sadd.s32 $0x8F2B, s0  }
0xbe: {  	[sflag:s0] =	ssyncadd.remote.s32 $0x1  }
0xbf: {  	_ =	sfence.sel $0xFFFF  }
0xc0: {  	[dreg:$0x0] =	wrdreg $0xFFFFFFFF;
	(pc) =	sbr.abs _section_cstart, $3  }
0xc1: {  	[dreg:$0x1] =	wrdreg $0xFFFFFFFF  }
0xc2: {  	_ =	task.clear_ibuf [dreg:s7], $0x2FFFF;
	_ =	strace $0x9FFFFFFF  }
0xc3: {  	(tm) =	ssettm $0x7FFFFFFF  }
tec
execute0_lowered:
.L_overlay_start_1:
0x0: {  	(tag) =	ssettag $0x1  }
0x1: {  	s0 =	rddreg [dreg:$0x0]  }
0x2: {  	s1 =	rddreg [dreg:$0x1]  }
0x3: {  	s17 =	rddreg [dreg:$0x2];
	s21 =	simm.s32 $0x0  }
0x4: {  	s3 =	stileid.u32;
	s2 =	srdreg.scid;
	s16 =	simm.s32 $0x9D  }
0x5: {  	s11 =	simm.s32 $0x9C;
	s12 =	simm.s32 $0x98;
	[smem:$0x7FF] =	sst s21  }
0x6: {  	s5 =	sadd.s32 $0x28E00, s0;
	s6 =	sshll.u32 s3, $0x4;
	s31 =	sadd.s32 $0x1A00, s0  }
0x7: {  	p1 =	slt.u32 s3, $0x4;
	_ =	strace $0x8000004A;
	[dreg:$0x4] =	wrdreg s5  }
0x8: {  	s6 =	sadd.s32 s6, s0;
	s0 =	sadd.s32 $0xBA00, s0;
	[dreg:$0x5] =	wrdreg s31  }
0x9: {  	s13 =	simm.s32 $0x93;
	s11 =	simm.s32 @!p1 $0x9B;
	[dreg:$0x6] =	wrdreg s0  }
0xa: {  	s2 =	sand.u32 $0x1, s2;
	s12 =	simm.s32 @!p1 $0x97;
	[dreg:$0x9] =	wrdreg s11  }
0xb: {  	s9 =	sshll.u32 s3, $0x6;
	s13 =	simm.s32 @!p1 $0x92;
	[dreg:$0xa] =	wrdreg s12  }
0xc: {  	s8 =	smul.u32 $0x14000, s3;
	s4 =	sor.u32 $0x1C1F, s9;
	[dreg:$0xb] =	wrdreg s13  }
0xd: {  	s30 =	smul.u32 $0xA000, s3;
	s16 =	simm.s32 @!p1 $0x9C;
	[dreg:$0x8] =	wrdreg s4  }
0xe: {  	s7 =	ssub.s32 $0x2, s2;
	s15 =	sadd.s32 $0x1F040, s6;
	[dreg:$0x10] =	wrdreg s16  }
0xf: {  	p0 =	seq.s32 s2, $0x1;
	s18 =	sadd.s32 $0x1, s11;
	[dreg:$0x11] =	wrdreg s15  }
0x10: {  	p1 =	seq.s32 s3, $0xF;
	s19 =	sadd.s32 $0xB, s11;
	[dreg:$0x12] =	wrdreg s18  }
0x11: {  	s29 =	sshrl.u32 s7, $0x1;
	s22 =	sshll.u32 s11, $0x8;
	[dreg:$0x13] =	wrdreg s19  }
0x12: {  	s8 =	sshrl.u32 s8, $0x2;
	s23 =	sadd.s32 $0xB, s12;
	[dreg:$0x15] =	wrdreg s22  }
0x13: {  	s25 =	sshll.u32 s12, $0x8;
	s28 =	sadd.s32 $0x15, s12;
	[dreg:$0x16] =	wrdreg s23  }
0x14: {  	s20 =	sshll.u32 s11, $0xC;
	s26 =	sor.u32 $0x80, s25;
	[dreg:$0x1a] =	wrdreg s28  }
0x15: {  	s0 =	ssub.s32 s7, s29;
	s29 =	ssub.s32 s16, s13;
	[dreg:$0x18] =	wrdreg s26  }
0x16: {  	s10 =	sadd.s32 s8, s17;
	s7 =	sshll.u32 s2, $0x5;
	[dreg:$0x1b] =	wrdreg s29  }
0x17: {  	s2 =	sshll.u32 s2, $0x2;
	s0 =	smax.u32 s0, $0x1;
	[dreg:$0x7] =	wrdreg s10  }
0x18: {  	s8 =	sor.u32 s7, s30;
	s30 =	sadd.s32 $0x15, s13;
	[dreg:$0xe] =	wrdreg s0  }
0x19: {  	s2 =	sadd.s32 s2, s1;
	s7 =	sshll.u32 s16, $0x2;
	[dreg:$0x1c] =	wrdreg s30  }
0x1a: {  	s8 =	sshrl.u32 s8, $0x3;
	s14 =	sadd.s32 $0x12C00, s2;
	[dreg:$0xf] =	wrdreg s7  }
.Ltmp0:
0x1b: {  	s0 =	sor.u32 $0xA00, s20;
	[dreg:$0xd] =	wrdreg s14;
	(pc) =	sbr.rel .LBB2_1-.Ltmp0, $4  }
0x1c: {  	s24 =	sshll.u32 s12, $0xC;
	s1 =	sadd.s32 s1, s8;
	[dreg:$0x14] =	wrdreg s0  }
0x1d: {  	s0 =	sor.u32 $0xA00, s24;
	[dreg:$0xc] =	wrdreg s1;
	s1 =	sadd.s32 $0x4B000, s17  }
0x1e: {  	[dreg:$0x17] =	wrdreg s0;
	s0 =	sshrl.u32 @p1 s1, $0x3  }
0x1f: {  	s8 =	simm.s32 $0x0;
	[dreg:$0x19] =	wrdreg s0  }
.LBB2_14:
0x20: {  	s0 =	sadd.s32 s6, s1  }
0x21: {  	_ =	swait.ge [sflag:s0], $0x1000  }
0x22: {  	s4 =	rddreg [dreg:$0x8]  }
0x23: {  	[sflag:s0] =	ssyncset.done $0x0;
	s7 =	rddreg [dreg:$0xf]  }
0x24: {  	s8 =	rddreg [dreg:$0x1d];
	[sflag:s0] =	ssyncadd.s32 $0xFFFFF000  }
.LBB2_28:
0x25: {  	[bflag:$0x0] =	sbarrier.arrive $0xFFFF  }
0x26: {  	s0 =	simm.s32 @p1 $0x1;
	s3 =	rddreg [dreg:$0xd]  }
0x27: {  	s1 =	simm.s32 @p1 $0x8;
	s2 =	simm.s32 @p1 $0x4;
	s6 =	rddreg [dreg:$0x19]  }
0x28: {  	[hbm:s3@s1], [sflag:s4] =	dma.strided @p1 [spmem:s6@s2], $0x640, s0, $0x4   }
0x29: {  	s0 =	simm.s32 @p1 $0x1F  }
0x2a: {  	s1 =	simm.s32 @!p1 $0x1;
	_ =	swait.ge @p1 [sflag:s0], $0x640  }
0x2b: {  	s2 =	simm.s32 @!p1 $0x8;
	s3 =	simm.s32 @!p1 $0x4;
	[sflag:s0] =	ssyncset.done @p1 $0x0  }
0x2c: {  	s6 =	rddreg [dreg:$0xc];
	[sflag:s0] =	ssyncadd.s32 @p1 $0xFFFFF9C0;
	s0 =	sshrl.u32 @!p1 s10, $0x3  }
0x2d: {  	[hbm:s6@s2], [sflag:s4] =	dma.strided @!p1 [spmem:s0@s3], $0xA00, s1, $0x4   }
0x2e: {  	s0 =	simm.s32 @!p1 $0x1F  }
0x2f: {  	_ =	swait.ge @!p1 [sflag:s0], $0xA00  }
0x30: {  	s8 =	sadd.s32 $0x1, s8;
	s30 =	rddreg [dreg:$0xe]  }
0x31: {  	p2 =	sne.s32 s8, s30  }
.Ltmp1:
0x32: {  	_ = 	snop;
	(pc) =	sbr.rel @!p2 .LBB2_29-.Ltmp1, $3  }
0x33: {  	_ =	sdelay $0x1  }
0x34: {  	[sflag:s0] =	ssyncset.done @!p1 $0x0  }
0x35: {  	[sflag:s0] =	ssyncadd.s32 @!p1 $0xFFFFF600  }
.LBB2_1:
0x36: {  	[dreg:$0x1d] =	wrdreg s8  }
0x37: {  	s0 =	sshrl.u32 s10, $0x3;
	s1 =	rddreg [dreg:$0x6];
	s29 =	simm.s32 $0x1F  }
0x38: {  	[spmem:s0], [sflag:s4] =	dma.local [hbm:s1], $0xA00  }
.Ltmp2:
0x39: {  	s5 =	smov.u32 s17;
	_ =	swait.ge [sflag:s29], $0xA00;
	(pc) =	sbr.rel @!p0 .LBB2_2-.Ltmp2, $4  }
0x3a: {  	s9 =	simm.s32 $0xFFFFFFFB;
	s6 =	simm.s32 $0xFFFFBA00;
	[sflag:s29] =	ssyncset.done $0x0  }
0x3b: {  	s2 =	simm.s32 $0xFFFFFB80;
	s30 =	smulhi.u32 $0xCCCCCCCD, s21;
	[sflag:s29] =	ssyncadd.s32 $0xFFFFF600  }
0x3c: {  	s10 =	simm.s32 $0xFFFFFFFF;
	s13 =	simm.s32 $0xFFFFFA00;
	[bflag:$0x0] =	sbarrier.arrive $0xFFFF  }
0x3d: {  	p2 =	por $0x1, $0x1;
	s14 =	simm.s32 $0x4;
	s0 =	sshrl.u32 s30, $0x3  }
0x3e: {  	s1 =	smulhi.u32 @!p2 $0xCCCCCCCD, s21  }
0x3f: {  	p4 =	sne.s32 s7, $0x4;
	s0 =	smul.u32 $0xFFFFFFD8, s0;
	s15 =	simm.s32 $0x0  }
0x40: {  	s16 =	rddreg [dreg:$0x11];
	s29 =	simm.s32 $0x0;
	s30 =	simm.s32 $0xA00  }
0x41: {  	s8 =	simm.s32 $0xFFFFFC80;
	s18 =	simm.s32 $0xFFFFCA00;
	s3 =	smulhi.u32 $0xCCCCCCCD, s10  }
0x42: {  	s4 =	smulhi.u32 $0xCCCCCCCD, s9;
	p3 =	por $0x1, $0x1;
	s1 =	sshrl.u32 @!p2 s1, $0x3  }
0x43: {  	s25 =	sadd.s32 $0x100, s16;
	s3 =	sshrl.u32 s3, $0x3;
	s1 =	smul.u32 @!p2 $0xA, s1  }
0x44: {  	s11 =	sadd.s32 $0xFFFF63C0, s16;
	s0 =	sshra.s32 s0, $0x2;
	s20 =	smul.u32 $0xFFFFD800, s3  }
0x45: {  	s12 =	sshrl.u32 s4, $0x3;
	s0 =	sadd.s32 $0x15, s0;
	s22 =	smul.u32 $0xFFFD8000, s3  }
0x46: {  	s24 =	simm.s32 @!p3 $0x0;
	s10 =	smul.u32 $0xFFFD8000, s12;
	s0 =	sadd.s32 @!p2 $0x0, s0  }
0x47: {  	s19 =	smul.u32 $0xFFFFFFD8, s12;
	s1 =	ssub.s32 @!p2 $0x0, s1;
	_ =	swait.ge @!p2 [sflag:s0], $0x1000  }
0x48: {  	s9 =	sshra.s32 s22, $0x2;
	s1 =	smov.u32 @p2 s21;
	[sflag:s0] =	ssyncset.done @!p2 $0x0  }
0x49: {  	s17 =	sadd.s32 $0x1, s1;
	s1 =	sshll.u32 s1, $0x8;
	[sflag:s0] =	ssyncadd.s32 @!p2 $0xFFFFF000  }
0x4a: {  	p2 =	por @!p3 $0x1, $0x1;
	s28 =	sand.u32 $0x3FFFFF00, s1;
	s1 =	sshra.s32 s20, $0x2  }
0x4b: {  	p2 =	por p2, p3;
	s20 =	simm.s32 $0x1;
	s26 =	sadd.s32 $0xFFFFFF00, s1  }
0x4c: {  	[tilespmem:s28], [sflag:s17] =	stream.linear.gather [hbm4b:s11+s21], $0x80, $0x38;
	[tilespmem:$0xFA00] =	vst v63  }
.Ltmp3:
0x4d: {  	s23 =	sor.u32 $0x80, s28;
	s22 =	simm.s32 @!p2 $0x80;
	(pc) =	sbr.rel @!p4 .LBB2_17-.Ltmp3, $4  }
0x4e: {  	s11 =	sshra.s32 s19, $0x2;
	s28 =	smul.u32 $0xFFFFFFD8, s3;
	s19 =	simm.s32 $0xFFFFFFFC  }
0x4f: {  	[tilespmem:s23], [sflag:s17] =	stream.linear.gather [hbm4b:s16+s21], $0x80, $0x38;
	[tilespmem:$0xFA00] =	vst v63  }
0x50: {  	s23 =	sadd.s32 $0x6, s11;
	s1 =	sshra.s32 s28, $0x2;
	s17 =	simm.s32 @!p2 $0x0  }
0x51: {  	s16 =	simm.s32 $0x0;
	s0 =	sadd.s32 $0xA, s1;
	s1 =	sadd.s32 @!p3 $0x0, s1  }
.LBB2_16:
0x52: {  	_ =	swait.ge @!p3 [sflag:s1], $0x100;
	s3 =	simm.s32 @!p3 $0x80;
	s4 =	sadd.s32 @!p2 s17, s23  }
0x53: {  	s21 =	smov.u32 s14;
	s23 =	smov.u32 s15;
	s28 =	smov.u32 s25  }
0x54: {  	s10 =	sshra.s32 s10, $0x2;
	s12 =	smul.u32 $0xFFFFD800, s12;
	[sflag:s1] =	ssyncset.done @!p3 $0x0  }
0x55: {  	s9 =	sadd.s32 s9, s13;
	s0 =	sadd.s32 @!p3 s24, s0;
	[sflag:s1] =	ssyncadd.s32 @!p3 $0xFFFFFF00  }
0x56: {  	s14 =	sadd.s32 $0x4, s14;
	s1 =	sshra.s32 s12, $0x2;
	s12 =	smov.u32 s29  }
0x57: {  	[tilespmem:s9], [sflag:s0] =	stream.indirect.gather @!p3 [hbm4b:s31+s3], $0x20, s26, s3, $0xb8;
	[tilespmem:$0xFA00] =	vst v63  }
0x58: {  	s0 =	sadd.s32 $0x10, s11;
	s3 =	sadd.s32 s10, s6;
	_ =	swait.ge @!p2 [sflag:s4], $0x1000  }
0x59: {  	s1 =	sadd.s32 s1, s2;
	s0 =	sadd.s32 @!p2 s17, s0;
	[sflag:s4] =	ssyncset.done @!p2 $0x0  }
0x5a: {  	p4 =	sne.s32 s7, s14;
	s6 =	smulhi.u32 $0xCCCCCCCD, s20;
	[sflag:s4] =	ssyncadd.s32 @!p2 $0xFFFFF000  }
0x5b: {  	[spmem:s5] =	stream.indirect.scatter.add.f32 @!p2 [tilespmem:s3], [sflag:s0], $0x20, s1, s22, $0xb8;
	[tilespmem:$0xFA00] =	vst v63  }
0x5c: {  	s13 =	smov.u32 s30;
	s2 =	smov.u32 s8;
	p2 =	slt.u32 s20, $0xA  }
0x5d: {  	s0 =	sshrl.u32 s6, $0x3;
	s6 =	smov.u32 s18;
	s1 =	smulhi.u32 @!p2 $0xCCCCCCCD, s20  }
0x5e: {  	s15 =	sadd.s32 $0x100, s15;
	s25 =	sadd.s32 $0x100, s25;
	s0 =	smul.u32 $0xFFFFFFD8, s0  }
0x5f: {  	s30 =	sadd.s32 $0x1000, s30;
	s29 =	sadd.s32 $0x1, s29;
	s1 =	sshrl.u32 @!p2 s1, $0x3  }
0x60: {  	s8 =	sadd.s32 $0x100, s8;
	s0 =	sshra.s32 s0, $0x2;
	s1 =	smul.u32 @!p2 $0xA, s1  }
0x61: {  	s18 =	sadd.s32 $0x1000, s18;
	s3 =	sshra.s32 @!p2 s21, $0x2;
	s0 =	sadd.s32 $0x15, s0  }
0x62: {  	s4 =	smulhi.u32 $0xCCCCCCCD, s12;
	s0 =	sadd.s32 @!p2 s3, s0;
	s1 =	ssub.s32 @!p2 s20, s1  }
0x63: {  	s3 =	smulhi.u32 $0xCCCCCCCD, s19;
	s1 =	smov.u32 @p2 s20;
	_ =	swait.ge @!p2 [sflag:s0], $0x1000  }
0x64: {  	s17 =	sadd.s32 $0x1, s1;
	s1 =	sshll.u32 s1, $0x8;
	[sflag:s0] =	ssyncset.done @!p2 $0x0  }
0x65: {  	s4 =	sshrl.u32 s4, $0x3;
	[sflag:s0] =	ssyncadd.s32 @!p2 $0xFFFFF000;
	s0 =	sand.u32 $0x3FFFFF00, s1  }
0x66: {  	s11 =	sadd.s32 $0xFFFF63C0, s28;
	p3 =	seq.s32 s21, $0x0;
	s1 =	smul.u32 $0xFFFFD800, s4  }
0x67: {  	s24 =	sshra.s32 @!p3 s21, $0x2;
	s12 =	sshrl.u32 s3, $0x3;
	s3 =	smul.u32 $0xFFFD8000, s4  }
0x68: {  	s10 =	smul.u32 $0xFFFD8000, s12;
	p2 =	slt.u32 @!p3 s20, $0x5;
	s1 =	sshra.s32 s1, $0x2  }
0x69: {  	p2 =	por p2, p3;
	s26 =	sadd.s32 s1, s23;
	s1 =	sor.u32 $0x80, s0  }
0x6a: {  	s9 =	sshra.s32 s3, $0x2;
	s22 =	simm.s32 @!p2 $0x80;
	s23 =	smul.u32 $0xFFFFFFD8, s12  }
0x6b: {  	[tilespmem:s0], [sflag:s17] =	stream.linear.gather [hbm4b:s11+s16], $0x80, $0x38;
	[tilespmem:$0xFA00] =	vst v63  }
.Ltmp4:
0x6c: {  	_ = 	snop;
	(pc) =	sbr.rel @p4 .LBB2_16-.Ltmp4, $4  }
0x6d: {  	s19 =	sadd.s32 $0x1, s19;
	s11 =	sshra.s32 s23, $0x2;
	s0 =	smul.u32 $0xFFFFFFD8, s4  }
0x6e: {  	[tilespmem:s1], [sflag:s17] =	stream.linear.gather [hbm4b:s28+s16], $0x80, $0x38;
	[tilespmem:$0xFA00] =	vst v63  }
0x6f: {  	s20 =	sadd.s32 $0x1, s20;
	s23 =	sadd.s32 $0x6, s11;
	s1 =	sshra.s32 s0, $0x2  }
0x70: {  	s17 =	sshra.s32 @!p2 s21, $0x2;
	s0 =	sadd.s32 $0xA, s1;
	s1 =	sadd.s32 @!p3 s24, s1  }
.LBB2_17:
0x71: {  	_ =	swait.ge @!p3 [sflag:s1], $0x100;
	s3 =	simm.s32 @!p3 $0x80;
	s4 =	sadd.s32 @!p2 s17, s23  }
0x72: {  	s8 =	smul.u32 $0xFFFFD800, s12;
	s9 =	sadd.s32 s9, s13;
	[sflag:s1] =	ssyncset.done @!p3 $0x0  }
0x73: {  	s0 =	sadd.s32 @!p3 s24, s0;
	s28 =	sshra.s32 s10, $0x2;
	[sflag:s1] =	ssyncadd.s32 @!p3 $0xFFFFFF00  }
0x74: {  	[tilespmem:s9], [sflag:s0] =	stream.indirect.gather @!p3 [hbm4b:s31+s3], $0x20, s26, s3, $0xb8;
	[tilespmem:$0xFA00] =	vst v63  }
0x75: {  	s29 =	sshra.s32 s8, $0x2;
	s3 =	sadd.s32 $0x10, s11;
	_ =	swait.ge @!p2 [sflag:s4], $0x1000  }
0x76: {  	s0 =	sadd.s32 s28, s6;
	s1 =	sadd.s32 s29, s2;
	[sflag:s4] =	ssyncset.done @!p2 $0x0  }
0x77: {  	s2 =	sadd.s32 @!p2 s17, s3;
	s30 =	rddreg [dreg:$0x9];
	[sflag:s4] =	ssyncadd.s32 @!p2 $0xFFFFF000  }
0x78: {  	[spmem:s5] =	stream.indirect.scatter.add.f32 @!p2 [tilespmem:s0], [sflag:s2], $0x20, s1, s22, $0xb8;
	[tilespmem:$0xFA00] =	vst v63  }
0x79: {  	s16 =	rddreg [dreg:$0x10];
	s1 =	sadd.s32 $0x1, s30  }
0x7a: {  	p3 =	slt.u32 s1, s16  }
.Ltmp5:
0x7b: {  	_ = 	snop;
	(pc) =	sbr.rel @!p3 .LBB2_18-.Ltmp5, $3  }
0x7c: {  	_ =	sdelay $0x1  }
0x7d: {  	s18 =	simm.s32 $0x80  }
0x7e: {  	s17 =	smov.u32 s5;
	s12 =	smulhi.u32 $0xCCCCCCCD, s30;
	p2 =	por $0x0, $0x0  }
0x7f: {  	s9 =	rddreg [dreg:$0x14]  }
0x80: {  	s14 =	rddreg [dreg:$0x15]  }
0x81: {  	s7 =	rddreg [dreg:$0x13];
	s0 =	sshrl.u32 s12, $0x3  }
0x82: {  	s10 =	sadd.s32 $0x1, s1;
	s5 =	rddreg [dreg:$0x12];
	s3 =	smul.u32 $0xFFFFFFD8, s0  }
0x83: {  	p3 =	por $0x1, $0x1;
	s21 =	simm.s32 $0x0;
	s4 =	smul.u32 $0xFFFD8000, s0  }
0x84: {  	p4 =	slt.u32 s10, s16;
	s6 =	sadd.s32 $0x1000, s9;
	s12 =	smul.u32 $0xFFFFD800, s0  }
.Ltmp6:
0x85: {  	s2 =	sadd.s32 $0x100, s14;
	s3 =	sshra.s32 s3, $0x2;
	(pc) =	sbr.rel @!p4 .LBB2_21-.Ltmp6, $4  }
0x86: {  	s8 =	sadd.s32 $0x1, s7;
	s11 =	sadd.s32 $0x1, s5;
	s13 =	sadd.s32 s3, s5  }
0x87: {  	s4 =	sshra.s32 s4, $0x2;
	s30 =	sshra.s32 s12, $0x2;
	_ =	swait.ge [sflag:s13], $0x100  }
0x88: {  	s12 =	smulhi.u32 $0xCCCCCCCD, s1;
	s9 =	sadd.s32 s4, s9;
	[sflag:s13] =	ssyncset.done $0x0  }
0x89: {  	s0 =	sadd.s32 s3, s7;
	s1 =	sadd.s32 s30, s14;
	[sflag:s13] =	ssyncadd.s32 $0xFFFFFF00  }
.LBB2_20:
0x8a: {  	[tilespmem:s9], [sflag:s0] =	stream.indirect.gather [hbm4b:s31+s18], $0x20, s1, s18, $0xb8;
	[tilespmem:$0xFA00] =	vst v63  }
0x8b: {  	s1 =	smov.u32 s10;
	s0 =	smov.u32 s6;
	s3 =	smov.u32 s2  }
0x8c: {  	s10 =	sadd.s32 $0x1, s10;
	s4 =	sshrl.u32 s12, $0x3;
	s12 =	smov.u32 s8  }
0x8d: {  	p4 =	slt.u32 s10, s16;
	s9 =	smul.u32 $0xFFFFFFD8, s4  }
0x8e: {  	s6 =	sadd.s32 $0x1000, s6;
	s2 =	sadd.s32 $0x100, s2;
	s13 =	smul.u32 $0xFFFD8000, s4  }
.Ltmp7:
0x8f: {  	s8 =	sadd.s32 $0x1, s8;
	s14 =	sshra.s32 s9, $0x2;
	(pc) =	sbr.rel @p4 .LBB2_20-.Ltmp7, $4  }
0x90: {  	s4 =	smul.u32 $0xFFFFD800, s4;
	s9 =	sshra.s32 s13, $0x2;
	s15 =	sadd.s32 s14, s11  }
0x91: {  	s9 =	sadd.s32 s9, s0;
	s11 =	sadd.s32 $0x1, s11;
	_ =	swait.ge [sflag:s15], $0x100  }
0x92: {  	s4 =	sshra.s32 s4, $0x2;
	s0 =	sadd.s32 s14, s12;
	[sflag:s15] =	ssyncset.done $0x0  }
0x93: {  	s12 =	smulhi.u32 $0xCCCCCCCD, s1;
	s1 =	sadd.s32 s4, s3;
	[sflag:s15] =	ssyncadd.s32 $0xFFFFFF00  }
.LBB2_21:
0x94: {  	[tilespmem:s9], [sflag:s0] =	stream.indirect.gather @p3 [hbm4b:s31+s18], $0x20, s1, s18, $0xb8;
	[tilespmem:$0xFA00] =	vst v63  }
0x95: {  	s3 =	sshrl.u32 s12, $0x3  }
0x96: {  	s4 =	smul.u32 $0xFFFFFFD8, s3  }
0x97: {  	s28 =	smul.u32 $0xFFFD8000, s3  }
0x98: {  	s3 =	smul.u32 $0xFFFFD800, s3;
	s29 =	sshra.s32 s4, $0x2  }
0x99: {  	s4 =	sadd.s32 s29, s11  }
0x9a: {  	s0 =	sshra.s32 s28, $0x2;
	s3 =	sshra.s32 s3, $0x2;
	_ =	swait.ge [sflag:s4], $0x100  }
0x9b: {  	s0 =	sadd.s32 s0, s6;
	s1 =	sadd.s32 s29, s8;
	[sflag:s4] =	ssyncset.done $0x0  }
0x9c: {  	s2 =	sadd.s32 s3, s2;
	s30 =	rddreg [dreg:$0xa];
	[sflag:s4] =	ssyncadd.s32 $0xFFFFFF00  }
0x9d: {  	[tilespmem:s0], [sflag:s1] =	stream.indirect.gather [hbm4b:s31+s18], $0x20, s2, s18, $0xb8;
	[tilespmem:$0xFA00] =	vst v63  }
0x9e: {  	s1 =	sadd.s32 $0x1, s30  }
0x9f: {  	p3 =	slt.u32 s1, s16  }
.Ltmp8:
0xa0: {  	_ = 	snop;
	(pc) =	sbr.rel @!p3 .LBB2_22-.Ltmp8, $2  }
0xa1: {  	_ =	sdelay $0x2  }
0xa2: {  	s12 =	smulhi.u32 $0xCCCCCCCD, s30  }
0xa3: {  	s9 =	rddreg [dreg:$0x17]  }
0xa4: {  	s14 =	rddreg [dreg:$0x18];
	s0 =	sshrl.u32 s12, $0x3  }
0xa5: {  	s10 =	sadd.s32 $0x1, s1;
	s15 =	rddreg [dreg:$0x1a];
	s3 =	smul.u32 $0xFFFFFFD8, s0  }
0xa6: {  	s7 =	rddreg [dreg:$0x16];
	p2 =	por $0x1, $0x1;
	s4 =	smul.u32 $0xFFFD8000, s0  }
0xa7: {  	p3 =	slt.u32 s10, s16;
	s6 =	sadd.s32 $0x1000, s9;
	s12 =	smul.u32 $0xFFFFD800, s0  }
.Ltmp9:
0xa8: {  	s2 =	sadd.s32 $0x100, s14;
	s3 =	sshra.s32 s3, $0x2;
	(pc) =	sbr.rel @!p3 .LBB2_25-.Ltmp9, $4  }
0xa9: {  	s8 =	sadd.s32 $0x1, s15;
	s11 =	sadd.s32 $0x1, s7;
	s13 =	sadd.s32 s3, s7  }
0xaa: {  	s4 =	sshra.s32 s4, $0x2;
	s30 =	sshra.s32 s12, $0x2;
	_ =	swait.ge [sflag:s13], $0x1000  }
0xab: {  	s12 =	smulhi.u32 $0xCCCCCCCD, s1;
	s9 =	sadd.s32 s4, s9;
	[sflag:s13] =	ssyncset.done $0x0  }
0xac: {  	s0 =	sadd.s32 s3, s15;
	s1 =	sadd.s32 s30, s14;
	[sflag:s13] =	ssyncadd.s32 $0xFFFFF000  }
.LBB2_24:
0xad: {  	[spmem:s17] =	stream.indirect.scatter.add.f32 [tilespmem:s9], [sflag:s0], $0x20, s1, s18, $0xb8;
	[tilespmem:$0xFA00] =	vst v63  }
0xae: {  	s1 =	smov.u32 s10;
	s0 =	smov.u32 s6;
	s3 =	smov.u32 s2  }
0xaf: {  	s10 =	sadd.s32 $0x1, s10;
	s4 =	sshrl.u32 s12, $0x3;
	s12 =	smov.u32 s8  }
0xb0: {  	p3 =	slt.u32 s10, s16;
	s9 =	smul.u32 $0xFFFFFFD8, s4  }
0xb1: {  	s6 =	sadd.s32 $0x1000, s6;
	s2 =	sadd.s32 $0x100, s2;
	s13 =	smul.u32 $0xFFFD8000, s4  }
.Ltmp10:
0xb2: {  	s8 =	sadd.s32 $0x1, s8;
	s14 =	sshra.s32 s9, $0x2;
	(pc) =	sbr.rel @p3 .LBB2_24-.Ltmp10, $4  }
0xb3: {  	s4 =	smul.u32 $0xFFFFD800, s4;
	s9 =	sshra.s32 s13, $0x2;
	s15 =	sadd.s32 s14, s11  }
0xb4: {  	s9 =	sadd.s32 s9, s0;
	s11 =	sadd.s32 $0x1, s11;
	_ =	swait.ge [sflag:s15], $0x1000  }
0xb5: {  	s4 =	sshra.s32 s4, $0x2;
	s0 =	sadd.s32 s14, s12;
	[sflag:s15] =	ssyncset.done $0x0  }
0xb6: {  	s12 =	smulhi.u32 $0xCCCCCCCD, s1;
	s1 =	sadd.s32 s4, s3;
	[sflag:s15] =	ssyncadd.s32 $0xFFFFF000  }
.LBB2_25:
0xb7: {  	_ = 	snop  }
0xb8: {  	s23 =	sshrl.u32 s12, $0x3  }
0xb9: {  	s24 =	smul.u32 $0xFFFFFFD8, s23  }
0xba: {  	[spmem:s17] =	stream.indirect.scatter.add.f32 @p2 [tilespmem:s9], [sflag:s0], $0x20, s1, s18, $0xb8;
	[tilespmem:$0xFA00] =	vst v63  }
0xbb: {  	s1 =	sshra.s32 s24, $0x2  }
0xbc: {  	s3 =	smul.u32 $0xFFFD8000, s23;
	s4 =	sadd.s32 s1, s11  }
0xbd: {  	s0 =	smul.u32 $0xFFFFD800, s23;
	_ =	swait.ge [sflag:s4], $0x1000  }
0xbe: {  	s25 =	rddreg [dreg:$0xb]  }
0xbf: {  	s3 =	sshra.s32 s3, $0x2;
	s0 =	sshra.s32 s0, $0x2;
	s30 =	rddreg [dreg:$0x1b]  }
0xc0: {  	s3 =	sadd.s32 s3, s6;
	s26 =	smulhi.u32 $0xCCCCCCCD, s25;
	p2 =	sne.s32 s30, $0x1  }
.Ltmp11:
0xc1: {  	s1 =	sadd.s32 s1, s8;
	s0 =	sadd.s32 s0, s2;
	(pc) =	sbr.rel @!p2 .LBB2_27-.Ltmp11, $4  }
0xc2: {  	[sflag:s4] =	ssyncset.done $0x0;
	s10 =	rddreg [dreg:$0x7];
	s28 =	sshrl.u32 s26, $0x3  }
0xc3: {  	[sflag:s4] =	ssyncadd.s32 $0xFFFFF000;
	s2 =	sadd.s32 $0x1, s25;
	s29 =	smul.u32 $0xFFFFFFD8, s28  }
0xc4: {  	[spmem:s17] =	stream.indirect.scatter.add.f32 [tilespmem:s3], [sflag:s1], $0x20, s0, s18, $0xb8;
	[tilespmem:$0xFA00] =	vst v63  }
0xc5: {  	s0 =	sadd.s32 $0xFFFFFFFF, s30;
	s1 =	rddreg [dreg:$0x1c];
	s6 =	sshra.s32 s29, $0x2  }
.LBB2_26:
0xc6: {  	s3 =	smulhi.u32 $0xCCCCCCCD, s2;
	s4 =	sadd.s32 s6, s1;
	p2 =	sne.s32 s0, $0x1  }
.Ltmp12:
0xc7: {  	s0 =	sadd.s32 $0xFFFFFFFF, s0;
	_ =	swait.ge [sflag:s4], $0x1000;
	(pc) =	sbr.rel @p2 .LBB2_26-.Ltmp12, $3  }
0xc8: {  	s3 =	sshrl.u32 s3, $0x3;
	[sflag:s4] =	ssyncset.done $0x0  }
0xc9: {  	s3 =	smul.u32 $0xFFFFFFD8, s3;
	[sflag:s4] =	ssyncadd.s32 $0xFFFFF000;
	_ =	sdelay $0x1  }
0xca: {  	s2 =	sadd.s32 $0x1, s2;
	s1 =	sadd.s32 $0x1, s1;
	s6 =	sshra.s32 s3, $0x2  }
.LBB2_27:
.Ltmp13:
0xcb: {  	s0 =	sadd.s32 s6, s1;
	(pc) =	sbr.rel .LBB2_28-.Ltmp13, $4  }
0xcc: {  	_ =	swait.ge [sflag:s0], $0x1000  }
0xcd: {  	s4 =	rddreg [dreg:$0x8]  }
0xce: {  	[sflag:s0] =	ssyncset.done $0x0;
	s7 =	rddreg [dreg:$0xf]  }
0xcf: {  	s8 =	rddreg [dreg:$0x1d];
	[sflag:s0] =	ssyncadd.s32 $0xFFFFF000  }
.LBB2_2:
0xd0: {  	s1 =	smulhi.u32 @!p2 $0xCCCCCCCD, s21  }
0xd1: {  	p4 =	sne.s32 s7, $0x4;
	s0 =	smul.u32 $0xFFFFFFD8, s0  }
0xd2: {  	s15 =	simm.s32 $0x0;
	s3 =	rddreg [dreg:$0x11];
	s29 =	simm.s32 $0x0  }
0xd3: {  	s30 =	simm.s32 $0xA00;
	s8 =	simm.s32 $0xFFFFFC80;
	s10 =	smulhi.u32 $0xCCCCCCCD, s10  }
0xd4: {  	s18 =	simm.s32 $0xFFFFCA00;
	s9 =	smulhi.u32 $0xCCCCCCCD, s9;
	s1 =	sshrl.u32 @!p2 s1, $0x3  }
0xd5: {  	p3 =	por $0x1, $0x1;
	s19 =	sshrl.u32 s10, $0x3;
	s1 =	smul.u32 @!p2 $0xA, s1  }
0xd6: {  	s31 =	smov.u32 s5;
	s25 =	sadd.s32 $0x100, s3;
	s20 =	smul.u32 $0xFFFFD800, s19  }
0xd7: {  	s0 =	sshra.s32 s0, $0x2;
	s12 =	sshrl.u32 s9, $0x3;
	s22 =	smul.u32 $0xFFFD8000, s19  }
0xd8: {  	s11 =	sadd.s32 $0xFFFF63C0, s3;
	s0 =	sadd.s32 $0x15, s0;
	s10 =	smul.u32 $0xFFFD8000, s12  }
0xd9: {  	s24 =	simm.s32 @!p3 $0x0;
	s28 =	smul.u32 $0xFFFFFFD8, s19;
	s0 =	sadd.s32 @!p2 $0x0, s0  }
0xda: {  	s19 =	simm.s32 $0xFFFFFFFC;
	s1 =	ssub.s32 @!p2 $0x0, s1;
	_ =	swait.ge @!p2 [sflag:s0], $0x1000  }
0xdb: {  	s9 =	sshra.s32 s22, $0x2;
	s1 =	smov.u32 @p2 s21;
	[sflag:s0] =	ssyncset.done @!p2 $0x0  }
0xdc: {  	s5 =	rddreg [dreg:$0x4];
	s17 =	sadd.s32 $0x1, s1;
	s1 =	sshll.u32 s1, $0x8  }
0xdd: {  	[sflag:s0] =	ssyncadd.s32 @!p2 $0xFFFFF000;
	p2 =	por @!p3 $0x1, $0x1;
	s16 =	sand.u32 $0x3FFFFF00, s1  }
0xde: {  	s1 =	sshra.s32 s20, $0x2;
	p2 =	por p2, p3;
	s20 =	smul.u32 $0xFFFFFFD8, s12  }
0xdf: {  	[tilespmem:s16], [sflag:s17] =	stream.linear.gather [hbm4b:s11+s21], $0x80, $0x38;
	[tilespmem:$0xFA00] =	vst v63  }
.Ltmp14:
0xe0: {  	s26 =	sadd.s32 $0xFFFFFF00, s1;
	s23 =	sor.u32 $0x80, s16;
	(pc) =	sbr.rel @!p4 .LBB2_4-.Ltmp14, $4  }
0xe1: {  	s22 =	simm.s32 @!p2 $0x80;
	s1 =	sshra.s32 s28, $0x2;
	s16 =	simm.s32 $0x0  }
0xe2: {  	s11 =	sshra.s32 s20, $0x2;
	s20 =	simm.s32 $0x1;
	s0 =	sadd.s32 $0xA, s1  }
0xe3: {  	[tilespmem:s23], [sflag:s17] =	stream.linear.gather [hbm4b:s3+s21], $0x80, $0x38;
	[tilespmem:$0xFA00] =	vst v63  }
0xe4: {  	s1 =	sadd.s32 @!p3 $0x0, s1;
	s23 =	sadd.s32 $0x6, s11;
	s17 =	simm.s32 @!p2 $0x0  }
.LBB2_3:
0xe5: {  	_ =	swait.ge @!p3 [sflag:s1], $0x100;
	s3 =	simm.s32 @!p3 $0x80;
	s4 =	sadd.s32 @!p2 s17, s23  }
0xe6: {  	s21 =	smov.u32 s14;
	s23 =	smov.u32 s15;
	s28 =	smov.u32 s25  }
0xe7: {  	s10 =	sshra.s32 s10, $0x2;
	s12 =	smul.u32 $0xFFFFD800, s12;
	[sflag:s1] =	ssyncset.done @!p3 $0x0  }
0xe8: {  	s9 =	sadd.s32 s9, s13;
	s0 =	sadd.s32 @!p3 s24, s0;
	[sflag:s1] =	ssyncadd.s32 @!p3 $0xFFFFFF00  }
0xe9: {  	s14 =	sadd.s32 $0x4, s14;
	s1 =	sshra.s32 s12, $0x2;
	s12 =	smov.u32 s29  }
0xea: {  	[tilespmem:s9], [sflag:s0] =	stream.indirect.gather @!p3 [hbm4b:s5+s3], $0x20, s26, s3, $0xb8;
	[tilespmem:$0xFA00] =	vst v63  }
0xeb: {  	s0 =	sadd.s32 $0x10, s11;
	s3 =	sadd.s32 s10, s6;
	_ =	swait.ge @!p2 [sflag:s4], $0x1000  }
0xec: {  	s1 =	sadd.s32 s1, s2;
	s0 =	sadd.s32 @!p2 s17, s0;
	[sflag:s4] =	ssyncset.done @!p2 $0x0  }
0xed: {  	p4 =	sne.s32 s7, s14;
	s6 =	smulhi.u32 $0xCCCCCCCD, s20;
	[sflag:s4] =	ssyncadd.s32 @!p2 $0xFFFFF000  }
0xee: {  	[spmem:s31] =	stream.indirect.scatter.add.f32 @!p2 [tilespmem:s3], [sflag:s0], $0x20, s1, s22, $0xb8;
	[tilespmem:$0xFA00] =	vst v63  }
0xef: {  	s13 =	smov.u32 s30;
	s2 =	smov.u32 s8;
	p2 =	slt.u32 s20, $0xA  }
0xf0: {  	s0 =	sshrl.u32 s6, $0x3;
	s6 =	smov.u32 s18;
	s1 =	smulhi.u32 @!p2 $0xCCCCCCCD, s20  }
0xf1: {  	s15 =	sadd.s32 $0x100, s15;
	s25 =	sadd.s32 $0x100, s25;
	s0 =	smul.u32 $0xFFFFFFD8, s0  }
0xf2: {  	s30 =	sadd.s32 $0x1000, s30;
	s29 =	sadd.s32 $0x1, s29;
	s1 =	sshrl.u32 @!p2 s1, $0x3  }
0xf3: {  	s8 =	sadd.s32 $0x100, s8;
	s0 =	sshra.s32 s0, $0x2;
	s1 =	smul.u32 @!p2 $0xA, s1  }
0xf4: {  	s18 =	sadd.s32 $0x1000, s18;
	s3 =	sshra.s32 @!p2 s21, $0x2;
	s0 =	sadd.s32 $0x15, s0  }
0xf5: {  	s4 =	smulhi.u32 $0xCCCCCCCD, s12;
	s0 =	sadd.s32 @!p2 s3, s0;
	s1 =	ssub.s32 @!p2 s20, s1  }
0xf6: {  	s3 =	smulhi.u32 $0xCCCCCCCD, s19;
	s1 =	smov.u32 @p2 s20;
	_ =	swait.ge @!p2 [sflag:s0], $0x1000  }
0xf7: {  	s17 =	sadd.s32 $0x1, s1;
	s1 =	sshll.u32 s1, $0x8;
	[sflag:s0] =	ssyncset.done @!p2 $0x0  }
0xf8: {  	s4 =	sshrl.u32 s4, $0x3;
	[sflag:s0] =	ssyncadd.s32 @!p2 $0xFFFFF000;
	s0 =	sand.u32 $0x3FFFFF00, s1  }
0xf9: {  	s11 =	sadd.s32 $0xFFFF63C0, s28;
	p3 =	seq.s32 s21, $0x0;
	s1 =	smul.u32 $0xFFFFD800, s4  }
0xfa: {  	s24 =	sshra.s32 @!p3 s21, $0x2;
	s12 =	sshrl.u32 s3, $0x3;
	s3 =	smul.u32 $0xFFFD8000, s4  }
0xfb: {  	s10 =	smul.u32 $0xFFFD8000, s12;
	p2 =	slt.u32 @!p3 s20, $0x5;
	s1 =	sshra.s32 s1, $0x2  }
0xfc: {  	p2 =	por p2, p3;
	s26 =	sadd.s32 s1, s23;
	s1 =	sor.u32 $0x80, s0  }
0xfd: {  	s9 =	sshra.s32 s3, $0x2;
	s22 =	simm.s32 @!p2 $0x80;
	s23 =	smul.u32 $0xFFFFFFD8, s12  }
0xfe: {  	[tilespmem:s0], [sflag:s17] =	stream.linear.gather [hbm4b:s11+s16], $0x80, $0x38;
	[tilespmem:$0xFA00] =	vst v63  }
.Ltmp15:
0xff: {  	_ = 	snop;
	(pc) =	sbr.rel @p4 .LBB2_3-.Ltmp15, $4  }
0x100: {  	s19 =	sadd.s32 $0x1, s19;
	s11 =	sshra.s32 s23, $0x2;
	s0 =	smul.u32 $0xFFFFFFD8, s4  }
0x101: {  	[tilespmem:s1], [sflag:s17] =	stream.linear.gather [hbm4b:s28+s16], $0x80, $0x38;
	[tilespmem:$0xFA00] =	vst v63  }
0x102: {  	s20 =	sadd.s32 $0x1, s20;
	s23 =	sadd.s32 $0x6, s11;
	s1 =	sshra.s32 s0, $0x2  }
0x103: {  	s17 =	sshra.s32 @!p2 s21, $0x2;
	s0 =	sadd.s32 $0xA, s1;
	s1 =	sadd.s32 @!p3 s24, s1  }
.LBB2_4:
0x104: {  	_ =	swait.ge @!p3 [sflag:s1], $0x100;
	s3 =	simm.s32 @!p3 $0x80;
	s4 =	sadd.s32 @!p2 s17, s23  }
0x105: {  	s8 =	smul.u32 $0xFFFFD800, s12;
	s9 =	sadd.s32 s9, s13;
	[sflag:s1] =	ssyncset.done @!p3 $0x0  }
0x106: {  	s0 =	sadd.s32 @!p3 s24, s0;
	s28 =	sshra.s32 s10, $0x2;
	[sflag:s1] =	ssyncadd.s32 @!p3 $0xFFFFFF00  }
0x107: {  	[tilespmem:s9], [sflag:s0] =	stream.indirect.gather @!p3 [hbm4b:s5+s3], $0x20, s26, s3, $0xb8;
	[tilespmem:$0xFA00] =	vst v63  }
0x108: {  	s29 =	sshra.s32 s8, $0x2;
	s3 =	sadd.s32 $0x10, s11;
	_ =	swait.ge @!p2 [sflag:s4], $0x1000  }
0x109: {  	s0 =	sadd.s32 s28, s6;
	s1 =	sadd.s32 s29, s2;
	[sflag:s4] =	ssyncset.done @!p2 $0x0  }
0x10a: {  	s2 =	sadd.s32 @!p2 s17, s3;
	s30 =	rddreg [dreg:$0x9];
	[sflag:s4] =	ssyncadd.s32 @!p2 $0xFFFFF000  }
0x10b: {  	[spmem:s31] =	stream.indirect.scatter.add.f32 @!p2 [tilespmem:s0], [sflag:s2], $0x20, s1, s22, $0xb8;
	[tilespmem:$0xFA00] =	vst v63  }
0x10c: {  	s16 =	rddreg [dreg:$0x10];
	s1 =	sadd.s32 $0x1, s30  }
0x10d: {  	p3 =	slt.u32 s1, s16  }
.Ltmp16:
0x10e: {  	_ = 	snop;
	(pc) =	sbr.rel @!p3 .LBB2_5-.Ltmp16, $3  }
0x10f: {  	_ =	sdelay $0x1  }
0x110: {  	s18 =	simm.s32 $0x80  }
0x111: {  	s17 =	smov.u32 s31;
	s12 =	smulhi.u32 $0xCCCCCCCD, s30;
	p2 =	por $0x0, $0x0  }
0x112: {  	s9 =	rddreg [dreg:$0x14]  }
0x113: {  	s15 =	rddreg [dreg:$0x15]  }
0x114: {  	s10 =	sadd.s32 $0x1, s1;
	s14 =	rddreg [dreg:$0x13];
	s0 =	sshrl.u32 s12, $0x3  }
0x115: {  	s7 =	rddreg [dreg:$0x12];
	p3 =	por $0x1, $0x1;
	s3 =	smul.u32 $0xFFFFFFD8, s0  }
0x116: {  	s21 =	simm.s32 $0x0;
	p4 =	slt.u32 s10, s16;
	s4 =	smul.u32 $0xFFFD8000, s0  }
0x117: {  	s6 =	sadd.s32 $0x1000, s9;
	s2 =	sadd.s32 $0x100, s15;
	s12 =	smul.u32 $0xFFFFD800, s0  }
.Ltmp17:
0x118: {  	s8 =	sadd.s32 $0x1, s14;
	s3 =	sshra.s32 s3, $0x2;
	(pc) =	sbr.rel @!p4 .LBB2_8-.Ltmp17, $4  }
0x119: {  	s11 =	sadd.s32 $0x1, s7;
	s4 =	sshra.s32 s4, $0x2;
	s13 =	sadd.s32 s3, s7  }
0x11a: {  	s30 =	sshra.s32 s12, $0x2;
	s12 =	smulhi.u32 $0xCCCCCCCD, s1;
	_ =	swait.ge [sflag:s13], $0x100  }
0x11b: {  	s9 =	sadd.s32 s4, s9;
	s0 =	sadd.s32 s3, s14;
	[sflag:s13] =	ssyncset.done $0x0  }
0x11c: {  	s1 =	sadd.s32 s30, s15;
	s31 =	rddreg [dreg:$0x5];
	[sflag:s13] =	ssyncadd.s32 $0xFFFFFF00  }
.LBB2_7:
0x11d: {  	[tilespmem:s9], [sflag:s0] =	stream.indirect.gather [hbm4b:s5+s18], $0x20, s1, s18, $0xb8;
	[tilespmem:$0xFA00] =	vst v63  }
0x11e: {  	s1 =	smov.u32 s10;
	s0 =	smov.u32 s6;
	s3 =	smov.u32 s2  }
0x11f: {  	s10 =	sadd.s32 $0x1, s10;
	s4 =	sshrl.u32 s12, $0x3;
	s12 =	smov.u32 s8  }
0x120: {  	p4 =	slt.u32 s10, s16;
	s9 =	smul.u32 $0xFFFFFFD8, s4  }
0x121: {  	s6 =	sadd.s32 $0x1000, s6;
	s2 =	sadd.s32 $0x100, s2;
	s13 =	smul.u32 $0xFFFD8000, s4  }
.Ltmp18:
0x122: {  	s8 =	sadd.s32 $0x1, s8;
	s14 =	sshra.s32 s9, $0x2;
	(pc) =	sbr.rel @p4 .LBB2_7-.Ltmp18, $4  }
0x123: {  	s4 =	smul.u32 $0xFFFFD800, s4;
	s9 =	sshra.s32 s13, $0x2;
	s15 =	sadd.s32 s14, s11  }
0x124: {  	s9 =	sadd.s32 s9, s0;
	s11 =	sadd.s32 $0x1, s11;
	_ =	swait.ge [sflag:s15], $0x100  }
0x125: {  	s4 =	sshra.s32 s4, $0x2;
	s0 =	sadd.s32 s14, s12;
	[sflag:s15] =	ssyncset.done $0x0  }
0x126: {  	s12 =	smulhi.u32 $0xCCCCCCCD, s1;
	s1 =	sadd.s32 s4, s3;
	[sflag:s15] =	ssyncadd.s32 $0xFFFFFF00  }
.LBB2_8:
0x127: {  	[tilespmem:s9], [sflag:s0] =	stream.indirect.gather @p3 [hbm4b:s5+s18], $0x20, s1, s18, $0xb8;
	[tilespmem:$0xFA00] =	vst v63  }
0x128: {  	s3 =	sshrl.u32 s12, $0x3  }
0x129: {  	s4 =	smul.u32 $0xFFFFFFD8, s3  }
0x12a: {  	s28 =	smul.u32 $0xFFFD8000, s3  }
0x12b: {  	s3 =	smul.u32 $0xFFFFD800, s3;
	s29 =	sshra.s32 s4, $0x2  }
0x12c: {  	s4 =	sadd.s32 s29, s11  }
0x12d: {  	s0 =	sshra.s32 s28, $0x2;
	s3 =	sshra.s32 s3, $0x2;
	_ =	swait.ge [sflag:s4], $0x100  }
0x12e: {  	s0 =	sadd.s32 s0, s6;
	s1 =	sadd.s32 s29, s8;
	[sflag:s4] =	ssyncset.done $0x0  }
0x12f: {  	s2 =	sadd.s32 s3, s2;
	s30 =	rddreg [dreg:$0xa];
	[sflag:s4] =	ssyncadd.s32 $0xFFFFFF00  }
0x130: {  	[tilespmem:s0], [sflag:s1] =	stream.indirect.gather [hbm4b:s5+s18], $0x20, s2, s18, $0xb8;
	[tilespmem:$0xFA00] =	vst v63  }
0x131: {  	s1 =	sadd.s32 $0x1, s30  }
0x132: {  	p3 =	slt.u32 s1, s16  }
.Ltmp19:
0x133: {  	_ = 	snop;
	(pc) =	sbr.rel @!p3 .LBB2_9-.Ltmp19, $2  }
0x134: {  	_ =	sdelay $0x2  }
0x135: {  	s12 =	smulhi.u32 $0xCCCCCCCD, s30  }
0x136: {  	s9 =	rddreg [dreg:$0x17]  }
0x137: {  	s14 =	rddreg [dreg:$0x18];
	s0 =	sshrl.u32 s12, $0x3  }
0x138: {  	s10 =	sadd.s32 $0x1, s1;
	s15 =	rddreg [dreg:$0x1a];
	s3 =	smul.u32 $0xFFFFFFD8, s0  }
0x139: {  	s7 =	rddreg [dreg:$0x16];
	p2 =	por $0x1, $0x1;
	s4 =	smul.u32 $0xFFFD8000, s0  }
0x13a: {  	p3 =	slt.u32 s10, s16;
	s6 =	sadd.s32 $0x1000, s9;
	s12 =	smul.u32 $0xFFFFD800, s0  }
.Ltmp20:
0x13b: {  	s2 =	sadd.s32 $0x100, s14;
	s3 =	sshra.s32 s3, $0x2;
	(pc) =	sbr.rel @!p3 .LBB2_12-.Ltmp20, $4  }
0x13c: {  	s8 =	sadd.s32 $0x1, s15;
	s11 =	sadd.s32 $0x1, s7;
	s13 =	sadd.s32 s3, s7  }
0x13d: {  	s4 =	sshra.s32 s4, $0x2;
	s30 =	sshra.s32 s12, $0x2;
	_ =	swait.ge [sflag:s13], $0x1000  }
0x13e: {  	s12 =	smulhi.u32 $0xCCCCCCCD, s1;
	s9 =	sadd.s32 s4, s9;
	[sflag:s13] =	ssyncset.done $0x0  }
0x13f: {  	s0 =	sadd.s32 s3, s15;
	s1 =	sadd.s32 s30, s14;
	[sflag:s13] =	ssyncadd.s32 $0xFFFFF000  }
.LBB2_11:
0x140: {  	[spmem:s17] =	stream.indirect.scatter.add.f32 [tilespmem:s9], [sflag:s0], $0x20, s1, s18, $0xb8;
	[tilespmem:$0xFA00] =	vst v63  }
0x141: {  	s1 =	smov.u32 s10;
	s0 =	smov.u32 s6;
	s3 =	smov.u32 s2  }
0x142: {  	s10 =	sadd.s32 $0x1, s10;
	s4 =	sshrl.u32 s12, $0x3;
	s12 =	smov.u32 s8  }
0x143: {  	p3 =	slt.u32 s10, s16;
	s9 =	smul.u32 $0xFFFFFFD8, s4  }
0x144: {  	s6 =	sadd.s32 $0x1000, s6;
	s2 =	sadd.s32 $0x100, s2;
	s13 =	smul.u32 $0xFFFD8000, s4  }
.Ltmp21:
0x145: {  	s8 =	sadd.s32 $0x1, s8;
	s14 =	sshra.s32 s9, $0x2;
	(pc) =	sbr.rel @p3 .LBB2_11-.Ltmp21, $4  }
0x146: {  	s4 =	smul.u32 $0xFFFFD800, s4;
	s9 =	sshra.s32 s13, $0x2;
	s15 =	sadd.s32 s14, s11  }
0x147: {  	s9 =	sadd.s32 s9, s0;
	s11 =	sadd.s32 $0x1, s11;
	_ =	swait.ge [sflag:s15], $0x1000  }
0x148: {  	s4 =	sshra.s32 s4, $0x2;
	s0 =	sadd.s32 s14, s12;
	[sflag:s15] =	ssyncset.done $0x0  }
0x149: {  	s12 =	smulhi.u32 $0xCCCCCCCD, s1;
	s1 =	sadd.s32 s4, s3;
	[sflag:s15] =	ssyncadd.s32 $0xFFFFF000  }
.LBB2_12:
0x14a: {  	_ = 	snop  }
0x14b: {  	s23 =	sshrl.u32 s12, $0x3  }
0x14c: {  	s24 =	smul.u32 $0xFFFFFFD8, s23  }
0x14d: {  	[spmem:s17] =	stream.indirect.scatter.add.f32 @p2 [tilespmem:s9], [sflag:s0], $0x20, s1, s18, $0xb8;
	[tilespmem:$0xFA00] =	vst v63  }
0x14e: {  	s1 =	sshra.s32 s24, $0x2  }
0x14f: {  	s3 =	smul.u32 $0xFFFD8000, s23;
	s4 =	sadd.s32 s1, s11  }
0x150: {  	s0 =	smul.u32 $0xFFFFD800, s23;
	_ =	swait.ge [sflag:s4], $0x1000  }
0x151: {  	s25 =	rddreg [dreg:$0xb]  }
0x152: {  	s3 =	sshra.s32 s3, $0x2;
	s0 =	sshra.s32 s0, $0x2;
	s30 =	rddreg [dreg:$0x1b]  }
0x153: {  	s3 =	sadd.s32 s3, s6;
	s26 =	smulhi.u32 $0xCCCCCCCD, s25;
	p2 =	seq.s32 s30, $0x1  }
.Ltmp22:
0x154: {  	s1 =	sadd.s32 s1, s8;
	s0 =	sadd.s32 s0, s2;
	(pc) =	sbr.rel @p2 .LBB2_14-.Ltmp22, $4  }
0x155: {  	[sflag:s4] =	ssyncset.done $0x0;
	s10 =	rddreg [dreg:$0x7];
	s28 =	sshrl.u32 s26, $0x3  }
0x156: {  	[sflag:s4] =	ssyncadd.s32 $0xFFFFF000;
	s2 =	sadd.s32 $0x1, s25;
	s29 =	smul.u32 $0xFFFFFFD8, s28  }
0x157: {  	[spmem:s17] =	stream.indirect.scatter.add.f32 [tilespmem:s3], [sflag:s1], $0x20, s0, s18, $0xb8;
	[tilespmem:$0xFA00] =	vst v63  }
0x158: {  	s0 =	sadd.s32 $0xFFFFFFFF, s30;
	s1 =	rddreg [dreg:$0x1c];
	s6 =	sshra.s32 s29, $0x2  }
.LBB2_13:
0x159: {  	s3 =	smulhi.u32 $0xCCCCCCCD, s2;
	s4 =	sadd.s32 s6, s1;
	p2 =	seq.s32 s0, $0x1  }
.Ltmp23:
0x15a: {  	s0 =	sadd.s32 $0xFFFFFFFF, s0;
	_ =	swait.ge [sflag:s4], $0x1000;
	(pc) =	sbr.rel @!p2 .LBB2_13-.Ltmp23, $3  }
0x15b: {  	s3 =	sshrl.u32 s3, $0x3;
	[sflag:s4] =	ssyncset.done $0x0  }
0x15c: {  	s3 =	smul.u32 $0xFFFFFFD8, s3;
	[sflag:s4] =	ssyncadd.s32 $0xFFFFF000;
	_ =	sdelay $0x1  }
0x15d: {  	s2 =	sadd.s32 $0x1, s2;
	s1 =	sadd.s32 $0x1, s1;
	s6 =	sshra.s32 s3, $0x2  }
.Ltmp24:
0x15e: {  	_ = 	snop;
	(pc) =	sbr.rel .LBB2_14-.Ltmp24, $1  }
0x15f: {  	_ =	sdelay $0x3  }
.LBB2_18:
.Ltmp25:
0x160: {  	(pc) =	sbr.rel .LBB2_21-.Ltmp25, $4  }
0x161: {  	s6 =	rddreg [dreg:$0x14]  }
0x162: {  	s2 =	rddreg [dreg:$0x15]  }
0x163: {  	s8 =	rddreg [dreg:$0x13]  }
0x164: {  	s11 =	rddreg [dreg:$0x12];
	p3 =	por $0x0, $0x0;
	s21 =	simm.s32 $0x0  }
.LBB2_22:
.Ltmp26:
0x165: {  	(pc) =	sbr.rel .LBB2_25-.Ltmp26, $4  }
0x166: {  	s6 =	rddreg [dreg:$0x17]  }
0x167: {  	s2 =	rddreg [dreg:$0x18]  }
0x168: {  	s8 =	rddreg [dreg:$0x1a]  }
0x169: {  	s11 =	rddreg [dreg:$0x16]  }
.LBB2_5:
.Ltmp27:
0x16a: {  	s6 =	rddreg [dreg:$0x14];
	(pc) =	sbr.rel .LBB2_8-.Ltmp27, $4  }
0x16b: {  	s2 =	rddreg [dreg:$0x15]  }
0x16c: {  	s8 =	rddreg [dreg:$0x13]  }
0x16d: {  	s11 =	rddreg [dreg:$0x12]  }
0x16e: {  	p3 =	por $0x0, $0x0;
	s21 =	simm.s32 $0x0;
	s31 =	rddreg [dreg:$0x5]  }
.LBB2_9:
.Ltmp28:
0x16f: {  	(pc) =	sbr.rel .LBB2_12-.Ltmp28, $4  }
0x170: {  	s6 =	rddreg [dreg:$0x17]  }
0x171: {  	s2 =	rddreg [dreg:$0x18]  }
0x172: {  	s8 =	rddreg [dreg:$0x1a]  }
0x173: {  	s11 =	rddreg [dreg:$0x16]  }
.LBB2_29:
0x174: {  	_ =	sfence.sel $0x180000  }
0x175: {  	[bflag:$0x0] =	sbarrier.arrive $0xFFFF  }
0x176: {  	_ =	strace $0x9000004A  }
0x177: {  	s0 =	stileid.u32;
	[bflag:$0x2] =	sbarrier.arrive $0xFFFF  }
0x178: {  	p0 =	sne.s32 s0, $0x0;
	s0 =	rddreg [dreg:$0x3]  }
0x179: {  	s0 =	sadd.s32 @!p0 $0x100000, s0  }
0x17a: {  	[sflag:s0] =	ssyncadd.tile.s32 @!p0 $0x1;
	_ =	shalt  }
.Lfunc_end2:
_tile_overlayer_lowered:
.L_overlay_start_2:
0x17b: {  	(tag) =	ssettag $0x2  }
0x17c: {  	s0 =	rddreg [dreg:$0x0];
	s2 =	stileid.u32  }
0x17d: {  	s1 =	rddreg [dreg:$0x1];
	p0 =	sne.s32 s2, $0x0  }
0x17e: {  	s3 =	rddreg [dreg:$0x2];
	[bflag:$0x3] =	sbarrier.arrive $0xFFFF;
	s2 =	simm.s32 @!p0 $0x1C1F  }
0x17f: {  	[timem:s3], [sflag:s2] =	dma.local @!p0 [hbm:s0], s1  }
0x180: {  	s0 =	simm.s32 @!p0 $0x1F  }
0x181: {  	_ =	swait.ge @!p0 [sflag:s0], s1  }
0x182: {  	s1 =	ssub.s32 @!p0 $0x0, s1;
	[sflag:s0] =	ssyncset.done @!p0 $0x0  }
0x183: {  	[sflag:s0] =	ssyncadd.s32 @!p0 s1  }
0x184: {  	[bflag:$0x3] =	sbarrier.arrive $0xFFFF  }
0x185: {  	_ =	shalt  }

</sc_bundles>
